<compile_context>
chip_gen: v7x
topology: tpu7x:2x2x1
jax: 0.10.2.dev20260603
libtpu: 0.0.44.dev20260713+nightly
codegen_flags: <defaults>
</compile_context>

<pallas_src>
import functools

import jax
import jax.numpy as jnp
from jax import lax
from jax.experimental import pallas as pl
from jax.experimental.pallas import tpu as pltpu
from jax.experimental.pallas import tpu_sc as plsc

B = 16384
F = 26
V = 100000
D = 16

NC, NS, L = 2, 16, 16
NW = NC * NS
NB = B // NW
JG = NB // L

VP = 102400
CHUNKS = ((0, 10), (10, 10), (20, 6))


def _fold_body(dnn_ref, lin_ref, w_ref, out_ref, *, w_base):
    f = pl.program_id(0)
    d = dnn_ref[0]
    w = w_ref[w_base + f]
    dot = jnp.dot(w[None, :], d, preferred_element_type=jnp.float32)
    out_ref[...] = lin_ref[0, 0, :] + dot[0]


def _sc_gather_body(xt_hbm, comb_hbm, *args, f_base, f_cnt, first, final):
    if first:
        out_hbm, xl, idx1, idx2, vals1, vals2, outl, sem1, sem2 = args
    else:
        (part_hbm, out_hbm, xl, idx1, idx2, vals1, vals2, outl,
         sem1, sem2) = args
    h1 = f_cnt // 2
    h2 = f_cnt - h1
    wid = lax.axis_index("s") * NC + lax.axis_index("c")
    base = wid * NB

    pltpu.sync_copy(xt_hbm.at[pl.ds(f_base, f_cnt), pl.ds(base, NB)], xl)

    def build(f_lo, h_cnt, idxref):
        def build_f(f, _):
            off = (f_lo + f) * VP
            for jc in range(JG):
                v = xl[f_lo + f, pl.ds(jc * L, L)]
                idxref[pl.ds(f * NB + jc * L, L)] = v + off
            return _
        lax.fori_loop(0, h_cnt, build_f, None)

    build(0, h1, idx1)
    cp1 = pltpu.async_copy(comb_hbm.at[idx1], vals1, sem1)
    build(h1, h2, idx2)
    cp2 = pltpu.async_copy(comb_hbm.at[idx2], vals2, sem2)

    if not first:
        pltpu.sync_copy(part_hbm.at[pl.ds(base, NB)], outl)

    cp1.wait()

    def group1(jg, _):
        if first:
            acc = jnp.zeros((L,), jnp.float32)
        else:
            acc = outl[pl.ds(jg * L, L)]
        for f in range(h1):
            acc = acc + vals1[pl.ds(f * NB + jg * L, L)]
        outl[pl.ds(jg * L, L)] = acc
        return _
    lax.fori_loop(0, JG, group1, None)

    cp2.wait()

    def group2(jg, _):
        acc = outl[pl.ds(jg * L, L)]
        for f in range(h2):
            acc = acc + vals2[pl.ds(f * NB + jg * L, L)]
        if final:
            acc = 1.0 / (1.0 + jnp.exp(-acc))
        outl[pl.ds(jg * L, L)] = acc
        return _
    lax.fori_loop(0, JG, group2, None)

    pltpu.sync_copy(outl, out_hbm.at[pl.ds(base, NB)])


def _make_fold(w_base, f_cnt):
    return pl.pallas_call(
        functools.partial(_fold_body, w_base=w_base),
        grid=(f_cnt, 1),
        in_specs=[
            pl.BlockSpec((1, D, VP), lambda f, i: (w_base + f, 0, i)),
            pl.BlockSpec((1, 1, VP), lambda f, i: (w_base + f, 0, i)),
            pl.BlockSpec((F, D), lambda f, i: (0, 0)),
        ],
        out_specs=pl.BlockSpec((VP,), lambda f, i: (f,)),
        out_shape=jax.ShapeDtypeStruct((f_cnt * VP,), jnp.float32),
    )


def _make_gather(f_base, f_cnt, first, final):
    mesh = plsc.VectorSubcoreMesh(core_axis_name="c", subcore_axis_name="s",
                                  num_cores=NC, num_subcores=NS)
    h1 = f_cnt // 2
    h2 = f_cnt - h1
    return pl.kernel(
        functools.partial(_sc_gather_body, f_base=f_base, f_cnt=f_cnt,
                          first=first, final=final),
        out_type=jax.ShapeDtypeStruct((B,), jnp.float32),
        mesh=mesh,
        compiler_params=pltpu.CompilerParams(
            needs_layout_passes=False, use_tc_tiling_on_sc=False),
        scratch_types=[
            pltpu.VMEM((f_cnt, NB), jnp.int32),
            pltpu.VMEM((h1 * NB,), jnp.int32),
            pltpu.VMEM((h2 * NB,), jnp.int32),
            pltpu.VMEM((h1 * NB,), jnp.float32),
            pltpu.VMEM((h2 * NB,), jnp.float32),
            pltpu.VMEM((NB,), jnp.float32),
            pltpu.SemaphoreType.DMA,
            pltpu.SemaphoreType.DMA,
        ],
    )


@jax.jit
def kernel(X, linear_tables, dnn_tables, W_out):
    xt = X.astype(jnp.int32).T
    dnn_t = jnp.transpose(dnn_tables, (0, 2, 1))
    lin_t = jnp.transpose(linear_tables, (0, 2, 1))
    w = W_out.reshape(F, D)

    part = None
    for k, (fb, fc) in enumerate(CHUNKS):
        comb = _make_fold(fb, fc)(dnn_t, lin_t, w)
        gather = _make_gather(fb, fc, first=(k == 0),
                              final=(k == len(CHUNKS) - 1))
        if k == 0:
            part = gather(xt, comb)
        else:
            part = gather(xt, comb, part)
    return part.reshape(B, 1)

# --- scband reference (transcript-rebuilt; emitter-appended) ---
"""Pipeline reference for scband-base-model-sfg-2946347565879 (READ-ONLY COPY).

The authoritative reference and input builder live on the scoring server;
editing this copy changes nothing except your own understanding.
"""

import jax, jax.numpy as jnp
import numpy as np

B = 16384      # batch
F = 26         # n_sparse_fields
V = 100000     # vocabulary_size per field
D = 16         # embedding_dim (dnn embeddings); linear embeddings have dim 1
INIT_STD = 1e-4


def setup_inputs(seed: int = 0) -> dict:
    key = jax.random.key(seed)
    kx, kl, kd, kw = jax.random.split(key, 4)
    # forward input: one int index per sparse field
    X = jax.random.randint(kx, (B, F), 0, V, dtype=jnp.int64) if jax.config.jax_enable_x64 else jax.random.randint(kx, (B, F), 0, V)
    # learned parameters (per-field embedding tables, as in create_embedding_matrix)
    linear_tables = jax.random.normal(kl, (F, V, 1), dtype=jnp.float32) * INIT_STD  # linear=True -> dim 1
    dnn_tables = jax.random.normal(kd, (F, V, D), dtype=jnp.float32) * INIT_STD
    W_out = jax.random.normal(kw, (F * D, 1), dtype=jnp.float32) * INIT_STD  # output projection over concatenated dnn embeddings
    return {"X": X, "linear_tables": linear_tables, "dnn_tables": dnn_tables, "W_out": W_out}


def _per_field_lookup(tables, X):
    # tables: [F, V, d], X: [B, F] -> [F, B, d]
    return jax.vmap(lambda tab, idx: jnp.take(tab, idx, axis=0), in_axes=(0, 1))(tables, X)


def reference(X, linear_tables, dnn_tables, W_out):
    Bn = X.shape[0]
    # Linear part: per-field embedding lookup (dim 1), concat along last dim, sum -> logit [B, 1]
    lin_emb = _per_field_lookup(linear_tables, X)                    # [F, B, 1]
    lin_cat = jnp.transpose(lin_emb, (1, 0, 2)).reshape(Bn, -1)      # [B, F]
    linear_logit = jnp.sum(lin_cat, axis=-1, keepdims=True)          # [B, 1]
    # DNN embedding lookups: per-field [B, D], concatenated
    dnn_emb = _per_field_lookup(dnn_tables, X)                       # [F, B, D]
    dnn_cat = jnp.transpose(dnn_emb, (1, 0, 2)).reshape(Bn, -1)      # [B, F*D]
    logit = linear_logit + dnn_cat @ W_out                           # [B, 1]
    # PredictionLayer(task='binary') -> sigmoid
    return jax.nn.sigmoid(logit)

if __name__ == "__main__":
    import jax
    _d = setup_inputs()
    print(jax.jit(kernel)(*tuple(_d.values())))

</pallas_src>

<mosaic_0001>
#map = affine_map<(d0, d1) -> (0, 0)>
#map1 = affine_map<(d0, d1) -> (0)>
module attributes {stable_mosaic.version = 14 : i64} {
  func.func @_sc_gather_body(%arg0: i32, %arg1: i32, %arg2: memref<26x16384xi32, #tpu.memory_space<hbm>>, %arg3: memref<1024000xf32, #tpu.memory_space<hbm>>, %arg4: memref<16384xf32, #tpu.memory_space<hbm>>, %arg5: memref<10x512xi32, #tpu.memory_space<vmem>>, %arg6: memref<2560xi32, #tpu.memory_space<vmem>>, %arg7: memref<2560xi32, #tpu.memory_space<vmem>>, %arg8: memref<2560xf32, #tpu.memory_space<vmem>>, %arg9: memref<2560xf32, #tpu.memory_space<vmem>>, %arg10: memref<512xf32, #tpu.memory_space<vmem>>, %arg11: memref<!tpu.dma_semaphore, #tpu.memory_space<semaphore_mem>>, %arg12: memref<!tpu.dma_semaphore, #tpu.memory_space<semaphore_mem>>) attributes {dimension_semantics = [#tpu.dimension_semantics<core_parallel>, #tpu.dimension_semantics<subcore_parallel>], iteration_bounds = array<i64: 2, 16>, scalar_prefetch = 0 : i64, scratch_operands = 8 : i64, tpu.core_type = #tpu.core_type<sc_vector_subcore>, window_params = [{transform_indices = #map}, {transform_indices = #map1}, {transform_indices = #map1}]} {
    %mul3A = arith.constant 2 : i32
    %mul3A_0 = arith.muli %arg1, %mul3A : i32
    %add3A = arith.addi %mul3A_0, %arg0 : i32
    %mul3A_1 = arith.constant 512 : i32
    %mul3A_2 = arith.muli %add3A, %mul3A_1 : i32
    "tpu.region"() ({
      %run_scoped3A = tpu.sem_alloc : memref<!tpu.dma_semaphore, #tpu.memory_space<semaphore_mem>>
      %dma_start3A_28 = arith.constant 0 : i32
      %dma_start3A_29 = tpu.memref_slice %arg2[%dma_start3A_28, %mul3A_2] : memref<26x16384xi32, #tpu.memory_space<hbm>> -> memref<10x512xi32, #tpu.memory_space<hbm>>
      %dma_start3A_30 = arith.constant 0 : i32
      %dma_start3A_31 = tpu.memref_slice %arg2[%dma_start3A_30, %mul3A_2] : memref<26x16384xi32, #tpu.memory_space<hbm>> -> memref<10x512xi32, #tpu.memory_space<hbm>>
      tpu.enqueue_dma source(%dma_start3A_31 : memref<10x512xi32, #tpu.memory_space<hbm>>) target(%arg5 : memref<10x512xi32, #tpu.memory_space<vmem>>) target_semaphore(%run_scoped3A : memref<!tpu.dma_semaphore, #tpu.memory_space<semaphore_mem>>)
      %dma_wait3A_32 = arith.constant 0 : i32
      %dma_wait3A_33 = tpu.memref_slice %arg2[%dma_wait3A_32, %mul3A_2] : memref<26x16384xi32, #tpu.memory_space<hbm>> -> memref<10x512xi32, #tpu.memory_space<hbm>>
      %dma_wait3A_34 = arith.constant 0 : i32
      %dma_wait3A_35 = tpu.memref_slice %arg2[%dma_wait3A_34, %mul3A_2] : memref<26x16384xi32, #tpu.memory_space<hbm>> -> memref<10x512xi32, #tpu.memory_space<hbm>>
      tpu.wait_dma2 semaphore(%run_scoped3A : memref<!tpu.dma_semaphore, #tpu.memory_space<semaphore_mem>>) src(%dma_wait3A_35 : memref<10x512xi32, #tpu.memory_space<hbm>>) dst(%arg5 : memref<10x512xi32, #tpu.memory_space<vmem>>)
      tpu.yield
    }) : () -> ()
    %scan3A = arith.constant 0 : i32
    %scan3A_3 = arith.constant 5 : i32
    %scan3A_4 = arith.addi %scan3A, %scan3A_3 : i32
    %scan3A_5 = arith.constant 1 : i32
    scf.for %scan3A_28 = %scan3A to %scan3A_4 step %scan3A_5  : i32 {
      %add3A_29 = arith.constant 0 : i32
      %add3A_30 = arith.addi %add3A_29, %scan3A_28 : i32
      %mul3A_31 = arith.constant 102400 : i32
      %mul3A_32 = arith.muli %add3A_30, %mul3A_31 : i32
      %add3A_33 = arith.constant 0 : i32
      %add3A_34 = arith.addi %add3A_33, %scan3A_28 : i32
      %get3A = arith.index_cast %add3A_34 : i32 to index
      %get3A_35 = arith.constant 0 : index
      %get3A_36 = tpu.vector_load %arg5[%get3A, %get3A_35] {strides = array<i32>} : memref<10x512xi32, #tpu.memory_space<vmem>>, vector<16xi32>,
      %add3A_37 = vector.broadcast %mul3A_32 : i32 to vector<16xi32>
      %add3A_38 = arith.addi %get3A_36, %add3A_37 : vector<16xi32>
      %mul3A_39 = arith.constant 512 : i32
      %mul3A_40 = arith.muli %scan3A_28, %mul3A_39 : i32
      %add3A_41 = arith.constant 0 : i32
      %add3A_42 = arith.addi %mul3A_40, %add3A_41 : i32
      %swap3A = arith.index_cast %add3A_42 : i32 to index
      %swap3A_43 = tpu.vector_load %arg6[%swap3A] {strides = array<i32>} : memref<2560xi32, #tpu.memory_space<vmem>>, vector<16xi32>,
      tpu.vector_store %arg6[%swap3A], %add3A_38 {strides = array<i32>} : memref<2560xi32, #tpu.memory_space<vmem>>, vector<16xi32>,
      %add3A_44 = arith.constant 0 : i32
      %add3A_45 = arith.addi %add3A_44, %scan3A_28 : i32
      %get3A_46 = arith.index_cast %add3A_45 : i32 to index
      %get3A_47 = arith.constant 16 : index
      %get3A_48 = tpu.vector_load %arg5[%get3A_46, %get3A_47] {strides = array<i32>} : memref<10x512xi32, #tpu.memory_space<vmem>>, vector<16xi32>,
      %add3A_49 = vector.broadcast %mul3A_32 : i32 to vector<16xi32>
      %add3A_50 = arith.addi %get3A_48, %add3A_49 : vector<16xi32>
      %mul3A_51 = arith.constant 512 : i32
      %mul3A_52 = arith.muli %scan3A_28, %mul3A_51 : i32
      %add3A_53 = arith.constant 16 : i32
      %add3A_54 = arith.addi %mul3A_52, %add3A_53 : i32
      %swap3A_55 = arith.index_cast %add3A_54 : i32 to index
      %swap3A_56 = tpu.vector_load %arg6[%swap3A_55] {strides = array<i32>} : memref<2560xi32, #tpu.memory_space<vmem>>, vector<16xi32>,
      tpu.vector_store %arg6[%swap3A_55], %add3A_50 {strides = array<i32>} : memref<2560xi32, #tpu.memory_space<vmem>>, vector<16xi32>,
      %add3A_57 = arith.constant 0 : i32
      %add3A_58 = arith.addi %add3A_57, %scan3A_28 : i32
      %get3A_59 = arith.index_cast %add3A_58 : i32 to index
      %get3A_60 = arith.constant 32 : index
      %get3A_61 = tpu.vector_load %arg5[%get3A_59, %get3A_60] {strides = array<i32>} : memref<10x512xi32, #tpu.memory_space<vmem>>, vector<16xi32>,
      %add3A_62 = vector.broadcast %mul3A_32 : i32 to vector<16xi32>
      %add3A_63 = arith.addi %get3A_61, %add3A_62 : vector<16xi32>
      %mul3A_64 = arith.constant 512 : i32
      %mul3A_65 = arith.muli %scan3A_28, %mul3A_64 : i32
      %add3A_66 = arith.constant 32 : i32
      %add3A_67 = arith.addi %mul3A_65, %add3A_66 : i32
      %swap3A_68 = arith.index_cast %add3A_67 : i32 to index
      %swap3A_69 = tpu.vector_load %arg6[%swap3A_68] {strides = array<i32>} : memref<2560xi32, #tpu.memory_space<vmem>>, vector<16xi32>,
      tpu.vector_store %arg6[%swap3A_68], %add3A_63 {strides = array<i32>} : memref<2560xi32, #tpu.memory_space<vmem>>, vector<16xi32>,
      %add3A_70 = arith.constant 0 : i32
      %add3A_71 = arith.addi %add3A_70, %scan3A_28 : i32
      %get3A_72 = arith.index_cast %add3A_71 : i32 to index
      %get3A_73 = arith.constant 48 : index
      %get3A_74 = tpu.vector_load %arg5[%get3A_72, %get3A_73] {strides = array<i32>} : memref<10x512xi32, #tpu.memory_space<vmem>>, vector<16xi32>,
      %add3A_75 = vector.broadcast %mul3A_32 : i32 to vector<16xi32>
      %add3A_76 = arith.addi %get3A_74, %add3A_75 : vector<16xi32>
      %mul3A_77 = arith.constant 512 : i32
      %mul3A_78 = arith.muli %scan3A_28, %mul3A_77 : i32
      %add3A_79 = arith.constant 48 : i32
      %add3A_80 = arith.addi %mul3A_78, %add3A_79 : i32
      %swap3A_81 = arith.index_cast %add3A_80 : i32 to index
      %swap3A_82 = tpu.vector_load %arg6[%swap3A_81] {strides = array<i32>} : memref<2560xi32, #tpu.memory_space<vmem>>, vector<16xi32>,
      tpu.vector_store %arg6[%swap3A_81], %add3A_76 {strides = array<i32>} : memref<2560xi32, #tpu.memory_space<vmem>>, vector<16xi32>,
      %add3A_83 = arith.constant 0 : i32
      %add3A_84 = arith.addi %add3A_83, %scan3A_28 : i32
      %get3A_85 = arith.index_cast %add3A_84 : i32 to index
      %get3A_86 = arith.constant 64 : index
      %get3A_87 = tpu.vector_load %arg5[%get3A_85, %get3A_86] {strides = array<i32>} : memref<10x512xi32, #tpu.memory_space<vmem>>, vector<16xi32>,
      %add3A_88 = vector.broadcast %mul3A_32 : i32 to vector<16xi32>
      %add3A_89 = arith.addi %get3A_87, %add3A_88 : vector<16xi32>
      %mul3A_90 = arith.constant 512 : i32
      %mul3A_91 = arith.muli %scan3A_28, %mul3A_90 : i32
      %add3A_92 = arith.constant 64 : i32
      %add3A_93 = arith.addi %mul3A_91, %add3A_92 : i32
      %swap3A_94 = arith.index_cast %add3A_93 : i32 to index
      %swap3A_95 = tpu.vector_load %arg6[%swap3A_94] {strides = array<i32>} : memref<2560xi32, #tpu.memory_space<vmem>>, vector<16xi32>,
      tpu.vector_store %arg6[%swap3A_94], %add3A_89 {strides = array<i32>} : memref<2560xi32, #tpu.memory_space<vmem>>, vector<16xi32>,
      %add3A_96 = arith.constant 0 : i32
      %add3A_97 = arith.addi %add3A_96, %scan3A_28 : i32
      %get3A_98 = arith.index_cast %add3A_97 : i32 to index
      %get3A_99 = arith.constant 80 : index
      %get3A_100 = tpu.vector_load %arg5[%get3A_98, %get3A_99] {strides = array<i32>} : memref<10x512xi32, #tpu.memory_space<vmem>>, vector<16xi32>,
      %add3A_101 = vector.broadcast %mul3A_32 : i32 to vector<16xi32>
      %add3A_102 = arith.addi %get3A_100, %add3A_101 : vector<16xi32>
      %mul3A_103 = arith.constant 512 : i32
      %mul3A_104 = arith.muli %scan3A_28, %mul3A_103 : i32
      %add3A_105 = arith.constant 80 : i32
      %add3A_106 = arith.addi %mul3A_104, %add3A_105 : i32
      %swap3A_107 = arith.index_cast %add3A_106 : i32 to index
      %swap3A_108 = tpu.vector_load %arg6[%swap3A_107] {strides = array<i32>} : memref<2560xi32, #tpu.memory_space<vmem>>, vector<16xi32>,
      tpu.vector_store %arg6[%swap3A_107], %add3A_102 {strides = array<i32>} : memref<2560xi32, #tpu.memory_space<vmem>>, vector<16xi32>,
      %add3A_109 = arith.constant 0 : i32
      %add3A_110 = arith.addi %add3A_109, %scan3A_28 : i32
      %get3A_111 = arith.index_cast %add3A_110 : i32 to index
      %get3A_112 = arith.constant 96 : index
      %get3A_113 = tpu.vector_load %arg5[%get3A_111, %get3A_112] {strides = array<i32>} : memref<10x512xi32, #tpu.memory_space<vmem>>, vector<16xi32>,
      %add3A_114 = vector.broadcast %mul3A_32 : i32 to vector<16xi32>
      %add3A_115 = arith.addi %get3A_113, %add3A_114 : vector<16xi32>
      %mul3A_116 = arith.constant 512 : i32
      %mul3A_117 = arith.muli %scan3A_28, %mul3A_116 : i32
      %add3A_118 = arith.constant 96 : i32
      %add3A_119 = arith.addi %mul3A_117, %add3A_118 : i32
      %swap3A_120 = arith.index_cast %add3A_119 : i32 to index
      %swap3A_121 = tpu.vector_load %arg6[%swap3A_120] {strides = array<i32>} : memref<2560xi32, #tpu.memory_space<vmem>>, vector<16xi32>,
      tpu.vector_store %arg6[%swap3A_120], %add3A_115 {strides = array<i32>} : memref<2560xi32, #tpu.memory_space<vmem>>, vector<16xi32>,
      %add3A_122 = arith.constant 0 : i32
      %add3A_123 = arith.addi %add3A_122, %scan3A_28 : i32
      %get3A_124 = arith.index_cast %add3A_123 : i32 to index
      %get3A_125 = arith.constant 112 : index
      %get3A_126 = tpu.vector_load %arg5[%get3A_124, %get3A_125] {strides = array<i32>} : memref<10x512xi32, #tpu.memory_space<vmem>>, vector<16xi32>,
      %add3A_127 = vector.broadcast %mul3A_32 : i32 to vector<16xi32>
      %add3A_128 = arith.addi %get3A_126, %add3A_127 : vector<16xi32>
      %mul3A_129 = arith.constant 512 : i32
      %mul3A_130 = arith.muli %scan3A_28, %mul3A_129 : i32
      %add3A_131 = arith.constant 112 : i32
      %add3A_132 = arith.addi %mul3A_130, %add3A_131 : i32
      %swap3A_133 = arith.index_cast %add3A_132 : i32 to index
      %swap3A_134 = tpu.vector_load %arg6[%swap3A_133] {strides = array<i32>} : memref<2560xi32, #tpu.memory_space<vmem>>, vector<16xi32>,
      tpu.vector_store %arg6[%swap3A_133], %add3A_128 {strides = array<i32>} : memref<2560xi32, #tpu.memory_space<vmem>>, vector<16xi32>,
      %add3A_135 = arith.constant 0 : i32
      %add3A_136 = arith.addi %add3A_135, %scan3A_28 : i32
      %get3A_137 = arith.index_cast %add3A_136 : i32 to index
      %get3A_138 = arith.constant 128 : index
      %get3A_139 = tpu.vector_load %arg5[%get3A_137, %get3A_138] {strides = array<i32>} : memref<10x512xi32, #tpu.memory_space<vmem>>, vector<16xi32>,
      %add3A_140 = vector.broadcast %mul3A_32 : i32 to vector<16xi32>
      %add3A_141 = arith.addi %get3A_139, %add3A_140 : vector<16xi32>
      %mul3A_142 = arith.constant 512 : i32
      %mul3A_143 = arith.muli %scan3A_28, %mul3A_142 : i32
      %add3A_144 = arith.constant 128 : i32
      %add3A_145 = arith.addi %mul3A_143, %add3A_144 : i32
      %swap3A_146 = arith.index_cast %add3A_145 : i32 to index
      %swap3A_147 = tpu.vector_load %arg6[%swap3A_146] {strides = array<i32>} : memref<2560xi32, #tpu.memory_space<vmem>>, vector<16xi32>,
      tpu.vector_store %arg6[%swap3A_146], %add3A_141 {strides = array<i32>} : memref<2560xi32, #tpu.memory_space<vmem>>, vector<16xi32>,
      %add3A_148 = arith.constant 0 : i32
      %add3A_149 = arith.addi %add3A_148, %scan3A_28 : i32
      %get3A_150 = arith.index_cast %add3A_149 : i32 to index
      %get3A_151 = arith.constant 144 : index
      %get3A_152 = tpu.vector_load %arg5[%get3A_150, %get3A_151] {strides = array<i32>} : memref<10x512xi32, #tpu.memory_space<vmem>>, vector<16xi32>,
      %add3A_153 = vector.broadcast %mul3A_32 : i32 to vector<16xi32>
      %add3A_154 = arith.addi %get3A_152, %add3A_153 : vector<16xi32>
      %mul3A_155 = arith.constant 512 : i32
      %mul3A_156 = arith.muli %scan3A_28, %mul3A_155 : i32
      %add3A_157 = arith.constant 144 : i32
      %add3A_158 = arith.addi %mul3A_156, %add3A_157 : i32
      %swap3A_159 = arith.index_cast %add3A_158 : i32 to index
      %swap3A_160 = tpu.vector_load %arg6[%swap3A_159] {strides = array<i32>} : memref<2560xi32, #tpu.memory_space<vmem>>, vector<16xi32>,
      tpu.vector_store %arg6[%swap3A_159], %add3A_154 {strides = array<i32>} : memref<2560xi32, #tpu.memory_space<vmem>>, vector<16xi32>,
      %add3A_161 = arith.constant 0 : i32
      %add3A_162 = arith.addi %add3A_161, %scan3A_28 : i32
      %get3A_163 = arith.index_cast %add3A_162 : i32 to index
      %get3A_164 = arith.constant 160 : index
      %get3A_165 = tpu.vector_load %arg5[%get3A_163, %get3A_164] {strides = array<i32>} : memref<10x512xi32, #tpu.memory_space<vmem>>, vector<16xi32>,
      %add3A_166 = vector.broadcast %mul3A_32 : i32 to vector<16xi32>
      %add3A_167 = arith.addi %get3A_165, %add3A_166 : vector<16xi32>
      %mul3A_168 = arith.constant 512 : i32
      %mul3A_169 = arith.muli %scan3A_28, %mul3A_168 : i32
      %add3A_170 = arith.constant 160 : i32
      %add3A_171 = arith.addi %mul3A_169, %add3A_170 : i32
      %swap3A_172 = arith.index_cast %add3A_171 : i32 to index
      %swap3A_173 = tpu.vector_load %arg6[%swap3A_172] {strides = array<i32>} : memref<2560xi32, #tpu.memory_space<vmem>>, vector<16xi32>,
      tpu.vector_store %arg6[%swap3A_172], %add3A_167 {strides = array<i32>} : memref<2560xi32, #tpu.memory_space<vmem>>, vector<16xi32>,
      %add3A_174 = arith.constant 0 : i32
      %add3A_175 = arith.addi %add3A_174, %scan3A_28 : i32
      %get3A_176 = arith.index_cast %add3A_175 : i32 to index
      %get3A_177 = arith.constant 176 : index
      %get3A_178 = tpu.vector_load %arg5[%get3A_176, %get3A_177] {strides = array<i32>} : memref<10x512xi32, #tpu.memory_space<vmem>>, vector<16xi32>,
      %add3A_179 = vector.broadcast %mul3A_32 : i32 to vector<16xi32>
      %add3A_180 = arith.addi %get3A_178, %add3A_179 : vector<16xi32>
      %mul3A_181 = arith.constant 512 : i32
      %mul3A_182 = arith.muli %scan3A_28, %mul3A_181 : i32
      %add3A_183 = arith.constant 176 : i32
      %add3A_184 = arith.addi %mul3A_182, %add3A_183 : i32
      %swap3A_185 = arith.index_cast %add3A_184 : i32 to index
      %swap3A_186 = tpu.vector_load %arg6[%swap3A_185] {strides = array<i32>} : memref<2560xi32, #tpu.memory_space<vmem>>, vector<16xi32>,
      tpu.vector_store %arg6[%swap3A_185], %add3A_180 {strides = array<i32>} : memref<2560xi32, #tpu.memory_space<vmem>>, vector<16xi32>,
      %add3A_187 = arith.constant 0 : i32
      %add3A_188 = arith.addi %add3A_187, %scan3A_28 : i32
      %get3A_189 = arith.index_cast %add3A_188 : i32 to index
      %get3A_190 = arith.constant 192 : index
      %get3A_191 = tpu.vector_load %arg5[%get3A_189, %get3A_190] {strides = array<i32>} : memref<10x512xi32, #tpu.memory_space<vmem>>, vector<16xi32>,
      %add3A_192 = vector.broadcast %mul3A_32 : i32 to vector<16xi32>
      %add3A_193 = arith.addi %get3A_191, %add3A_192 : vector<16xi32>
      %mul3A_194 = arith.constant 512 : i32
      %mul3A_195 = arith.muli %scan3A_28, %mul3A_194 : i32
      %add3A_196 = arith.constant 192 : i32
      %add3A_197 = arith.addi %mul3A_195, %add3A_196 : i32
      %swap3A_198 = arith.index_cast %add3A_197 : i32 to index
      %swap3A_199 = tpu.vector_load %arg6[%swap3A_198] {strides = array<i32>} : memref<2560xi32, #tpu.memory_space<vmem>>, vector<16xi32>,
      tpu.vector_store %arg6[%swap3A_198], %add3A_193 {strides = array<i32>} : memref<2560xi32, #tpu.memory_space<vmem>>, vector<16xi32>,
      %add3A_200 = arith.constant 0 : i32
      %add3A_201 = arith.addi %add3A_200, %scan3A_28 : i32
      %get3A_202 = arith.index_cast %add3A_201 : i32 to index
      %get3A_203 = arith.constant 208 : index
      %get3A_204 = tpu.vector_load %arg5[%get3A_202, %get3A_203] {strides = array<i32>} : memref<10x512xi32, #tpu.memory_space<vmem>>, vector<16xi32>,
      %add3A_205 = vector.broadcast %mul3A_32 : i32 to vector<16xi32>
      %add3A_206 = arith.addi %get3A_204, %add3A_205 : vector<16xi32>
      %mul3A_207 = arith.constant 512 : i32
      %mul3A_208 = arith.muli %scan3A_28, %mul3A_207 : i32
      %add3A_209 = arith.constant 208 : i32
      %add3A_210 = arith.addi %mul3A_208, %add3A_209 : i32
      %swap3A_211 = arith.index_cast %add3A_210 : i32 to index
      %swap3A_212 = tpu.vector_load %arg6[%swap3A_211] {strides = array<i32>} : memref<2560xi32, #tpu.memory_space<vmem>>, vector<16xi32>,
      tpu.vector_store %arg6[%swap3A_211], %add3A_206 {strides = array<i32>} : memref<2560xi32, #tpu.memory_space<vmem>>, vector<16xi32>,
      %add3A_213 = arith.constant 0 : i32
      %add3A_214 = arith.addi %add3A_213, %scan3A_28 : i32
      %get3A_215 = arith.index_cast %add3A_214 : i32 to index
      %get3A_216 = arith.constant 224 : index
      %get3A_217 = tpu.vector_load %arg5[%get3A_215, %get3A_216] {strides = array<i32>} : memref<10x512xi32, #tpu.memory_space<vmem>>, vector<16xi32>,
      %add3A_218 = vector.broadcast %mul3A_32 : i32 to vector<16xi32>
      %add3A_219 = arith.addi %get3A_217, %add3A_218 : vector<16xi32>
      %mul3A_220 = arith.constant 512 : i32
      %mul3A_221 = arith.muli %scan3A_28, %mul3A_220 : i32
      %add3A_222 = arith.constant 224 : i32
      %add3A_223 = arith.addi %mul3A_221, %add3A_222 : i32
      %swap3A_224 = arith.index_cast %add3A_223 : i32 to index
      %swap3A_225 = tpu.vector_load %arg6[%swap3A_224] {strides = array<i32>} : memref<2560xi32, #tpu.memory_space<vmem>>, vector<16xi32>,
      tpu.vector_store %arg6[%swap3A_224], %add3A_219 {strides = array<i32>} : memref<2560xi32, #tpu.memory_space<vmem>>, vector<16xi32>,
      %add3A_226 = arith.constant 0 : i32
      %add3A_227 = arith.addi %add3A_226, %scan3A_28 : i32
      %get3A_228 = arith.index_cast %add3A_227 : i32 to index
      %get3A_229 = arith.constant 240 : index
      %get3A_230 = tpu.vector_load %arg5[%get3A_228, %get3A_229] {strides = array<i32>} : memref<10x512xi32, #tpu.memory_space<vmem>>, vector<16xi32>,
      %add3A_231 = vector.broadcast %mul3A_32 : i32 to vector<16xi32>
      %add3A_232 = arith.addi %get3A_230, %add3A_231 : vector<16xi32>
      %mul3A_233 = arith.constant 512 : i32
      %mul3A_234 = arith.muli %scan3A_28, %mul3A_233 : i32
      %add3A_235 = arith.constant 240 : i32
      %add3A_236 = arith.addi %mul3A_234, %add3A_235 : i32
      %swap3A_237 = arith.index_cast %add3A_236 : i32 to index
      %swap3A_238 = tpu.vector_load %arg6[%swap3A_237] {strides = array<i32>} : memref<2560xi32, #tpu.memory_space<vmem>>, vector<16xi32>,
      tpu.vector_store %arg6[%swap3A_237], %add3A_232 {strides = array<i32>} : memref<2560xi32, #tpu.memory_space<vmem>>, vector<16xi32>,
      %add3A_239 = arith.constant 0 : i32
      %add3A_240 = arith.addi %add3A_239, %scan3A_28 : i32
      %get3A_241 = arith.index_cast %add3A_240 : i32 to index
      %get3A_242 = arith.constant 256 : index
      %get3A_243 = tpu.vector_load %arg5[%get3A_241, %get3A_242] {strides = array<i32>} : memref<10x512xi32, #tpu.memory_space<vmem>>, vector<16xi32>,
      %add3A_244 = vector.broadcast %mul3A_32 : i32 to vector<16xi32>
      %add3A_245 = arith.addi %get3A_243, %add3A_244 : vector<16xi32>
      %mul3A_246 = arith.constant 512 : i32
      %mul3A_247 = arith.muli %scan3A_28, %mul3A_246 : i32
      %add3A_248 = arith.constant 256 : i32
      %add3A_249 = arith.addi %mul3A_247, %add3A_248 : i32
      %swap3A_250 = arith.index_cast %add3A_249 : i32 to index
      %swap3A_251 = tpu.vector_load %arg6[%swap3A_250] {strides = array<i32>} : memref<2560xi32, #tpu.memory_space<vmem>>, vector<16xi32>,
      tpu.vector_store %arg6[%swap3A_250], %add3A_245 {strides = array<i32>} : memref<2560xi32, #tpu.memory_space<vmem>>, vector<16xi32>,
      %add3A_252 = arith.constant 0 : i32
      %add3A_253 = arith.addi %add3A_252, %scan3A_28 : i32
      %get3A_254 = arith.index_cast %add3A_253 : i32 to index
      %get3A_255 = arith.constant 272 : index
      %get3A_256 = tpu.vector_load %arg5[%get3A_254, %get3A_255] {strides = array<i32>} : memref<10x512xi32, #tpu.memory_space<vmem>>, vector<16xi32>,
      %add3A_257 = vector.broadcast %mul3A_32 : i32 to vector<16xi32>
      %add3A_258 = arith.addi %get3A_256, %add3A_257 : vector<16xi32>
      %mul3A_259 = arith.constant 512 : i32
      %mul3A_260 = arith.muli %scan3A_28, %mul3A_259 : i32
      %add3A_261 = arith.constant 272 : i32
      %add3A_262 = arith.addi %mul3A_260, %add3A_261 : i32
      %swap3A_263 = arith.index_cast %add3A_262 : i32 to index
      %swap3A_264 = tpu.vector_load %arg6[%swap3A_263] {strides = array<i32>} : memref<2560xi32, #tpu.memory_space<vmem>>, vector<16xi32>,
      tpu.vector_store %arg6[%swap3A_263], %add3A_258 {strides = array<i32>} : memref<2560xi32, #tpu.memory_space<vmem>>, vector<16xi32>,
      %add3A_265 = arith.constant 0 : i32
      %add3A_266 = arith.addi %add3A_265, %scan3A_28 : i32
      %get3A_267 = arith.index_cast %add3A_266 : i32 to index
      %get3A_268 = arith.constant 288 : index
      %get3A_269 = tpu.vector_load %arg5[%get3A_267, %get3A_268] {strides = array<i32>} : memref<10x512xi32, #tpu.memory_space<vmem>>, vector<16xi32>,
      %add3A_270 = vector.broadcast %mul3A_32 : i32 to vector<16xi32>
      %add3A_271 = arith.addi %get3A_269, %add3A_270 : vector<16xi32>
      %mul3A_272 = arith.constant 512 : i32
      %mul3A_273 = arith.muli %scan3A_28, %mul3A_272 : i32
      %add3A_274 = arith.constant 288 : i32
      %add3A_275 = arith.addi %mul3A_273, %add3A_274 : i32
      %swap3A_276 = arith.index_cast %add3A_275 : i32 to index
      %swap3A_277 = tpu.vector_load %arg6[%swap3A_276] {strides = array<i32>} : memref<2560xi32, #tpu.memory_space<vmem>>, vector<16xi32>,
      tpu.vector_store %arg6[%swap3A_276], %add3A_271 {strides = array<i32>} : memref<2560xi32, #tpu.memory_space<vmem>>, vector<16xi32>,
      %add3A_278 = arith.constant 0 : i32
      %add3A_279 = arith.addi %add3A_278, %scan3A_28 : i32
      %get3A_280 = arith.index_cast %add3A_279 : i32 to index
      %get3A_281 = arith.constant 304 : index
      %get3A_282 = tpu.vector_load %arg5[%get3A_280, %get3A_281] {strides = array<i32>} : memref<10x512xi32, #tpu.memory_space<vmem>>, vector<16xi32>,
      %add3A_283 = vector.broadcast %mul3A_32 : i32 to vector<16xi32>
      %add3A_284 = arith.addi %get3A_282, %add3A_283 : vector<16xi32>
      %mul3A_285 = arith.constant 512 : i32
      %mul3A_286 = arith.muli %scan3A_28, %mul3A_285 : i32
      %add3A_287 = arith.constant 304 : i32
      %add3A_288 = arith.addi %mul3A_286, %add3A_287 : i32
      %swap3A_289 = arith.index_cast %add3A_288 : i32 to index
      %swap3A_290 = tpu.vector_load %arg6[%swap3A_289] {strides = array<i32>} : memref<2560xi32, #tpu.memory_space<vmem>>, vector<16xi32>,
      tpu.vector_store %arg6[%swap3A_289], %add3A_284 {strides = array<i32>} : memref<2560xi32, #tpu.memory_space<vmem>>, vector<16xi32>,
      %add3A_291 = arith.constant 0 : i32
      %add3A_292 = arith.addi %add3A_291, %scan3A_28 : i32
      %get3A_293 = arith.index_cast %add3A_292 : i32 to index
      %get3A_294 = arith.constant 320 : index
      %get3A_295 = tpu.vector_load %arg5[%get3A_293, %get3A_294] {strides = array<i32>} : memref<10x512xi32, #tpu.memory_space<vmem>>, vector<16xi32>,
      %add3A_296 = vector.broadcast %mul3A_32 : i32 to vector<16xi32>
      %add3A_297 = arith.addi %get3A_295, %add3A_296 : vector<16xi32>
      %mul3A_298 = arith.constant 512 : i32
      %mul3A_299 = arith.muli %scan3A_28, %mul3A_298 : i32
      %add3A_300 = arith.constant 320 : i32
      %add3A_301 = arith.addi %mul3A_299, %add3A_300 : i32
      %swap3A_302 = arith.index_cast %add3A_301 : i32 to index
      %swap3A_303 = tpu.vector_load %arg6[%swap3A_302] {strides = array<i32>} : memref<2560xi32, #tpu.memory_space<vmem>>, vector<16xi32>,
      tpu.vector_store %arg6[%swap3A_302], %add3A_297 {strides = array<i32>} : memref<2560xi32, #tpu.memory_space<vmem>>, vector<16xi32>,
      %add3A_304 = arith.constant 0 : i32
      %add3A_305 = arith.addi %add3A_304, %scan3A_28 : i32
      %get3A_306 = arith.index_cast %add3A_305 : i32 to index
      %get3A_307 = arith.constant 336 : index
      %get3A_308 = tpu.vector_load %arg5[%get3A_306, %get3A_307] {strides = array<i32>} : memref<10x512xi32, #tpu.memory_space<vmem>>, vector<16xi32>,
      %add3A_309 = vector.broadcast %mul3A_32 : i32 to vector<16xi32>
      %add3A_310 = arith.addi %get3A_308, %add3A_309 : vector<16xi32>
      %mul3A_311 = arith.constant 512 : i32
      %mul3A_312 = arith.muli %scan3A_28, %mul3A_311 : i32
      %add3A_313 = arith.constant 336 : i32
      %add3A_314 = arith.addi %mul3A_312, %add3A_313 : i32
      %swap3A_315 = arith.index_cast %add3A_314 : i32 to index
      %swap3A_316 = tpu.vector_load %arg6[%swap3A_315] {strides = array<i32>} : memref<2560xi32, #tpu.memory_space<vmem>>, vector<16xi32>,
      tpu.vector_store %arg6[%swap3A_315], %add3A_310 {strides = array<i32>} : memref<2560xi32, #tpu.memory_space<vmem>>, vector<16xi32>,
      %add3A_317 = arith.constant 0 : i32
      %add3A_318 = arith.addi %add3A_317, %scan3A_28 : i32
      %get3A_319 = arith.index_cast %add3A_318 : i32 to index
      %get3A_320 = arith.constant 352 : index
      %get3A_321 = tpu.vector_load %arg5[%get3A_319, %get3A_320] {strides = array<i32>} : memref<10x512xi32, #tpu.memory_space<vmem>>, vector<16xi32>,
      %add3A_322 = vector.broadcast %mul3A_32 : i32 to vector<16xi32>
      %add3A_323 = arith.addi %get3A_321, %add3A_322 : vector<16xi32>
      %mul3A_324 = arith.constant 512 : i32
      %mul3A_325 = arith.muli %scan3A_28, %mul3A_324 : i32
      %add3A_326 = arith.constant 352 : i32
      %add3A_327 = arith.addi %mul3A_325, %add3A_326 : i32
      %swap3A_328 = arith.index_cast %add3A_327 : i32 to index
      %swap3A_329 = tpu.vector_load %arg6[%swap3A_328] {strides = array<i32>} : memref<2560xi32, #tpu.memory_space<vmem>>, vector<16xi32>,
      tpu.vector_store %arg6[%swap3A_328], %add3A_323 {strides = array<i32>} : memref<2560xi32, #tpu.memory_space<vmem>>, vector<16xi32>,
      %add3A_330 = arith.constant 0 : i32
      %add3A_331 = arith.addi %add3A_330, %scan3A_28 : i32
      %get3A_332 = arith.index_cast %add3A_331 : i32 to index
      %get3A_333 = arith.constant 368 : index
      %get3A_334 = tpu.vector_load %arg5[%get3A_332, %get3A_333] {strides = array<i32>} : memref<10x512xi32, #tpu.memory_space<vmem>>, vector<16xi32>,
      %add3A_335 = vector.broadcast %mul3A_32 : i32 to vector<16xi32>
      %add3A_336 = arith.addi %get3A_334, %add3A_335 : vector<16xi32>
      %mul3A_337 = arith.constant 512 : i32
      %mul3A_338 = arith.muli %scan3A_28, %mul3A_337 : i32
      %add3A_339 = arith.constant 368 : i32
      %add3A_340 = arith.addi %mul3A_338, %add3A_339 : i32
      %swap3A_341 = arith.index_cast %add3A_340 : i32 to index
      %swap3A_342 = tpu.vector_load %arg6[%swap3A_341] {strides = array<i32>} : memref<2560xi32, #tpu.memory_space<vmem>>, vector<16xi32>,
      tpu.vector_store %arg6[%swap3A_341], %add3A_336 {strides = array<i32>} : memref<2560xi32, #tpu.memory_space<vmem>>, vector<16xi32>,
      %add3A_343 = arith.constant 0 : i32
      %add3A_344 = arith.addi %add3A_343, %scan3A_28 : i32
      %get3A_345 = arith.index_cast %add3A_344 : i32 to index
      %get3A_346 = arith.constant 384 : index
      %get3A_347 = tpu.vector_load %arg5[%get3A_345, %get3A_346] {strides = array<i32>} : memref<10x512xi32, #tpu.memory_space<vmem>>, vector<16xi32>,
      %add3A_348 = vector.broadcast %mul3A_32 : i32 to vector<16xi32>
      %add3A_349 = arith.addi %get3A_347, %add3A_348 : vector<16xi32>
      %mul3A_350 = arith.constant 512 : i32
      %mul3A_351 = arith.muli %scan3A_28, %mul3A_350 : i32
      %add3A_352 = arith.constant 384 : i32
      %add3A_353 = arith.addi %mul3A_351, %add3A_352 : i32
      %swap3A_354 = arith.index_cast %add3A_353 : i32 to index
      %swap3A_355 = tpu.vector_load %arg6[%swap3A_354] {strides = array<i32>} : memref<2560xi32, #tpu.memory_space<vmem>>, vector<16xi32>,
      tpu.vector_store %arg6[%swap3A_354], %add3A_349 {strides = array<i32>} : memref<2560xi32, #tpu.memory_space<vmem>>, vector<16xi32>,
      %add3A_356 = arith.constant 0 : i32
      %add3A_357 = arith.addi %add3A_356, %scan3A_28 : i32
      %get3A_358 = arith.index_cast %add3A_357 : i32 to index
      %get3A_359 = arith.constant 400 : index
      %get3A_360 = tpu.vector_load %arg5[%get3A_358, %get3A_359] {strides = array<i32>} : memref<10x512xi32, #tpu.memory_space<vmem>>, vector<16xi32>,
      %add3A_361 = vector.broadcast %mul3A_32 : i32 to vector<16xi32>
      %add3A_362 = arith.addi %get3A_360, %add3A_361 : vector<16xi32>
      %mul3A_363 = arith.constant 512 : i32
      %mul3A_364 = arith.muli %scan3A_28, %mul3A_363 : i32
      %add3A_365 = arith.constant 400 : i32
      %add3A_366 = arith.addi %mul3A_364, %add3A_365 : i32
      %swap3A_367 = arith.index_cast %add3A_366 : i32 to index
      %swap3A_368 = tpu.vector_load %arg6[%swap3A_367] {strides = array<i32>} : memref<2560xi32, #tpu.memory_space<vmem>>, vector<16xi32>,
      tpu.vector_store %arg6[%swap3A_367], %add3A_362 {strides = array<i32>} : memref<2560xi32, #tpu.memory_space<vmem>>, vector<16xi32>,
      %add3A_369 = arith.constant 0 : i32
      %add3A_370 = arith.addi %add3A_369, %scan3A_28 : i32
      %get3A_371 = arith.index_cast %add3A_370 : i32 to index
      %get3A_372 = arith.constant 416 : index
      %get3A_373 = tpu.vector_load %arg5[%get3A_371, %get3A_372] {strides = array<i32>} : memref<10x512xi32, #tpu.memory_space<vmem>>, vector<16xi32>,
      %add3A_374 = vector.broadcast %mul3A_32 : i32 to vector<16xi32>
      %add3A_375 = arith.addi %get3A_373, %add3A_374 : vector<16xi32>
      %mul3A_376 = arith.constant 512 : i32
      %mul3A_377 = arith.muli %scan3A_28, %mul3A_376 : i32
      %add3A_378 = arith.constant 416 : i32
      %add3A_379 = arith.addi %mul3A_377, %add3A_378 : i32
      %swap3A_380 = arith.index_cast %add3A_379 : i32 to index
      %swap3A_381 = tpu.vector_load %arg6[%swap3A_380] {strides = array<i32>} : memref<2560xi32, #tpu.memory_space<vmem>>, vector<16xi32>,
      tpu.vector_store %arg6[%swap3A_380], %add3A_375 {strides = array<i32>} : memref<2560xi32, #tpu.memory_space<vmem>>, vector<16xi32>,
      %add3A_382 = arith.constant 0 : i32
      %add3A_383 = arith.addi %add3A_382, %scan3A_28 : i32
      %get3A_384 = arith.index_cast %add3A_383 : i32 to index
      %get3A_385 = arith.constant 432 : index
      %get3A_386 = tpu.vector_load %arg5[%get3A_384, %get3A_385] {strides = array<i32>} : memref<10x512xi32, #tpu.memory_space<vmem>>, vector<16xi32>,
      %add3A_387 = vector.broadcast %mul3A_32 : i32 to vector<16xi32>
      %add3A_388 = arith.addi %get3A_386, %add3A_387 : vector<16xi32>
      %mul3A_389 = arith.constant 512 : i32
      %mul3A_390 = arith.muli %scan3A_28, %mul3A_389 : i32
      %add3A_391 = arith.constant 432 : i32
      %add3A_392 = arith.addi %mul3A_390, %add3A_391 : i32
      %swap3A_393 = arith.index_cast %add3A_392 : i32 to index
      %swap3A_394 = tpu.vector_load %arg6[%swap3A_393] {strides = array<i32>} : memref<2560xi32, #tpu.memory_space<vmem>>, vector<16xi32>,
      tpu.vector_store %arg6[%swap3A_393], %add3A_388 {strides = array<i32>} : memref<2560xi32, #tpu.memory_space<vmem>>, vector<16xi32>,
      %add3A_395 = arith.constant 0 : i32
      %add3A_396 = arith.addi %add3A_395, %scan3A_28 : i32
      %get3A_397 = arith.index_cast %add3A_396 : i32 to index
      %get3A_398 = arith.constant 448 : index
      %get3A_399 = tpu.vector_load %arg5[%get3A_397, %get3A_398] {strides = array<i32>} : memref<10x512xi32, #tpu.memory_space<vmem>>, vector<16xi32>,
      %add3A_400 = vector.broadcast %mul3A_32 : i32 to vector<16xi32>
      %add3A_401 = arith.addi %get3A_399, %add3A_400 : vector<16xi32>
      %mul3A_402 = arith.constant 512 : i32
      %mul3A_403 = arith.muli %scan3A_28, %mul3A_402 : i32
      %add3A_404 = arith.constant 448 : i32
      %add3A_405 = arith.addi %mul3A_403, %add3A_404 : i32
      %swap3A_406 = arith.index_cast %add3A_405 : i32 to index
      %swap3A_407 = tpu.vector_load %arg6[%swap3A_406] {strides = array<i32>} : memref<2560xi32, #tpu.memory_space<vmem>>, vector<16xi32>,
      tpu.vector_store %arg6[%swap3A_406], %add3A_401 {strides = array<i32>} : memref<2560xi32, #tpu.memory_space<vmem>>, vector<16xi32>,
      %add3A_408 = arith.constant 0 : i32
      %add3A_409 = arith.addi %add3A_408, %scan3A_28 : i32
      %get3A_410 = arith.index_cast %add3A_409 : i32 to index
      %get3A_411 = arith.constant 464 : index
      %get3A_412 = tpu.vector_load %arg5[%get3A_410, %get3A_411] {strides = array<i32>} : memref<10x512xi32, #tpu.memory_space<vmem>>, vector<16xi32>,
      %add3A_413 = vector.broadcast %mul3A_32 : i32 to vector<16xi32>
      %add3A_414 = arith.addi %get3A_412, %add3A_413 : vector<16xi32>
      %mul3A_415 = arith.constant 512 : i32
      %mul3A_416 = arith.muli %scan3A_28, %mul3A_415 : i32
      %add3A_417 = arith.constant 464 : i32
      %add3A_418 = arith.addi %mul3A_416, %add3A_417 : i32
      %swap3A_419 = arith.index_cast %add3A_418 : i32 to index
      %swap3A_420 = tpu.vector_load %arg6[%swap3A_419] {strides = array<i32>} : memref<2560xi32, #tpu.memory_space<vmem>>, vector<16xi32>,
      tpu.vector_store %arg6[%swap3A_419], %add3A_414 {strides = array<i32>} : memref<2560xi32, #tpu.memory_space<vmem>>, vector<16xi32>,
      %add3A_421 = arith.constant 0 : i32
      %add3A_422 = arith.addi %add3A_421, %scan3A_28 : i32
      %get3A_423 = arith.index_cast %add3A_422 : i32 to index
      %get3A_424 = arith.constant 480 : index
      %get3A_425 = tpu.vector_load %arg5[%get3A_423, %get3A_424] {strides = array<i32>} : memref<10x512xi32, #tpu.memory_space<vmem>>, vector<16xi32>,
      %add3A_426 = vector.broadcast %mul3A_32 : i32 to vector<16xi32>
      %add3A_427 = arith.addi %get3A_425, %add3A_426 : vector<16xi32>
      %mul3A_428 = arith.constant 512 : i32
      %mul3A_429 = arith.muli %scan3A_28, %mul3A_428 : i32
      %add3A_430 = arith.constant 480 : i32
      %add3A_431 = arith.addi %mul3A_429, %add3A_430 : i32
      %swap3A_432 = arith.index_cast %add3A_431 : i32 to index
      %swap3A_433 = tpu.vector_load %arg6[%swap3A_432] {strides = array<i32>} : memref<2560xi32, #tpu.memory_space<vmem>>, vector<16xi32>,
      tpu.vector_store %arg6[%swap3A_432], %add3A_427 {strides = array<i32>} : memref<2560xi32, #tpu.memory_space<vmem>>, vector<16xi32>,
      %add3A_434 = arith.constant 0 : i32
      %add3A_435 = arith.addi %add3A_434, %scan3A_28 : i32
      %get3A_436 = arith.index_cast %add3A_435 : i32 to index
      %get3A_437 = arith.constant 496 : index
      %get3A_438 = tpu.vector_load %arg5[%get3A_436, %get3A_437] {strides = array<i32>} : memref<10x512xi32, #tpu.memory_space<vmem>>, vector<16xi32>,
      %add3A_439 = vector.broadcast %mul3A_32 : i32 to vector<16xi32>
      %add3A_440 = arith.addi %get3A_438, %add3A_439 : vector<16xi32>
      %mul3A_441 = arith.constant 512 : i32
      %mul3A_442 = arith.muli %scan3A_28, %mul3A_441 : i32
      %add3A_443 = arith.constant 496 : i32
      %add3A_444 = arith.addi %mul3A_442, %add3A_443 : i32
      %swap3A_445 = arith.index_cast %add3A_444 : i32 to index
      %swap3A_446 = tpu.vector_load %arg6[%swap3A_445] {strides = array<i32>} : memref<2560xi32, #tpu.memory_space<vmem>>, vector<16xi32>,
      tpu.vector_store %arg6[%swap3A_445], %add3A_440 {strides = array<i32>} : memref<2560xi32, #tpu.memory_space<vmem>>, vector<16xi32>,
    }
    %scan3A_6 = arith.constant 5 : i32
    %dma_start3A = arith.constant 0 : i32
    %dma_start3A_7 = tpu.memref_slice %arg3[%dma_start3A] : memref<1024000xf32, #tpu.memory_space<hbm>> -> memref<1024000xf32, #tpu.memory_space<hbm>>
    tpu.enqueue_indirect_dma source(%dma_start3A_7 : memref<1024000xf32, #tpu.memory_space<hbm>>) target(%arg8 : memref<2560xf32, #tpu.memory_space<vmem>>) offsets(%arg6 : memref<2560xi32, #tpu.memory_space<vmem>>) semaphore(%arg11 : memref<!tpu.dma_semaphore, #tpu.memory_space<semaphore_mem>>)
    %scan3A_8 = arith.constant 0 : i32
    %scan3A_9 = arith.constant 5 : i32
    %scan3A_10 = arith.addi %scan3A_8, %scan3A_9 : i32
    %scan3A_11 = arith.constant 1 : i32
    scf.for %scan3A_28 = %scan3A_8 to %scan3A_10 step %scan3A_11  : i32 {
      %add3A_29 = arith.constant 5 : i32
      %add3A_30 = arith.addi %add3A_29, %scan3A_28 : i32
      %mul3A_31 = arith.constant 102400 : i32
      %mul3A_32 = arith.muli %add3A_30, %mul3A_31 : i32
      %add3A_33 = arith.constant 5 : i32
      %add3A_34 = arith.addi %add3A_33, %scan3A_28 : i32
      %get3A = arith.index_cast %add3A_34 : i32 to index
      %get3A_35 = arith.constant 0 : index
      %get3A_36 = tpu.vector_load %arg5[%get3A, %get3A_35] {strides = array<i32>} : memref<10x512xi32, #tpu.memory_space<vmem>>, vector<16xi32>,
      %add3A_37 = vector.broadcast %mul3A_32 : i32 to vector<16xi32>
      %add3A_38 = arith.addi %get3A_36, %add3A_37 : vector<16xi32>
      %mul3A_39 = arith.constant 512 : i32
      %mul3A_40 = arith.muli %scan3A_28, %mul3A_39 : i32
      %add3A_41 = arith.constant 0 : i32
      %add3A_42 = arith.addi %mul3A_40, %add3A_41 : i32
      %swap3A = arith.index_cast %add3A_42 : i32 to index
      %swap3A_43 = tpu.vector_load %arg7[%swap3A] {strides = array<i32>} : memref<2560xi32, #tpu.memory_space<vmem>>, vector<16xi32>,
      tpu.vector_store %arg7[%swap3A], %add3A_38 {strides = array<i32>} : memref<2560xi32, #tpu.memory_space<vmem>>, vector<16xi32>,
      %add3A_44 = arith.constant 5 : i32
      %add3A_45 = arith.addi %add3A_44, %scan3A_28 : i32
      %get3A_46 = arith.index_cast %add3A_45 : i32 to index
      %get3A_47 = arith.constant 16 : index
      %get3A_48 = tpu.vector_load %arg5[%get3A_46, %get3A_47] {strides = array<i32>} : memref<10x512xi32, #tpu.memory_space<vmem>>, vector<16xi32>,
      %add3A_49 = vector.broadcast %mul3A_32 : i32 to vector<16xi32>
      %add3A_50 = arith.addi %get3A_48, %add3A_49 : vector<16xi32>
      %mul3A_51 = arith.constant 512 : i32
      %mul3A_52 = arith.muli %scan3A_28, %mul3A_51 : i32
      %add3A_53 = arith.constant 16 : i32
      %add3A_54 = arith.addi %mul3A_52, %add3A_53 : i32
      %swap3A_55 = arith.index_cast %add3A_54 : i32 to index
      %swap3A_56 = tpu.vector_load %arg7[%swap3A_55] {strides = array<i32>} : memref<2560xi32, #tpu.memory_space<vmem>>, vector<16xi32>,
      tpu.vector_store %arg7[%swap3A_55], %add3A_50 {strides = array<i32>} : memref<2560xi32, #tpu.memory_space<vmem>>, vector<16xi32>,
      %add3A_57 = arith.constant 5 : i32
      %add3A_58 = arith.addi %add3A_57, %scan3A_28 : i32
      %get3A_59 = arith.index_cast %add3A_58 : i32 to index
      %get3A_60 = arith.constant 32 : index
      %get3A_61 = tpu.vector_load %arg5[%get3A_59, %get3A_60] {strides = array<i32>} : memref<10x512xi32, #tpu.memory_space<vmem>>, vector<16xi32>,
      %add3A_62 = vector.broadcast %mul3A_32 : i32 to vector<16xi32>
      %add3A_63 = arith.addi %get3A_61, %add3A_62 : vector<16xi32>
      %mul3A_64 = arith.constant 512 : i32
      %mul3A_65 = arith.muli %scan3A_28, %mul3A_64 : i32
      %add3A_66 = arith.constant 32 : i32
      %add3A_67 = arith.addi %mul3A_65, %add3A_66 : i32
      %swap3A_68 = arith.index_cast %add3A_67 : i32 to index
      %swap3A_69 = tpu.vector_load %arg7[%swap3A_68] {strides = array<i32>} : memref<2560xi32, #tpu.memory_space<vmem>>, vector<16xi32>,
      tpu.vector_store %arg7[%swap3A_68], %add3A_63 {strides = array<i32>} : memref<2560xi32, #tpu.memory_space<vmem>>, vector<16xi32>,
      %add3A_70 = arith.constant 5 : i32
      %add3A_71 = arith.addi %add3A_70, %scan3A_28 : i32
      %get3A_72 = arith.index_cast %add3A_71 : i32 to index
      %get3A_73 = arith.constant 48 : index
      %get3A_74 = tpu.vector_load %arg5[%get3A_72, %get3A_73] {strides = array<i32>} : memref<10x512xi32, #tpu.memory_space<vmem>>, vector<16xi32>,
      %add3A_75 = vector.broadcast %mul3A_32 : i32 to vector<16xi32>
      %add3A_76 = arith.addi %get3A_74, %add3A_75 : vector<16xi32>
      %mul3A_77 = arith.constant 512 : i32
      %mul3A_78 = arith.muli %scan3A_28, %mul3A_77 : i32
      %add3A_79 = arith.constant 48 : i32
      %add3A_80 = arith.addi %mul3A_78, %add3A_79 : i32
      %swap3A_81 = arith.index_cast %add3A_80 : i32 to index
      %swap3A_82 = tpu.vector_load %arg7[%swap3A_81] {strides = array<i32>} : memref<2560xi32, #tpu.memory_space<vmem>>, vector<16xi32>,
      tpu.vector_store %arg7[%swap3A_81], %add3A_76 {strides = array<i32>} : memref<2560xi32, #tpu.memory_space<vmem>>, vector<16xi32>,
      %add3A_83 = arith.constant 5 : i32
      %add3A_84 = arith.addi %add3A_83, %scan3A_28 : i32
      %get3A_85 = arith.index_cast %add3A_84 : i32 to index
      %get3A_86 = arith.constant 64 : index
      %get3A_87 = tpu.vector_load %arg5[%get3A_85, %get3A_86] {strides = array<i32>} : memref<10x512xi32, #tpu.memory_space<vmem>>, vector<16xi32>,
      %add3A_88 = vector.broadcast %mul3A_32 : i32 to vector<16xi32>
      %add3A_89 = arith.addi %get3A_87, %add3A_88 : vector<16xi32>
      %mul3A_90 = arith.constant 512 : i32
      %mul3A_91 = arith.muli %scan3A_28, %mul3A_90 : i32
      %add3A_92 = arith.constant 64 : i32
      %add3A_93 = arith.addi %mul3A_91, %add3A_92 : i32
      %swap3A_94 = arith.index_cast %add3A_93 : i32 to index
      %swap3A_95 = tpu.vector_load %arg7[%swap3A_94] {strides = array<i32>} : memref<2560xi32, #tpu.memory_space<vmem>>, vector<16xi32>,
      tpu.vector_store %arg7[%swap3A_94], %add3A_89 {strides = array<i32>} : memref<2560xi32, #tpu.memory_space<vmem>>, vector<16xi32>,
      %add3A_96 = arith.constant 5 : i32
      %add3A_97 = arith.addi %add3A_96, %scan3A_28 : i32
      %get3A_98 = arith.index_cast %add3A_97 : i32 to index
      %get3A_99 = arith.constant 80 : index
      %get3A_100 = tpu.vector_load %arg5[%get3A_98, %get3A_99] {strides = array<i32>} : memref<10x512xi32, #tpu.memory_space<vmem>>, vector<16xi32>,
      %add3A_101 = vector.broadcast %mul3A_32 : i32 to vector<16xi32>
      %add3A_102 = arith.addi %get3A_100, %add3A_101 : vector<16xi32>
      %mul3A_103 = arith.constant 512 : i32
      %mul3A_104 = arith.muli %scan3A_28, %mul3A_103 : i32
      %add3A_105 = arith.constant 80 : i32
      %add3A_106 = arith.addi %mul3A_104, %add3A_105 : i32
      %swap3A_107 = arith.index_cast %add3A_106 : i32 to index
      %swap3A_108 = tpu.vector_load %arg7[%swap3A_107] {strides = array<i32>} : memref<2560xi32, #tpu.memory_space<vmem>>, vector<16xi32>,
      tpu.vector_store %arg7[%swap3A_107], %add3A_102 {strides = array<i32>} : memref<2560xi32, #tpu.memory_space<vmem>>, vector<16xi32>,
      %add3A_109 = arith.constant 5 : i32
      %add3A_110 = arith.addi %add3A_109, %scan3A_28 : i32
      %get3A_111 = arith.index_cast %add3A_110 : i32 to index
      %get3A_112 = arith.constant 96 : index
      %get3A_113 = tpu.vector_load %arg5[%get3A_111, %get3A_112] {strides = array<i32>} : memref<10x512xi32, #tpu.memory_space<vmem>>, vector<16xi32>,
      %add3A_114 = vector.broadcast %mul3A_32 : i32 to vector<16xi32>
      %add3A_115 = arith.addi %get3A_113, %add3A_114 : vector<16xi32>
      %mul3A_116 = arith.constant 512 : i32
      %mul3A_117 = arith.muli %scan3A_28, %mul3A_116 : i32
      %add3A_118 = arith.constant 96 : i32
      %add3A_119 = arith.addi %mul3A_117, %add3A_118 : i32
      %swap3A_120 = arith.index_cast %add3A_119 : i32 to index
      %swap3A_121 = tpu.vector_load %arg7[%swap3A_120] {strides = array<i32>} : memref<2560xi32, #tpu.memory_space<vmem>>, vector<16xi32>,
      tpu.vector_store %arg7[%swap3A_120], %add3A_115 {strides = array<i32>} : memref<2560xi32, #tpu.memory_space<vmem>>, vector<16xi32>,
      %add3A_122 = arith.constant 5 : i32
      %add3A_123 = arith.addi %add3A_122, %scan3A_28 : i32
      %get3A_124 = arith.index_cast %add3A_123 : i32 to index
      %get3A_125 = arith.constant 112 : index
      %get3A_126 = tpu.vector_load %arg5[%get3A_124, %get3A_125] {strides = array<i32>} : memref<10x512xi32, #tpu.memory_space<vmem>>, vector<16xi32>,
      %add3A_127 = vector.broadcast %mul3A_32 : i32 to vector<16xi32>
      %add3A_128 = arith.addi %get3A_126, %add3A_127 : vector<16xi32>
      %mul3A_129 = arith.constant 512 : i32
      %mul3A_130 = arith.muli %scan3A_28, %mul3A_129 : i32
      %add3A_131 = arith.constant 112 : i32
      %add3A_132 = arith.addi %mul3A_130, %add3A_131 : i32
      %swap3A_133 = arith.index_cast %add3A_132 : i32 to index
      %swap3A_134 = tpu.vector_load %arg7[%swap3A_133] {strides = array<i32>} : memref<2560xi32, #tpu.memory_space<vmem>>, vector<16xi32>,
      tpu.vector_store %arg7[%swap3A_133], %add3A_128 {strides = array<i32>} : memref<2560xi32, #tpu.memory_space<vmem>>, vector<16xi32>,
      %add3A_135 = arith.constant 5 : i32
      %add3A_136 = arith.addi %add3A_135, %scan3A_28 : i32
      %get3A_137 = arith.index_cast %add3A_136 : i32 to index
      %get3A_138 = arith.constant 128 : index
      %get3A_139 = tpu.vector_load %arg5[%get3A_137, %get3A_138] {strides = array<i32>} : memref<10x512xi32, #tpu.memory_space<vmem>>, vector<16xi32>,
      %add3A_140 = vector.broadcast %mul3A_32 : i32 to vector<16xi32>
      %add3A_141 = arith.addi %get3A_139, %add3A_140 : vector<16xi32>
      %mul3A_142 = arith.constant 512 : i32
      %mul3A_143 = arith.muli %scan3A_28, %mul3A_142 : i32
      %add3A_144 = arith.constant 128 : i32
      %add3A_145 = arith.addi %mul3A_143, %add3A_144 : i32
      %swap3A_146 = arith.index_cast %add3A_145 : i32 to index
      %swap3A_147 = tpu.vector_load %arg7[%swap3A_146] {strides = array<i32>} : memref<2560xi32, #tpu.memory_space<vmem>>, vector<16xi32>,
      tpu.vector_store %arg7[%swap3A_146], %add3A_141 {strides = array<i32>} : memref<2560xi32, #tpu.memory_space<vmem>>, vector<16xi32>,
      %add3A_148 = arith.constant 5 : i32
      %add3A_149 = arith.addi %add3A_148, %scan3A_28 : i32
      %get3A_150 = arith.index_cast %add3A_149 : i32 to index
      %get3A_151 = arith.constant 144 : index
      %get3A_152 = tpu.vector_load %arg5[%get3A_150, %get3A_151] {strides = array<i32>} : memref<10x512xi32, #tpu.memory_space<vmem>>, vector<16xi32>,
      %add3A_153 = vector.broadcast %mul3A_32 : i32 to vector<16xi32>
      %add3A_154 = arith.addi %get3A_152, %add3A_153 : vector<16xi32>
      %mul3A_155 = arith.constant 512 : i32
      %mul3A_156 = arith.muli %scan3A_28, %mul3A_155 : i32
      %add3A_157 = arith.constant 144 : i32
      %add3A_158 = arith.addi %mul3A_156, %add3A_157 : i32
      %swap3A_159 = arith.index_cast %add3A_158 : i32 to index
      %swap3A_160 = tpu.vector_load %arg7[%swap3A_159] {strides = array<i32>} : memref<2560xi32, #tpu.memory_space<vmem>>, vector<16xi32>,
      tpu.vector_store %arg7[%swap3A_159], %add3A_154 {strides = array<i32>} : memref<2560xi32, #tpu.memory_space<vmem>>, vector<16xi32>,
      %add3A_161 = arith.constant 5 : i32
      %add3A_162 = arith.addi %add3A_161, %scan3A_28 : i32
      %get3A_163 = arith.index_cast %add3A_162 : i32 to index
      %get3A_164 = arith.constant 160 : index
      %get3A_165 = tpu.vector_load %arg5[%get3A_163, %get3A_164] {strides = array<i32>} : memref<10x512xi32, #tpu.memory_space<vmem>>, vector<16xi32>,
      %add3A_166 = vector.broadcast %mul3A_32 : i32 to vector<16xi32>
      %add3A_167 = arith.addi %get3A_165, %add3A_166 : vector<16xi32>
      %mul3A_168 = arith.constant 512 : i32
      %mul3A_169 = arith.muli %scan3A_28, %mul3A_168 : i32
      %add3A_170 = arith.constant 160 : i32
      %add3A_171 = arith.addi %mul3A_169, %add3A_170 : i32
      %swap3A_172 = arith.index_cast %add3A_171 : i32 to index
      %swap3A_173 = tpu.vector_load %arg7[%swap3A_172] {strides = array<i32>} : memref<2560xi32, #tpu.memory_space<vmem>>, vector<16xi32>,
      tpu.vector_store %arg7[%swap3A_172], %add3A_167 {strides = array<i32>} : memref<2560xi32, #tpu.memory_space<vmem>>, vector<16xi32>,
      %add3A_174 = arith.constant 5 : i32
      %add3A_175 = arith.addi %add3A_174, %scan3A_28 : i32
      %get3A_176 = arith.index_cast %add3A_175 : i32 to index
      %get3A_177 = arith.constant 176 : index
      %get3A_178 = tpu.vector_load %arg5[%get3A_176, %get3A_177] {strides = array<i32>} : memref<10x512xi32, #tpu.memory_space<vmem>>, vector<16xi32>,
      %add3A_179 = vector.broadcast %mul3A_32 : i32 to vector<16xi32>
      %add3A_180 = arith.addi %get3A_178, %add3A_179 : vector<16xi32>
      %mul3A_181 = arith.constant 512 : i32
      %mul3A_182 = arith.muli %scan3A_28, %mul3A_181 : i32
      %add3A_183 = arith.constant 176 : i32
      %add3A_184 = arith.addi %mul3A_182, %add3A_183 : i32
      %swap3A_185 = arith.index_cast %add3A_184 : i32 to index
      %swap3A_186 = tpu.vector_load %arg7[%swap3A_185] {strides = array<i32>} : memref<2560xi32, #tpu.memory_space<vmem>>, vector<16xi32>,
      tpu.vector_store %arg7[%swap3A_185], %add3A_180 {strides = array<i32>} : memref<2560xi32, #tpu.memory_space<vmem>>, vector<16xi32>,
      %add3A_187 = arith.constant 5 : i32
      %add3A_188 = arith.addi %add3A_187, %scan3A_28 : i32
      %get3A_189 = arith.index_cast %add3A_188 : i32 to index
      %get3A_190 = arith.constant 192 : index
      %get3A_191 = tpu.vector_load %arg5[%get3A_189, %get3A_190] {strides = array<i32>} : memref<10x512xi32, #tpu.memory_space<vmem>>, vector<16xi32>,
      %add3A_192 = vector.broadcast %mul3A_32 : i32 to vector<16xi32>
      %add3A_193 = arith.addi %get3A_191, %add3A_192 : vector<16xi32>
      %mul3A_194 = arith.constant 512 : i32
      %mul3A_195 = arith.muli %scan3A_28, %mul3A_194 : i32
      %add3A_196 = arith.constant 192 : i32
      %add3A_197 = arith.addi %mul3A_195, %add3A_196 : i32
      %swap3A_198 = arith.index_cast %add3A_197 : i32 to index
      %swap3A_199 = tpu.vector_load %arg7[%swap3A_198] {strides = array<i32>} : memref<2560xi32, #tpu.memory_space<vmem>>, vector<16xi32>,
      tpu.vector_store %arg7[%swap3A_198], %add3A_193 {strides = array<i32>} : memref<2560xi32, #tpu.memory_space<vmem>>, vector<16xi32>,
      %add3A_200 = arith.constant 5 : i32
      %add3A_201 = arith.addi %add3A_200, %scan3A_28 : i32
      %get3A_202 = arith.index_cast %add3A_201 : i32 to index
      %get3A_203 = arith.constant 208 : index
      %get3A_204 = tpu.vector_load %arg5[%get3A_202, %get3A_203] {strides = array<i32>} : memref<10x512xi32, #tpu.memory_space<vmem>>, vector<16xi32>,
      %add3A_205 = vector.broadcast %mul3A_32 : i32 to vector<16xi32>
      %add3A_206 = arith.addi %get3A_204, %add3A_205 : vector<16xi32>
      %mul3A_207 = arith.constant 512 : i32
      %mul3A_208 = arith.muli %scan3A_28, %mul3A_207 : i32
      %add3A_209 = arith.constant 208 : i32
      %add3A_210 = arith.addi %mul3A_208, %add3A_209 : i32
      %swap3A_211 = arith.index_cast %add3A_210 : i32 to index
      %swap3A_212 = tpu.vector_load %arg7[%swap3A_211] {strides = array<i32>} : memref<2560xi32, #tpu.memory_space<vmem>>, vector<16xi32>,
      tpu.vector_store %arg7[%swap3A_211], %add3A_206 {strides = array<i32>} : memref<2560xi32, #tpu.memory_space<vmem>>, vector<16xi32>,
      %add3A_213 = arith.constant 5 : i32
      %add3A_214 = arith.addi %add3A_213, %scan3A_28 : i32
      %get3A_215 = arith.index_cast %add3A_214 : i32 to index
      %get3A_216 = arith.constant 224 : index
      %get3A_217 = tpu.vector_load %arg5[%get3A_215, %get3A_216] {strides = array<i32>} : memref<10x512xi32, #tpu.memory_space<vmem>>, vector<16xi32>,
      %add3A_218 = vector.broadcast %mul3A_32 : i32 to vector<16xi32>
      %add3A_219 = arith.addi %get3A_217, %add3A_218 : vector<16xi32>
      %mul3A_220 = arith.constant 512 : i32
      %mul3A_221 = arith.muli %scan3A_28, %mul3A_220 : i32
      %add3A_222 = arith.constant 224 : i32
      %add3A_223 = arith.addi %mul3A_221, %add3A_222 : i32
      %swap3A_224 = arith.index_cast %add3A_223 : i32 to index
      %swap3A_225 = tpu.vector_load %arg7[%swap3A_224] {strides = array<i32>} : memref<2560xi32, #tpu.memory_space<vmem>>, vector<16xi32>,
      tpu.vector_store %arg7[%swap3A_224], %add3A_219 {strides = array<i32>} : memref<2560xi32, #tpu.memory_space<vmem>>, vector<16xi32>,
      %add3A_226 = arith.constant 5 : i32
      %add3A_227 = arith.addi %add3A_226, %scan3A_28 : i32
      %get3A_228 = arith.index_cast %add3A_227 : i32 to index
      %get3A_229 = arith.constant 240 : index
      %get3A_230 = tpu.vector_load %arg5[%get3A_228, %get3A_229] {strides = array<i32>} : memref<10x512xi32, #tpu.memory_space<vmem>>, vector<16xi32>,
      %add3A_231 = vector.broadcast %mul3A_32 : i32 to vector<16xi32>
      %add3A_232 = arith.addi %get3A_230, %add3A_231 : vector<16xi32>
      %mul3A_233 = arith.constant 512 : i32
      %mul3A_234 = arith.muli %scan3A_28, %mul3A_233 : i32
      %add3A_235 = arith.constant 240 : i32
      %add3A_236 = arith.addi %mul3A_234, %add3A_235 : i32
      %swap3A_237 = arith.index_cast %add3A_236 : i32 to index
      %swap3A_238 = tpu.vector_load %arg7[%swap3A_237] {strides = array<i32>} : memref<2560xi32, #tpu.memory_space<vmem>>, vector<16xi32>,
      tpu.vector_store %arg7[%swap3A_237], %add3A_232 {strides = array<i32>} : memref<2560xi32, #tpu.memory_space<vmem>>, vector<16xi32>,
      %add3A_239 = arith.constant 5 : i32
      %add3A_240 = arith.addi %add3A_239, %scan3A_28 : i32
      %get3A_241 = arith.index_cast %add3A_240 : i32 to index
      %get3A_242 = arith.constant 256 : index
      %get3A_243 = tpu.vector_load %arg5[%get3A_241, %get3A_242] {strides = array<i32>} : memref<10x512xi32, #tpu.memory_space<vmem>>, vector<16xi32>,
      %add3A_244 = vector.broadcast %mul3A_32 : i32 to vector<16xi32>
      %add3A_245 = arith.addi %get3A_243, %add3A_244 : vector<16xi32>
      %mul3A_246 = arith.constant 512 : i32
      %mul3A_247 = arith.muli %scan3A_28, %mul3A_246 : i32
      %add3A_248 = arith.constant 256 : i32
      %add3A_249 = arith.addi %mul3A_247, %add3A_248 : i32
      %swap3A_250 = arith.index_cast %add3A_249 : i32 to index
      %swap3A_251 = tpu.vector_load %arg7[%swap3A_250] {strides = array<i32>} : memref<2560xi32, #tpu.memory_space<vmem>>, vector<16xi32>,
      tpu.vector_store %arg7[%swap3A_250], %add3A_245 {strides = array<i32>} : memref<2560xi32, #tpu.memory_space<vmem>>, vector<16xi32>,
      %add3A_252 = arith.constant 5 : i32
      %add3A_253 = arith.addi %add3A_252, %scan3A_28 : i32
      %get3A_254 = arith.index_cast %add3A_253 : i32 to index
      %get3A_255 = arith.constant 272 : index
      %get3A_256 = tpu.vector_load %arg5[%get3A_254, %get3A_255] {strides = array<i32>} : memref<10x512xi32, #tpu.memory_space<vmem>>, vector<16xi32>,
      %add3A_257 = vector.broadcast %mul3A_32 : i32 to vector<16xi32>
      %add3A_258 = arith.addi %get3A_256, %add3A_257 : vector<16xi32>
      %mul3A_259 = arith.constant 512 : i32
      %mul3A_260 = arith.muli %scan3A_28, %mul3A_259 : i32
      %add3A_261 = arith.constant 272 : i32
      %add3A_262 = arith.addi %mul3A_260, %add3A_261 : i32
      %swap3A_263 = arith.index_cast %add3A_262 : i32 to index
      %swap3A_264 = tpu.vector_load %arg7[%swap3A_263] {strides = array<i32>} : memref<2560xi32, #tpu.memory_space<vmem>>, vector<16xi32>,
      tpu.vector_store %arg7[%swap3A_263], %add3A_258 {strides = array<i32>} : memref<2560xi32, #tpu.memory_space<vmem>>, vector<16xi32>,
      %add3A_265 = arith.constant 5 : i32
      %add3A_266 = arith.addi %add3A_265, %scan3A_28 : i32
      %get3A_267 = arith.index_cast %add3A_266 : i32 to index
      %get3A_268 = arith.constant 288 : index
      %get3A_269 = tpu.vector_load %arg5[%get3A_267, %get3A_268] {strides = array<i32>} : memref<10x512xi32, #tpu.memory_space<vmem>>, vector<16xi32>,
      %add3A_270 = vector.broadcast %mul3A_32 : i32 to vector<16xi32>
      %add3A_271 = arith.addi %get3A_269, %add3A_270 : vector<16xi32>
      %mul3A_272 = arith.constant 512 : i32
      %mul3A_273 = arith.muli %scan3A_28, %mul3A_272 : i32
      %add3A_274 = arith.constant 288 : i32
      %add3A_275 = arith.addi %mul3A_273, %add3A_274 : i32
      %swap3A_276 = arith.index_cast %add3A_275 : i32 to index
      %swap3A_277 = tpu.vector_load %arg7[%swap3A_276] {strides = array<i32>} : memref<2560xi32, #tpu.memory_space<vmem>>, vector<16xi32>,
      tpu.vector_store %arg7[%swap3A_276], %add3A_271 {strides = array<i32>} : memref<2560xi32, #tpu.memory_space<vmem>>, vector<16xi32>,
      %add3A_278 = arith.constant 5 : i32
      %add3A_279 = arith.addi %add3A_278, %scan3A_28 : i32
      %get3A_280 = arith.index_cast %add3A_279 : i32 to index
      %get3A_281 = arith.constant 304 : index
      %get3A_282 = tpu.vector_load %arg5[%get3A_280, %get3A_281] {strides = array<i32>} : memref<10x512xi32, #tpu.memory_space<vmem>>, vector<16xi32>,
      %add3A_283 = vector.broadcast %mul3A_32 : i32 to vector<16xi32>
      %add3A_284 = arith.addi %get3A_282, %add3A_283 : vector<16xi32>
      %mul3A_285 = arith.constant 512 : i32
      %mul3A_286 = arith.muli %scan3A_28, %mul3A_285 : i32
      %add3A_287 = arith.constant 304 : i32
      %add3A_288 = arith.addi %mul3A_286, %add3A_287 : i32
      %swap3A_289 = arith.index_cast %add3A_288 : i32 to index
      %swap3A_290 = tpu.vector_load %arg7[%swap3A_289] {strides = array<i32>} : memref<2560xi32, #tpu.memory_space<vmem>>, vector<16xi32>,
      tpu.vector_store %arg7[%swap3A_289], %add3A_284 {strides = array<i32>} : memref<2560xi32, #tpu.memory_space<vmem>>, vector<16xi32>,
      %add3A_291 = arith.constant 5 : i32
      %add3A_292 = arith.addi %add3A_291, %scan3A_28 : i32
      %get3A_293 = arith.index_cast %add3A_292 : i32 to index
      %get3A_294 = arith.constant 320 : index
      %get3A_295 = tpu.vector_load %arg5[%get3A_293, %get3A_294] {strides = array<i32>} : memref<10x512xi32, #tpu.memory_space<vmem>>, vector<16xi32>,
      %add3A_296 = vector.broadcast %mul3A_32 : i32 to vector<16xi32>
      %add3A_297 = arith.addi %get3A_295, %add3A_296 : vector<16xi32>
      %mul3A_298 = arith.constant 512 : i32
      %mul3A_299 = arith.muli %scan3A_28, %mul3A_298 : i32
      %add3A_300 = arith.constant 320 : i32
      %add3A_301 = arith.addi %mul3A_299, %add3A_300 : i32
      %swap3A_302 = arith.index_cast %add3A_301 : i32 to index
      %swap3A_303 = tpu.vector_load %arg7[%swap3A_302] {strides = array<i32>} : memref<2560xi32, #tpu.memory_space<vmem>>, vector<16xi32>,
      tpu.vector_store %arg7[%swap3A_302], %add3A_297 {strides = array<i32>} : memref<2560xi32, #tpu.memory_space<vmem>>, vector<16xi32>,
      %add3A_304 = arith.constant 5 : i32
      %add3A_305 = arith.addi %add3A_304, %scan3A_28 : i32
      %get3A_306 = arith.index_cast %add3A_305 : i32 to index
      %get3A_307 = arith.constant 336 : index
      %get3A_308 = tpu.vector_load %arg5[%get3A_306, %get3A_307] {strides = array<i32>} : memref<10x512xi32, #tpu.memory_space<vmem>>, vector<16xi32>,
      %add3A_309 = vector.broadcast %mul3A_32 : i32 to vector<16xi32>
      %add3A_310 = arith.addi %get3A_308, %add3A_309 : vector<16xi32>
      %mul3A_311 = arith.constant 512 : i32
      %mul3A_312 = arith.muli %scan3A_28, %mul3A_311 : i32
      %add3A_313 = arith.constant 336 : i32
      %add3A_314 = arith.addi %mul3A_312, %add3A_313 : i32
      %swap3A_315 = arith.index_cast %add3A_314 : i32 to index
      %swap3A_316 = tpu.vector_load %arg7[%swap3A_315] {strides = array<i32>} : memref<2560xi32, #tpu.memory_space<vmem>>, vector<16xi32>,
      tpu.vector_store %arg7[%swap3A_315], %add3A_310 {strides = array<i32>} : memref<2560xi32, #tpu.memory_space<vmem>>, vector<16xi32>,
      %add3A_317 = arith.constant 5 : i32
      %add3A_318 = arith.addi %add3A_317, %scan3A_28 : i32
      %get3A_319 = arith.index_cast %add3A_318 : i32 to index
      %get3A_320 = arith.constant 352 : index
      %get3A_321 = tpu.vector_load %arg5[%get3A_319, %get3A_320] {strides = array<i32>} : memref<10x512xi32, #tpu.memory_space<vmem>>, vector<16xi32>,
      %add3A_322 = vector.broadcast %mul3A_32 : i32 to vector<16xi32>
      %add3A_323 = arith.addi %get3A_321, %add3A_322 : vector<16xi32>
      %mul3A_324 = arith.constant 512 : i32
      %mul3A_325 = arith.muli %scan3A_28, %mul3A_324 : i32
      %add3A_326 = arith.constant 352 : i32
      %add3A_327 = arith.addi %mul3A_325, %add3A_326 : i32
      %swap3A_328 = arith.index_cast %add3A_327 : i32 to index
      %swap3A_329 = tpu.vector_load %arg7[%swap3A_328] {strides = array<i32>} : memref<2560xi32, #tpu.memory_space<vmem>>, vector<16xi32>,
      tpu.vector_store %arg7[%swap3A_328], %add3A_323 {strides = array<i32>} : memref<2560xi32, #tpu.memory_space<vmem>>, vector<16xi32>,
      %add3A_330 = arith.constant 5 : i32
      %add3A_331 = arith.addi %add3A_330, %scan3A_28 : i32
      %get3A_332 = arith.index_cast %add3A_331 : i32 to index
      %get3A_333 = arith.constant 368 : index
      %get3A_334 = tpu.vector_load %arg5[%get3A_332, %get3A_333] {strides = array<i32>} : memref<10x512xi32, #tpu.memory_space<vmem>>, vector<16xi32>,
      %add3A_335 = vector.broadcast %mul3A_32 : i32 to vector<16xi32>
      %add3A_336 = arith.addi %get3A_334, %add3A_335 : vector<16xi32>
      %mul3A_337 = arith.constant 512 : i32
      %mul3A_338 = arith.muli %scan3A_28, %mul3A_337 : i32
      %add3A_339 = arith.constant 368 : i32
      %add3A_340 = arith.addi %mul3A_338, %add3A_339 : i32
      %swap3A_341 = arith.index_cast %add3A_340 : i32 to index
      %swap3A_342 = tpu.vector_load %arg7[%swap3A_341] {strides = array<i32>} : memref<2560xi32, #tpu.memory_space<vmem>>, vector<16xi32>,
      tpu.vector_store %arg7[%swap3A_341], %add3A_336 {strides = array<i32>} : memref<2560xi32, #tpu.memory_space<vmem>>, vector<16xi32>,
      %add3A_343 = arith.constant 5 : i32
      %add3A_344 = arith.addi %add3A_343, %scan3A_28 : i32
      %get3A_345 = arith.index_cast %add3A_344 : i32 to index
      %get3A_346 = arith.constant 384 : index
      %get3A_347 = tpu.vector_load %arg5[%get3A_345, %get3A_346] {strides = array<i32>} : memref<10x512xi32, #tpu.memory_space<vmem>>, vector<16xi32>,
      %add3A_348 = vector.broadcast %mul3A_32 : i32 to vector<16xi32>
      %add3A_349 = arith.addi %get3A_347, %add3A_348 : vector<16xi32>
      %mul3A_350 = arith.constant 512 : i32
      %mul3A_351 = arith.muli %scan3A_28, %mul3A_350 : i32
      %add3A_352 = arith.constant 384 : i32
      %add3A_353 = arith.addi %mul3A_351, %add3A_352 : i32
      %swap3A_354 = arith.index_cast %add3A_353 : i32 to index
      %swap3A_355 = tpu.vector_load %arg7[%swap3A_354] {strides = array<i32>} : memref<2560xi32, #tpu.memory_space<vmem>>, vector<16xi32>,
      tpu.vector_store %arg7[%swap3A_354], %add3A_349 {strides = array<i32>} : memref<2560xi32, #tpu.memory_space<vmem>>, vector<16xi32>,
      %add3A_356 = arith.constant 5 : i32
      %add3A_357 = arith.addi %add3A_356, %scan3A_28 : i32
      %get3A_358 = arith.index_cast %add3A_357 : i32 to index
      %get3A_359 = arith.constant 400 : index
      %get3A_360 = tpu.vector_load %arg5[%get3A_358, %get3A_359] {strides = array<i32>} : memref<10x512xi32, #tpu.memory_space<vmem>>, vector<16xi32>,
      %add3A_361 = vector.broadcast %mul3A_32 : i32 to vector<16xi32>
      %add3A_362 = arith.addi %get3A_360, %add3A_361 : vector<16xi32>
      %mul3A_363 = arith.constant 512 : i32
      %mul3A_364 = arith.muli %scan3A_28, %mul3A_363 : i32
      %add3A_365 = arith.constant 400 : i32
      %add3A_366 = arith.addi %mul3A_364, %add3A_365 : i32
      %swap3A_367 = arith.index_cast %add3A_366 : i32 to index
      %swap3A_368 = tpu.vector_load %arg7[%swap3A_367] {strides = array<i32>} : memref<2560xi32, #tpu.memory_space<vmem>>, vector<16xi32>,
      tpu.vector_store %arg7[%swap3A_367], %add3A_362 {strides = array<i32>} : memref<2560xi32, #tpu.memory_space<vmem>>, vector<16xi32>,
      %add3A_369 = arith.constant 5 : i32
      %add3A_370 = arith.addi %add3A_369, %scan3A_28 : i32
      %get3A_371 = arith.index_cast %add3A_370 : i32 to index
      %get3A_372 = arith.constant 416 : index
      %get3A_373 = tpu.vector_load %arg5[%get3A_371, %get3A_372] {strides = array<i32>} : memref<10x512xi32, #tpu.memory_space<vmem>>, vector<16xi32>,
      %add3A_374 = vector.broadcast %mul3A_32 : i32 to vector<16xi32>
      %add3A_375 = arith.addi %get3A_373, %add3A_374 : vector<16xi32>
      %mul3A_376 = arith.constant 512 : i32
      %mul3A_377 = arith.muli %scan3A_28, %mul3A_376 : i32
      %add3A_378 = arith.constant 416 : i32
      %add3A_379 = arith.addi %mul3A_377, %add3A_378 : i32
      %swap3A_380 = arith.index_cast %add3A_379 : i32 to index
      %swap3A_381 = tpu.vector_load %arg7[%swap3A_380] {strides = array<i32>} : memref<2560xi32, #tpu.memory_space<vmem>>, vector<16xi32>,
      tpu.vector_store %arg7[%swap3A_380], %add3A_375 {strides = array<i32>} : memref<2560xi32, #tpu.memory_space<vmem>>, vector<16xi32>,
      %add3A_382 = arith.constant 5 : i32
      %add3A_383 = arith.addi %add3A_382, %scan3A_28 : i32
      %get3A_384 = arith.index_cast %add3A_383 : i32 to index
      %get3A_385 = arith.constant 432 : index
      %get3A_386 = tpu.vector_load %arg5[%get3A_384, %get3A_385] {strides = array<i32>} : memref<10x512xi32, #tpu.memory_space<vmem>>, vector<16xi32>,
      %add3A_387 = vector.broadcast %mul3A_32 : i32 to vector<16xi32>
      %add3A_388 = arith.addi %get3A_386, %add3A_387 : vector<16xi32>
      %mul3A_389 = arith.constant 512 : i32
      %mul3A_390 = arith.muli %scan3A_28, %mul3A_389 : i32
      %add3A_391 = arith.constant 432 : i32
      %add3A_392 = arith.addi %mul3A_390, %add3A_391 : i32
      %swap3A_393 = arith.index_cast %add3A_392 : i32 to index
      %swap3A_394 = tpu.vector_load %arg7[%swap3A_393] {strides = array<i32>} : memref<2560xi32, #tpu.memory_space<vmem>>, vector<16xi32>,
      tpu.vector_store %arg7[%swap3A_393], %add3A_388 {strides = array<i32>} : memref<2560xi32, #tpu.memory_space<vmem>>, vector<16xi32>,
      %add3A_395 = arith.constant 5 : i32
      %add3A_396 = arith.addi %add3A_395, %scan3A_28 : i32
      %get3A_397 = arith.index_cast %add3A_396 : i32 to index
      %get3A_398 = arith.constant 448 : index
      %get3A_399 = tpu.vector_load %arg5[%get3A_397, %get3A_398] {strides = array<i32>} : memref<10x512xi32, #tpu.memory_space<vmem>>, vector<16xi32>,
      %add3A_400 = vector.broadcast %mul3A_32 : i32 to vector<16xi32>
      %add3A_401 = arith.addi %get3A_399, %add3A_400 : vector<16xi32>
      %mul3A_402 = arith.constant 512 : i32
      %mul3A_403 = arith.muli %scan3A_28, %mul3A_402 : i32
      %add3A_404 = arith.constant 448 : i32
      %add3A_405 = arith.addi %mul3A_403, %add3A_404 : i32
      %swap3A_406 = arith.index_cast %add3A_405 : i32 to index
      %swap3A_407 = tpu.vector_load %arg7[%swap3A_406] {strides = array<i32>} : memref<2560xi32, #tpu.memory_space<vmem>>, vector<16xi32>,
      tpu.vector_store %arg7[%swap3A_406], %add3A_401 {strides = array<i32>} : memref<2560xi32, #tpu.memory_space<vmem>>, vector<16xi32>,
      %add3A_408 = arith.constant 5 : i32
      %add3A_409 = arith.addi %add3A_408, %scan3A_28 : i32
      %get3A_410 = arith.index_cast %add3A_409 : i32 to index
      %get3A_411 = arith.constant 464 : index
      %get3A_412 = tpu.vector_load %arg5[%get3A_410, %get3A_411] {strides = array<i32>} : memref<10x512xi32, #tpu.memory_space<vmem>>, vector<16xi32>,
      %add3A_413 = vector.broadcast %mul3A_32 : i32 to vector<16xi32>
      %add3A_414 = arith.addi %get3A_412, %add3A_413 : vector<16xi32>
      %mul3A_415 = arith.constant 512 : i32
      %mul3A_416 = arith.muli %scan3A_28, %mul3A_415 : i32
      %add3A_417 = arith.constant 464 : i32
      %add3A_418 = arith.addi %mul3A_416, %add3A_417 : i32
      %swap3A_419 = arith.index_cast %add3A_418 : i32 to index
      %swap3A_420 = tpu.vector_load %arg7[%swap3A_419] {strides = array<i32>} : memref<2560xi32, #tpu.memory_space<vmem>>, vector<16xi32>,
      tpu.vector_store %arg7[%swap3A_419], %add3A_414 {strides = array<i32>} : memref<2560xi32, #tpu.memory_space<vmem>>, vector<16xi32>,
      %add3A_421 = arith.constant 5 : i32
      %add3A_422 = arith.addi %add3A_421, %scan3A_28 : i32
      %get3A_423 = arith.index_cast %add3A_422 : i32 to index
      %get3A_424 = arith.constant 480 : index
      %get3A_425 = tpu.vector_load %arg5[%get3A_423, %get3A_424] {strides = array<i32>} : memref<10x512xi32, #tpu.memory_space<vmem>>, vector<16xi32>,
      %add3A_426 = vector.broadcast %mul3A_32 : i32 to vector<16xi32>
      %add3A_427 = arith.addi %get3A_425, %add3A_426 : vector<16xi32>
      %mul3A_428 = arith.constant 512 : i32
      %mul3A_429 = arith.muli %scan3A_28, %mul3A_428 : i32
      %add3A_430 = arith.constant 480 : i32
      %add3A_431 = arith.addi %mul3A_429, %add3A_430 : i32
      %swap3A_432 = arith.index_cast %add3A_431 : i32 to index
      %swap3A_433 = tpu.vector_load %arg7[%swap3A_432] {strides = array<i32>} : memref<2560xi32, #tpu.memory_space<vmem>>, vector<16xi32>,
      tpu.vector_store %arg7[%swap3A_432], %add3A_427 {strides = array<i32>} : memref<2560xi32, #tpu.memory_space<vmem>>, vector<16xi32>,
      %add3A_434 = arith.constant 5 : i32
      %add3A_435 = arith.addi %add3A_434, %scan3A_28 : i32
      %get3A_436 = arith.index_cast %add3A_435 : i32 to index
      %get3A_437 = arith.constant 496 : index
      %get3A_438 = tpu.vector_load %arg5[%get3A_436, %get3A_437] {strides = array<i32>} : memref<10x512xi32, #tpu.memory_space<vmem>>, vector<16xi32>,
      %add3A_439 = vector.broadcast %mul3A_32 : i32 to vector<16xi32>
      %add3A_440 = arith.addi %get3A_438, %add3A_439 : vector<16xi32>
      %mul3A_441 = arith.constant 512 : i32
      %mul3A_442 = arith.muli %scan3A_28, %mul3A_441 : i32
      %add3A_443 = arith.constant 496 : i32
      %add3A_444 = arith.addi %mul3A_442, %add3A_443 : i32
      %swap3A_445 = arith.index_cast %add3A_444 : i32 to index
      %swap3A_446 = tpu.vector_load %arg7[%swap3A_445] {strides = array<i32>} : memref<2560xi32, #tpu.memory_space<vmem>>, vector<16xi32>,
      tpu.vector_store %arg7[%swap3A_445], %add3A_440 {strides = array<i32>} : memref<2560xi32, #tpu.memory_space<vmem>>, vector<16xi32>,
    }
    %scan3A_12 = arith.constant 5 : i32
    %dma_start3A_13 = arith.constant 0 : i32
    %dma_start3A_14 = tpu.memref_slice %arg3[%dma_start3A_13] : memref<1024000xf32, #tpu.memory_space<hbm>> -> memref<1024000xf32, #tpu.memory_space<hbm>>
    tpu.enqueue_indirect_dma source(%dma_start3A_14 : memref<1024000xf32, #tpu.memory_space<hbm>>) target(%arg9 : memref<2560xf32, #tpu.memory_space<vmem>>) offsets(%arg7 : memref<2560xi32, #tpu.memory_space<vmem>>) semaphore(%arg12 : memref<!tpu.dma_semaphore, #tpu.memory_space<semaphore_mem>>)
    %dma_wait3A = arith.constant 0 : i32
    %dma_wait3A_15 = tpu.memref_slice %arg3[%dma_wait3A] : memref<1024000xf32, #tpu.memory_space<hbm>> -> memref<1024000xf32, #tpu.memory_space<hbm>>
    tpu.wait_indirect_dma semaphore(%arg11 : memref<!tpu.dma_semaphore, #tpu.memory_space<semaphore_mem>>) src(%dma_wait3A_15 : memref<1024000xf32, #tpu.memory_space<hbm>>) dst(%arg8 : memref<2560xf32, #tpu.memory_space<vmem>>)
    %scan3A_16 = arith.constant 0 : i32
    %scan3A_17 = arith.constant 32 : i32
    %scan3A_18 = arith.addi %scan3A_16, %scan3A_17 : i32
    %scan3A_19 = arith.constant 1 : i32
    scf.for %scan3A_28 = %scan3A_16 to %scan3A_18 step %scan3A_19  : i32 {
      %broadcast_in_dim3A = arith.constant 0.000000e+00 : f32
      %broadcast_in_dim3A_29 = vector.broadcast %broadcast_in_dim3A : f32 to vector<16xf32>
      %mul3A_30 = arith.constant 16 : i32
      %mul3A_31 = arith.muli %scan3A_28, %mul3A_30 : i32
      %add3A_32 = arith.constant 0 : i32
      %add3A_33 = arith.addi %add3A_32, %mul3A_31 : i32
      %get3A = arith.index_cast %add3A_33 : i32 to index
      %get3A_34 = tpu.vector_load %arg8[%get3A] {strides = array<i32>} : memref<2560xf32, #tpu.memory_space<vmem>>, vector<16xf32>,
      %add3A_35 = arith.addf %broadcast_in_dim3A_29, %get3A_34 : vector<16xf32>
      %mul3A_36 = arith.constant 16 : i32
      %mul3A_37 = arith.muli %scan3A_28, %mul3A_36 : i32
      %add3A_38 = arith.constant 512 : i32
      %add3A_39 = arith.addi %add3A_38, %mul3A_37 : i32
      %get3A_40 = arith.index_cast %add3A_39 : i32 to index
      %get3A_41 = tpu.vector_load %arg8[%get3A_40] {strides = array<i32>} : memref<2560xf32, #tpu.memory_space<vmem>>, vector<16xf32>,
      %add3A_42 = arith.addf %add3A_35, %get3A_41 : vector<16xf32>
      %mul3A_43 = arith.constant 16 : i32
      %mul3A_44 = arith.muli %scan3A_28, %mul3A_43 : i32
      %add3A_45 = arith.constant 1024 : i32
      %add3A_46 = arith.addi %add3A_45, %mul3A_44 : i32
      %get3A_47 = arith.index_cast %add3A_46 : i32 to index
      %get3A_48 = tpu.vector_load %arg8[%get3A_47] {strides = array<i32>} : memref<2560xf32, #tpu.memory_space<vmem>>, vector<16xf32>,
      %add3A_49 = arith.addf %add3A_42, %get3A_48 : vector<16xf32>
      %mul3A_50 = arith.constant 16 : i32
      %mul3A_51 = arith.muli %scan3A_28, %mul3A_50 : i32
      %add3A_52 = arith.constant 1536 : i32
      %add3A_53 = arith.addi %add3A_52, %mul3A_51 : i32
      %get3A_54 = arith.index_cast %add3A_53 : i32 to index
      %get3A_55 = tpu.vector_load %arg8[%get3A_54] {strides = array<i32>} : memref<2560xf32, #tpu.memory_space<vmem>>, vector<16xf32>,
      %add3A_56 = arith.addf %add3A_49, %get3A_55 : vector<16xf32>
      %mul3A_57 = arith.constant 16 : i32
      %mul3A_58 = arith.muli %scan3A_28, %mul3A_57 : i32
      %add3A_59 = arith.constant 2048 : i32
      %add3A_60 = arith.addi %add3A_59, %mul3A_58 : i32
      %get3A_61 = arith.index_cast %add3A_60 : i32 to index
      %get3A_62 = tpu.vector_load %arg8[%get3A_61] {strides = array<i32>} : memref<2560xf32, #tpu.memory_space<vmem>>, vector<16xf32>,
      %add3A_63 = arith.addf %add3A_56, %get3A_62 : vector<16xf32>
      %mul3A_64 = arith.constant 16 : i32
      %mul3A_65 = arith.muli %scan3A_28, %mul3A_64 : i32
      %swap3A = arith.index_cast %mul3A_65 : i32 to index
      %swap3A_66 = tpu.vector_load %arg10[%swap3A] {strides = array<i32>} : memref<512xf32, #tpu.memory_space<vmem>>, vector<16xf32>,
      tpu.vector_store %arg10[%swap3A], %add3A_63 {strides = array<i32>} : memref<512xf32, #tpu.memory_space<vmem>>, vector<16xf32>,
    }
    %scan3A_20 = arith.constant 32 : i32
    %dma_wait3A_21 = arith.constant 0 : i32
    %dma_wait3A_22 = tpu.memref_slice %arg3[%dma_wait3A_21] : memref<1024000xf32, #tpu.memory_space<hbm>> -> memref<1024000xf32, #tpu.memory_space<hbm>>
    tpu.wait_indirect_dma semaphore(%arg12 : memref<!tpu.dma_semaphore, #tpu.memory_space<semaphore_mem>>) src(%dma_wait3A_22 : memref<1024000xf32, #tpu.memory_space<hbm>>) dst(%arg9 : memref<2560xf32, #tpu.memory_space<vmem>>)
    %scan3A_23 = arith.constant 0 : i32
    %scan3A_24 = arith.constant 32 : i32
    %scan3A_25 = arith.addi %scan3A_23, %scan3A_24 : i32
    %scan3A_26 = arith.constant 1 : i32
    scf.for %scan3A_28 = %scan3A_23 to %scan3A_25 step %scan3A_26  : i32 {
      %mul3A_29 = arith.constant 16 : i32
      %mul3A_30 = arith.muli %scan3A_28, %mul3A_29 : i32
      %get3A = arith.index_cast %mul3A_30 : i32 to index
      %get3A_31 = tpu.vector_load %arg10[%get3A] {strides = array<i32>} : memref<512xf32, #tpu.memory_space<vmem>>, vector<16xf32>,
      %mul3A_32 = arith.constant 16 : i32
      %mul3A_33 = arith.muli %scan3A_28, %mul3A_32 : i32
      %add3A_34 = arith.constant 0 : i32
      %add3A_35 = arith.addi %add3A_34, %mul3A_33 : i32
      %get3A_36 = arith.index_cast %add3A_35 : i32 to index
      %get3A_37 = tpu.vector_load %arg9[%get3A_36] {strides = array<i32>} : memref<2560xf32, #tpu.memory_space<vmem>>, vector<16xf32>,
      %add3A_38 = arith.addf %get3A_31, %get3A_37 : vector<16xf32>
      %mul3A_39 = arith.constant 16 : i32
      %mul3A_40 = arith.muli %scan3A_28, %mul3A_39 : i32
      %add3A_41 = arith.constant 512 : i32
      %add3A_42 = arith.addi %add3A_41, %mul3A_40 : i32
      %get3A_43 = arith.index_cast %add3A_42 : i32 to index
      %get3A_44 = tpu.vector_load %arg9[%get3A_43] {strides = array<i32>} : memref<2560xf32, #tpu.memory_space<vmem>>, vector<16xf32>,
      %add3A_45 = arith.addf %add3A_38, %get3A_44 : vector<16xf32>
      %mul3A_46 = arith.constant 16 : i32
      %mul3A_47 = arith.muli %scan3A_28, %mul3A_46 : i32
      %add3A_48 = arith.constant 1024 : i32
      %add3A_49 = arith.addi %add3A_48, %mul3A_47 : i32
      %get3A_50 = arith.index_cast %add3A_49 : i32 to index
      %get3A_51 = tpu.vector_load %arg9[%get3A_50] {strides = array<i32>} : memref<2560xf32, #tpu.memory_space<vmem>>, vector<16xf32>,
      %add3A_52 = arith.addf %add3A_45, %get3A_51 : vector<16xf32>
      %mul3A_53 = arith.constant 16 : i32
      %mul3A_54 = arith.muli %scan3A_28, %mul3A_53 : i32
      %add3A_55 = arith.constant 1536 : i32
      %add3A_56 = arith.addi %add3A_55, %mul3A_54 : i32
      %get3A_57 = arith.index_cast %add3A_56 : i32 to index
      %get3A_58 = tpu.vector_load %arg9[%get3A_57] {strides = array<i32>} : memref<2560xf32, #tpu.memory_space<vmem>>, vector<16xf32>,
      %add3A_59 = arith.addf %add3A_52, %get3A_58 : vector<16xf32>
      %mul3A_60 = arith.constant 16 : i32
      %mul3A_61 = arith.muli %scan3A_28, %mul3A_60 : i32
      %add3A_62 = arith.constant 2048 : i32
      %add3A_63 = arith.addi %add3A_62, %mul3A_61 : i32
      %get3A_64 = arith.index_cast %add3A_63 : i32 to index
      %get3A_65 = tpu.vector_load %arg9[%get3A_64] {strides = array<i32>} : memref<2560xf32, #tpu.memory_space<vmem>>, vector<16xf32>,
      %add3A_66 = arith.addf %add3A_59, %get3A_65 : vector<16xf32>
      %mul3A_67 = arith.constant 16 : i32
      %mul3A_68 = arith.muli %scan3A_28, %mul3A_67 : i32
      %swap3A = arith.index_cast %mul3A_68 : i32 to index
      %swap3A_69 = tpu.vector_load %arg10[%swap3A] {strides = array<i32>} : memref<512xf32, #tpu.memory_space<vmem>>, vector<16xf32>,
      tpu.vector_store %arg10[%swap3A], %add3A_66 {strides = array<i32>} : memref<512xf32, #tpu.memory_space<vmem>>, vector<16xf32>,
    }
    %scan3A_27 = arith.constant 32 : i32
    "tpu.region"() ({
      %run_scoped3A = tpu.sem_alloc : memref<!tpu.dma_semaphore, #tpu.memory_space<semaphore_mem>>
      %dma_start3A_28 = tpu.memref_slice %arg4[%mul3A_2] : memref<16384xf32, #tpu.memory_space<hbm>> -> memref<512xf32, #tpu.memory_space<hbm>>
      %dma_start3A_29 = tpu.memref_slice %arg4[%mul3A_2] : memref<16384xf32, #tpu.memory_space<hbm>> -> memref<512xf32, #tpu.memory_space<hbm>>
      tpu.enqueue_dma source(%arg10 : memref<512xf32, #tpu.memory_space<vmem>>) target(%dma_start3A_29 : memref<512xf32, #tpu.memory_space<hbm>>) target_semaphore(%run_scoped3A : memref<!tpu.dma_semaphore, #tpu.memory_space<semaphore_mem>>)
      %dma_wait3A_30 = tpu.memref_slice %arg4[%mul3A_2] : memref<16384xf32, #tpu.memory_space<hbm>> -> memref<512xf32, #tpu.memory_space<hbm>>
      %dma_wait3A_31 = tpu.memref_slice %arg4[%mul3A_2] : memref<16384xf32, #tpu.memory_space<hbm>> -> memref<512xf32, #tpu.memory_space<hbm>>
      tpu.wait_dma2 semaphore(%run_scoped3A : memref<!tpu.dma_semaphore, #tpu.memory_space<semaphore_mem>>) src(%arg10 : memref<512xf32, #tpu.memory_space<vmem>>) dst(%dma_wait3A_31 : memref<512xf32, #tpu.memory_space<hbm>>)
      tpu.yield
    }) : () -> ()
    return
  }
}

#map = affine_map<(d0, d1) -> (0, 0)>
#map1 = affine_map<(d0, d1) -> (0)>
module attributes {stable_mosaic.version = 14 : i64} {
  func.func @_sc_gather_body(%arg0: i32, %arg1: i32, %arg2: memref<26x16384xi32, #tpu.memory_space<hbm>>, %arg3: memref<1024000xf32, #tpu.memory_space<hbm>>, %arg4: memref<16384xf32, #tpu.memory_space<hbm>>, %arg5: memref<16384xf32, #tpu.memory_space<hbm>>, %arg6: memref<10x512xi32, #tpu.memory_space<vmem>>, %arg7: memref<2560xi32, #tpu.memory_space<vmem>>, %arg8: memref<2560xi32, #tpu.memory_space<vmem>>, %arg9: memref<2560xf32, #tpu.memory_space<vmem>>, %arg10: memref<2560xf32, #tpu.memory_space<vmem>>, %arg11: memref<512xf32, #tpu.memory_space<vmem>>, %arg12: memref<!tpu.dma_semaphore, #tpu.memory_space<semaphore_mem>>, %arg13: memref<!tpu.dma_semaphore, #tpu.memory_space<semaphore_mem>>) attributes {dimension_semantics = [#tpu.dimension_semantics<core_parallel>, #tpu.dimension_semantics<subcore_parallel>], iteration_bounds = array<i64: 2, 16>, scalar_prefetch = 0 : i64, scratch_operands = 8 : i64, tpu.core_type = #tpu.core_type<sc_vector_subcore>, window_params = [{transform_indices = #map}, {transform_indices = #map1}, {transform_indices = #map1}, {transform_indices = #map1}]} {
    %mul3A = arith.constant 2 : i32
    %mul3A_0 = arith.muli %arg1, %mul3A : i32
    %add3A = arith.addi %mul3A_0, %arg0 : i32
    %mul3A_1 = arith.constant 512 : i32
    %mul3A_2 = arith.muli %add3A, %mul3A_1 : i32
    "tpu.region"() ({
      %run_scoped3A = tpu.sem_alloc : memref<!tpu.dma_semaphore, #tpu.memory_space<semaphore_mem>>
      %dma_start3A_28 = arith.constant 10 : i32
      %dma_start3A_29 = tpu.memref_slice %arg2[%dma_start3A_28, %mul3A_2] : memref<26x16384xi32, #tpu.memory_space<hbm>> -> memref<10x512xi32, #tpu.memory_space<hbm>>
      %dma_start3A_30 = arith.constant 10 : i32
      %dma_start3A_31 = tpu.memref_slice %arg2[%dma_start3A_30, %mul3A_2] : memref<26x16384xi32, #tpu.memory_space<hbm>> -> memref<10x512xi32, #tpu.memory_space<hbm>>
      tpu.enqueue_dma source(%dma_start3A_31 : memref<10x512xi32, #tpu.memory_space<hbm>>) target(%arg6 : memref<10x512xi32, #tpu.memory_space<vmem>>) target_semaphore(%run_scoped3A : memref<!tpu.dma_semaphore, #tpu.memory_space<semaphore_mem>>)
      %dma_wait3A_32 = arith.constant 10 : i32
      %dma_wait3A_33 = tpu.memref_slice %arg2[%dma_wait3A_32, %mul3A_2] : memref<26x16384xi32, #tpu.memory_space<hbm>> -> memref<10x512xi32, #tpu.memory_space<hbm>>
      %dma_wait3A_34 = arith.constant 10 : i32
      %dma_wait3A_35 = tpu.memref_slice %arg2[%dma_wait3A_34, %mul3A_2] : memref<26x16384xi32, #tpu.memory_space<hbm>> -> memref<10x512xi32, #tpu.memory_space<hbm>>
      tpu.wait_dma2 semaphore(%run_scoped3A : memref<!tpu.dma_semaphore, #tpu.memory_space<semaphore_mem>>) src(%dma_wait3A_35 : memref<10x512xi32, #tpu.memory_space<hbm>>) dst(%arg6 : memref<10x512xi32, #tpu.memory_space<vmem>>)
      tpu.yield
    }) : () -> ()
    %scan3A = arith.constant 0 : i32
    %scan3A_3 = arith.constant 5 : i32
    %scan3A_4 = arith.addi %scan3A, %scan3A_3 : i32
    %scan3A_5 = arith.constant 1 : i32
    scf.for %scan3A_28 = %scan3A to %scan3A_4 step %scan3A_5  : i32 {
      %add3A_29 = arith.constant 0 : i32
      %add3A_30 = arith.addi %add3A_29, %scan3A_28 : i32
      %mul3A_31 = arith.constant 102400 : i32
      %mul3A_32 = arith.muli %add3A_30, %mul3A_31 : i32
      %add3A_33 = arith.constant 0 : i32
      %add3A_34 = arith.addi %add3A_33, %scan3A_28 : i32
      %get3A = arith.index_cast %add3A_34 : i32 to index
      %get3A_35 = arith.constant 0 : index
      %get3A_36 = tpu.vector_load %arg6[%get3A, %get3A_35] {strides = array<i32>} : memref<10x512xi32, #tpu.memory_space<vmem>>, vector<16xi32>,
      %add3A_37 = vector.broadcast %mul3A_32 : i32 to vector<16xi32>
      %add3A_38 = arith.addi %get3A_36, %add3A_37 : vector<16xi32>
      %mul3A_39 = arith.constant 512 : i32
      %mul3A_40 = arith.muli %scan3A_28, %mul3A_39 : i32
      %add3A_41 = arith.constant 0 : i32
      %add3A_42 = arith.addi %mul3A_40, %add3A_41 : i32
      %swap3A = arith.index_cast %add3A_42 : i32 to index
      %swap3A_43 = tpu.vector_load %arg7[%swap3A] {strides = array<i32>} : memref<2560xi32, #tpu.memory_space<vmem>>, vector<16xi32>,
      tpu.vector_store %arg7[%swap3A], %add3A_38 {strides = array<i32>} : memref<2560xi32, #tpu.memory_space<vmem>>, vector<16xi32>,
      %add3A_44 = arith.constant 0 : i32
      %add3A_45 = arith.addi %add3A_44, %scan3A_28 : i32
      %get3A_46 = arith.index_cast %add3A_45 : i32 to index
      %get3A_47 = arith.constant 16 : index
      %get3A_48 = tpu.vector_load %arg6[%get3A_46, %get3A_47] {strides = array<i32>} : memref<10x512xi32, #tpu.memory_space<vmem>>, vector<16xi32>,
      %add3A_49 = vector.broadcast %mul3A_32 : i32 to vector<16xi32>
      %add3A_50 = arith.addi %get3A_48, %add3A_49 : vector<16xi32>
      %mul3A_51 = arith.constant 512 : i32
      %mul3A_52 = arith.muli %scan3A_28, %mul3A_51 : i32
      %add3A_53 = arith.constant 16 : i32
      %add3A_54 = arith.addi %mul3A_52, %add3A_53 : i32
      %swap3A_55 = arith.index_cast %add3A_54 : i32 to index
      %swap3A_56 = tpu.vector_load %arg7[%swap3A_55] {strides = array<i32>} : memref<2560xi32, #tpu.memory_space<vmem>>, vector<16xi32>,
      tpu.vector_store %arg7[%swap3A_55], %add3A_50 {strides = array<i32>} : memref<2560xi32, #tpu.memory_space<vmem>>, vector<16xi32>,
      %add3A_57 = arith.constant 0 : i32
      %add3A_58 = arith.addi %add3A_57, %scan3A_28 : i32
      %get3A_59 = arith.index_cast %add3A_58 : i32 to index
      %get3A_60 = arith.constant 32 : index
      %get3A_61 = tpu.vector_load %arg6[%get3A_59, %get3A_60] {strides = array<i32>} : memref<10x512xi32, #tpu.memory_space<vmem>>, vector<16xi32>,
      %add3A_62 = vector.broadcast %mul3A_32 : i32 to vector<16xi32>
      %add3A_63 = arith.addi %get3A_61, %add3A_62 : vector<16xi32>
      %mul3A_64 = arith.constant 512 : i32
      %mul3A_65 = arith.muli %scan3A_28, %mul3A_64 : i32
      %add3A_66 = arith.constant 32 : i32
      %add3A_67 = arith.addi %mul3A_65, %add3A_66 : i32
      %swap3A_68 = arith.index_cast %add3A_67 : i32 to index
      %swap3A_69 = tpu.vector_load %arg7[%swap3A_68] {strides = array<i32>} : memref<2560xi32, #tpu.memory_space<vmem>>, vector<16xi32>,
      tpu.vector_store %arg7[%swap3A_68], %add3A_63 {strides = array<i32>} : memref<2560xi32, #tpu.memory_space<vmem>>, vector<16xi32>,
      %add3A_70 = arith.constant 0 : i32
      %add3A_71 = arith.addi %add3A_70, %scan3A_28 : i32
      %get3A_72 = arith.index_cast %add3A_71 : i32 to index
      %get3A_73 = arith.constant 48 : index
      %get3A_74 = tpu.vector_load %arg6[%get3A_72, %get3A_73] {strides = array<i32>} : memref<10x512xi32, #tpu.memory_space<vmem>>, vector<16xi32>,
      %add3A_75 = vector.broadcast %mul3A_32 : i32 to vector<16xi32>
      %add3A_76 = arith.addi %get3A_74, %add3A_75 : vector<16xi32>
      %mul3A_77 = arith.constant 512 : i32
      %mul3A_78 = arith.muli %scan3A_28, %mul3A_77 : i32
      %add3A_79 = arith.constant 48 : i32
      %add3A_80 = arith.addi %mul3A_78, %add3A_79 : i32
      %swap3A_81 = arith.index_cast %add3A_80 : i32 to index
      %swap3A_82 = tpu.vector_load %arg7[%swap3A_81] {strides = array<i32>} : memref<2560xi32, #tpu.memory_space<vmem>>, vector<16xi32>,
      tpu.vector_store %arg7[%swap3A_81], %add3A_76 {strides = array<i32>} : memref<2560xi32, #tpu.memory_space<vmem>>, vector<16xi32>,
      %add3A_83 = arith.constant 0 : i32
      %add3A_84 = arith.addi %add3A_83, %scan3A_28 : i32
      %get3A_85 = arith.index_cast %add3A_84 : i32 to index
      %get3A_86 = arith.constant 64 : index
      %get3A_87 = tpu.vector_load %arg6[%get3A_85, %get3A_86] {strides = array<i32>} : memref<10x512xi32, #tpu.memory_space<vmem>>, vector<16xi32>,
      %add3A_88 = vector.broadcast %mul3A_32 : i32 to vector<16xi32>
      %add3A_89 = arith.addi %get3A_87, %add3A_88 : vector<16xi32>
      %mul3A_90 = arith.constant 512 : i32
      %mul3A_91 = arith.muli %scan3A_28, %mul3A_90 : i32
      %add3A_92 = arith.constant 64 : i32
      %add3A_93 = arith.addi %mul3A_91, %add3A_92 : i32
      %swap3A_94 = arith.index_cast %add3A_93 : i32 to index
      %swap3A_95 = tpu.vector_load %arg7[%swap3A_94] {strides = array<i32>} : memref<2560xi32, #tpu.memory_space<vmem>>, vector<16xi32>,
      tpu.vector_store %arg7[%swap3A_94], %add3A_89 {strides = array<i32>} : memref<2560xi32, #tpu.memory_space<vmem>>, vector<16xi32>,
      %add3A_96 = arith.constant 0 : i32
      %add3A_97 = arith.addi %add3A_96, %scan3A_28 : i32
      %get3A_98 = arith.index_cast %add3A_97 : i32 to index
      %get3A_99 = arith.constant 80 : index
      %get3A_100 = tpu.vector_load %arg6[%get3A_98, %get3A_99] {strides = array<i32>} : memref<10x512xi32, #tpu.memory_space<vmem>>, vector<16xi32>,
      %add3A_101 = vector.broadcast %mul3A_32 : i32 to vector<16xi32>
      %add3A_102 = arith.addi %get3A_100, %add3A_101 : vector<16xi32>
      %mul3A_103 = arith.constant 512 : i32
      %mul3A_104 = arith.muli %scan3A_28, %mul3A_103 : i32
      %add3A_105 = arith.constant 80 : i32
      %add3A_106 = arith.addi %mul3A_104, %add3A_105 : i32
      %swap3A_107 = arith.index_cast %add3A_106 : i32 to index
      %swap3A_108 = tpu.vector_load %arg7[%swap3A_107] {strides = array<i32>} : memref<2560xi32, #tpu.memory_space<vmem>>, vector<16xi32>,
      tpu.vector_store %arg7[%swap3A_107], %add3A_102 {strides = array<i32>} : memref<2560xi32, #tpu.memory_space<vmem>>, vector<16xi32>,
      %add3A_109 = arith.constant 0 : i32
      %add3A_110 = arith.addi %add3A_109, %scan3A_28 : i32
      %get3A_111 = arith.index_cast %add3A_110 : i32 to index
      %get3A_112 = arith.constant 96 : index
      %get3A_113 = tpu.vector_load %arg6[%get3A_111, %get3A_112] {strides = array<i32>} : memref<10x512xi32, #tpu.memory_space<vmem>>, vector<16xi32>,
      %add3A_114 = vector.broadcast %mul3A_32 : i32 to vector<16xi32>
      %add3A_115 = arith.addi %get3A_113, %add3A_114 : vector<16xi32>
      %mul3A_116 = arith.constant 512 : i32
      %mul3A_117 = arith.muli %scan3A_28, %mul3A_116 : i32
      %add3A_118 = arith.constant 96 : i32
      %add3A_119 = arith.addi %mul3A_117, %add3A_118 : i32
      %swap3A_120 = arith.index_cast %add3A_119 : i32 to index
      %swap3A_121 = tpu.vector_load %arg7[%swap3A_120] {strides = array<i32>} : memref<2560xi32, #tpu.memory_space<vmem>>, vector<16xi32>,
      tpu.vector_store %arg7[%swap3A_120], %add3A_115 {strides = array<i32>} : memref<2560xi32, #tpu.memory_space<vmem>>, vector<16xi32>,
      %add3A_122 = arith.constant 0 : i32
      %add3A_123 = arith.addi %add3A_122, %scan3A_28 : i32
      %get3A_124 = arith.index_cast %add3A_123 : i32 to index
      %get3A_125 = arith.constant 112 : index
      %get3A_126 = tpu.vector_load %arg6[%get3A_124, %get3A_125] {strides = array<i32>} : memref<10x512xi32, #tpu.memory_space<vmem>>, vector<16xi32>,
      %add3A_127 = vector.broadcast %mul3A_32 : i32 to vector<16xi32>
      %add3A_128 = arith.addi %get3A_126, %add3A_127 : vector<16xi32>
      %mul3A_129 = arith.constant 512 : i32
      %mul3A_130 = arith.muli %scan3A_28, %mul3A_129 : i32
      %add3A_131 = arith.constant 112 : i32
      %add3A_132 = arith.addi %mul3A_130, %add3A_131 : i32
      %swap3A_133 = arith.index_cast %add3A_132 : i32 to index
      %swap3A_134 = tpu.vector_load %arg7[%swap3A_133] {strides = array<i32>} : memref<2560xi32, #tpu.memory_space<vmem>>, vector<16xi32>,
      tpu.vector_store %arg7[%swap3A_133], %add3A_128 {strides = array<i32>} : memref<2560xi32, #tpu.memory_space<vmem>>, vector<16xi32>,
      %add3A_135 = arith.constant 0 : i32
      %add3A_136 = arith.addi %add3A_135, %scan3A_28 : i32
      %get3A_137 = arith.index_cast %add3A_136 : i32 to index
      %get3A_138 = arith.constant 128 : index
      %get3A_139 = tpu.vector_load %arg6[%get3A_137, %get3A_138] {strides = array<i32>} : memref<10x512xi32, #tpu.memory_space<vmem>>, vector<16xi32>,
      %add3A_140 = vector.broadcast %mul3A_32 : i32 to vector<16xi32>
      %add3A_141 = arith.addi %get3A_139, %add3A_140 : vector<16xi32>
      %mul3A_142 = arith.constant 512 : i32
      %mul3A_143 = arith.muli %scan3A_28, %mul3A_142 : i32
      %add3A_144 = arith.constant 128 : i32
      %add3A_145 = arith.addi %mul3A_143, %add3A_144 : i32
      %swap3A_146 = arith.index_cast %add3A_145 : i32 to index
      %swap3A_147 = tpu.vector_load %arg7[%swap3A_146] {strides = array<i32>} : memref<2560xi32, #tpu.memory_space<vmem>>, vector<16xi32>,
      tpu.vector_store %arg7[%swap3A_146], %add3A_141 {strides = array<i32>} : memref<2560xi32, #tpu.memory_space<vmem>>, vector<16xi32>,
      %add3A_148 = arith.constant 0 : i32
      %add3A_149 = arith.addi %add3A_148, %scan3A_28 : i32
      %get3A_150 = arith.index_cast %add3A_149 : i32 to index
      %get3A_151 = arith.constant 144 : index
      %get3A_152 = tpu.vector_load %arg6[%get3A_150, %get3A_151] {strides = array<i32>} : memref<10x512xi32, #tpu.memory_space<vmem>>, vector<16xi32>,
      %add3A_153 = vector.broadcast %mul3A_32 : i32 to vector<16xi32>
      %add3A_154 = arith.addi %get3A_152, %add3A_153 : vector<16xi32>
      %mul3A_155 = arith.constant 512 : i32
      %mul3A_156 = arith.muli %scan3A_28, %mul3A_155 : i32
      %add3A_157 = arith.constant 144 : i32
      %add3A_158 = arith.addi %mul3A_156, %add3A_157 : i32
      %swap3A_159 = arith.index_cast %add3A_158 : i32 to index
      %swap3A_160 = tpu.vector_load %arg7[%swap3A_159] {strides = array<i32>} : memref<2560xi32, #tpu.memory_space<vmem>>, vector<16xi32>,
      tpu.vector_store %arg7[%swap3A_159], %add3A_154 {strides = array<i32>} : memref<2560xi32, #tpu.memory_space<vmem>>, vector<16xi32>,
      %add3A_161 = arith.constant 0 : i32
      %add3A_162 = arith.addi %add3A_161, %scan3A_28 : i32
      %get3A_163 = arith.index_cast %add3A_162 : i32 to index
      %get3A_164 = arith.constant 160 : index
      %get3A_165 = tpu.vector_load %arg6[%get3A_163, %get3A_164] {strides = array<i32>} : memref<10x512xi32, #tpu.memory_space<vmem>>, vector<16xi32>,
      %add3A_166 = vector.broadcast %mul3A_32 : i32 to vector<16xi32>
      %add3A_167 = arith.addi %get3A_165, %add3A_166 : vector<16xi32>
      %mul3A_168 = arith.constant 512 : i32
      %mul3A_169 = arith.muli %scan3A_28, %mul3A_168 : i32
      %add3A_170 = arith.constant 160 : i32
      %add3A_171 = arith.addi %mul3A_169, %add3A_170 : i32
      %swap3A_172 = arith.index_cast %add3A_171 : i32 to index
      %swap3A_173 = tpu.vector_load %arg7[%swap3A_172] {strides = array<i32>} : memref<2560xi32, #tpu.memory_space<vmem>>, vector<16xi32>,
      tpu.vector_store %arg7[%swap3A_172], %add3A_167 {strides = array<i32>} : memref<2560xi32, #tpu.memory_space<vmem>>, vector<16xi32>,
      %add3A_174 = arith.constant 0 : i32
      %add3A_175 = arith.addi %add3A_174, %scan3A_28 : i32
      %get3A_176 = arith.index_cast %add3A_175 : i32 to index
      %get3A_177 = arith.constant 176 : index
      %get3A_178 = tpu.vector_load %arg6[%get3A_176, %get3A_177] {strides = array<i32>} : memref<10x512xi32, #tpu.memory_space<vmem>>, vector<16xi32>,
      %add3A_179 = vector.broadcast %mul3A_32 : i32 to vector<16xi32>
      %add3A_180 = arith.addi %get3A_178, %add3A_179 : vector<16xi32>
      %mul3A_181 = arith.constant 512 : i32
      %mul3A_182 = arith.muli %scan3A_28, %mul3A_181 : i32
      %add3A_183 = arith.constant 176 : i32
      %add3A_184 = arith.addi %mul3A_182, %add3A_183 : i32
      %swap3A_185 = arith.index_cast %add3A_184 : i32 to index
      %swap3A_186 = tpu.vector_load %arg7[%swap3A_185] {strides = array<i32>} : memref<2560xi32, #tpu.memory_space<vmem>>, vector<16xi32>,
      tpu.vector_store %arg7[%swap3A_185], %add3A_180 {strides = array<i32>} : memref<2560xi32, #tpu.memory_space<vmem>>, vector<16xi32>,
      %add3A_187 = arith.constant 0 : i32
      %add3A_188 = arith.addi %add3A_187, %scan3A_28 : i32
      %get3A_189 = arith.index_cast %add3A_188 : i32 to index
      %get3A_190 = arith.constant 192 : index
      %get3A_191 = tpu.vector_load %arg6[%get3A_189, %get3A_190] {strides = array<i32>} : memref<10x512xi32, #tpu.memory_space<vmem>>, vector<16xi32>,
      %add3A_192 = vector.broadcast %mul3A_32 : i32 to vector<16xi32>
      %add3A_193 = arith.addi %get3A_191, %add3A_192 : vector<16xi32>
      %mul3A_194 = arith.constant 512 : i32
      %mul3A_195 = arith.muli %scan3A_28, %mul3A_194 : i32
      %add3A_196 = arith.constant 192 : i32
      %add3A_197 = arith.addi %mul3A_195, %add3A_196 : i32
      %swap3A_198 = arith.index_cast %add3A_197 : i32 to index
      %swap3A_199 = tpu.vector_load %arg7[%swap3A_198] {strides = array<i32>} : memref<2560xi32, #tpu.memory_space<vmem>>, vector<16xi32>,
      tpu.vector_store %arg7[%swap3A_198], %add3A_193 {strides = array<i32>} : memref<2560xi32, #tpu.memory_space<vmem>>, vector<16xi32>,
      %add3A_200 = arith.constant 0 : i32
      %add3A_201 = arith.addi %add3A_200, %scan3A_28 : i32
      %get3A_202 = arith.index_cast %add3A_201 : i32 to index
      %get3A_203 = arith.constant 208 : index
      %get3A_204 = tpu.vector_load %arg6[%get3A_202, %get3A_203] {strides = array<i32>} : memref<10x512xi32, #tpu.memory_space<vmem>>, vector<16xi32>,
      %add3A_205 = vector.broadcast %mul3A_32 : i32 to vector<16xi32>
      %add3A_206 = arith.addi %get3A_204, %add3A_205 : vector<16xi32>
      %mul3A_207 = arith.constant 512 : i32
      %mul3A_208 = arith.muli %scan3A_28, %mul3A_207 : i32
      %add3A_209 = arith.constant 208 : i32
      %add3A_210 = arith.addi %mul3A_208, %add3A_209 : i32
      %swap3A_211 = arith.index_cast %add3A_210 : i32 to index
      %swap3A_212 = tpu.vector_load %arg7[%swap3A_211] {strides = array<i32>} : memref<2560xi32, #tpu.memory_space<vmem>>, vector<16xi32>,
      tpu.vector_store %arg7[%swap3A_211], %add3A_206 {strides = array<i32>} : memref<2560xi32, #tpu.memory_space<vmem>>, vector<16xi32>,
      %add3A_213 = arith.constant 0 : i32
      %add3A_214 = arith.addi %add3A_213, %scan3A_28 : i32
      %get3A_215 = arith.index_cast %add3A_214 : i32 to index
      %get3A_216 = arith.constant 224 : index
      %get3A_217 = tpu.vector_load %arg6[%get3A_215, %get3A_216] {strides = array<i32>} : memref<10x512xi32, #tpu.memory_space<vmem>>, vector<16xi32>,
      %add3A_218 = vector.broadcast %mul3A_32 : i32 to vector<16xi32>
      %add3A_219 = arith.addi %get3A_217, %add3A_218 : vector<16xi32>
      %mul3A_220 = arith.constant 512 : i32
      %mul3A_221 = arith.muli %scan3A_28, %mul3A_220 : i32
      %add3A_222 = arith.constant 224 : i32
      %add3A_223 = arith.addi %mul3A_221, %add3A_222 : i32
      %swap3A_224 = arith.index_cast %add3A_223 : i32 to index
      %swap3A_225 = tpu.vector_load %arg7[%swap3A_224] {strides = array<i32>} : memref<2560xi32, #tpu.memory_space<vmem>>, vector<16xi32>,
      tpu.vector_store %arg7[%swap3A_224], %add3A_219 {strides = array<i32>} : memref<2560xi32, #tpu.memory_space<vmem>>, vector<16xi32>,
      %add3A_226 = arith.constant 0 : i32
      %add3A_227 = arith.addi %add3A_226, %scan3A_28 : i32
      %get3A_228 = arith.index_cast %add3A_227 : i32 to index
      %get3A_229 = arith.constant 240 : index
      %get3A_230 = tpu.vector_load %arg6[%get3A_228, %get3A_229] {strides = array<i32>} : memref<10x512xi32, #tpu.memory_space<vmem>>, vector<16xi32>,
      %add3A_231 = vector.broadcast %mul3A_32 : i32 to vector<16xi32>
      %add3A_232 = arith.addi %get3A_230, %add3A_231 : vector<16xi32>
      %mul3A_233 = arith.constant 512 : i32
      %mul3A_234 = arith.muli %scan3A_28, %mul3A_233 : i32
      %add3A_235 = arith.constant 240 : i32
      %add3A_236 = arith.addi %mul3A_234, %add3A_235 : i32
      %swap3A_237 = arith.index_cast %add3A_236 : i32 to index
      %swap3A_238 = tpu.vector_load %arg7[%swap3A_237] {strides = array<i32>} : memref<2560xi32, #tpu.memory_space<vmem>>, vector<16xi32>,
      tpu.vector_store %arg7[%swap3A_237], %add3A_232 {strides = array<i32>} : memref<2560xi32, #tpu.memory_space<vmem>>, vector<16xi32>,
      %add3A_239 = arith.constant 0 : i32
      %add3A_240 = arith.addi %add3A_239, %scan3A_28 : i32
      %get3A_241 = arith.index_cast %add3A_240 : i32 to index
      %get3A_242 = arith.constant 256 : index
      %get3A_243 = tpu.vector_load %arg6[%get3A_241, %get3A_242] {strides = array<i32>} : memref<10x512xi32, #tpu.memory_space<vmem>>, vector<16xi32>,
      %add3A_244 = vector.broadcast %mul3A_32 : i32 to vector<16xi32>
      %add3A_245 = arith.addi %get3A_243, %add3A_244 : vector<16xi32>
      %mul3A_246 = arith.constant 512 : i32
      %mul3A_247 = arith.muli %scan3A_28, %mul3A_246 : i32
      %add3A_248 = arith.constant 256 : i32
      %add3A_249 = arith.addi %mul3A_247, %add3A_248 : i32
      %swap3A_250 = arith.index_cast %add3A_249 : i32 to index
      %swap3A_251 = tpu.vector_load %arg7[%swap3A_250] {strides = array<i32>} : memref<2560xi32, #tpu.memory_space<vmem>>, vector<16xi32>,
      tpu.vector_store %arg7[%swap3A_250], %add3A_245 {strides = array<i32>} : memref<2560xi32, #tpu.memory_space<vmem>>, vector<16xi32>,
      %add3A_252 = arith.constant 0 : i32
      %add3A_253 = arith.addi %add3A_252, %scan3A_28 : i32
      %get3A_254 = arith.index_cast %add3A_253 : i32 to index
      %get3A_255 = arith.constant 272 : index
      %get3A_256 = tpu.vector_load %arg6[%get3A_254, %get3A_255] {strides = array<i32>} : memref<10x512xi32, #tpu.memory_space<vmem>>, vector<16xi32>,
      %add3A_257 = vector.broadcast %mul3A_32 : i32 to vector<16xi32>
      %add3A_258 = arith.addi %get3A_256, %add3A_257 : vector<16xi32>
      %mul3A_259 = arith.constant 512 : i32
      %mul3A_260 = arith.muli %scan3A_28, %mul3A_259 : i32
      %add3A_261 = arith.constant 272 : i32
      %add3A_262 = arith.addi %mul3A_260, %add3A_261 : i32
      %swap3A_263 = arith.index_cast %add3A_262 : i32 to index
      %swap3A_264 = tpu.vector_load %arg7[%swap3A_263] {strides = array<i32>} : memref<2560xi32, #tpu.memory_space<vmem>>, vector<16xi32>,
      tpu.vector_store %arg7[%swap3A_263], %add3A_258 {strides = array<i32>} : memref<2560xi32, #tpu.memory_space<vmem>>, vector<16xi32>,
      %add3A_265 = arith.constant 0 : i32
      %add3A_266 = arith.addi %add3A_265, %scan3A_28 : i32
      %get3A_267 = arith.index_cast %add3A_266 : i32 to index
      %get3A_268 = arith.constant 288 : index
      %get3A_269 = tpu.vector_load %arg6[%get3A_267, %get3A_268] {strides = array<i32>} : memref<10x512xi32, #tpu.memory_space<vmem>>, vector<16xi32>,
      %add3A_270 = vector.broadcast %mul3A_32 : i32 to vector<16xi32>
      %add3A_271 = arith.addi %get3A_269, %add3A_270 : vector<16xi32>
      %mul3A_272 = arith.constant 512 : i32
      %mul3A_273 = arith.muli %scan3A_28, %mul3A_272 : i32
      %add3A_274 = arith.constant 288 : i32
      %add3A_275 = arith.addi %mul3A_273, %add3A_274 : i32
      %swap3A_276 = arith.index_cast %add3A_275 : i32 to index
      %swap3A_277 = tpu.vector_load %arg7[%swap3A_276] {strides = array<i32>} : memref<2560xi32, #tpu.memory_space<vmem>>, vector<16xi32>,
      tpu.vector_store %arg7[%swap3A_276], %add3A_271 {strides = array<i32>} : memref<2560xi32, #tpu.memory_space<vmem>>, vector<16xi32>,
      %add3A_278 = arith.constant 0 : i32
      %add3A_279 = arith.addi %add3A_278, %scan3A_28 : i32
      %get3A_280 = arith.index_cast %add3A_279 : i32 to index
      %get3A_281 = arith.constant 304 : index
      %get3A_282 = tpu.vector_load %arg6[%get3A_280, %get3A_281] {strides = array<i32>} : memref<10x512xi32, #tpu.memory_space<vmem>>, vector<16xi32>,
      %add3A_283 = vector.broadcast %mul3A_32 : i32 to vector<16xi32>
      %add3A_284 = arith.addi %get3A_282, %add3A_283 : vector<16xi32>
      %mul3A_285 = arith.constant 512 : i32
      %mul3A_286 = arith.muli %scan3A_28, %mul3A_285 : i32
      %add3A_287 = arith.constant 304 : i32
      %add3A_288 = arith.addi %mul3A_286, %add3A_287 : i32
      %swap3A_289 = arith.index_cast %add3A_288 : i32 to index
      %swap3A_290 = tpu.vector_load %arg7[%swap3A_289] {strides = array<i32>} : memref<2560xi32, #tpu.memory_space<vmem>>, vector<16xi32>,
      tpu.vector_store %arg7[%swap3A_289], %add3A_284 {strides = array<i32>} : memref<2560xi32, #tpu.memory_space<vmem>>, vector<16xi32>,
      %add3A_291 = arith.constant 0 : i32
      %add3A_292 = arith.addi %add3A_291, %scan3A_28 : i32
      %get3A_293 = arith.index_cast %add3A_292 : i32 to index
      %get3A_294 = arith.constant 320 : index
      %get3A_295 = tpu.vector_load %arg6[%get3A_293, %get3A_294] {strides = array<i32>} : memref<10x512xi32, #tpu.memory_space<vmem>>, vector<16xi32>,
      %add3A_296 = vector.broadcast %mul3A_32 : i32 to vector<16xi32>
      %add3A_297 = arith.addi %get3A_295, %add3A_296 : vector<16xi32>
      %mul3A_298 = arith.constant 512 : i32
      %mul3A_299 = arith.muli %scan3A_28, %mul3A_298 : i32
      %add3A_300 = arith.constant 320 : i32
      %add3A_301 = arith.addi %mul3A_299, %add3A_300 : i32
      %swap3A_302 = arith.index_cast %add3A_301 : i32 to index
      %swap3A_303 = tpu.vector_load %arg7[%swap3A_302] {strides = array<i32>} : memref<2560xi32, #tpu.memory_space<vmem>>, vector<16xi32>,
      tpu.vector_store %arg7[%swap3A_302], %add3A_297 {strides = array<i32>} : memref<2560xi32, #tpu.memory_space<vmem>>, vector<16xi32>,
      %add3A_304 = arith.constant 0 : i32
      %add3A_305 = arith.addi %add3A_304, %scan3A_28 : i32
      %get3A_306 = arith.index_cast %add3A_305 : i32 to index
      %get3A_307 = arith.constant 336 : index
      %get3A_308 = tpu.vector_load %arg6[%get3A_306, %get3A_307] {strides = array<i32>} : memref<10x512xi32, #tpu.memory_space<vmem>>, vector<16xi32>,
      %add3A_309 = vector.broadcast %mul3A_32 : i32 to vector<16xi32>
      %add3A_310 = arith.addi %get3A_308, %add3A_309 : vector<16xi32>
      %mul3A_311 = arith.constant 512 : i32
      %mul3A_312 = arith.muli %scan3A_28, %mul3A_311 : i32
      %add3A_313 = arith.constant 336 : i32
      %add3A_314 = arith.addi %mul3A_312, %add3A_313 : i32
      %swap3A_315 = arith.index_cast %add3A_314 : i32 to index
      %swap3A_316 = tpu.vector_load %arg7[%swap3A_315] {strides = array<i32>} : memref<2560xi32, #tpu.memory_space<vmem>>, vector<16xi32>,
      tpu.vector_store %arg7[%swap3A_315], %add3A_310 {strides = array<i32>} : memref<2560xi32, #tpu.memory_space<vmem>>, vector<16xi32>,
      %add3A_317 = arith.constant 0 : i32
      %add3A_318 = arith.addi %add3A_317, %scan3A_28 : i32
      %get3A_319 = arith.index_cast %add3A_318 : i32 to index
      %get3A_320 = arith.constant 352 : index
      %get3A_321 = tpu.vector_load %arg6[%get3A_319, %get3A_320] {strides = array<i32>} : memref<10x512xi32, #tpu.memory_space<vmem>>, vector<16xi32>,
      %add3A_322 = vector.broadcast %mul3A_32 : i32 to vector<16xi32>
      %add3A_323 = arith.addi %get3A_321, %add3A_322 : vector<16xi32>
      %mul3A_324 = arith.constant 512 : i32
      %mul3A_325 = arith.muli %scan3A_28, %mul3A_324 : i32
      %add3A_326 = arith.constant 352 : i32
      %add3A_327 = arith.addi %mul3A_325, %add3A_326 : i32
      %swap3A_328 = arith.index_cast %add3A_327 : i32 to index
      %swap3A_329 = tpu.vector_load %arg7[%swap3A_328] {strides = array<i32>} : memref<2560xi32, #tpu.memory_space<vmem>>, vector<16xi32>,
      tpu.vector_store %arg7[%swap3A_328], %add3A_323 {strides = array<i32>} : memref<2560xi32, #tpu.memory_space<vmem>>, vector<16xi32>,
      %add3A_330 = arith.constant 0 : i32
      %add3A_331 = arith.addi %add3A_330, %scan3A_28 : i32
      %get3A_332 = arith.index_cast %add3A_331 : i32 to index
      %get3A_333 = arith.constant 368 : index
      %get3A_334 = tpu.vector_load %arg6[%get3A_332, %get3A_333] {strides = array<i32>} : memref<10x512xi32, #tpu.memory_space<vmem>>, vector<16xi32>,
      %add3A_335 = vector.broadcast %mul3A_32 : i32 to vector<16xi32>
      %add3A_336 = arith.addi %get3A_334, %add3A_335 : vector<16xi32>
      %mul3A_337 = arith.constant 512 : i32
      %mul3A_338 = arith.muli %scan3A_28, %mul3A_337 : i32
      %add3A_339 = arith.constant 368 : i32
      %add3A_340 = arith.addi %mul3A_338, %add3A_339 : i32
      %swap3A_341 = arith.index_cast %add3A_340 : i32 to index
      %swap3A_342 = tpu.vector_load %arg7[%swap3A_341] {strides = array<i32>} : memref<2560xi32, #tpu.memory_space<vmem>>, vector<16xi32>,
      tpu.vector_store %arg7[%swap3A_341], %add3A_336 {strides = array<i32>} : memref<2560xi32, #tpu.memory_space<vmem>>, vector<16xi32>,
      %add3A_343 = arith.constant 0 : i32
      %add3A_344 = arith.addi %add3A_343, %scan3A_28 : i32
      %get3A_345 = arith.index_cast %add3A_344 : i32 to index
      %get3A_346 = arith.constant 384 : index
      %get3A_347 = tpu.vector_load %arg6[%get3A_345, %get3A_346] {strides = array<i32>} : memref<10x512xi32, #tpu.memory_space<vmem>>, vector<16xi32>,
      %add3A_348 = vector.broadcast %mul3A_32 : i32 to vector<16xi32>
      %add3A_349 = arith.addi %get3A_347, %add3A_348 : vector<16xi32>
      %mul3A_350 = arith.constant 512 : i32
      %mul3A_351 = arith.muli %scan3A_28, %mul3A_350 : i32
      %add3A_352 = arith.constant 384 : i32
      %add3A_353 = arith.addi %mul3A_351, %add3A_352 : i32
      %swap3A_354 = arith.index_cast %add3A_353 : i32 to index
      %swap3A_355 = tpu.vector_load %arg7[%swap3A_354] {strides = array<i32>} : memref<2560xi32, #tpu.memory_space<vmem>>, vector<16xi32>,
      tpu.vector_store %arg7[%swap3A_354], %add3A_349 {strides = array<i32>} : memref<2560xi32, #tpu.memory_space<vmem>>, vector<16xi32>,
      %add3A_356 = arith.constant 0 : i32
      %add3A_357 = arith.addi %add3A_356, %scan3A_28 : i32
      %get3A_358 = arith.index_cast %add3A_357 : i32 to index
      %get3A_359 = arith.constant 400 : index
      %get3A_360 = tpu.vector_load %arg6[%get3A_358, %get3A_359] {strides = array<i32>} : memref<10x512xi32, #tpu.memory_space<vmem>>, vector<16xi32>,
      %add3A_361 = vector.broadcast %mul3A_32 : i32 to vector<16xi32>
      %add3A_362 = arith.addi %get3A_360, %add3A_361 : vector<16xi32>
      %mul3A_363 = arith.constant 512 : i32
      %mul3A_364 = arith.muli %scan3A_28, %mul3A_363 : i32
      %add3A_365 = arith.constant 400 : i32
      %add3A_366 = arith.addi %mul3A_364, %add3A_365 : i32
      %swap3A_367 = arith.index_cast %add3A_366 : i32 to index
      %swap3A_368 = tpu.vector_load %arg7[%swap3A_367] {strides = array<i32>} : memref<2560xi32, #tpu.memory_space<vmem>>, vector<16xi32>,
      tpu.vector_store %arg7[%swap3A_367], %add3A_362 {strides = array<i32>} : memref<2560xi32, #tpu.memory_space<vmem>>, vector<16xi32>,
      %add3A_369 = arith.constant 0 : i32
      %add3A_370 = arith.addi %add3A_369, %scan3A_28 : i32
      %get3A_371 = arith.index_cast %add3A_370 : i32 to index
      %get3A_372 = arith.constant 416 : index
      %get3A_373 = tpu.vector_load %arg6[%get3A_371, %get3A_372] {strides = array<i32>} : memref<10x512xi32, #tpu.memory_space<vmem>>, vector<16xi32>,
      %add3A_374 = vector.broadcast %mul3A_32 : i32 to vector<16xi32>
      %add3A_375 = arith.addi %get3A_373, %add3A_374 : vector<16xi32>
      %mul3A_376 = arith.constant 512 : i32
      %mul3A_377 = arith.muli %scan3A_28, %mul3A_376 : i32
      %add3A_378 = arith.constant 416 : i32
      %add3A_379 = arith.addi %mul3A_377, %add3A_378 : i32
      %swap3A_380 = arith.index_cast %add3A_379 : i32 to index
      %swap3A_381 = tpu.vector_load %arg7[%swap3A_380] {strides = array<i32>} : memref<2560xi32, #tpu.memory_space<vmem>>, vector<16xi32>,
      tpu.vector_store %arg7[%swap3A_380], %add3A_375 {strides = array<i32>} : memref<2560xi32, #tpu.memory_space<vmem>>, vector<16xi32>,
      %add3A_382 = arith.constant 0 : i32
      %add3A_383 = arith.addi %add3A_382, %scan3A_28 : i32
      %get3A_384 = arith.index_cast %add3A_383 : i32 to index
      %get3A_385 = arith.constant 432 : index
      %get3A_386 = tpu.vector_load %arg6[%get3A_384, %get3A_385] {strides = array<i32>} : memref<10x512xi32, #tpu.memory_space<vmem>>, vector<16xi32>,
      %add3A_387 = vector.broadcast %mul3A_32 : i32 to vector<16xi32>
      %add3A_388 = arith.addi %get3A_386, %add3A_387 : vector<16xi32>
      %mul3A_389 = arith.constant 512 : i32
      %mul3A_390 = arith.muli %scan3A_28, %mul3A_389 : i32
      %add3A_391 = arith.constant 432 : i32
      %add3A_392 = arith.addi %mul3A_390, %add3A_391 : i32
      %swap3A_393 = arith.index_cast %add3A_392 : i32 to index
      %swap3A_394 = tpu.vector_load %arg7[%swap3A_393] {strides = array<i32>} : memref<2560xi32, #tpu.memory_space<vmem>>, vector<16xi32>,
      tpu.vector_store %arg7[%swap3A_393], %add3A_388 {strides = array<i32>} : memref<2560xi32, #tpu.memory_space<vmem>>, vector<16xi32>,
      %add3A_395 = arith.constant 0 : i32
      %add3A_396 = arith.addi %add3A_395, %scan3A_28 : i32
      %get3A_397 = arith.index_cast %add3A_396 : i32 to index
      %get3A_398 = arith.constant 448 : index
      %get3A_399 = tpu.vector_load %arg6[%get3A_397, %get3A_398] {strides = array<i32>} : memref<10x512xi32, #tpu.memory_space<vmem>>, vector<16xi32>,
      %add3A_400 = vector.broadcast %mul3A_32 : i32 to vector<16xi32>
      %add3A_401 = arith.addi %get3A_399, %add3A_400 : vector<16xi32>
      %mul3A_402 = arith.constant 512 : i32
      %mul3A_403 = arith.muli %scan3A_28, %mul3A_402 : i32
      %add3A_404 = arith.constant 448 : i32
      %add3A_405 = arith.addi %mul3A_403, %add3A_404 : i32
      %swap3A_406 = arith.index_cast %add3A_405 : i32 to index
      %swap3A_407 = tpu.vector_load %arg7[%swap3A_406] {strides = array<i32>} : memref<2560xi32, #tpu.memory_space<vmem>>, vector<16xi32>,
      tpu.vector_store %arg7[%swap3A_406], %add3A_401 {strides = array<i32>} : memref<2560xi32, #tpu.memory_space<vmem>>, vector<16xi32>,
      %add3A_408 = arith.constant 0 : i32
      %add3A_409 = arith.addi %add3A_408, %scan3A_28 : i32
      %get3A_410 = arith.index_cast %add3A_409 : i32 to index
      %get3A_411 = arith.constant 464 : index
      %get3A_412 = tpu.vector_load %arg6[%get3A_410, %get3A_411] {strides = array<i32>} : memref<10x512xi32, #tpu.memory_space<vmem>>, vector<16xi32>,
      %add3A_413 = vector.broadcast %mul3A_32 : i32 to vector<16xi32>
      %add3A_414 = arith.addi %get3A_412, %add3A_413 : vector<16xi32>
      %mul3A_415 = arith.constant 512 : i32
      %mul3A_416 = arith.muli %scan3A_28, %mul3A_415 : i32
      %add3A_417 = arith.constant 464 : i32
      %add3A_418 = arith.addi %mul3A_416, %add3A_417 : i32
      %swap3A_419 = arith.index_cast %add3A_418 : i32 to index
      %swap3A_420 = tpu.vector_load %arg7[%swap3A_419] {strides = array<i32>} : memref<2560xi32, #tpu.memory_space<vmem>>, vector<16xi32>,
      tpu.vector_store %arg7[%swap3A_419], %add3A_414 {strides = array<i32>} : memref<2560xi32, #tpu.memory_space<vmem>>, vector<16xi32>,
      %add3A_421 = arith.constant 0 : i32
      %add3A_422 = arith.addi %add3A_421, %scan3A_28 : i32
      %get3A_423 = arith.index_cast %add3A_422 : i32 to index
      %get3A_424 = arith.constant 480 : index
      %get3A_425 = tpu.vector_load %arg6[%get3A_423, %get3A_424] {strides = array<i32>} : memref<10x512xi32, #tpu.memory_space<vmem>>, vector<16xi32>,
      %add3A_426 = vector.broadcast %mul3A_32 : i32 to vector<16xi32>
      %add3A_427 = arith.addi %get3A_425, %add3A_426 : vector<16xi32>
      %mul3A_428 = arith.constant 512 : i32
      %mul3A_429 = arith.muli %scan3A_28, %mul3A_428 : i32
      %add3A_430 = arith.constant 480 : i32
      %add3A_431 = arith.addi %mul3A_429, %add3A_430 : i32
      %swap3A_432 = arith.index_cast %add3A_431 : i32 to index
      %swap3A_433 = tpu.vector_load %arg7[%swap3A_432] {strides = array<i32>} : memref<2560xi32, #tpu.memory_space<vmem>>, vector<16xi32>,
      tpu.vector_store %arg7[%swap3A_432], %add3A_427 {strides = array<i32>} : memref<2560xi32, #tpu.memory_space<vmem>>, vector<16xi32>,
      %add3A_434 = arith.constant 0 : i32
      %add3A_435 = arith.addi %add3A_434, %scan3A_28 : i32
      %get3A_436 = arith.index_cast %add3A_435 : i32 to index
      %get3A_437 = arith.constant 496 : index
      %get3A_438 = tpu.vector_load %arg6[%get3A_436, %get3A_437] {strides = array<i32>} : memref<10x512xi32, #tpu.memory_space<vmem>>, vector<16xi32>,
      %add3A_439 = vector.broadcast %mul3A_32 : i32 to vector<16xi32>
      %add3A_440 = arith.addi %get3A_438, %add3A_439 : vector<16xi32>
      %mul3A_441 = arith.constant 512 : i32
      %mul3A_442 = arith.muli %scan3A_28, %mul3A_441 : i32
      %add3A_443 = arith.constant 496 : i32
      %add3A_444 = arith.addi %mul3A_442, %add3A_443 : i32
      %swap3A_445 = arith.index_cast %add3A_444 : i32 to index
      %swap3A_446 = tpu.vector_load %arg7[%swap3A_445] {strides = array<i32>} : memref<2560xi32, #tpu.memory_space<vmem>>, vector<16xi32>,
      tpu.vector_store %arg7[%swap3A_445], %add3A_440 {strides = array<i32>} : memref<2560xi32, #tpu.memory_space<vmem>>, vector<16xi32>,
    }
    %scan3A_6 = arith.constant 5 : i32
    %dma_start3A = arith.constant 0 : i32
    %dma_start3A_7 = tpu.memref_slice %arg3[%dma_start3A] : memref<1024000xf32, #tpu.memory_space<hbm>> -> memref<1024000xf32, #tpu.memory_space<hbm>>
    tpu.enqueue_indirect_dma source(%dma_start3A_7 : memref<1024000xf32, #tpu.memory_space<hbm>>) target(%arg9 : memref<2560xf32, #tpu.memory_space<vmem>>) offsets(%arg7 : memref<2560xi32, #tpu.memory_space<vmem>>) semaphore(%arg12 : memref<!tpu.dma_semaphore, #tpu.memory_space<semaphore_mem>>)
    %scan3A_8 = arith.constant 0 : i32
    %scan3A_9 = arith.constant 5 : i32
    %scan3A_10 = arith.addi %scan3A_8, %scan3A_9 : i32
    %scan3A_11 = arith.constant 1 : i32
    scf.for %scan3A_28 = %scan3A_8 to %scan3A_10 step %scan3A_11  : i32 {
      %add3A_29 = arith.constant 5 : i32
      %add3A_30 = arith.addi %add3A_29, %scan3A_28 : i32
      %mul3A_31 = arith.constant 102400 : i32
      %mul3A_32 = arith.muli %add3A_30, %mul3A_31 : i32
      %add3A_33 = arith.constant 5 : i32
      %add3A_34 = arith.addi %add3A_33, %scan3A_28 : i32
      %get3A = arith.index_cast %add3A_34 : i32 to index
      %get3A_35 = arith.constant 0 : index
      %get3A_36 = tpu.vector_load %arg6[%get3A, %get3A_35] {strides = array<i32>} : memref<10x512xi32, #tpu.memory_space<vmem>>, vector<16xi32>,
      %add3A_37 = vector.broadcast %mul3A_32 : i32 to vector<16xi32>
      %add3A_38 = arith.addi %get3A_36, %add3A_37 : vector<16xi32>
      %mul3A_39 = arith.constant 512 : i32
      %mul3A_40 = arith.muli %scan3A_28, %mul3A_39 : i32
      %add3A_41 = arith.constant 0 : i32
      %add3A_42 = arith.addi %mul3A_40, %add3A_41 : i32
      %swap3A = arith.index_cast %add3A_42 : i32 to index
      %swap3A_43 = tpu.vector_load %arg8[%swap3A] {strides = array<i32>} : memref<2560xi32, #tpu.memory_space<vmem>>, vector<16xi32>,
      tpu.vector_store %arg8[%swap3A], %add3A_38 {strides = array<i32>} : memref<2560xi32, #tpu.memory_space<vmem>>, vector<16xi32>,
      %add3A_44 = arith.constant 5 : i32
      %add3A_45 = arith.addi %add3A_44, %scan3A_28 : i32
      %get3A_46 = arith.index_cast %add3A_45 : i32 to index
      %get3A_47 = arith.constant 16 : index
      %get3A_48 = tpu.vector_load %arg6[%get3A_46, %get3A_47] {strides = array<i32>} : memref<10x512xi32, #tpu.memory_space<vmem>>, vector<16xi32>,
      %add3A_49 = vector.broadcast %mul3A_32 : i32 to vector<16xi32>
      %add3A_50 = arith.addi %get3A_48, %add3A_49 : vector<16xi32>
      %mul3A_51 = arith.constant 512 : i32
      %mul3A_52 = arith.muli %scan3A_28, %mul3A_51 : i32
      %add3A_53 = arith.constant 16 : i32
      %add3A_54 = arith.addi %mul3A_52, %add3A_53 : i32
      %swap3A_55 = arith.index_cast %add3A_54 : i32 to index
      %swap3A_56 = tpu.vector_load %arg8[%swap3A_55] {strides = array<i32>} : memref<2560xi32, #tpu.memory_space<vmem>>, vector<16xi32>,
      tpu.vector_store %arg8[%swap3A_55], %add3A_50 {strides = array<i32>} : memref<2560xi32, #tpu.memory_space<vmem>>, vector<16xi32>,
      %add3A_57 = arith.constant 5 : i32
      %add3A_58 = arith.addi %add3A_57, %scan3A_28 : i32
      %get3A_59 = arith.index_cast %add3A_58 : i32 to index
      %get3A_60 = arith.constant 32 : index
      %get3A_61 = tpu.vector_load %arg6[%get3A_59, %get3A_60] {strides = array<i32>} : memref<10x512xi32, #tpu.memory_space<vmem>>, vector<16xi32>,
      %add3A_62 = vector.broadcast %mul3A_32 : i32 to vector<16xi32>
      %add3A_63 = arith.addi %get3A_61, %add3A_62 : vector<16xi32>
      %mul3A_64 = arith.constant 512 : i32
      %mul3A_65 = arith.muli %scan3A_28, %mul3A_64 : i32
      %add3A_66 = arith.constant 32 : i32
      %add3A_67 = arith.addi %mul3A_65, %add3A_66 : i32
      %swap3A_68 = arith.index_cast %add3A_67 : i32 to index
      %swap3A_69 = tpu.vector_load %arg8[%swap3A_68] {strides = array<i32>} : memref<2560xi32, #tpu.memory_space<vmem>>, vector<16xi32>,
      tpu.vector_store %arg8[%swap3A_68], %add3A_63 {strides = array<i32>} : memref<2560xi32, #tpu.memory_space<vmem>>, vector<16xi32>,
      %add3A_70 = arith.constant 5 : i32
      %add3A_71 = arith.addi %add3A_70, %scan3A_28 : i32
      %get3A_72 = arith.index_cast %add3A_71 : i32 to index
      %get3A_73 = arith.constant 48 : index
      %get3A_74 = tpu.vector_load %arg6[%get3A_72, %get3A_73] {strides = array<i32>} : memref<10x512xi32, #tpu.memory_space<vmem>>, vector<16xi32>,
      %add3A_75 = vector.broadcast %mul3A_32 : i32 to vector<16xi32>
      %add3A_76 = arith.addi %get3A_74, %add3A_75 : vector<16xi32>
      %mul3A_77 = arith.constant 512 : i32
      %mul3A_78 = arith.muli %scan3A_28, %mul3A_77 : i32
      %add3A_79 = arith.constant 48 : i32
      %add3A_80 = arith.addi %mul3A_78, %add3A_79 : i32
      %swap3A_81 = arith.index_cast %add3A_80 : i32 to index
      %swap3A_82 = tpu.vector_load %arg8[%swap3A_81] {strides = array<i32>} : memref<2560xi32, #tpu.memory_space<vmem>>, vector<16xi32>,
      tpu.vector_store %arg8[%swap3A_81], %add3A_76 {strides = array<i32>} : memref<2560xi32, #tpu.memory_space<vmem>>, vector<16xi32>,
      %add3A_83 = arith.constant 5 : i32
      %add3A_84 = arith.addi %add3A_83, %scan3A_28 : i32
      %get3A_85 = arith.index_cast %add3A_84 : i32 to index
      %get3A_86 = arith.constant 64 : index
      %get3A_87 = tpu.vector_load %arg6[%get3A_85, %get3A_86] {strides = array<i32>} : memref<10x512xi32, #tpu.memory_space<vmem>>, vector<16xi32>,
      %add3A_88 = vector.broadcast %mul3A_32 : i32 to vector<16xi32>
      %add3A_89 = arith.addi %get3A_87, %add3A_88 : vector<16xi32>
      %mul3A_90 = arith.constant 512 : i32
      %mul3A_91 = arith.muli %scan3A_28, %mul3A_90 : i32
      %add3A_92 = arith.constant 64 : i32
      %add3A_93 = arith.addi %mul3A_91, %add3A_92 : i32
      %swap3A_94 = arith.index_cast %add3A_93 : i32 to index
      %swap3A_95 = tpu.vector_load %arg8[%swap3A_94] {strides = array<i32>} : memref<2560xi32, #tpu.memory_space<vmem>>, vector<16xi32>,
      tpu.vector_store %arg8[%swap3A_94], %add3A_89 {strides = array<i32>} : memref<2560xi32, #tpu.memory_space<vmem>>, vector<16xi32>,
      %add3A_96 = arith.constant 5 : i32
      %add3A_97 = arith.addi %add3A_96, %scan3A_28 : i32
      %get3A_98 = arith.index_cast %add3A_97 : i32 to index
      %get3A_99 = arith.constant 80 : index
      %get3A_100 = tpu.vector_load %arg6[%get3A_98, %get3A_99] {strides = array<i32>} : memref<10x512xi32, #tpu.memory_space<vmem>>, vector<16xi32>,
      %add3A_101 = vector.broadcast %mul3A_32 : i32 to vector<16xi32>
      %add3A_102 = arith.addi %get3A_100, %add3A_101 : vector<16xi32>
      %mul3A_103 = arith.constant 512 : i32
      %mul3A_104 = arith.muli %scan3A_28, %mul3A_103 : i32
      %add3A_105 = arith.constant 80 : i32
      %add3A_106 = arith.addi %mul3A_104, %add3A_105 : i32
      %swap3A_107 = arith.index_cast %add3A_106 : i32 to index
      %swap3A_108 = tpu.vector_load %arg8[%swap3A_107] {strides = array<i32>} : memref<2560xi32, #tpu.memory_space<vmem>>, vector<16xi32>,
      tpu.vector_store %arg8[%swap3A_107], %add3A_102 {strides = array<i32>} : memref<2560xi32, #tpu.memory_space<vmem>>, vector<16xi32>,
      %add3A_109 = arith.constant 5 : i32
      %add3A_110 = arith.addi %add3A_109, %scan3A_28 : i32
      %get3A_111 = arith.index_cast %add3A_110 : i32 to index
      %get3A_112 = arith.constant 96 : index
      %get3A_113 = tpu.vector_load %arg6[%get3A_111, %get3A_112] {strides = array<i32>} : memref<10x512xi32, #tpu.memory_space<vmem>>, vector<16xi32>,
      %add3A_114 = vector.broadcast %mul3A_32 : i32 to vector<16xi32>
      %add3A_115 = arith.addi %get3A_113, %add3A_114 : vector<16xi32>
      %mul3A_116 = arith.constant 512 : i32
      %mul3A_117 = arith.muli %scan3A_28, %mul3A_116 : i32
      %add3A_118 = arith.constant 96 : i32
      %add3A_119 = arith.addi %mul3A_117, %add3A_118 : i32
      %swap3A_120 = arith.index_cast %add3A_119 : i32 to index
      %swap3A_121 = tpu.vector_load %arg8[%swap3A_120] {strides = array<i32>} : memref<2560xi32, #tpu.memory_space<vmem>>, vector<16xi32>,
      tpu.vector_store %arg8[%swap3A_120], %add3A_115 {strides = array<i32>} : memref<2560xi32, #tpu.memory_space<vmem>>, vector<16xi32>,
      %add3A_122 = arith.constant 5 : i32
      %add3A_123 = arith.addi %add3A_122, %scan3A_28 : i32
      %get3A_124 = arith.index_cast %add3A_123 : i32 to index
      %get3A_125 = arith.constant 112 : index
      %get3A_126 = tpu.vector_load %arg6[%get3A_124, %get3A_125] {strides = array<i32>} : memref<10x512xi32, #tpu.memory_space<vmem>>, vector<16xi32>,
      %add3A_127 = vector.broadcast %mul3A_32 : i32 to vector<16xi32>
      %add3A_128 = arith.addi %get3A_126, %add3A_127 : vector<16xi32>
      %mul3A_129 = arith.constant 512 : i32
      %mul3A_130 = arith.muli %scan3A_28, %mul3A_129 : i32
      %add3A_131 = arith.constant 112 : i32
      %add3A_132 = arith.addi %mul3A_130, %add3A_131 : i32
      %swap3A_133 = arith.index_cast %add3A_132 : i32 to index
      %swap3A_134 = tpu.vector_load %arg8[%swap3A_133] {strides = array<i32>} : memref<2560xi32, #tpu.memory_space<vmem>>, vector<16xi32>,
      tpu.vector_store %arg8[%swap3A_133], %add3A_128 {strides = array<i32>} : memref<2560xi32, #tpu.memory_space<vmem>>, vector<16xi32>,
      %add3A_135 = arith.constant 5 : i32
      %add3A_136 = arith.addi %add3A_135, %scan3A_28 : i32
      %get3A_137 = arith.index_cast %add3A_136 : i32 to index
      %get3A_138 = arith.constant 128 : index
      %get3A_139 = tpu.vector_load %arg6[%get3A_137, %get3A_138] {strides = array<i32>} : memref<10x512xi32, #tpu.memory_space<vmem>>, vector<16xi32>,
      %add3A_140 = vector.broadcast %mul3A_32 : i32 to vector<16xi32>
      %add3A_141 = arith.addi %get3A_139, %add3A_140 : vector<16xi32>
      %mul3A_142 = arith.constant 512 : i32
      %mul3A_143 = arith.muli %scan3A_28, %mul3A_142 : i32
      %add3A_144 = arith.constant 128 : i32
      %add3A_145 = arith.addi %mul3A_143, %add3A_144 : i32
      %swap3A_146 = arith.index_cast %add3A_145 : i32 to index
      %swap3A_147 = tpu.vector_load %arg8[%swap3A_146] {strides = array<i32>} : memref<2560xi32, #tpu.memory_space<vmem>>, vector<16xi32>,
      tpu.vector_store %arg8[%swap3A_146], %add3A_141 {strides = array<i32>} : memref<2560xi32, #tpu.memory_space<vmem>>, vector<16xi32>,
      %add3A_148 = arith.constant 5 : i32
      %add3A_149 = arith.addi %add3A_148, %scan3A_28 : i32
      %get3A_150 = arith.index_cast %add3A_149 : i32 to index
      %get3A_151 = arith.constant 144 : index
      %get3A_152 = tpu.vector_load %arg6[%get3A_150, %get3A_151] {strides = array<i32>} : memref<10x512xi32, #tpu.memory_space<vmem>>, vector<16xi32>,
      %add3A_153 = vector.broadcast %mul3A_32 : i32 to vector<16xi32>
      %add3A_154 = arith.addi %get3A_152, %add3A_153 : vector<16xi32>
      %mul3A_155 = arith.constant 512 : i32
      %mul3A_156 = arith.muli %scan3A_28, %mul3A_155 : i32
      %add3A_157 = arith.constant 144 : i32
      %add3A_158 = arith.addi %mul3A_156, %add3A_157 : i32
      %swap3A_159 = arith.index_cast %add3A_158 : i32 to index
      %swap3A_160 = tpu.vector_load %arg8[%swap3A_159] {strides = array<i32>} : memref<2560xi32, #tpu.memory_space<vmem>>, vector<16xi32>,
      tpu.vector_store %arg8[%swap3A_159], %add3A_154 {strides = array<i32>} : memref<2560xi32, #tpu.memory_space<vmem>>, vector<16xi32>,
      %add3A_161 = arith.constant 5 : i32
      %add3A_162 = arith.addi %add3A_161, %scan3A_28 : i32
      %get3A_163 = arith.index_cast %add3A_162 : i32 to index
      %get3A_164 = arith.constant 160 : index
      %get3A_165 = tpu.vector_load %arg6[%get3A_163, %get3A_164] {strides = array<i32>} : memref<10x512xi32, #tpu.memory_space<vmem>>, vector<16xi32>,
      %add3A_166 = vector.broadcast %mul3A_32 : i32 to vector<16xi32>
      %add3A_167 = arith.addi %get3A_165, %add3A_166 : vector<16xi32>
      %mul3A_168 = arith.constant 512 : i32
      %mul3A_169 = arith.muli %scan3A_28, %mul3A_168 : i32
      %add3A_170 = arith.constant 160 : i32
      %add3A_171 = arith.addi %mul3A_169, %add3A_170 : i32
      %swap3A_172 = arith.index_cast %add3A_171 : i32 to index
      %swap3A_173 = tpu.vector_load %arg8[%swap3A_172] {strides = array<i32>} : memref<2560xi32, #tpu.memory_space<vmem>>, vector<16xi32>,
      tpu.vector_store %arg8[%swap3A_172], %add3A_167 {strides = array<i32>} : memref<2560xi32, #tpu.memory_space<vmem>>, vector<16xi32>,
      %add3A_174 = arith.constant 5 : i32
      %add3A_175 = arith.addi %add3A_174, %scan3A_28 : i32
      %get3A_176 = arith.index_cast %add3A_175 : i32 to index
      %get3A_177 = arith.constant 176 : index
      %get3A_178 = tpu.vector_load %arg6[%get3A_176, %get3A_177] {strides = array<i32>} : memref<10x512xi32, #tpu.memory_space<vmem>>, vector<16xi32>,
      %add3A_179 = vector.broadcast %mul3A_32 : i32 to vector<16xi32>
      %add3A_180 = arith.addi %get3A_178, %add3A_179 : vector<16xi32>
      %mul3A_181 = arith.constant 512 : i32
      %mul3A_182 = arith.muli %scan3A_28, %mul3A_181 : i32
      %add3A_183 = arith.constant 176 : i32
      %add3A_184 = arith.addi %mul3A_182, %add3A_183 : i32
      %swap3A_185 = arith.index_cast %add3A_184 : i32 to index
      %swap3A_186 = tpu.vector_load %arg8[%swap3A_185] {strides = array<i32>} : memref<2560xi32, #tpu.memory_space<vmem>>, vector<16xi32>,
      tpu.vector_store %arg8[%swap3A_185], %add3A_180 {strides = array<i32>} : memref<2560xi32, #tpu.memory_space<vmem>>, vector<16xi32>,
      %add3A_187 = arith.constant 5 : i32
      %add3A_188 = arith.addi %add3A_187, %scan3A_28 : i32
      %get3A_189 = arith.index_cast %add3A_188 : i32 to index
      %get3A_190 = arith.constant 192 : index
      %get3A_191 = tpu.vector_load %arg6[%get3A_189, %get3A_190] {strides = array<i32>} : memref<10x512xi32, #tpu.memory_space<vmem>>, vector<16xi32>,
      %add3A_192 = vector.broadcast %mul3A_32 : i32 to vector<16xi32>
      %add3A_193 = arith.addi %get3A_191, %add3A_192 : vector<16xi32>
      %mul3A_194 = arith.constant 512 : i32
      %mul3A_195 = arith.muli %scan3A_28, %mul3A_194 : i32
      %add3A_196 = arith.constant 192 : i32
      %add3A_197 = arith.addi %mul3A_195, %add3A_196 : i32
      %swap3A_198 = arith.index_cast %add3A_197 : i32 to index
      %swap3A_199 = tpu.vector_load %arg8[%swap3A_198] {strides = array<i32>} : memref<2560xi32, #tpu.memory_space<vmem>>, vector<16xi32>,
      tpu.vector_store %arg8[%swap3A_198], %add3A_193 {strides = array<i32>} : memref<2560xi32, #tpu.memory_space<vmem>>, vector<16xi32>,
      %add3A_200 = arith.constant 5 : i32
      %add3A_201 = arith.addi %add3A_200, %scan3A_28 : i32
      %get3A_202 = arith.index_cast %add3A_201 : i32 to index
      %get3A_203 = arith.constant 208 : index
      %get3A_204 = tpu.vector_load %arg6[%get3A_202, %get3A_203] {strides = array<i32>} : memref<10x512xi32, #tpu.memory_space<vmem>>, vector<16xi32>,
      %add3A_205 = vector.broadcast %mul3A_32 : i32 to vector<16xi32>
      %add3A_206 = arith.addi %get3A_204, %add3A_205 : vector<16xi32>
      %mul3A_207 = arith.constant 512 : i32
      %mul3A_208 = arith.muli %scan3A_28, %mul3A_207 : i32
      %add3A_209 = arith.constant 208 : i32
      %add3A_210 = arith.addi %mul3A_208, %add3A_209 : i32
      %swap3A_211 = arith.index_cast %add3A_210 : i32 to index
      %swap3A_212 = tpu.vector_load %arg8[%swap3A_211] {strides = array<i32>} : memref<2560xi32, #tpu.memory_space<vmem>>, vector<16xi32>,
      tpu.vector_store %arg8[%swap3A_211], %add3A_206 {strides = array<i32>} : memref<2560xi32, #tpu.memory_space<vmem>>, vector<16xi32>,
      %add3A_213 = arith.constant 5 : i32
      %add3A_214 = arith.addi %add3A_213, %scan3A_28 : i32
      %get3A_215 = arith.index_cast %add3A_214 : i32 to index
      %get3A_216 = arith.constant 224 : index
      %get3A_217 = tpu.vector_load %arg6[%get3A_215, %get3A_216] {strides = array<i32>} : memref<10x512xi32, #tpu.memory_space<vmem>>, vector<16xi32>,
      %add3A_218 = vector.broadcast %mul3A_32 : i32 to vector<16xi32>
      %add3A_219 = arith.addi %get3A_217, %add3A_218 : vector<16xi32>
      %mul3A_220 = arith.constant 512 : i32
      %mul3A_221 = arith.muli %scan3A_28, %mul3A_220 : i32
      %add3A_222 = arith.constant 224 : i32
      %add3A_223 = arith.addi %mul3A_221, %add3A_222 : i32
      %swap3A_224 = arith.index_cast %add3A_223 : i32 to index
      %swap3A_225 = tpu.vector_load %arg8[%swap3A_224] {strides = array<i32>} : memref<2560xi32, #tpu.memory_space<vmem>>, vector<16xi32>,
      tpu.vector_store %arg8[%swap3A_224], %add3A_219 {strides = array<i32>} : memref<2560xi32, #tpu.memory_space<vmem>>, vector<16xi32>,
      %add3A_226 = arith.constant 5 : i32
      %add3A_227 = arith.addi %add3A_226, %scan3A_28 : i32
      %get3A_228 = arith.index_cast %add3A_227 : i32 to index
      %get3A_229 = arith.constant 240 : index
      %get3A_230 = tpu.vector_load %arg6[%get3A_228, %get3A_229] {strides = array<i32>} : memref<10x512xi32, #tpu.memory_space<vmem>>, vector<16xi32>,
      %add3A_231 = vector.broadcast %mul3A_32 : i32 to vector<16xi32>
      %add3A_232 = arith.addi %get3A_230, %add3A_231 : vector<16xi32>
      %mul3A_233 = arith.constant 512 : i32
      %mul3A_234 = arith.muli %scan3A_28, %mul3A_233 : i32
      %add3A_235 = arith.constant 240 : i32
      %add3A_236 = arith.addi %mul3A_234, %add3A_235 : i32
      %swap3A_237 = arith.index_cast %add3A_236 : i32 to index
      %swap3A_238 = tpu.vector_load %arg8[%swap3A_237] {strides = array<i32>} : memref<2560xi32, #tpu.memory_space<vmem>>, vector<16xi32>,
      tpu.vector_store %arg8[%swap3A_237], %add3A_232 {strides = array<i32>} : memref<2560xi32, #tpu.memory_space<vmem>>, vector<16xi32>,
      %add3A_239 = arith.constant 5 : i32
      %add3A_240 = arith.addi %add3A_239, %scan3A_28 : i32
      %get3A_241 = arith.index_cast %add3A_240 : i32 to index
      %get3A_242 = arith.constant 256 : index
      %get3A_243 = tpu.vector_load %arg6[%get3A_241, %get3A_242] {strides = array<i32>} : memref<10x512xi32, #tpu.memory_space<vmem>>, vector<16xi32>,
      %add3A_244 = vector.broadcast %mul3A_32 : i32 to vector<16xi32>
      %add3A_245 = arith.addi %get3A_243, %add3A_244 : vector<16xi32>
      %mul3A_246 = arith.constant 512 : i32
      %mul3A_247 = arith.muli %scan3A_28, %mul3A_246 : i32
      %add3A_248 = arith.constant 256 : i32
      %add3A_249 = arith.addi %mul3A_247, %add3A_248 : i32
      %swap3A_250 = arith.index_cast %add3A_249 : i32 to index
      %swap3A_251 = tpu.vector_load %arg8[%swap3A_250] {strides = array<i32>} : memref<2560xi32, #tpu.memory_space<vmem>>, vector<16xi32>,
      tpu.vector_store %arg8[%swap3A_250], %add3A_245 {strides = array<i32>} : memref<2560xi32, #tpu.memory_space<vmem>>, vector<16xi32>,
      %add3A_252 = arith.constant 5 : i32
      %add3A_253 = arith.addi %add3A_252, %scan3A_28 : i32
      %get3A_254 = arith.index_cast %add3A_253 : i32 to index
      %get3A_255 = arith.constant 272 : index
      %get3A_256 = tpu.vector_load %arg6[%get3A_254, %get3A_255] {strides = array<i32>} : memref<10x512xi32, #tpu.memory_space<vmem>>, vector<16xi32>,
      %add3A_257 = vector.broadcast %mul3A_32 : i32 to vector<16xi32>
      %add3A_258 = arith.addi %get3A_256, %add3A_257 : vector<16xi32>
      %mul3A_259 = arith.constant 512 : i32
      %mul3A_260 = arith.muli %scan3A_28, %mul3A_259 : i32
      %add3A_261 = arith.constant 272 : i32
      %add3A_262 = arith.addi %mul3A_260, %add3A_261 : i32
      %swap3A_263 = arith.index_cast %add3A_262 : i32 to index
      %swap3A_264 = tpu.vector_load %arg8[%swap3A_263] {strides = array<i32>} : memref<2560xi32, #tpu.memory_space<vmem>>, vector<16xi32>,
      tpu.vector_store %arg8[%swap3A_263], %add3A_258 {strides = array<i32>} : memref<2560xi32, #tpu.memory_space<vmem>>, vector<16xi32>,
      %add3A_265 = arith.constant 5 : i32
      %add3A_266 = arith.addi %add3A_265, %scan3A_28 : i32
      %get3A_267 = arith.index_cast %add3A_266 : i32 to index
      %get3A_268 = arith.constant 288 : index
      %get3A_269 = tpu.vector_load %arg6[%get3A_267, %get3A_268] {strides = array<i32>} : memref<10x512xi32, #tpu.memory_space<vmem>>, vector<16xi32>,
      %add3A_270 = vector.broadcast %mul3A_32 : i32 to vector<16xi32>
      %add3A_271 = arith.addi %get3A_269, %add3A_270 : vector<16xi32>
      %mul3A_272 = arith.constant 512 : i32
      %mul3A_273 = arith.muli %scan3A_28, %mul3A_272 : i32
      %add3A_274 = arith.constant 288 : i32
      %add3A_275 = arith.addi %mul3A_273, %add3A_274 : i32
      %swap3A_276 = arith.index_cast %add3A_275 : i32 to index
      %swap3A_277 = tpu.vector_load %arg8[%swap3A_276] {strides = array<i32>} : memref<2560xi32, #tpu.memory_space<vmem>>, vector<16xi32>,
      tpu.vector_store %arg8[%swap3A_276], %add3A_271 {strides = array<i32>} : memref<2560xi32, #tpu.memory_space<vmem>>, vector<16xi32>,
      %add3A_278 = arith.constant 5 : i32
      %add3A_279 = arith.addi %add3A_278, %scan3A_28 : i32
      %get3A_280 = arith.index_cast %add3A_279 : i32 to index
      %get3A_281 = arith.constant 304 : index
      %get3A_282 = tpu.vector_load %arg6[%get3A_280, %get3A_281] {strides = array<i32>} : memref<10x512xi32, #tpu.memory_space<vmem>>, vector<16xi32>,
      %add3A_283 = vector.broadcast %mul3A_32 : i32 to vector<16xi32>
      %add3A_284 = arith.addi %get3A_282, %add3A_283 : vector<16xi32>
      %mul3A_285 = arith.constant 512 : i32
      %mul3A_286 = arith.muli %scan3A_28, %mul3A_285 : i32
      %add3A_287 = arith.constant 304 : i32
      %add3A_288 = arith.addi %mul3A_286, %add3A_287 : i32
      %swap3A_289 = arith.index_cast %add3A_288 : i32 to index
      %swap3A_290 = tpu.vector_load %arg8[%swap3A_289] {strides = array<i32>} : memref<2560xi32, #tpu.memory_space<vmem>>, vector<16xi32>,
      tpu.vector_store %arg8[%swap3A_289], %add3A_284 {strides = array<i32>} : memref<2560xi32, #tpu.memory_space<vmem>>, vector<16xi32>,
      %add3A_291 = arith.constant 5 : i32
      %add3A_292 = arith.addi %add3A_291, %scan3A_28 : i32
      %get3A_293 = arith.index_cast %add3A_292 : i32 to index
      %get3A_294 = arith.constant 320 : index
      %get3A_295 = tpu.vector_load %arg6[%get3A_293, %get3A_294] {strides = array<i32>} : memref<10x512xi32, #tpu.memory_space<vmem>>, vector<16xi32>,
      %add3A_296 = vector.broadcast %mul3A_32 : i32 to vector<16xi32>
      %add3A_297 = arith.addi %get3A_295, %add3A_296 : vector<16xi32>
      %mul3A_298 = arith.constant 512 : i32
      %mul3A_299 = arith.muli %scan3A_28, %mul3A_298 : i32
      %add3A_300 = arith.constant 320 : i32
      %add3A_301 = arith.addi %mul3A_299, %add3A_300 : i32
      %swap3A_302 = arith.index_cast %add3A_301 : i32 to index
      %swap3A_303 = tpu.vector_load %arg8[%swap3A_302] {strides = array<i32>} : memref<2560xi32, #tpu.memory_space<vmem>>, vector<16xi32>,
      tpu.vector_store %arg8[%swap3A_302], %add3A_297 {strides = array<i32>} : memref<2560xi32, #tpu.memory_space<vmem>>, vector<16xi32>,
      %add3A_304 = arith.constant 5 : i32
      %add3A_305 = arith.addi %add3A_304, %scan3A_28 : i32
      %get3A_306 = arith.index_cast %add3A_305 : i32 to index
      %get3A_307 = arith.constant 336 : index
      %get3A_308 = tpu.vector_load %arg6[%get3A_306, %get3A_307] {strides = array<i32>} : memref<10x512xi32, #tpu.memory_space<vmem>>, vector<16xi32>,
      %add3A_309 = vector.broadcast %mul3A_32 : i32 to vector<16xi32>
      %add3A_310 = arith.addi %get3A_308, %add3A_309 : vector<16xi32>
      %mul3A_311 = arith.constant 512 : i32
      %mul3A_312 = arith.muli %scan3A_28, %mul3A_311 : i32
      %add3A_313 = arith.constant 336 : i32
      %add3A_314 = arith.addi %mul3A_312, %add3A_313 : i32
      %swap3A_315 = arith.index_cast %add3A_314 : i32 to index
      %swap3A_316 = tpu.vector_load %arg8[%swap3A_315] {strides = array<i32>} : memref<2560xi32, #tpu.memory_space<vmem>>, vector<16xi32>,
      tpu.vector_store %arg8[%swap3A_315], %add3A_310 {strides = array<i32>} : memref<2560xi32, #tpu.memory_space<vmem>>, vector<16xi32>,
      %add3A_317 = arith.constant 5 : i32
      %add3A_318 = arith.addi %add3A_317, %scan3A_28 : i32
      %get3A_319 = arith.index_cast %add3A_318 : i32 to index
      %get3A_320 = arith.constant 352 : index
      %get3A_321 = tpu.vector_load %arg6[%get3A_319, %get3A_320] {strides = array<i32>} : memref<10x512xi32, #tpu.memory_space<vmem>>, vector<16xi32>,
      %add3A_322 = vector.broadcast %mul3A_32 : i32 to vector<16xi32>
      %add3A_323 = arith.addi %get3A_321, %add3A_322 : vector<16xi32>
      %mul3A_324 = arith.constant 512 : i32
      %mul3A_325 = arith.muli %scan3A_28, %mul3A_324 : i32
      %add3A_326 = arith.constant 352 : i32
      %add3A_327 = arith.addi %mul3A_325, %add3A_326 : i32
      %swap3A_328 = arith.index_cast %add3A_327 : i32 to index
      %swap3A_329 = tpu.vector_load %arg8[%swap3A_328] {strides = array<i32>} : memref<2560xi32, #tpu.memory_space<vmem>>, vector<16xi32>,
      tpu.vector_store %arg8[%swap3A_328], %add3A_323 {strides = array<i32>} : memref<2560xi32, #tpu.memory_space<vmem>>, vector<16xi32>,
      %add3A_330 = arith.constant 5 : i32
      %add3A_331 = arith.addi %add3A_330, %scan3A_28 : i32
      %get3A_332 = arith.index_cast %add3A_331 : i32 to index
      %get3A_333 = arith.constant 368 : index
      %get3A_334 = tpu.vector_load %arg6[%get3A_332, %get3A_333] {strides = array<i32>} : memref<10x512xi32, #tpu.memory_space<vmem>>, vector<16xi32>,
      %add3A_335 = vector.broadcast %mul3A_32 : i32 to vector<16xi32>
      %add3A_336 = arith.addi %get3A_334, %add3A_335 : vector<16xi32>
      %mul3A_337 = arith.constant 512 : i32
      %mul3A_338 = arith.muli %scan3A_28, %mul3A_337 : i32
      %add3A_339 = arith.constant 368 : i32
      %add3A_340 = arith.addi %mul3A_338, %add3A_339 : i32
      %swap3A_341 = arith.index_cast %add3A_340 : i32 to index
      %swap3A_342 = tpu.vector_load %arg8[%swap3A_341] {strides = array<i32>} : memref<2560xi32, #tpu.memory_space<vmem>>, vector<16xi32>,
      tpu.vector_store %arg8[%swap3A_341], %add3A_336 {strides = array<i32>} : memref<2560xi32, #tpu.memory_space<vmem>>, vector<16xi32>,
      %add3A_343 = arith.constant 5 : i32
      %add3A_344 = arith.addi %add3A_343, %scan3A_28 : i32
      %get3A_345 = arith.index_cast %add3A_344 : i32 to index
      %get3A_346 = arith.constant 384 : index
      %get3A_347 = tpu.vector_load %arg6[%get3A_345, %get3A_346] {strides = array<i32>} : memref<10x512xi32, #tpu.memory_space<vmem>>, vector<16xi32>,
      %add3A_348 = vector.broadcast %mul3A_32 : i32 to vector<16xi32>
      %add3A_349 = arith.addi %get3A_347, %add3A_348 : vector<16xi32>
      %mul3A_350 = arith.constant 512 : i32
      %mul3A_351 = arith.muli %scan3A_28, %mul3A_350 : i32
      %add3A_352 = arith.constant 384 : i32
      %add3A_353 = arith.addi %mul3A_351, %add3A_352 : i32
      %swap3A_354 = arith.index_cast %add3A_353 : i32 to index
      %swap3A_355 = tpu.vector_load %arg8[%swap3A_354] {strides = array<i32>} : memref<2560xi32, #tpu.memory_space<vmem>>, vector<16xi32>,
      tpu.vector_store %arg8[%swap3A_354], %add3A_349 {strides = array<i32>} : memref<2560xi32, #tpu.memory_space<vmem>>, vector<16xi32>,
      %add3A_356 = arith.constant 5 : i32
      %add3A_357 = arith.addi %add3A_356, %scan3A_28 : i32
      %get3A_358 = arith.index_cast %add3A_357 : i32 to index
      %get3A_359 = arith.constant 400 : index
      %get3A_360 = tpu.vector_load %arg6[%get3A_358, %get3A_359] {strides = array<i32>} : memref<10x512xi32, #tpu.memory_space<vmem>>, vector<16xi32>,
      %add3A_361 = vector.broadcast %mul3A_32 : i32 to vector<16xi32>
      %add3A_362 = arith.addi %get3A_360, %add3A_361 : vector<16xi32>
      %mul3A_363 = arith.constant 512 : i32
      %mul3A_364 = arith.muli %scan3A_28, %mul3A_363 : i32
      %add3A_365 = arith.constant 400 : i32
      %add3A_366 = arith.addi %mul3A_364, %add3A_365 : i32
      %swap3A_367 = arith.index_cast %add3A_366 : i32 to index
      %swap3A_368 = tpu.vector_load %arg8[%swap3A_367] {strides = array<i32>} : memref<2560xi32, #tpu.memory_space<vmem>>, vector<16xi32>,
      tpu.vector_store %arg8[%swap3A_367], %add3A_362 {strides = array<i32>} : memref<2560xi32, #tpu.memory_space<vmem>>, vector<16xi32>,
      %add3A_369 = arith.constant 5 : i32
      %add3A_370 = arith.addi %add3A_369, %scan3A_28 : i32
      %get3A_371 = arith.index_cast %add3A_370 : i32 to index
      %get3A_372 = arith.constant 416 : index
      %get3A_373 = tpu.vector_load %arg6[%get3A_371, %get3A_372] {strides = array<i32>} : memref<10x512xi32, #tpu.memory_space<vmem>>, vector<16xi32>,
      %add3A_374 = vector.broadcast %mul3A_32 : i32 to vector<16xi32>
      %add3A_375 = arith.addi %get3A_373, %add3A_374 : vector<16xi32>
      %mul3A_376 = arith.constant 512 : i32
      %mul3A_377 = arith.muli %scan3A_28, %mul3A_376 : i32
      %add3A_378 = arith.constant 416 : i32
      %add3A_379 = arith.addi %mul3A_377, %add3A_378 : i32
      %swap3A_380 = arith.index_cast %add3A_379 : i32 to index
      %swap3A_381 = tpu.vector_load %arg8[%swap3A_380] {strides = array<i32>} : memref<2560xi32, #tpu.memory_space<vmem>>, vector<16xi32>,
      tpu.vector_store %arg8[%swap3A_380], %add3A_375 {strides = array<i32>} : memref<2560xi32, #tpu.memory_space<vmem>>, vector<16xi32>,
      %add3A_382 = arith.constant 5 : i32
      %add3A_383 = arith.addi %add3A_382, %scan3A_28 : i32
      %get3A_384 = arith.index_cast %add3A_383 : i32 to index
      %get3A_385 = arith.constant 432 : index
      %get3A_386 = tpu.vector_load %arg6[%get3A_384, %get3A_385] {strides = array<i32>} : memref<10x512xi32, #tpu.memory_space<vmem>>, vector<16xi32>,
      %add3A_387 = vector.broadcast %mul3A_32 : i32 to vector<16xi32>
      %add3A_388 = arith.addi %get3A_386, %add3A_387 : vector<16xi32>
      %mul3A_389 = arith.constant 512 : i32
      %mul3A_390 = arith.muli %scan3A_28, %mul3A_389 : i32
      %add3A_391 = arith.constant 432 : i32
      %add3A_392 = arith.addi %mul3A_390, %add3A_391 : i32
      %swap3A_393 = arith.index_cast %add3A_392 : i32 to index
      %swap3A_394 = tpu.vector_load %arg8[%swap3A_393] {strides = array<i32>} : memref<2560xi32, #tpu.memory_space<vmem>>, vector<16xi32>,
      tpu.vector_store %arg8[%swap3A_393], %add3A_388 {strides = array<i32>} : memref<2560xi32, #tpu.memory_space<vmem>>, vector<16xi32>,
      %add3A_395 = arith.constant 5 : i32
      %add3A_396 = arith.addi %add3A_395, %scan3A_28 : i32
      %get3A_397 = arith.index_cast %add3A_396 : i32 to index
      %get3A_398 = arith.constant 448 : index
      %get3A_399 = tpu.vector_load %arg6[%get3A_397, %get3A_398] {strides = array<i32>} : memref<10x512xi32, #tpu.memory_space<vmem>>, vector<16xi32>,
      %add3A_400 = vector.broadcast %mul3A_32 : i32 to vector<16xi32>
      %add3A_401 = arith.addi %get3A_399, %add3A_400 : vector<16xi32>
      %mul3A_402 = arith.constant 512 : i32
      %mul3A_403 = arith.muli %scan3A_28, %mul3A_402 : i32
      %add3A_404 = arith.constant 448 : i32
      %add3A_405 = arith.addi %mul3A_403, %add3A_404 : i32
      %swap3A_406 = arith.index_cast %add3A_405 : i32 to index
      %swap3A_407 = tpu.vector_load %arg8[%swap3A_406] {strides = array<i32>} : memref<2560xi32, #tpu.memory_space<vmem>>, vector<16xi32>,
      tpu.vector_store %arg8[%swap3A_406], %add3A_401 {strides = array<i32>} : memref<2560xi32, #tpu.memory_space<vmem>>, vector<16xi32>,
      %add3A_408 = arith.constant 5 : i32
      %add3A_409 = arith.addi %add3A_408, %scan3A_28 : i32
      %get3A_410 = arith.index_cast %add3A_409 : i32 to index
      %get3A_411 = arith.constant 464 : index
      %get3A_412 = tpu.vector_load %arg6[%get3A_410, %get3A_411] {strides = array<i32>} : memref<10x512xi32, #tpu.memory_space<vmem>>, vector<16xi32>,
      %add3A_413 = vector.broadcast %mul3A_32 : i32 to vector<16xi32>
      %add3A_414 = arith.addi %get3A_412, %add3A_413 : vector<16xi32>
      %mul3A_415 = arith.constant 512 : i32
      %mul3A_416 = arith.muli %scan3A_28, %mul3A_415 : i32
      %add3A_417 = arith.constant 464 : i32
      %add3A_418 = arith.addi %mul3A_416, %add3A_417 : i32
      %swap3A_419 = arith.index_cast %add3A_418 : i32 to index
      %swap3A_420 = tpu.vector_load %arg8[%swap3A_419] {strides = array<i32>} : memref<2560xi32, #tpu.memory_space<vmem>>, vector<16xi32>,
      tpu.vector_store %arg8[%swap3A_419], %add3A_414 {strides = array<i32>} : memref<2560xi32, #tpu.memory_space<vmem>>, vector<16xi32>,
      %add3A_421 = arith.constant 5 : i32
      %add3A_422 = arith.addi %add3A_421, %scan3A_28 : i32
      %get3A_423 = arith.index_cast %add3A_422 : i32 to index
      %get3A_424 = arith.constant 480 : index
      %get3A_425 = tpu.vector_load %arg6[%get3A_423, %get3A_424] {strides = array<i32>} : memref<10x512xi32, #tpu.memory_space<vmem>>, vector<16xi32>,
      %add3A_426 = vector.broadcast %mul3A_32 : i32 to vector<16xi32>
      %add3A_427 = arith.addi %get3A_425, %add3A_426 : vector<16xi32>
      %mul3A_428 = arith.constant 512 : i32
      %mul3A_429 = arith.muli %scan3A_28, %mul3A_428 : i32
      %add3A_430 = arith.constant 480 : i32
      %add3A_431 = arith.addi %mul3A_429, %add3A_430 : i32
      %swap3A_432 = arith.index_cast %add3A_431 : i32 to index
      %swap3A_433 = tpu.vector_load %arg8[%swap3A_432] {strides = array<i32>} : memref<2560xi32, #tpu.memory_space<vmem>>, vector<16xi32>,
      tpu.vector_store %arg8[%swap3A_432], %add3A_427 {strides = array<i32>} : memref<2560xi32, #tpu.memory_space<vmem>>, vector<16xi32>,
      %add3A_434 = arith.constant 5 : i32
      %add3A_435 = arith.addi %add3A_434, %scan3A_28 : i32
      %get3A_436 = arith.index_cast %add3A_435 : i32 to index
      %get3A_437 = arith.constant 496 : index
      %get3A_438 = tpu.vector_load %arg6[%get3A_436, %get3A_437] {strides = array<i32>} : memref<10x512xi32, #tpu.memory_space<vmem>>, vector<16xi32>,
      %add3A_439 = vector.broadcast %mul3A_32 : i32 to vector<16xi32>
      %add3A_440 = arith.addi %get3A_438, %add3A_439 : vector<16xi32>
      %mul3A_441 = arith.constant 512 : i32
      %mul3A_442 = arith.muli %scan3A_28, %mul3A_441 : i32
      %add3A_443 = arith.constant 496 : i32
      %add3A_444 = arith.addi %mul3A_442, %add3A_443 : i32
      %swap3A_445 = arith.index_cast %add3A_444 : i32 to index
      %swap3A_446 = tpu.vector_load %arg8[%swap3A_445] {strides = array<i32>} : memref<2560xi32, #tpu.memory_space<vmem>>, vector<16xi32>,
      tpu.vector_store %arg8[%swap3A_445], %add3A_440 {strides = array<i32>} : memref<2560xi32, #tpu.memory_space<vmem>>, vector<16xi32>,
    }
    %scan3A_12 = arith.constant 5 : i32
    %dma_start3A_13 = arith.constant 0 : i32
    %dma_start3A_14 = tpu.memref_slice %arg3[%dma_start3A_13] : memref<1024000xf32, #tpu.memory_space<hbm>> -> memref<1024000xf32, #tpu.memory_space<hbm>>
    tpu.enqueue_indirect_dma source(%dma_start3A_14 : memref<1024000xf32, #tpu.memory_space<hbm>>) target(%arg10 : memref<2560xf32, #tpu.memory_space<vmem>>) offsets(%arg8 : memref<2560xi32, #tpu.memory_space<vmem>>) semaphore(%arg13 : memref<!tpu.dma_semaphore, #tpu.memory_space<semaphore_mem>>)
    "tpu.region"() ({
      %run_scoped3A = tpu.sem_alloc : memref<!tpu.dma_semaphore, #tpu.memory_space<semaphore_mem>>
      %dma_start3A_28 = tpu.memref_slice %arg4[%mul3A_2] : memref<16384xf32, #tpu.memory_space<hbm>> -> memref<512xf32, #tpu.memory_space<hbm>>
      %dma_start3A_29 = tpu.memref_slice %arg4[%mul3A_2] : memref<16384xf32, #tpu.memory_space<hbm>> -> memref<512xf32, #tpu.memory_space<hbm>>
      tpu.enqueue_dma source(%dma_start3A_29 : memref<512xf32, #tpu.memory_space<hbm>>) target(%arg11 : memref<512xf32, #tpu.memory_space<vmem>>) target_semaphore(%run_scoped3A : memref<!tpu.dma_semaphore, #tpu.memory_space<semaphore_mem>>)
      %dma_wait3A_30 = tpu.memref_slice %arg4[%mul3A_2] : memref<16384xf32, #tpu.memory_space<hbm>> -> memref<512xf32, #tpu.memory_space<hbm>>
      %dma_wait3A_31 = tpu.memref_slice %arg4[%mul3A_2] : memref<16384xf32, #tpu.memory_space<hbm>> -> memref<512xf32, #tpu.memory_space<hbm>>
      tpu.wait_dma2 semaphore(%run_scoped3A : memref<!tpu.dma_semaphore, #tpu.memory_space<semaphore_mem>>) src(%dma_wait3A_31 : memref<512xf32, #tpu.memory_space<hbm>>) dst(%arg11 : memref<512xf32, #tpu.memory_space<vmem>>)
      tpu.yield
    }) : () -> ()
    %dma_wait3A = arith.constant 0 : i32
    %dma_wait3A_15 = tpu.memref_slice %arg3[%dma_wait3A] : memref<1024000xf32, #tpu.memory_space<hbm>> -> memref<1024000xf32, #tpu.memory_space<hbm>>
    tpu.wait_indirect_dma semaphore(%arg12 : memref<!tpu.dma_semaphore, #tpu.memory_space<semaphore_mem>>) src(%dma_wait3A_15 : memref<1024000xf32, #tpu.memory_space<hbm>>) dst(%arg9 : memref<2560xf32, #tpu.memory_space<vmem>>)
    %scan3A_16 = arith.constant 0 : i32
    %scan3A_17 = arith.constant 32 : i32
    %scan3A_18 = arith.addi %scan3A_16, %scan3A_17 : i32
    %scan3A_19 = arith.constant 1 : i32
    scf.for %scan3A_28 = %scan3A_16 to %scan3A_18 step %scan3A_19  : i32 {
      %mul3A_29 = arith.constant 16 : i32
      %mul3A_30 = arith.muli %scan3A_28, %mul3A_29 : i32
      %get3A = arith.index_cast %mul3A_30 : i32 to index
      %get3A_31 = tpu.vector_load %arg11[%get3A] {strides = array<i32>} : memref<512xf32, #tpu.memory_space<vmem>>, vector<16xf32>,
      %mul3A_32 = arith.constant 16 : i32
      %mul3A_33 = arith.muli %scan3A_28, %mul3A_32 : i32
      %add3A_34 = arith.constant 0 : i32
      %add3A_35 = arith.addi %add3A_34, %mul3A_33 : i32
      %get3A_36 = arith.index_cast %add3A_35 : i32 to index
      %get3A_37 = tpu.vector_load %arg9[%get3A_36] {strides = array<i32>} : memref<2560xf32, #tpu.memory_space<vmem>>, vector<16xf32>,
      %add3A_38 = arith.addf %get3A_31, %get3A_37 : vector<16xf32>
      %mul3A_39 = arith.constant 16 : i32
      %mul3A_40 = arith.muli %scan3A_28, %mul3A_39 : i32
      %add3A_41 = arith.constant 512 : i32
      %add3A_42 = arith.addi %add3A_41, %mul3A_40 : i32
      %get3A_43 = arith.index_cast %add3A_42 : i32 to index
      %get3A_44 = tpu.vector_load %arg9[%get3A_43] {strides = array<i32>} : memref<2560xf32, #tpu.memory_space<vmem>>, vector<16xf32>,
      %add3A_45 = arith.addf %add3A_38, %get3A_44 : vector<16xf32>
      %mul3A_46 = arith.constant 16 : i32
      %mul3A_47 = arith.muli %scan3A_28, %mul3A_46 : i32
      %add3A_48 = arith.constant 1024 : i32
      %add3A_49 = arith.addi %add3A_48, %mul3A_47 : i32
      %get3A_50 = arith.index_cast %add3A_49 : i32 to index
      %get3A_51 = tpu.vector_load %arg9[%get3A_50] {strides = array<i32>} : memref<2560xf32, #tpu.memory_space<vmem>>, vector<16xf32>,
      %add3A_52 = arith.addf %add3A_45, %get3A_51 : vector<16xf32>
      %mul3A_53 = arith.constant 16 : i32
      %mul3A_54 = arith.muli %scan3A_28, %mul3A_53 : i32
      %add3A_55 = arith.constant 1536 : i32
      %add3A_56 = arith.addi %add3A_55, %mul3A_54 : i32
      %get3A_57 = arith.index_cast %add3A_56 : i32 to index
      %get3A_58 = tpu.vector_load %arg9[%get3A_57] {strides = array<i32>} : memref<2560xf32, #tpu.memory_space<vmem>>, vector<16xf32>,
      %add3A_59 = arith.addf %add3A_52, %get3A_58 : vector<16xf32>
      %mul3A_60 = arith.constant 16 : i32
      %mul3A_61 = arith.muli %scan3A_28, %mul3A_60 : i32
      %add3A_62 = arith.constant 2048 : i32
      %add3A_63 = arith.addi %add3A_62, %mul3A_61 : i32
      %get3A_64 = arith.index_cast %add3A_63 : i32 to index
      %get3A_65 = tpu.vector_load %arg9[%get3A_64] {strides = array<i32>} : memref<2560xf32, #tpu.memory_space<vmem>>, vector<16xf32>,
      %add3A_66 = arith.addf %add3A_59, %get3A_65 : vector<16xf32>
      %mul3A_67 = arith.constant 16 : i32
      %mul3A_68 = arith.muli %scan3A_28, %mul3A_67 : i32
      %swap3A = arith.index_cast %mul3A_68 : i32 to index
      %swap3A_69 = tpu.vector_load %arg11[%swap3A] {strides = array<i32>} : memref<512xf32, #tpu.memory_space<vmem>>, vector<16xf32>,
      tpu.vector_store %arg11[%swap3A], %add3A_66 {strides = array<i32>} : memref<512xf32, #tpu.memory_space<vmem>>, vector<16xf32>,
    }
    %scan3A_20 = arith.constant 32 : i32
    %dma_wait3A_21 = arith.constant 0 : i32
    %dma_wait3A_22 = tpu.memref_slice %arg3[%dma_wait3A_21] : memref<1024000xf32, #tpu.memory_space<hbm>> -> memref<1024000xf32, #tpu.memory_space<hbm>>
    tpu.wait_indirect_dma semaphore(%arg13 : memref<!tpu.dma_semaphore, #tpu.memory_space<semaphore_mem>>) src(%dma_wait3A_22 : memref<1024000xf32, #tpu.memory_space<hbm>>) dst(%arg10 : memref<2560xf32, #tpu.memory_space<vmem>>)
    %scan3A_23 = arith.constant 0 : i32
    %scan3A_24 = arith.constant 32 : i32
    %scan3A_25 = arith.addi %scan3A_23, %scan3A_24 : i32
    %scan3A_26 = arith.constant 1 : i32
    scf.for %scan3A_28 = %scan3A_23 to %scan3A_25 step %scan3A_26  : i32 {
      %mul3A_29 = arith.constant 16 : i32
      %mul3A_30 = arith.muli %scan3A_28, %mul3A_29 : i32
      %get3A = arith.index_cast %mul3A_30 : i32 to index
      %get3A_31 = tpu.vector_load %arg11[%get3A] {strides = array<i32>} : memref<512xf32, #tpu.memory_space<vmem>>, vector<16xf32>,
      %mul3A_32 = arith.constant 16 : i32
      %mul3A_33 = arith.muli %scan3A_28, %mul3A_32 : i32
      %add3A_34 = arith.constant 0 : i32
      %add3A_35 = arith.addi %add3A_34, %mul3A_33 : i32
      %get3A_36 = arith.index_cast %add3A_35 : i32 to index
      %get3A_37 = tpu.vector_load %arg10[%get3A_36] {strides = array<i32>} : memref<2560xf32, #tpu.memory_space<vmem>>, vector<16xf32>,
      %add3A_38 = arith.addf %get3A_31, %get3A_37 : vector<16xf32>
      %mul3A_39 = arith.constant 16 : i32
      %mul3A_40 = arith.muli %scan3A_28, %mul3A_39 : i32
      %add3A_41 = arith.constant 512 : i32
      %add3A_42 = arith.addi %add3A_41, %mul3A_40 : i32
      %get3A_43 = arith.index_cast %add3A_42 : i32 to index
      %get3A_44 = tpu.vector_load %arg10[%get3A_43] {strides = array<i32>} : memref<2560xf32, #tpu.memory_space<vmem>>, vector<16xf32>,
      %add3A_45 = arith.addf %add3A_38, %get3A_44 : vector<16xf32>
      %mul3A_46 = arith.constant 16 : i32
      %mul3A_47 = arith.muli %scan3A_28, %mul3A_46 : i32
      %add3A_48 = arith.constant 1024 : i32
      %add3A_49 = arith.addi %add3A_48, %mul3A_47 : i32
      %get3A_50 = arith.index_cast %add3A_49 : i32 to index
      %get3A_51 = tpu.vector_load %arg10[%get3A_50] {strides = array<i32>} : memref<2560xf32, #tpu.memory_space<vmem>>, vector<16xf32>,
      %add3A_52 = arith.addf %add3A_45, %get3A_51 : vector<16xf32>
      %mul3A_53 = arith.constant 16 : i32
      %mul3A_54 = arith.muli %scan3A_28, %mul3A_53 : i32
      %add3A_55 = arith.constant 1536 : i32
      %add3A_56 = arith.addi %add3A_55, %mul3A_54 : i32
      %get3A_57 = arith.index_cast %add3A_56 : i32 to index
      %get3A_58 = tpu.vector_load %arg10[%get3A_57] {strides = array<i32>} : memref<2560xf32, #tpu.memory_space<vmem>>, vector<16xf32>,
      %add3A_59 = arith.addf %add3A_52, %get3A_58 : vector<16xf32>
      %mul3A_60 = arith.constant 16 : i32
      %mul3A_61 = arith.muli %scan3A_28, %mul3A_60 : i32
      %add3A_62 = arith.constant 2048 : i32
      %add3A_63 = arith.addi %add3A_62, %mul3A_61 : i32
      %get3A_64 = arith.index_cast %add3A_63 : i32 to index
      %get3A_65 = tpu.vector_load %arg10[%get3A_64] {strides = array<i32>} : memref<2560xf32, #tpu.memory_space<vmem>>, vector<16xf32>,
      %add3A_66 = arith.addf %add3A_59, %get3A_65 : vector<16xf32>
      %mul3A_67 = arith.constant 16 : i32
      %mul3A_68 = arith.muli %scan3A_28, %mul3A_67 : i32
      %swap3A = arith.index_cast %mul3A_68 : i32 to index
      %swap3A_69 = tpu.vector_load %arg11[%swap3A] {strides = array<i32>} : memref<512xf32, #tpu.memory_space<vmem>>, vector<16xf32>,
      tpu.vector_store %arg11[%swap3A], %add3A_66 {strides = array<i32>} : memref<512xf32, #tpu.memory_space<vmem>>, vector<16xf32>,
    }
    %scan3A_27 = arith.constant 32 : i32
    "tpu.region"() ({
      %run_scoped3A = tpu.sem_alloc : memref<!tpu.dma_semaphore, #tpu.memory_space<semaphore_mem>>
      %dma_start3A_28 = tpu.memref_slice %arg5[%mul3A_2] : memref<16384xf32, #tpu.memory_space<hbm>> -> memref<512xf32, #tpu.memory_space<hbm>>
      %dma_start3A_29 = tpu.memref_slice %arg5[%mul3A_2] : memref<16384xf32, #tpu.memory_space<hbm>> -> memref<512xf32, #tpu.memory_space<hbm>>
      tpu.enqueue_dma source(%arg11 : memref<512xf32, #tpu.memory_space<vmem>>) target(%dma_start3A_29 : memref<512xf32, #tpu.memory_space<hbm>>) target_semaphore(%run_scoped3A : memref<!tpu.dma_semaphore, #tpu.memory_space<semaphore_mem>>)
      %dma_wait3A_30 = tpu.memref_slice %arg5[%mul3A_2] : memref<16384xf32, #tpu.memory_space<hbm>> -> memref<512xf32, #tpu.memory_space<hbm>>
      %dma_wait3A_31 = tpu.memref_slice %arg5[%mul3A_2] : memref<16384xf32, #tpu.memory_space<hbm>> -> memref<512xf32, #tpu.memory_space<hbm>>
      tpu.wait_dma2 semaphore(%run_scoped3A : memref<!tpu.dma_semaphore, #tpu.memory_space<semaphore_mem>>) src(%arg11 : memref<512xf32, #tpu.memory_space<vmem>>) dst(%dma_wait3A_31 : memref<512xf32, #tpu.memory_space<hbm>>)
      tpu.yield
    }) : () -> ()
    return
  }
}

#map = affine_map<(d0, d1) -> (0, 0)>
#map1 = affine_map<(d0, d1) -> (0)>
module attributes {stable_mosaic.version = 14 : i64} {
  func.func @_sc_gather_body(%arg0: i32, %arg1: i32, %arg2: memref<26x16384xi32, #tpu.memory_space<hbm>>, %arg3: memref<614400xf32, #tpu.memory_space<hbm>>, %arg4: memref<16384xf32, #tpu.memory_space<hbm>>, %arg5: memref<16384xf32, #tpu.memory_space<hbm>>, %arg6: memref<6x512xi32, #tpu.memory_space<vmem>>, %arg7: memref<1536xi32, #tpu.memory_space<vmem>>, %arg8: memref<1536xi32, #tpu.memory_space<vmem>>, %arg9: memref<1536xf32, #tpu.memory_space<vmem>>, %arg10: memref<1536xf32, #tpu.memory_space<vmem>>, %arg11: memref<512xf32, #tpu.memory_space<vmem>>, %arg12: memref<!tpu.dma_semaphore, #tpu.memory_space<semaphore_mem>>, %arg13: memref<!tpu.dma_semaphore, #tpu.memory_space<semaphore_mem>>) attributes {dimension_semantics = [#tpu.dimension_semantics<core_parallel>, #tpu.dimension_semantics<subcore_parallel>], iteration_bounds = array<i64: 2, 16>, scalar_prefetch = 0 : i64, scratch_operands = 8 : i64, tpu.core_type = #tpu.core_type<sc_vector_subcore>, window_params = [{transform_indices = #map}, {transform_indices = #map1}, {transform_indices = #map1}, {transform_indices = #map1}]} {
    %mul3A = arith.constant 2 : i32
    %mul3A_0 = arith.muli %arg1, %mul3A : i32
    %add3A = arith.addi %mul3A_0, %arg0 : i32
    %mul3A_1 = arith.constant 512 : i32
    %mul3A_2 = arith.muli %add3A, %mul3A_1 : i32
    "tpu.region"() ({
      %run_scoped3A = tpu.sem_alloc : memref<!tpu.dma_semaphore, #tpu.memory_space<semaphore_mem>>
      %dma_start3A_28 = arith.constant 20 : i32
      %dma_start3A_29 = tpu.memref_slice %arg2[%dma_start3A_28, %mul3A_2] : memref<26x16384xi32, #tpu.memory_space<hbm>> -> memref<6x512xi32, #tpu.memory_space<hbm>>
      %dma_start3A_30 = arith.constant 20 : i32
      %dma_start3A_31 = tpu.memref_slice %arg2[%dma_start3A_30, %mul3A_2] : memref<26x16384xi32, #tpu.memory_space<hbm>> -> memref<6x512xi32, #tpu.memory_space<hbm>>
      tpu.enqueue_dma source(%dma_start3A_31 : memref<6x512xi32, #tpu.memory_space<hbm>>) target(%arg6 : memref<6x512xi32, #tpu.memory_space<vmem>>) target_semaphore(%run_scoped3A : memref<!tpu.dma_semaphore, #tpu.memory_space<semaphore_mem>>)
      %dma_wait3A_32 = arith.constant 20 : i32
      %dma_wait3A_33 = tpu.memref_slice %arg2[%dma_wait3A_32, %mul3A_2] : memref<26x16384xi32, #tpu.memory_space<hbm>> -> memref<6x512xi32, #tpu.memory_space<hbm>>
      %dma_wait3A_34 = arith.constant 20 : i32
      %dma_wait3A_35 = tpu.memref_slice %arg2[%dma_wait3A_34, %mul3A_2] : memref<26x16384xi32, #tpu.memory_space<hbm>> -> memref<6x512xi32, #tpu.memory_space<hbm>>
      tpu.wait_dma2 semaphore(%run_scoped3A : memref<!tpu.dma_semaphore, #tpu.memory_space<semaphore_mem>>) src(%dma_wait3A_35 : memref<6x512xi32, #tpu.memory_space<hbm>>) dst(%arg6 : memref<6x512xi32, #tpu.memory_space<vmem>>)
      tpu.yield
    }) : () -> ()
    %scan3A = arith.constant 0 : i32
    %scan3A_3 = arith.constant 3 : i32
    %scan3A_4 = arith.addi %scan3A, %scan3A_3 : i32
    %scan3A_5 = arith.constant 1 : i32
    scf.for %scan3A_28 = %scan3A to %scan3A_4 step %scan3A_5  : i32 {
      %add3A_29 = arith.constant 0 : i32
      %add3A_30 = arith.addi %add3A_29, %scan3A_28 : i32
      %mul3A_31 = arith.constant 102400 : i32
      %mul3A_32 = arith.muli %add3A_30, %mul3A_31 : i32
      %add3A_33 = arith.constant 0 : i32
      %add3A_34 = arith.addi %add3A_33, %scan3A_28 : i32
      %get3A = arith.index_cast %add3A_34 : i32 to index
      %get3A_35 = arith.constant 0 : index
      %get3A_36 = tpu.vector_load %arg6[%get3A, %get3A_35] {strides = array<i32>} : memref<6x512xi32, #tpu.memory_space<vmem>>, vector<16xi32>,
      %add3A_37 = vector.broadcast %mul3A_32 : i32 to vector<16xi32>
      %add3A_38 = arith.addi %get3A_36, %add3A_37 : vector<16xi32>
      %mul3A_39 = arith.constant 512 : i32
      %mul3A_40 = arith.muli %scan3A_28, %mul3A_39 : i32
      %add3A_41 = arith.constant 0 : i32
      %add3A_42 = arith.addi %mul3A_40, %add3A_41 : i32
      %swap3A = arith.index_cast %add3A_42 : i32 to index
      %swap3A_43 = tpu.vector_load %arg7[%swap3A] {strides = array<i32>} : memref<1536xi32, #tpu.memory_space<vmem>>, vector<16xi32>,
      tpu.vector_store %arg7[%swap3A], %add3A_38 {strides = array<i32>} : memref<1536xi32, #tpu.memory_space<vmem>>, vector<16xi32>,
      %add3A_44 = arith.constant 0 : i32
      %add3A_45 = arith.addi %add3A_44, %scan3A_28 : i32
      %get3A_46 = arith.index_cast %add3A_45 : i32 to index
      %get3A_47 = arith.constant 16 : index
      %get3A_48 = tpu.vector_load %arg6[%get3A_46, %get3A_47] {strides = array<i32>} : memref<6x512xi32, #tpu.memory_space<vmem>>, vector<16xi32>,
      %add3A_49 = vector.broadcast %mul3A_32 : i32 to vector<16xi32>
      %add3A_50 = arith.addi %get3A_48, %add3A_49 : vector<16xi32>
      %mul3A_51 = arith.constant 512 : i32
      %mul3A_52 = arith.muli %scan3A_28, %mul3A_51 : i32
      %add3A_53 = arith.constant 16 : i32
      %add3A_54 = arith.addi %mul3A_52, %add3A_53 : i32
      %swap3A_55 = arith.index_cast %add3A_54 : i32 to index
      %swap3A_56 = tpu.vector_load %arg7[%swap3A_55] {strides = array<i32>} : memref<1536xi32, #tpu.memory_space<vmem>>, vector<16xi32>,
      tpu.vector_store %arg7[%swap3A_55], %add3A_50 {strides = array<i32>} : memref<1536xi32, #tpu.memory_space<vmem>>, vector<16xi32>,
      %add3A_57 = arith.constant 0 : i32
      %add3A_58 = arith.addi %add3A_57, %scan3A_28 : i32
      %get3A_59 = arith.index_cast %add3A_58 : i32 to index
      %get3A_60 = arith.constant 32 : index
      %get3A_61 = tpu.vector_load %arg6[%get3A_59, %get3A_60] {strides = array<i32>} : memref<6x512xi32, #tpu.memory_space<vmem>>, vector<16xi32>,
      %add3A_62 = vector.broadcast %mul3A_32 : i32 to vector<16xi32>
      %add3A_63 = arith.addi %get3A_61, %add3A_62 : vector<16xi32>
      %mul3A_64 = arith.constant 512 : i32
      %mul3A_65 = arith.muli %scan3A_28, %mul3A_64 : i32
      %add3A_66 = arith.constant 32 : i32
      %add3A_67 = arith.addi %mul3A_65, %add3A_66 : i32
      %swap3A_68 = arith.index_cast %add3A_67 : i32 to index
      %swap3A_69 = tpu.vector_load %arg7[%swap3A_68] {strides = array<i32>} : memref<1536xi32, #tpu.memory_space<vmem>>, vector<16xi32>,
      tpu.vector_store %arg7[%swap3A_68], %add3A_63 {strides = array<i32>} : memref<1536xi32, #tpu.memory_space<vmem>>, vector<16xi32>,
      %add3A_70 = arith.constant 0 : i32
      %add3A_71 = arith.addi %add3A_70, %scan3A_28 : i32
      %get3A_72 = arith.index_cast %add3A_71 : i32 to index
      %get3A_73 = arith.constant 48 : index
      %get3A_74 = tpu.vector_load %arg6[%get3A_72, %get3A_73] {strides = array<i32>} : memref<6x512xi32, #tpu.memory_space<vmem>>, vector<16xi32>,
      %add3A_75 = vector.broadcast %mul3A_32 : i32 to vector<16xi32>
      %add3A_76 = arith.addi %get3A_74, %add3A_75 : vector<16xi32>
      %mul3A_77 = arith.constant 512 : i32
      %mul3A_78 = arith.muli %scan3A_28, %mul3A_77 : i32
      %add3A_79 = arith.constant 48 : i32
      %add3A_80 = arith.addi %mul3A_78, %add3A_79 : i32
      %swap3A_81 = arith.index_cast %add3A_80 : i32 to index
      %swap3A_82 = tpu.vector_load %arg7[%swap3A_81] {strides = array<i32>} : memref<1536xi32, #tpu.memory_space<vmem>>, vector<16xi32>,
      tpu.vector_store %arg7[%swap3A_81], %add3A_76 {strides = array<i32>} : memref<1536xi32, #tpu.memory_space<vmem>>, vector<16xi32>,
      %add3A_83 = arith.constant 0 : i32
      %add3A_84 = arith.addi %add3A_83, %scan3A_28 : i32
      %get3A_85 = arith.index_cast %add3A_84 : i32 to index
      %get3A_86 = arith.constant 64 : index
      %get3A_87 = tpu.vector_load %arg6[%get3A_85, %get3A_86] {strides = array<i32>} : memref<6x512xi32, #tpu.memory_space<vmem>>, vector<16xi32>,
      %add3A_88 = vector.broadcast %mul3A_32 : i32 to vector<16xi32>
      %add3A_89 = arith.addi %get3A_87, %add3A_88 : vector<16xi32>
      %mul3A_90 = arith.constant 512 : i32
      %mul3A_91 = arith.muli %scan3A_28, %mul3A_90 : i32
      %add3A_92 = arith.constant 64 : i32
      %add3A_93 = arith.addi %mul3A_91, %add3A_92 : i32
      %swap3A_94 = arith.index_cast %add3A_93 : i32 to index
      %swap3A_95 = tpu.vector_load %arg7[%swap3A_94] {strides = array<i32>} : memref<1536xi32, #tpu.memory_space<vmem>>, vector<16xi32>,
      tpu.vector_store %arg7[%swap3A_94], %add3A_89 {strides = array<i32>} : memref<1536xi32, #tpu.memory_space<vmem>>, vector<16xi32>,
      %add3A_96 = arith.constant 0 : i32
      %add3A_97 = arith.addi %add3A_96, %scan3A_28 : i32
      %get3A_98 = arith.index_cast %add3A_97 : i32 to index
      %get3A_99 = arith.constant 80 : index
      %get3A_100 = tpu.vector_load %arg6[%get3A_98, %get3A_99] {strides = array<i32>} : memref<6x512xi32, #tpu.memory_space<vmem>>, vector<16xi32>,
      %add3A_101 = vector.broadcast %mul3A_32 : i32 to vector<16xi32>
      %add3A_102 = arith.addi %get3A_100, %add3A_101 : vector<16xi32>
      %mul3A_103 = arith.constant 512 : i32
      %mul3A_104 = arith.muli %scan3A_28, %mul3A_103 : i32
      %add3A_105 = arith.constant 80 : i32
      %add3A_106 = arith.addi %mul3A_104, %add3A_105 : i32
      %swap3A_107 = arith.index_cast %add3A_106 : i32 to index
      %swap3A_108 = tpu.vector_load %arg7[%swap3A_107] {strides = array<i32>} : memref<1536xi32, #tpu.memory_space<vmem>>, vector<16xi32>,
      tpu.vector_store %arg7[%swap3A_107], %add3A_102 {strides = array<i32>} : memref<1536xi32, #tpu.memory_space<vmem>>, vector<16xi32>,
      %add3A_109 = arith.constant 0 : i32
      %add3A_110 = arith.addi %add3A_109, %scan3A_28 : i32
      %get3A_111 = arith.index_cast %add3A_110 : i32 to index
      %get3A_112 = arith.constant 96 : index
      %get3A_113 = tpu.vector_load %arg6[%get3A_111, %get3A_112] {strides = array<i32>} : memref<6x512xi32, #tpu.memory_space<vmem>>, vector<16xi32>,
      %add3A_114 = vector.broadcast %mul3A_32 : i32 to vector<16xi32>
      %add3A_115 = arith.addi %get3A_113, %add3A_114 : vector<16xi32>
      %mul3A_116 = arith.constant 512 : i32
      %mul3A_117 = arith.muli %scan3A_28, %mul3A_116 : i32
      %add3A_118 = arith.constant 96 : i32
      %add3A_119 = arith.addi %mul3A_117, %add3A_118 : i32
      %swap3A_120 = arith.index_cast %add3A_119 : i32 to index
      %swap3A_121 = tpu.vector_load %arg7[%swap3A_120] {strides = array<i32>} : memref<1536xi32, #tpu.memory_space<vmem>>, vector<16xi32>,
      tpu.vector_store %arg7[%swap3A_120], %add3A_115 {strides = array<i32>} : memref<1536xi32, #tpu.memory_space<vmem>>, vector<16xi32>,
      %add3A_122 = arith.constant 0 : i32
      %add3A_123 = arith.addi %add3A_122, %scan3A_28 : i32
      %get3A_124 = arith.index_cast %add3A_123 : i32 to index
      %get3A_125 = arith.constant 112 : index
      %get3A_126 = tpu.vector_load %arg6[%get3A_124, %get3A_125] {strides = array<i32>} : memref<6x512xi32, #tpu.memory_space<vmem>>, vector<16xi32>,
      %add3A_127 = vector.broadcast %mul3A_32 : i32 to vector<16xi32>
      %add3A_128 = arith.addi %get3A_126, %add3A_127 : vector<16xi32>
      %mul3A_129 = arith.constant 512 : i32
      %mul3A_130 = arith.muli %scan3A_28, %mul3A_129 : i32
      %add3A_131 = arith.constant 112 : i32
      %add3A_132 = arith.addi %mul3A_130, %add3A_131 : i32
      %swap3A_133 = arith.index_cast %add3A_132 : i32 to index
      %swap3A_134 = tpu.vector_load %arg7[%swap3A_133] {strides = array<i32>} : memref<1536xi32, #tpu.memory_space<vmem>>, vector<16xi32>,
      tpu.vector_store %arg7[%swap3A_133], %add3A_128 {strides = array<i32>} : memref<1536xi32, #tpu.memory_space<vmem>>, vector<16xi32>,
      %add3A_135 = arith.constant 0 : i32
      %add3A_136 = arith.addi %add3A_135, %scan3A_28 : i32
      %get3A_137 = arith.index_cast %add3A_136 : i32 to index
      %get3A_138 = arith.constant 128 : index
      %get3A_139 = tpu.vector_load %arg6[%get3A_137, %get3A_138] {strides = array<i32>} : memref<6x512xi32, #tpu.memory_space<vmem>>, vector<16xi32>,
      %add3A_140 = vector.broadcast %mul3A_32 : i32 to vector<16xi32>
      %add3A_141 = arith.addi %get3A_139, %add3A_140 : vector<16xi32>
      %mul3A_142 = arith.constant 512 : i32
      %mul3A_143 = arith.muli %scan3A_28, %mul3A_142 : i32
      %add3A_144 = arith.constant 128 : i32
      %add3A_145 = arith.addi %mul3A_143, %add3A_144 : i32
      %swap3A_146 = arith.index_cast %add3A_145 : i32 to index
      %swap3A_147 = tpu.vector_load %arg7[%swap3A_146] {strides = array<i32>} : memref<1536xi32, #tpu.memory_space<vmem>>, vector<16xi32>,
      tpu.vector_store %arg7[%swap3A_146], %add3A_141 {strides = array<i32>} : memref<1536xi32, #tpu.memory_space<vmem>>, vector<16xi32>,
      %add3A_148 = arith.constant 0 : i32
      %add3A_149 = arith.addi %add3A_148, %scan3A_28 : i32
      %get3A_150 = arith.index_cast %add3A_149 : i32 to index
      %get3A_151 = arith.constant 144 : index
      %get3A_152 = tpu.vector_load %arg6[%get3A_150, %get3A_151] {strides = array<i32>} : memref<6x512xi32, #tpu.memory_space<vmem>>, vector<16xi32>,
      %add3A_153 = vector.broadcast %mul3A_32 : i32 to vector<16xi32>
      %add3A_154 = arith.addi %get3A_152, %add3A_153 : vector<16xi32>
      %mul3A_155 = arith.constant 512 : i32
      %mul3A_156 = arith.muli %scan3A_28, %mul3A_155 : i32
      %add3A_157 = arith.constant 144 : i32
      %add3A_158 = arith.addi %mul3A_156, %add3A_157 : i32
      %swap3A_159 = arith.index_cast %add3A_158 : i32 to index
      %swap3A_160 = tpu.vector_load %arg7[%swap3A_159] {strides = array<i32>} : memref<1536xi32, #tpu.memory_space<vmem>>, vector<16xi32>,
      tpu.vector_store %arg7[%swap3A_159], %add3A_154 {strides = array<i32>} : memref<1536xi32, #tpu.memory_space<vmem>>, vector<16xi32>,
      %add3A_161 = arith.constant 0 : i32
      %add3A_162 = arith.addi %add3A_161, %scan3A_28 : i32
      %get3A_163 = arith.index_cast %add3A_162 : i32 to index
      %get3A_164 = arith.constant 160 : index
      %get3A_165 = tpu.vector_load %arg6[%get3A_163, %get3A_164] {strides = array<i32>} : memref<6x512xi32, #tpu.memory_space<vmem>>, vector<16xi32>,
      %add3A_166 = vector.broadcast %mul3A_32 : i32 to vector<16xi32>
      %add3A_167 = arith.addi %get3A_165, %add3A_166 : vector<16xi32>
      %mul3A_168 = arith.constant 512 : i32
      %mul3A_169 = arith.muli %scan3A_28, %mul3A_168 : i32
      %add3A_170 = arith.constant 160 : i32
      %add3A_171 = arith.addi %mul3A_169, %add3A_170 : i32
      %swap3A_172 = arith.index_cast %add3A_171 : i32 to index
      %swap3A_173 = tpu.vector_load %arg7[%swap3A_172] {strides = array<i32>} : memref<1536xi32, #tpu.memory_space<vmem>>, vector<16xi32>,
      tpu.vector_store %arg7[%swap3A_172], %add3A_167 {strides = array<i32>} : memref<1536xi32, #tpu.memory_space<vmem>>, vector<16xi32>,
      %add3A_174 = arith.constant 0 : i32
      %add3A_175 = arith.addi %add3A_174, %scan3A_28 : i32
      %get3A_176 = arith.index_cast %add3A_175 : i32 to index
      %get3A_177 = arith.constant 176 : index
      %get3A_178 = tpu.vector_load %arg6[%get3A_176, %get3A_177] {strides = array<i32>} : memref<6x512xi32, #tpu.memory_space<vmem>>, vector<16xi32>,
      %add3A_179 = vector.broadcast %mul3A_32 : i32 to vector<16xi32>
      %add3A_180 = arith.addi %get3A_178, %add3A_179 : vector<16xi32>
      %mul3A_181 = arith.constant 512 : i32
      %mul3A_182 = arith.muli %scan3A_28, %mul3A_181 : i32
      %add3A_183 = arith.constant 176 : i32
      %add3A_184 = arith.addi %mul3A_182, %add3A_183 : i32
      %swap3A_185 = arith.index_cast %add3A_184 : i32 to index
      %swap3A_186 = tpu.vector_load %arg7[%swap3A_185] {strides = array<i32>} : memref<1536xi32, #tpu.memory_space<vmem>>, vector<16xi32>,
      tpu.vector_store %arg7[%swap3A_185], %add3A_180 {strides = array<i32>} : memref<1536xi32, #tpu.memory_space<vmem>>, vector<16xi32>,
      %add3A_187 = arith.constant 0 : i32
      %add3A_188 = arith.addi %add3A_187, %scan3A_28 : i32
      %get3A_189 = arith.index_cast %add3A_188 : i32 to index
      %get3A_190 = arith.constant 192 : index
      %get3A_191 = tpu.vector_load %arg6[%get3A_189, %get3A_190] {strides = array<i32>} : memref<6x512xi32, #tpu.memory_space<vmem>>, vector<16xi32>,
      %add3A_192 = vector.broadcast %mul3A_32 : i32 to vector<16xi32>
      %add3A_193 = arith.addi %get3A_191, %add3A_192 : vector<16xi32>
      %mul3A_194 = arith.constant 512 : i32
      %mul3A_195 = arith.muli %scan3A_28, %mul3A_194 : i32
      %add3A_196 = arith.constant 192 : i32
      %add3A_197 = arith.addi %mul3A_195, %add3A_196 : i32
      %swap3A_198 = arith.index_cast %add3A_197 : i32 to index
      %swap3A_199 = tpu.vector_load %arg7[%swap3A_198] {strides = array<i32>} : memref<1536xi32, #tpu.memory_space<vmem>>, vector<16xi32>,
      tpu.vector_store %arg7[%swap3A_198], %add3A_193 {strides = array<i32>} : memref<1536xi32, #tpu.memory_space<vmem>>, vector<16xi32>,
      %add3A_200 = arith.constant 0 : i32
      %add3A_201 = arith.addi %add3A_200, %scan3A_28 : i32
      %get3A_202 = arith.index_cast %add3A_201 : i32 to index
      %get3A_203 = arith.constant 208 : index
      %get3A_204 = tpu.vector_load %arg6[%get3A_202, %get3A_203] {strides = array<i32>} : memref<6x512xi32, #tpu.memory_space<vmem>>, vector<16xi32>,
      %add3A_205 = vector.broadcast %mul3A_32 : i32 to vector<16xi32>
      %add3A_206 = arith.addi %get3A_204, %add3A_205 : vector<16xi32>
      %mul3A_207 = arith.constant 512 : i32
      %mul3A_208 = arith.muli %scan3A_28, %mul3A_207 : i32
      %add3A_209 = arith.constant 208 : i32
      %add3A_210 = arith.addi %mul3A_208, %add3A_209 : i32
      %swap3A_211 = arith.index_cast %add3A_210 : i32 to index
      %swap3A_212 = tpu.vector_load %arg7[%swap3A_211] {strides = array<i32>} : memref<1536xi32, #tpu.memory_space<vmem>>, vector<16xi32>,
      tpu.vector_store %arg7[%swap3A_211], %add3A_206 {strides = array<i32>} : memref<1536xi32, #tpu.memory_space<vmem>>, vector<16xi32>,
      %add3A_213 = arith.constant 0 : i32
      %add3A_214 = arith.addi %add3A_213, %scan3A_28 : i32
      %get3A_215 = arith.index_cast %add3A_214 : i32 to index
      %get3A_216 = arith.constant 224 : index
      %get3A_217 = tpu.vector_load %arg6[%get3A_215, %get3A_216] {strides = array<i32>} : memref<6x512xi32, #tpu.memory_space<vmem>>, vector<16xi32>,
      %add3A_218 = vector.broadcast %mul3A_32 : i32 to vector<16xi32>
      %add3A_219 = arith.addi %get3A_217, %add3A_218 : vector<16xi32>
      %mul3A_220 = arith.constant 512 : i32
      %mul3A_221 = arith.muli %scan3A_28, %mul3A_220 : i32
      %add3A_222 = arith.constant 224 : i32
      %add3A_223 = arith.addi %mul3A_221, %add3A_222 : i32
      %swap3A_224 = arith.index_cast %add3A_223 : i32 to index
      %swap3A_225 = tpu.vector_load %arg7[%swap3A_224] {strides = array<i32>} : memref<1536xi32, #tpu.memory_space<vmem>>, vector<16xi32>,
      tpu.vector_store %arg7[%swap3A_224], %add3A_219 {strides = array<i32>} : memref<1536xi32, #tpu.memory_space<vmem>>, vector<16xi32>,
      %add3A_226 = arith.constant 0 : i32
      %add3A_227 = arith.addi %add3A_226, %scan3A_28 : i32
      %get3A_228 = arith.index_cast %add3A_227 : i32 to index
      %get3A_229 = arith.constant 240 : index
      %get3A_230 = tpu.vector_load %arg6[%get3A_228, %get3A_229] {strides = array<i32>} : memref<6x512xi32, #tpu.memory_space<vmem>>, vector<16xi32>,
      %add3A_231 = vector.broadcast %mul3A_32 : i32 to vector<16xi32>
      %add3A_232 = arith.addi %get3A_230, %add3A_231 : vector<16xi32>
      %mul3A_233 = arith.constant 512 : i32
      %mul3A_234 = arith.muli %scan3A_28, %mul3A_233 : i32
      %add3A_235 = arith.constant 240 : i32
      %add3A_236 = arith.addi %mul3A_234, %add3A_235 : i32
      %swap3A_237 = arith.index_cast %add3A_236 : i32 to index
      %swap3A_238 = tpu.vector_load %arg7[%swap3A_237] {strides = array<i32>} : memref<1536xi32, #tpu.memory_space<vmem>>, vector<16xi32>,
      tpu.vector_store %arg7[%swap3A_237], %add3A_232 {strides = array<i32>} : memref<1536xi32, #tpu.memory_space<vmem>>, vector<16xi32>,
      %add3A_239 = arith.constant 0 : i32
      %add3A_240 = arith.addi %add3A_239, %scan3A_28 : i32
      %get3A_241 = arith.index_cast %add3A_240 : i32 to index
      %get3A_242 = arith.constant 256 : index
      %get3A_243 = tpu.vector_load %arg6[%get3A_241, %get3A_242] {strides = array<i32>} : memref<6x512xi32, #tpu.memory_space<vmem>>, vector<16xi32>,
      %add3A_244 = vector.broadcast %mul3A_32 : i32 to vector<16xi32>
      %add3A_245 = arith.addi %get3A_243, %add3A_244 : vector<16xi32>
      %mul3A_246 = arith.constant 512 : i32
      %mul3A_247 = arith.muli %scan3A_28, %mul3A_246 : i32
      %add3A_248 = arith.constant 256 : i32
      %add3A_249 = arith.addi %mul3A_247, %add3A_248 : i32
      %swap3A_250 = arith.index_cast %add3A_249 : i32 to index
      %swap3A_251 = tpu.vector_load %arg7[%swap3A_250] {strides = array<i32>} : memref<1536xi32, #tpu.memory_space<vmem>>, vector<16xi32>,
      tpu.vector_store %arg7[%swap3A_250], %add3A_245 {strides = array<i32>} : memref<1536xi32, #tpu.memory_space<vmem>>, vector<16xi32>,
      %add3A_252 = arith.constant 0 : i32
      %add3A_253 = arith.addi %add3A_252, %scan3A_28 : i32
      %get3A_254 = arith.index_cast %add3A_253 : i32 to index
      %get3A_255 = arith.constant 272 : index
      %get3A_256 = tpu.vector_load %arg6[%get3A_254, %get3A_255] {strides = array<i32>} : memref<6x512xi32, #tpu.memory_space<vmem>>, vector<16xi32>,
      %add3A_257 = vector.broadcast %mul3A_32 : i32 to vector<16xi32>
      %add3A_258 = arith.addi %get3A_256, %add3A_257 : vector<16xi32>
      %mul3A_259 = arith.constant 512 : i32
      %mul3A_260 = arith.muli %scan3A_28, %mul3A_259 : i32
      %add3A_261 = arith.constant 272 : i32
      %add3A_262 = arith.addi %mul3A_260, %add3A_261 : i32
      %swap3A_263 = arith.index_cast %add3A_262 : i32 to index
      %swap3A_264 = tpu.vector_load %arg7[%swap3A_263] {strides = array<i32>} : memref<1536xi32, #tpu.memory_space<vmem>>, vector<16xi32>,
      tpu.vector_store %arg7[%swap3A_263], %add3A_258 {strides = array<i32>} : memref<1536xi32, #tpu.memory_space<vmem>>, vector<16xi32>,
      %add3A_265 = arith.constant 0 : i32
      %add3A_266 = arith.addi %add3A_265, %scan3A_28 : i32
      %get3A_267 = arith.index_cast %add3A_266 : i32 to index
      %get3A_268 = arith.constant 288 : index
      %get3A_269 = tpu.vector_load %arg6[%get3A_267, %get3A_268] {strides = array<i32>} : memref<6x512xi32, #tpu.memory_space<vmem>>, vector<16xi32>,
      %add3A_270 = vector.broadcast %mul3A_32 : i32 to vector<16xi32>
      %add3A_271 = arith.addi %get3A_269, %add3A_270 : vector<16xi32>
      %mul3A_272 = arith.constant 512 : i32
      %mul3A_273 = arith.muli %scan3A_28, %mul3A_272 : i32
      %add3A_274 = arith.constant 288 : i32
      %add3A_275 = arith.addi %mul3A_273, %add3A_274 : i32
      %swap3A_276 = arith.index_cast %add3A_275 : i32 to index
      %swap3A_277 = tpu.vector_load %arg7[%swap3A_276] {strides = array<i32>} : memref<1536xi32, #tpu.memory_space<vmem>>, vector<16xi32>,
      tpu.vector_store %arg7[%swap3A_276], %add3A_271 {strides = array<i32>} : memref<1536xi32, #tpu.memory_space<vmem>>, vector<16xi32>,
      %add3A_278 = arith.constant 0 : i32
      %add3A_279 = arith.addi %add3A_278, %scan3A_28 : i32
      %get3A_280 = arith.index_cast %add3A_279 : i32 to index
      %get3A_281 = arith.constant 304 : index
      %get3A_282 = tpu.vector_load %arg6[%get3A_280, %get3A_281] {strides = array<i32>} : memref<6x512xi32, #tpu.memory_space<vmem>>, vector<16xi32>,
      %add3A_283 = vector.broadcast %mul3A_32 : i32 to vector<16xi32>
      %add3A_284 = arith.addi %get3A_282, %add3A_283 : vector<16xi32>
      %mul3A_285 = arith.constant 512 : i32
      %mul3A_286 = arith.muli %scan3A_28, %mul3A_285 : i32
      %add3A_287 = arith.constant 304 : i32
      %add3A_288 = arith.addi %mul3A_286, %add3A_287 : i32
      %swap3A_289 = arith.index_cast %add3A_288 : i32 to index
      %swap3A_290 = tpu.vector_load %arg7[%swap3A_289] {strides = array<i32>} : memref<1536xi32, #tpu.memory_space<vmem>>, vector<16xi32>,
      tpu.vector_store %arg7[%swap3A_289], %add3A_284 {strides = array<i32>} : memref<1536xi32, #tpu.memory_space<vmem>>, vector<16xi32>,
      %add3A_291 = arith.constant 0 : i32
      %add3A_292 = arith.addi %add3A_291, %scan3A_28 : i32
      %get3A_293 = arith.index_cast %add3A_292 : i32 to index
      %get3A_294 = arith.constant 320 : index
      %get3A_295 = tpu.vector_load %arg6[%get3A_293, %get3A_294] {strides = array<i32>} : memref<6x512xi32, #tpu.memory_space<vmem>>, vector<16xi32>,
      %add3A_296 = vector.broadcast %mul3A_32 : i32 to vector<16xi32>
      %add3A_297 = arith.addi %get3A_295, %add3A_296 : vector<16xi32>
      %mul3A_298 = arith.constant 512 : i32
      %mul3A_299 = arith.muli %scan3A_28, %mul3A_298 : i32
      %add3A_300 = arith.constant 320 : i32
      %add3A_301 = arith.addi %mul3A_299, %add3A_300 : i32
      %swap3A_302 = arith.index_cast %add3A_301 : i32 to index
      %swap3A_303 = tpu.vector_load %arg7[%swap3A_302] {strides = array<i32>} : memref<1536xi32, #tpu.memory_space<vmem>>, vector<16xi32>,
      tpu.vector_store %arg7[%swap3A_302], %add3A_297 {strides = array<i32>} : memref<1536xi32, #tpu.memory_space<vmem>>, vector<16xi32>,
      %add3A_304 = arith.constant 0 : i32
      %add3A_305 = arith.addi %add3A_304, %scan3A_28 : i32
      %get3A_306 = arith.index_cast %add3A_305 : i32 to index
      %get3A_307 = arith.constant 336 : index
      %get3A_308 = tpu.vector_load %arg6[%get3A_306, %get3A_307] {strides = array<i32>} : memref<6x512xi32, #tpu.memory_space<vmem>>, vector<16xi32>,
      %add3A_309 = vector.broadcast %mul3A_32 : i32 to vector<16xi32>
      %add3A_310 = arith.addi %get3A_308, %add3A_309 : vector<16xi32>
      %mul3A_311 = arith.constant 512 : i32
      %mul3A_312 = arith.muli %scan3A_28, %mul3A_311 : i32
      %add3A_313 = arith.constant 336 : i32
      %add3A_314 = arith.addi %mul3A_312, %add3A_313 : i32
      %swap3A_315 = arith.index_cast %add3A_314 : i32 to index
      %swap3A_316 = tpu.vector_load %arg7[%swap3A_315] {strides = array<i32>} : memref<1536xi32, #tpu.memory_space<vmem>>, vector<16xi32>,
      tpu.vector_store %arg7[%swap3A_315], %add3A_310 {strides = array<i32>} : memref<1536xi32, #tpu.memory_space<vmem>>, vector<16xi32>,
      %add3A_317 = arith.constant 0 : i32
      %add3A_318 = arith.addi %add3A_317, %scan3A_28 : i32
      %get3A_319 = arith.index_cast %add3A_318 : i32 to index
      %get3A_320 = arith.constant 352 : index
      %get3A_321 = tpu.vector_load %arg6[%get3A_319, %get3A_320] {strides = array<i32>} : memref<6x512xi32, #tpu.memory_space<vmem>>, vector<16xi32>,
      %add3A_322 = vector.broadcast %mul3A_32 : i32 to vector<16xi32>
      %add3A_323 = arith.addi %get3A_321, %add3A_322 : vector<16xi32>
      %mul3A_324 = arith.constant 512 : i32
      %mul3A_325 = arith.muli %scan3A_28, %mul3A_324 : i32
      %add3A_326 = arith.constant 352 : i32
      %add3A_327 = arith.addi %mul3A_325, %add3A_326 : i32
      %swap3A_328 = arith.index_cast %add3A_327 : i32 to index
      %swap3A_329 = tpu.vector_load %arg7[%swap3A_328] {strides = array<i32>} : memref<1536xi32, #tpu.memory_space<vmem>>, vector<16xi32>,
      tpu.vector_store %arg7[%swap3A_328], %add3A_323 {strides = array<i32>} : memref<1536xi32, #tpu.memory_space<vmem>>, vector<16xi32>,
      %add3A_330 = arith.constant 0 : i32
      %add3A_331 = arith.addi %add3A_330, %scan3A_28 : i32
      %get3A_332 = arith.index_cast %add3A_331 : i32 to index
      %get3A_333 = arith.constant 368 : index
      %get3A_334 = tpu.vector_load %arg6[%get3A_332, %get3A_333] {strides = array<i32>} : memref<6x512xi32, #tpu.memory_space<vmem>>, vector<16xi32>,
      %add3A_335 = vector.broadcast %mul3A_32 : i32 to vector<16xi32>
      %add3A_336 = arith.addi %get3A_334, %add3A_335 : vector<16xi32>
      %mul3A_337 = arith.constant 512 : i32
      %mul3A_338 = arith.muli %scan3A_28, %mul3A_337 : i32
      %add3A_339 = arith.constant 368 : i32
      %add3A_340 = arith.addi %mul3A_338, %add3A_339 : i32
      %swap3A_341 = arith.index_cast %add3A_340 : i32 to index
      %swap3A_342 = tpu.vector_load %arg7[%swap3A_341] {strides = array<i32>} : memref<1536xi32, #tpu.memory_space<vmem>>, vector<16xi32>,
      tpu.vector_store %arg7[%swap3A_341], %add3A_336 {strides = array<i32>} : memref<1536xi32, #tpu.memory_space<vmem>>, vector<16xi32>,
      %add3A_343 = arith.constant 0 : i32
      %add3A_344 = arith.addi %add3A_343, %scan3A_28 : i32
      %get3A_345 = arith.index_cast %add3A_344 : i32 to index
      %get3A_346 = arith.constant 384 : index
      %get3A_347 = tpu.vector_load %arg6[%get3A_345, %get3A_346] {strides = array<i32>} : memref<6x512xi32, #tpu.memory_space<vmem>>, vector<16xi32>,
      %add3A_348 = vector.broadcast %mul3A_32 : i32 to vector<16xi32>
      %add3A_349 = arith.addi %get3A_347, %add3A_348 : vector<16xi32>
      %mul3A_350 = arith.constant 512 : i32
      %mul3A_351 = arith.muli %scan3A_28, %mul3A_350 : i32
      %add3A_352 = arith.constant 384 : i32
      %add3A_353 = arith.addi %mul3A_351, %add3A_352 : i32
      %swap3A_354 = arith.index_cast %add3A_353 : i32 to index
      %swap3A_355 = tpu.vector_load %arg7[%swap3A_354] {strides = array<i32>} : memref<1536xi32, #tpu.memory_space<vmem>>, vector<16xi32>,
      tpu.vector_store %arg7[%swap3A_354], %add3A_349 {strides = array<i32>} : memref<1536xi32, #tpu.memory_space<vmem>>, vector<16xi32>,
      %add3A_356 = arith.constant 0 : i32
      %add3A_357 = arith.addi %add3A_356, %scan3A_28 : i32
      %get3A_358 = arith.index_cast %add3A_357 : i32 to index
      %get3A_359 = arith.constant 400 : index
      %get3A_360 = tpu.vector_load %arg6[%get3A_358, %get3A_359] {strides = array<i32>} : memref<6x512xi32, #tpu.memory_space<vmem>>, vector<16xi32>,
      %add3A_361 = vector.broadcast %mul3A_32 : i32 to vector<16xi32>
      %add3A_362 = arith.addi %get3A_360, %add3A_361 : vector<16xi32>
      %mul3A_363 = arith.constant 512 : i32
      %mul3A_364 = arith.muli %scan3A_28, %mul3A_363 : i32
      %add3A_365 = arith.constant 400 : i32
      %add3A_366 = arith.addi %mul3A_364, %add3A_365 : i32
      %swap3A_367 = arith.index_cast %add3A_366 : i32 to index
      %swap3A_368 = tpu.vector_load %arg7[%swap3A_367] {strides = array<i32>} : memref<1536xi32, #tpu.memory_space<vmem>>, vector<16xi32>,
      tpu.vector_store %arg7[%swap3A_367], %add3A_362 {strides = array<i32>} : memref<1536xi32, #tpu.memory_space<vmem>>, vector<16xi32>,
      %add3A_369 = arith.constant 0 : i32
      %add3A_370 = arith.addi %add3A_369, %scan3A_28 : i32
      %get3A_371 = arith.index_cast %add3A_370 : i32 to index
      %get3A_372 = arith.constant 416 : index
      %get3A_373 = tpu.vector_load %arg6[%get3A_371, %get3A_372] {strides = array<i32>} : memref<6x512xi32, #tpu.memory_space<vmem>>, vector<16xi32>,
      %add3A_374 = vector.broadcast %mul3A_32 : i32 to vector<16xi32>
      %add3A_375 = arith.addi %get3A_373, %add3A_374 : vector<16xi32>
      %mul3A_376 = arith.constant 512 : i32
      %mul3A_377 = arith.muli %scan3A_28, %mul3A_376 : i32
      %add3A_378 = arith.constant 416 : i32
      %add3A_379 = arith.addi %mul3A_377, %add3A_378 : i32
      %swap3A_380 = arith.index_cast %add3A_379 : i32 to index
      %swap3A_381 = tpu.vector_load %arg7[%swap3A_380] {strides = array<i32>} : memref<1536xi32, #tpu.memory_space<vmem>>, vector<16xi32>,
      tpu.vector_store %arg7[%swap3A_380], %add3A_375 {strides = array<i32>} : memref<1536xi32, #tpu.memory_space<vmem>>, vector<16xi32>,
      %add3A_382 = arith.constant 0 : i32
      %add3A_383 = arith.addi %add3A_382, %scan3A_28 : i32
      %get3A_384 = arith.index_cast %add3A_383 : i32 to index
      %get3A_385 = arith.constant 432 : index
      %get3A_386 = tpu.vector_load %arg6[%get3A_384, %get3A_385] {strides = array<i32>} : memref<6x512xi32, #tpu.memory_space<vmem>>, vector<16xi32>,
      %add3A_387 = vector.broadcast %mul3A_32 : i32 to vector<16xi32>
      %add3A_388 = arith.addi %get3A_386, %add3A_387 : vector<16xi32>
      %mul3A_389 = arith.constant 512 : i32
      %mul3A_390 = arith.muli %scan3A_28, %mul3A_389 : i32
      %add3A_391 = arith.constant 432 : i32
      %add3A_392 = arith.addi %mul3A_390, %add3A_391 : i32
      %swap3A_393 = arith.index_cast %add3A_392 : i32 to index
      %swap3A_394 = tpu.vector_load %arg7[%swap3A_393] {strides = array<i32>} : memref<1536xi32, #tpu.memory_space<vmem>>, vector<16xi32>,
      tpu.vector_store %arg7[%swap3A_393], %add3A_388 {strides = array<i32>} : memref<1536xi32, #tpu.memory_space<vmem>>, vector<16xi32>,
      %add3A_395 = arith.constant 0 : i32
      %add3A_396 = arith.addi %add3A_395, %scan3A_28 : i32
      %get3A_397 = arith.index_cast %add3A_396 : i32 to index
      %get3A_398 = arith.constant 448 : index
      %get3A_399 = tpu.vector_load %arg6[%get3A_397, %get3A_398] {strides = array<i32>} : memref<6x512xi32, #tpu.memory_space<vmem>>, vector<16xi32>,
      %add3A_400 = vector.broadcast %mul3A_32 : i32 to vector<16xi32>
      %add3A_401 = arith.addi %get3A_399, %add3A_400 : vector<16xi32>
      %mul3A_402 = arith.constant 512 : i32
      %mul3A_403 = arith.muli %scan3A_28, %mul3A_402 : i32
      %add3A_404 = arith.constant 448 : i32
      %add3A_405 = arith.addi %mul3A_403, %add3A_404 : i32
      %swap3A_406 = arith.index_cast %add3A_405 : i32 to index
      %swap3A_407 = tpu.vector_load %arg7[%swap3A_406] {strides = array<i32>} : memref<1536xi32, #tpu.memory_space<vmem>>, vector<16xi32>,
      tpu.vector_store %arg7[%swap3A_406], %add3A_401 {strides = array<i32>} : memref<1536xi32, #tpu.memory_space<vmem>>, vector<16xi32>,
      %add3A_408 = arith.constant 0 : i32
      %add3A_409 = arith.addi %add3A_408, %scan3A_28 : i32
      %get3A_410 = arith.index_cast %add3A_409 : i32 to index
      %get3A_411 = arith.constant 464 : index
      %get3A_412 = tpu.vector_load %arg6[%get3A_410, %get3A_411] {strides = array<i32>} : memref<6x512xi32, #tpu.memory_space<vmem>>, vector<16xi32>,
      %add3A_413 = vector.broadcast %mul3A_32 : i32 to vector<16xi32>
      %add3A_414 = arith.addi %get3A_412, %add3A_413 : vector<16xi32>
      %mul3A_415 = arith.constant 512 : i32
      %mul3A_416 = arith.muli %scan3A_28, %mul3A_415 : i32
      %add3A_417 = arith.constant 464 : i32
      %add3A_418 = arith.addi %mul3A_416, %add3A_417 : i32
      %swap3A_419 = arith.index_cast %add3A_418 : i32 to index
      %swap3A_420 = tpu.vector_load %arg7[%swap3A_419] {strides = array<i32>} : memref<1536xi32, #tpu.memory_space<vmem>>, vector<16xi32>,
      tpu.vector_store %arg7[%swap3A_419], %add3A_414 {strides = array<i32>} : memref<1536xi32, #tpu.memory_space<vmem>>, vector<16xi32>,
      %add3A_421 = arith.constant 0 : i32
      %add3A_422 = arith.addi %add3A_421, %scan3A_28 : i32
      %get3A_423 = arith.index_cast %add3A_422 : i32 to index
      %get3A_424 = arith.constant 480 : index
      %get3A_425 = tpu.vector_load %arg6[%get3A_423, %get3A_424] {strides = array<i32>} : memref<6x512xi32, #tpu.memory_space<vmem>>, vector<16xi32>,
      %add3A_426 = vector.broadcast %mul3A_32 : i32 to vector<16xi32>
      %add3A_427 = arith.addi %get3A_425, %add3A_426 : vector<16xi32>
      %mul3A_428 = arith.constant 512 : i32
      %mul3A_429 = arith.muli %scan3A_28, %mul3A_428 : i32
      %add3A_430 = arith.constant 480 : i32
      %add3A_431 = arith.addi %mul3A_429, %add3A_430 : i32
      %swap3A_432 = arith.index_cast %add3A_431 : i32 to index
      %swap3A_433 = tpu.vector_load %arg7[%swap3A_432] {strides = array<i32>} : memref<1536xi32, #tpu.memory_space<vmem>>, vector<16xi32>,
      tpu.vector_store %arg7[%swap3A_432], %add3A_427 {strides = array<i32>} : memref<1536xi32, #tpu.memory_space<vmem>>, vector<16xi32>,
      %add3A_434 = arith.constant 0 : i32
      %add3A_435 = arith.addi %add3A_434, %scan3A_28 : i32
      %get3A_436 = arith.index_cast %add3A_435 : i32 to index
      %get3A_437 = arith.constant 496 : index
      %get3A_438 = tpu.vector_load %arg6[%get3A_436, %get3A_437] {strides = array<i32>} : memref<6x512xi32, #tpu.memory_space<vmem>>, vector<16xi32>,
      %add3A_439 = vector.broadcast %mul3A_32 : i32 to vector<16xi32>
      %add3A_440 = arith.addi %get3A_438, %add3A_439 : vector<16xi32>
      %mul3A_441 = arith.constant 512 : i32
      %mul3A_442 = arith.muli %scan3A_28, %mul3A_441 : i32
      %add3A_443 = arith.constant 496 : i32
      %add3A_444 = arith.addi %mul3A_442, %add3A_443 : i32
      %swap3A_445 = arith.index_cast %add3A_444 : i32 to index
      %swap3A_446 = tpu.vector_load %arg7[%swap3A_445] {strides = array<i32>} : memref<1536xi32, #tpu.memory_space<vmem>>, vector<16xi32>,
      tpu.vector_store %arg7[%swap3A_445], %add3A_440 {strides = array<i32>} : memref<1536xi32, #tpu.memory_space<vmem>>, vector<16xi32>,
    }
    %scan3A_6 = arith.constant 3 : i32
    %dma_start3A = arith.constant 0 : i32
    %dma_start3A_7 = tpu.memref_slice %arg3[%dma_start3A] : memref<614400xf32, #tpu.memory_space<hbm>> -> memref<614400xf32, #tpu.memory_space<hbm>>
    tpu.enqueue_indirect_dma source(%dma_start3A_7 : memref<614400xf32, #tpu.memory_space<hbm>>) target(%arg9 : memref<1536xf32, #tpu.memory_space<vmem>>) offsets(%arg7 : memref<1536xi32, #tpu.memory_space<vmem>>) semaphore(%arg12 : memref<!tpu.dma_semaphore, #tpu.memory_space<semaphore_mem>>)
    %scan3A_8 = arith.constant 0 : i32
    %scan3A_9 = arith.constant 3 : i32
    %scan3A_10 = arith.addi %scan3A_8, %scan3A_9 : i32
    %scan3A_11 = arith.constant 1 : i32
    scf.for %scan3A_28 = %scan3A_8 to %scan3A_10 step %scan3A_11  : i32 {
      %add3A_29 = arith.constant 3 : i32
      %add3A_30 = arith.addi %add3A_29, %scan3A_28 : i32
      %mul3A_31 = arith.constant 102400 : i32
      %mul3A_32 = arith.muli %add3A_30, %mul3A_31 : i32
      %add3A_33 = arith.constant 3 : i32
      %add3A_34 = arith.addi %add3A_33, %scan3A_28 : i32
      %get3A = arith.index_cast %add3A_34 : i32 to index
      %get3A_35 = arith.constant 0 : index
      %get3A_36 = tpu.vector_load %arg6[%get3A, %get3A_35] {strides = array<i32>} : memref<6x512xi32, #tpu.memory_space<vmem>>, vector<16xi32>,
      %add3A_37 = vector.broadcast %mul3A_32 : i32 to vector<16xi32>
      %add3A_38 = arith.addi %get3A_36, %add3A_37 : vector<16xi32>
      %mul3A_39 = arith.constant 512 : i32
      %mul3A_40 = arith.muli %scan3A_28, %mul3A_39 : i32
      %add3A_41 = arith.constant 0 : i32
      %add3A_42 = arith.addi %mul3A_40, %add3A_41 : i32
      %swap3A = arith.index_cast %add3A_42 : i32 to index
      %swap3A_43 = tpu.vector_load %arg8[%swap3A] {strides = array<i32>} : memref<1536xi32, #tpu.memory_space<vmem>>, vector<16xi32>,
      tpu.vector_store %arg8[%swap3A], %add3A_38 {strides = array<i32>} : memref<1536xi32, #tpu.memory_space<vmem>>, vector<16xi32>,
      %add3A_44 = arith.constant 3 : i32
      %add3A_45 = arith.addi %add3A_44, %scan3A_28 : i32
      %get3A_46 = arith.index_cast %add3A_45 : i32 to index
      %get3A_47 = arith.constant 16 : index
      %get3A_48 = tpu.vector_load %arg6[%get3A_46, %get3A_47] {strides = array<i32>} : memref<6x512xi32, #tpu.memory_space<vmem>>, vector<16xi32>,
      %add3A_49 = vector.broadcast %mul3A_32 : i32 to vector<16xi32>
      %add3A_50 = arith.addi %get3A_48, %add3A_49 : vector<16xi32>
      %mul3A_51 = arith.constant 512 : i32
      %mul3A_52 = arith.muli %scan3A_28, %mul3A_51 : i32
      %add3A_53 = arith.constant 16 : i32
      %add3A_54 = arith.addi %mul3A_52, %add3A_53 : i32
      %swap3A_55 = arith.index_cast %add3A_54 : i32 to index
      %swap3A_56 = tpu.vector_load %arg8[%swap3A_55] {strides = array<i32>} : memref<1536xi32, #tpu.memory_space<vmem>>, vector<16xi32>,
      tpu.vector_store %arg8[%swap3A_55], %add3A_50 {strides = array<i32>} : memref<1536xi32, #tpu.memory_space<vmem>>, vector<16xi32>,
      %add3A_57 = arith.constant 3 : i32
      %add3A_58 = arith.addi %add3A_57, %scan3A_28 : i32
      %get3A_59 = arith.index_cast %add3A_58 : i32 to index
      %get3A_60 = arith.constant 32 : index
      %get3A_61 = tpu.vector_load %arg6[%get3A_59, %get3A_60] {strides = array<i32>} : memref<6x512xi32, #tpu.memory_space<vmem>>, vector<16xi32>,
      %add3A_62 = vector.broadcast %mul3A_32 : i32 to vector<16xi32>
      %add3A_63 = arith.addi %get3A_61, %add3A_62 : vector<16xi32>
      %mul3A_64 = arith.constant 512 : i32
      %mul3A_65 = arith.muli %scan3A_28, %mul3A_64 : i32
      %add3A_66 = arith.constant 32 : i32
      %add3A_67 = arith.addi %mul3A_65, %add3A_66 : i32
      %swap3A_68 = arith.index_cast %add3A_67 : i32 to index
      %swap3A_69 = tpu.vector_load %arg8[%swap3A_68] {strides = array<i32>} : memref<1536xi32, #tpu.memory_space<vmem>>, vector<16xi32>,
      tpu.vector_store %arg8[%swap3A_68], %add3A_63 {strides = array<i32>} : memref<1536xi32, #tpu.memory_space<vmem>>, vector<16xi32>,
      %add3A_70 = arith.constant 3 : i32
      %add3A_71 = arith.addi %add3A_70, %scan3A_28 : i32
      %get3A_72 = arith.index_cast %add3A_71 : i32 to index
      %get3A_73 = arith.constant 48 : index
      %get3A_74 = tpu.vector_load %arg6[%get3A_72, %get3A_73] {strides = array<i32>} : memref<6x512xi32, #tpu.memory_space<vmem>>, vector<16xi32>,
      %add3A_75 = vector.broadcast %mul3A_32 : i32 to vector<16xi32>
      %add3A_76 = arith.addi %get3A_74, %add3A_75 : vector<16xi32>
      %mul3A_77 = arith.constant 512 : i32
      %mul3A_78 = arith.muli %scan3A_28, %mul3A_77 : i32
      %add3A_79 = arith.constant 48 : i32
      %add3A_80 = arith.addi %mul3A_78, %add3A_79 : i32
      %swap3A_81 = arith.index_cast %add3A_80 : i32 to index
      %swap3A_82 = tpu.vector_load %arg8[%swap3A_81] {strides = array<i32>} : memref<1536xi32, #tpu.memory_space<vmem>>, vector<16xi32>,
      tpu.vector_store %arg8[%swap3A_81], %add3A_76 {strides = array<i32>} : memref<1536xi32, #tpu.memory_space<vmem>>, vector<16xi32>,
      %add3A_83 = arith.constant 3 : i32
      %add3A_84 = arith.addi %add3A_83, %scan3A_28 : i32
      %get3A_85 = arith.index_cast %add3A_84 : i32 to index
      %get3A_86 = arith.constant 64 : index
      %get3A_87 = tpu.vector_load %arg6[%get3A_85, %get3A_86] {strides = array<i32>} : memref<6x512xi32, #tpu.memory_space<vmem>>, vector<16xi32>,
      %add3A_88 = vector.broadcast %mul3A_32 : i32 to vector<16xi32>
      %add3A_89 = arith.addi %get3A_87, %add3A_88 : vector<16xi32>
      %mul3A_90 = arith.constant 512 : i32
      %mul3A_91 = arith.muli %scan3A_28, %mul3A_90 : i32
      %add3A_92 = arith.constant 64 : i32
      %add3A_93 = arith.addi %mul3A_91, %add3A_92 : i32
      %swap3A_94 = arith.index_cast %add3A_93 : i32 to index
      %swap3A_95 = tpu.vector_load %arg8[%swap3A_94] {strides = array<i32>} : memref<1536xi32, #tpu.memory_space<vmem>>, vector<16xi32>,
      tpu.vector_store %arg8[%swap3A_94], %add3A_89 {strides = array<i32>} : memref<1536xi32, #tpu.memory_space<vmem>>, vector<16xi32>,
      %add3A_96 = arith.constant 3 : i32
      %add3A_97 = arith.addi %add3A_96, %scan3A_28 : i32
      %get3A_98 = arith.index_cast %add3A_97 : i32 to index
      %get3A_99 = arith.constant 80 : index
      %get3A_100 = tpu.vector_load %arg6[%get3A_98, %get3A_99] {strides = array<i32>} : memref<6x512xi32, #tpu.memory_space<vmem>>, vector<16xi32>,
      %add3A_101 = vector.broadcast %mul3A_32 : i32 to vector<16xi32>
      %add3A_102 = arith.addi %get3A_100, %add3A_101 : vector<16xi32>
      %mul3A_103 = arith.constant 512 : i32
      %mul3A_104 = arith.muli %scan3A_28, %mul3A_103 : i32
      %add3A_105 = arith.constant 80 : i32
      %add3A_106 = arith.addi %mul3A_104, %add3A_105 : i32
      %swap3A_107 = arith.index_cast %add3A_106 : i32 to index
      %swap3A_108 = tpu.vector_load %arg8[%swap3A_107] {strides = array<i32>} : memref<1536xi32, #tpu.memory_space<vmem>>, vector<16xi32>,
      tpu.vector_store %arg8[%swap3A_107], %add3A_102 {strides = array<i32>} : memref<1536xi32, #tpu.memory_space<vmem>>, vector<16xi32>,
      %add3A_109 = arith.constant 3 : i32
      %add3A_110 = arith.addi %add3A_109, %scan3A_28 : i32
      %get3A_111 = arith.index_cast %add3A_110 : i32 to index
      %get3A_112 = arith.constant 96 : index
      %get3A_113 = tpu.vector_load %arg6[%get3A_111, %get3A_112] {strides = array<i32>} : memref<6x512xi32, #tpu.memory_space<vmem>>, vector<16xi32>,
      %add3A_114 = vector.broadcast %mul3A_32 : i32 to vector<16xi32>
      %add3A_115 = arith.addi %get3A_113, %add3A_114 : vector<16xi32>
      %mul3A_116 = arith.constant 512 : i32
      %mul3A_117 = arith.muli %scan3A_28, %mul3A_116 : i32
      %add3A_118 = arith.constant 96 : i32
      %add3A_119 = arith.addi %mul3A_117, %add3A_118 : i32
      %swap3A_120 = arith.index_cast %add3A_119 : i32 to index
      %swap3A_121 = tpu.vector_load %arg8[%swap3A_120] {strides = array<i32>} : memref<1536xi32, #tpu.memory_space<vmem>>, vector<16xi32>,
      tpu.vector_store %arg8[%swap3A_120], %add3A_115 {strides = array<i32>} : memref<1536xi32, #tpu.memory_space<vmem>>, vector<16xi32>,
      %add3A_122 = arith.constant 3 : i32
      %add3A_123 = arith.addi %add3A_122, %scan3A_28 : i32
      %get3A_124 = arith.index_cast %add3A_123 : i32 to index
      %get3A_125 = arith.constant 112 : index
      %get3A_126 = tpu.vector_load %arg6[%get3A_124, %get3A_125] {strides = array<i32>} : memref<6x512xi32, #tpu.memory_space<vmem>>, vector<16xi32>,
      %add3A_127 = vector.broadcast %mul3A_32 : i32 to vector<16xi32>
      %add3A_128 = arith.addi %get3A_126, %add3A_127 : vector<16xi32>
      %mul3A_129 = arith.constant 512 : i32
      %mul3A_130 = arith.muli %scan3A_28, %mul3A_129 : i32
      %add3A_131 = arith.constant 112 : i32
      %add3A_132 = arith.addi %mul3A_130, %add3A_131 : i32
      %swap3A_133 = arith.index_cast %add3A_132 : i32 to index
      %swap3A_134 = tpu.vector_load %arg8[%swap3A_133] {strides = array<i32>} : memref<1536xi32, #tpu.memory_space<vmem>>, vector<16xi32>,
      tpu.vector_store %arg8[%swap3A_133], %add3A_128 {strides = array<i32>} : memref<1536xi32, #tpu.memory_space<vmem>>, vector<16xi32>,
      %add3A_135 = arith.constant 3 : i32
      %add3A_136 = arith.addi %add3A_135, %scan3A_28 : i32
      %get3A_137 = arith.index_cast %add3A_136 : i32 to index
      %get3A_138 = arith.constant 128 : index
      %get3A_139 = tpu.vector_load %arg6[%get3A_137, %get3A_138] {strides = array<i32>} : memref<6x512xi32, #tpu.memory_space<vmem>>, vector<16xi32>,
      %add3A_140 = vector.broadcast %mul3A_32 : i32 to vector<16xi32>
      %add3A_141 = arith.addi %get3A_139, %add3A_140 : vector<16xi32>
      %mul3A_142 = arith.constant 512 : i32
      %mul3A_143 = arith.muli %scan3A_28, %mul3A_142 : i32
      %add3A_144 = arith.constant 128 : i32
      %add3A_145 = arith.addi %mul3A_143, %add3A_144 : i32
      %swap3A_146 = arith.index_cast %add3A_145 : i32 to index
      %swap3A_147 = tpu.vector_load %arg8[%swap3A_146] {strides = array<i32>} : memref<1536xi32, #tpu.memory_space<vmem>>, vector<16xi32>,
      tpu.vector_store %arg8[%swap3A_146], %add3A_141 {strides = array<i32>} : memref<1536xi32, #tpu.memory_space<vmem>>, vector<16xi32>,
      %add3A_148 = arith.constant 3 : i32
      %add3A_149 = arith.addi %add3A_148, %scan3A_28 : i32
      %get3A_150 = arith.index_cast %add3A_149 : i32 to index
      %get3A_151 = arith.constant 144 : index
      %get3A_152 = tpu.vector_load %arg6[%get3A_150, %get3A_151] {strides = array<i32>} : memref<6x512xi32, #tpu.memory_space<vmem>>, vector<16xi32>,
      %add3A_153 = vector.broadcast %mul3A_32 : i32 to vector<16xi32>
      %add3A_154 = arith.addi %get3A_152, %add3A_153 : vector<16xi32>
      %mul3A_155 = arith.constant 512 : i32
      %mul3A_156 = arith.muli %scan3A_28, %mul3A_155 : i32
      %add3A_157 = arith.constant 144 : i32
      %add3A_158 = arith.addi %mul3A_156, %add3A_157 : i32
      %swap3A_159 = arith.index_cast %add3A_158 : i32 to index
      %swap3A_160 = tpu.vector_load %arg8[%swap3A_159] {strides = array<i32>} : memref<1536xi32, #tpu.memory_space<vmem>>, vector<16xi32>,
      tpu.vector_store %arg8[%swap3A_159], %add3A_154 {strides = array<i32>} : memref<1536xi32, #tpu.memory_space<vmem>>, vector<16xi32>,
      %add3A_161 = arith.constant 3 : i32
      %add3A_162 = arith.addi %add3A_161, %scan3A_28 : i32
      %get3A_163 = arith.index_cast %add3A_162 : i32 to index
      %get3A_164 = arith.constant 160 : index
      %get3A_165 = tpu.vector_load %arg6[%get3A_163, %get3A_164] {strides = array<i32>} : memref<6x512xi32, #tpu.memory_space<vmem>>, vector<16xi32>,
      %add3A_166 = vector.broadcast %mul3A_32 : i32 to vector<16xi32>
      %add3A_167 = arith.addi %get3A_165, %add3A_166 : vector<16xi32>
      %mul3A_168 = arith.constant 512 : i32
      %mul3A_169 = arith.muli %scan3A_28, %mul3A_168 : i32
      %add3A_170 = arith.constant 160 : i32
      %add3A_171 = arith.addi %mul3A_169, %add3A_170 : i32
      %swap3A_172 = arith.index_cast %add3A_171 : i32 to index
      %swap3A_173 = tpu.vector_load %arg8[%swap3A_172] {strides = array<i32>} : memref<1536xi32, #tpu.memory_space<vmem>>, vector<16xi32>,
      tpu.vector_store %arg8[%swap3A_172], %add3A_167 {strides = array<i32>} : memref<1536xi32, #tpu.memory_space<vmem>>, vector<16xi32>,
      %add3A_174 = arith.constant 3 : i32
      %add3A_175 = arith.addi %add3A_174, %scan3A_28 : i32
      %get3A_176 = arith.index_cast %add3A_175 : i32 to index
      %get3A_177 = arith.constant 176 : index
      %get3A_178 = tpu.vector_load %arg6[%get3A_176, %get3A_177] {strides = array<i32>} : memref<6x512xi32, #tpu.memory_space<vmem>>, vector<16xi32>,
      %add3A_179 = vector.broadcast %mul3A_32 : i32 to vector<16xi32>
      %add3A_180 = arith.addi %get3A_178, %add3A_179 : vector<16xi32>
      %mul3A_181 = arith.constant 512 : i32
      %mul3A_182 = arith.muli %scan3A_28, %mul3A_181 : i32
      %add3A_183 = arith.constant 176 : i32
      %add3A_184 = arith.addi %mul3A_182, %add3A_183 : i32
      %swap3A_185 = arith.index_cast %add3A_184 : i32 to index
      %swap3A_186 = tpu.vector_load %arg8[%swap3A_185] {strides = array<i32>} : memref<1536xi32, #tpu.memory_space<vmem>>, vector<16xi32>,
      tpu.vector_store %arg8[%swap3A_185], %add3A_180 {strides = array<i32>} : memref<1536xi32, #tpu.memory_space<vmem>>, vector<16xi32>,
      %add3A_187 = arith.constant 3 : i32
      %add3A_188 = arith.addi %add3A_187, %scan3A_28 : i32
      %get3A_189 = arith.index_cast %add3A_188 : i32 to index
      %get3A_190 = arith.constant 192 : index
      %get3A_191 = tpu.vector_load %arg6[%get3A_189, %get3A_190] {strides = array<i32>} : memref<6x512xi32, #tpu.memory_space<vmem>>, vector<16xi32>,
      %add3A_192 = vector.broadcast %mul3A_32 : i32 to vector<16xi32>
      %add3A_193 = arith.addi %get3A_191, %add3A_192 : vector<16xi32>
      %mul3A_194 = arith.constant 512 : i32
      %mul3A_195 = arith.muli %scan3A_28, %mul3A_194 : i32
      %add3A_196 = arith.constant 192 : i32
      %add3A_197 = arith.addi %mul3A_195, %add3A_196 : i32
      %swap3A_198 = arith.index_cast %add3A_197 : i32 to index
      %swap3A_199 = tpu.vector_load %arg8[%swap3A_198] {strides = array<i32>} : memref<1536xi32, #tpu.memory_space<vmem>>, vector<16xi32>,
      tpu.vector_store %arg8[%swap3A_198], %add3A_193 {strides = array<i32>} : memref<1536xi32, #tpu.memory_space<vmem>>, vector<16xi32>,
      %add3A_200 = arith.constant 3 : i32
      %add3A_201 = arith.addi %add3A_200, %scan3A_28 : i32
      %get3A_202 = arith.index_cast %add3A_201 : i32 to index
      %get3A_203 = arith.constant 208 : index
      %get3A_204 = tpu.vector_load %arg6[%get3A_202, %get3A_203] {strides = array<i32>} : memref<6x512xi32, #tpu.memory_space<vmem>>, vector<16xi32>,
      %add3A_205 = vector.broadcast %mul3A_32 : i32 to vector<16xi32>
      %add3A_206 = arith.addi %get3A_204, %add3A_205 : vector<16xi32>
      %mul3A_207 = arith.constant 512 : i32
      %mul3A_208 = arith.muli %scan3A_28, %mul3A_207 : i32
      %add3A_209 = arith.constant 208 : i32
      %add3A_210 = arith.addi %mul3A_208, %add3A_209 : i32
      %swap3A_211 = arith.index_cast %add3A_210 : i32 to index
      %swap3A_212 = tpu.vector_load %arg8[%swap3A_211] {strides = array<i32>} : memref<1536xi32, #tpu.memory_space<vmem>>, vector<16xi32>,
      tpu.vector_store %arg8[%swap3A_211], %add3A_206 {strides = array<i32>} : memref<1536xi32, #tpu.memory_space<vmem>>, vector<16xi32>,
      %add3A_213 = arith.constant 3 : i32
      %add3A_214 = arith.addi %add3A_213, %scan3A_28 : i32
      %get3A_215 = arith.index_cast %add3A_214 : i32 to index
      %get3A_216 = arith.constant 224 : index
      %get3A_217 = tpu.vector_load %arg6[%get3A_215, %get3A_216] {strides = array<i32>} : memref<6x512xi32, #tpu.memory_space<vmem>>, vector<16xi32>,
      %add3A_218 = vector.broadcast %mul3A_32 : i32 to vector<16xi32>
      %add3A_219 = arith.addi %get3A_217, %add3A_218 : vector<16xi32>
      %mul3A_220 = arith.constant 512 : i32
      %mul3A_221 = arith.muli %scan3A_28, %mul3A_220 : i32
      %add3A_222 = arith.constant 224 : i32
      %add3A_223 = arith.addi %mul3A_221, %add3A_222 : i32
      %swap3A_224 = arith.index_cast %add3A_223 : i32 to index
      %swap3A_225 = tpu.vector_load %arg8[%swap3A_224] {strides = array<i32>} : memref<1536xi32, #tpu.memory_space<vmem>>, vector<16xi32>,
      tpu.vector_store %arg8[%swap3A_224], %add3A_219 {strides = array<i32>} : memref<1536xi32, #tpu.memory_space<vmem>>, vector<16xi32>,
      %add3A_226 = arith.constant 3 : i32
      %add3A_227 = arith.addi %add3A_226, %scan3A_28 : i32
      %get3A_228 = arith.index_cast %add3A_227 : i32 to index
      %get3A_229 = arith.constant 240 : index
      %get3A_230 = tpu.vector_load %arg6[%get3A_228, %get3A_229] {strides = array<i32>} : memref<6x512xi32, #tpu.memory_space<vmem>>, vector<16xi32>,
      %add3A_231 = vector.broadcast %mul3A_32 : i32 to vector<16xi32>
      %add3A_232 = arith.addi %get3A_230, %add3A_231 : vector<16xi32>
      %mul3A_233 = arith.constant 512 : i32
      %mul3A_234 = arith.muli %scan3A_28, %mul3A_233 : i32
      %add3A_235 = arith.constant 240 : i32
      %add3A_236 = arith.addi %mul3A_234, %add3A_235 : i32
      %swap3A_237 = arith.index_cast %add3A_236 : i32 to index
      %swap3A_238 = tpu.vector_load %arg8[%swap3A_237] {strides = array<i32>} : memref<1536xi32, #tpu.memory_space<vmem>>, vector<16xi32>,
      tpu.vector_store %arg8[%swap3A_237], %add3A_232 {strides = array<i32>} : memref<1536xi32, #tpu.memory_space<vmem>>, vector<16xi32>,
      %add3A_239 = arith.constant 3 : i32
      %add3A_240 = arith.addi %add3A_239, %scan3A_28 : i32
      %get3A_241 = arith.index_cast %add3A_240 : i32 to index
      %get3A_242 = arith.constant 256 : index
      %get3A_243 = tpu.vector_load %arg6[%get3A_241, %get3A_242] {strides = array<i32>} : memref<6x512xi32, #tpu.memory_space<vmem>>, vector<16xi32>,
      %add3A_244 = vector.broadcast %mul3A_32 : i32 to vector<16xi32>
      %add3A_245 = arith.addi %get3A_243, %add3A_244 : vector<16xi32>
      %mul3A_246 = arith.constant 512 : i32
      %mul3A_247 = arith.muli %scan3A_28, %mul3A_246 : i32
      %add3A_248 = arith.constant 256 : i32
      %add3A_249 = arith.addi %mul3A_247, %add3A_248 : i32
      %swap3A_250 = arith.index_cast %add3A_249 : i32 to index
      %swap3A_251 = tpu.vector_load %arg8[%swap3A_250] {strides = array<i32>} : memref<1536xi32, #tpu.memory_space<vmem>>, vector<16xi32>,
      tpu.vector_store %arg8[%swap3A_250], %add3A_245 {strides = array<i32>} : memref<1536xi32, #tpu.memory_space<vmem>>, vector<16xi32>,
      %add3A_252 = arith.constant 3 : i32
      %add3A_253 = arith.addi %add3A_252, %scan3A_28 : i32
      %get3A_254 = arith.index_cast %add3A_253 : i32 to index
      %get3A_255 = arith.constant 272 : index
      %get3A_256 = tpu.vector_load %arg6[%get3A_254, %get3A_255] {strides = array<i32>} : memref<6x512xi32, #tpu.memory_space<vmem>>, vector<16xi32>,
      %add3A_257 = vector.broadcast %mul3A_32 : i32 to vector<16xi32>
      %add3A_258 = arith.addi %get3A_256, %add3A_257 : vector<16xi32>
      %mul3A_259 = arith.constant 512 : i32
      %mul3A_260 = arith.muli %scan3A_28, %mul3A_259 : i32
      %add3A_261 = arith.constant 272 : i32
      %add3A_262 = arith.addi %mul3A_260, %add3A_261 : i32
      %swap3A_263 = arith.index_cast %add3A_262 : i32 to index
      %swap3A_264 = tpu.vector_load %arg8[%swap3A_263] {strides = array<i32>} : memref<1536xi32, #tpu.memory_space<vmem>>, vector<16xi32>,
      tpu.vector_store %arg8[%swap3A_263], %add3A_258 {strides = array<i32>} : memref<1536xi32, #tpu.memory_space<vmem>>, vector<16xi32>,
      %add3A_265 = arith.constant 3 : i32
      %add3A_266 = arith.addi %add3A_265, %scan3A_28 : i32
      %get3A_267 = arith.index_cast %add3A_266 : i32 to index
      %get3A_268 = arith.constant 288 : index
      %get3A_269 = tpu.vector_load %arg6[%get3A_267, %get3A_268] {strides = array<i32>} : memref<6x512xi32, #tpu.memory_space<vmem>>, vector<16xi32>,
      %add3A_270 = vector.broadcast %mul3A_32 : i32 to vector<16xi32>
      %add3A_271 = arith.addi %get3A_269, %add3A_270 : vector<16xi32>
      %mul3A_272 = arith.constant 512 : i32
      %mul3A_273 = arith.muli %scan3A_28, %mul3A_272 : i32
      %add3A_274 = arith.constant 288 : i32
      %add3A_275 = arith.addi %mul3A_273, %add3A_274 : i32
      %swap3A_276 = arith.index_cast %add3A_275 : i32 to index
      %swap3A_277 = tpu.vector_load %arg8[%swap3A_276] {strides = array<i32>} : memref<1536xi32, #tpu.memory_space<vmem>>, vector<16xi32>,
      tpu.vector_store %arg8[%swap3A_276], %add3A_271 {strides = array<i32>} : memref<1536xi32, #tpu.memory_space<vmem>>, vector<16xi32>,
      %add3A_278 = arith.constant 3 : i32
      %add3A_279 = arith.addi %add3A_278, %scan3A_28 : i32
      %get3A_280 = arith.index_cast %add3A_279 : i32 to index
      %get3A_281 = arith.constant 304 : index
      %get3A_282 = tpu.vector_load %arg6[%get3A_280, %get3A_281] {strides = array<i32>} : memref<6x512xi32, #tpu.memory_space<vmem>>, vector<16xi32>,
      %add3A_283 = vector.broadcast %mul3A_32 : i32 to vector<16xi32>
      %add3A_284 = arith.addi %get3A_282, %add3A_283 : vector<16xi32>
      %mul3A_285 = arith.constant 512 : i32
      %mul3A_286 = arith.muli %scan3A_28, %mul3A_285 : i32
      %add3A_287 = arith.constant 304 : i32
      %add3A_288 = arith.addi %mul3A_286, %add3A_287 : i32
      %swap3A_289 = arith.index_cast %add3A_288 : i32 to index
      %swap3A_290 = tpu.vector_load %arg8[%swap3A_289] {strides = array<i32>} : memref<1536xi32, #tpu.memory_space<vmem>>, vector<16xi32>,
      tpu.vector_store %arg8[%swap3A_289], %add3A_284 {strides = array<i32>} : memref<1536xi32, #tpu.memory_space<vmem>>, vector<16xi32>,
      %add3A_291 = arith.constant 3 : i32
      %add3A_292 = arith.addi %add3A_291, %scan3A_28 : i32
      %get3A_293 = arith.index_cast %add3A_292 : i32 to index
      %get3A_294 = arith.constant 320 : index
      %get3A_295 = tpu.vector_load %arg6[%get3A_293, %get3A_294] {strides = array<i32>} : memref<6x512xi32, #tpu.memory_space<vmem>>, vector<16xi32>,
      %add3A_296 = vector.broadcast %mul3A_32 : i32 to vector<16xi32>
      %add3A_297 = arith.addi %get3A_295, %add3A_296 : vector<16xi32>
      %mul3A_298 = arith.constant 512 : i32
      %mul3A_299 = arith.muli %scan3A_28, %mul3A_298 : i32
      %add3A_300 = arith.constant 320 : i32
      %add3A_301 = arith.addi %mul3A_299, %add3A_300 : i32
      %swap3A_302 = arith.index_cast %add3A_301 : i32 to index
      %swap3A_303 = tpu.vector_load %arg8[%swap3A_302] {strides = array<i32>} : memref<1536xi32, #tpu.memory_space<vmem>>, vector<16xi32>,
      tpu.vector_store %arg8[%swap3A_302], %add3A_297 {strides = array<i32>} : memref<1536xi32, #tpu.memory_space<vmem>>, vector<16xi32>,
      %add3A_304 = arith.constant 3 : i32
      %add3A_305 = arith.addi %add3A_304, %scan3A_28 : i32
      %get3A_306 = arith.index_cast %add3A_305 : i32 to index
      %get3A_307 = arith.constant 336 : index
      %get3A_308 = tpu.vector_load %arg6[%get3A_306, %get3A_307] {strides = array<i32>} : memref<6x512xi32, #tpu.memory_space<vmem>>, vector<16xi32>,
      %add3A_309 = vector.broadcast %mul3A_32 : i32 to vector<16xi32>
      %add3A_310 = arith.addi %get3A_308, %add3A_309 : vector<16xi32>
      %mul3A_311 = arith.constant 512 : i32
      %mul3A_312 = arith.muli %scan3A_28, %mul3A_311 : i32
      %add3A_313 = arith.constant 336 : i32
      %add3A_314 = arith.addi %mul3A_312, %add3A_313 : i32
      %swap3A_315 = arith.index_cast %add3A_314 : i32 to index
      %swap3A_316 = tpu.vector_load %arg8[%swap3A_315] {strides = array<i32>} : memref<1536xi32, #tpu.memory_space<vmem>>, vector<16xi32>,
      tpu.vector_store %arg8[%swap3A_315], %add3A_310 {strides = array<i32>} : memref<1536xi32, #tpu.memory_space<vmem>>, vector<16xi32>,
      %add3A_317 = arith.constant 3 : i32
      %add3A_318 = arith.addi %add3A_317, %scan3A_28 : i32
      %get3A_319 = arith.index_cast %add3A_318 : i32 to index
      %get3A_320 = arith.constant 352 : index
      %get3A_321 = tpu.vector_load %arg6[%get3A_319, %get3A_320] {strides = array<i32>} : memref<6x512xi32, #tpu.memory_space<vmem>>, vector<16xi32>,
      %add3A_322 = vector.broadcast %mul3A_32 : i32 to vector<16xi32>
      %add3A_323 = arith.addi %get3A_321, %add3A_322 : vector<16xi32>
      %mul3A_324 = arith.constant 512 : i32
      %mul3A_325 = arith.muli %scan3A_28, %mul3A_324 : i32
      %add3A_326 = arith.constant 352 : i32
      %add3A_327 = arith.addi %mul3A_325, %add3A_326 : i32
      %swap3A_328 = arith.index_cast %add3A_327 : i32 to index
      %swap3A_329 = tpu.vector_load %arg8[%swap3A_328] {strides = array<i32>} : memref<1536xi32, #tpu.memory_space<vmem>>, vector<16xi32>,
      tpu.vector_store %arg8[%swap3A_328], %add3A_323 {strides = array<i32>} : memref<1536xi32, #tpu.memory_space<vmem>>, vector<16xi32>,
      %add3A_330 = arith.constant 3 : i32
      %add3A_331 = arith.addi %add3A_330, %scan3A_28 : i32
      %get3A_332 = arith.index_cast %add3A_331 : i32 to index
      %get3A_333 = arith.constant 368 : index
      %get3A_334 = tpu.vector_load %arg6[%get3A_332, %get3A_333] {strides = array<i32>} : memref<6x512xi32, #tpu.memory_space<vmem>>, vector<16xi32>,
      %add3A_335 = vector.broadcast %mul3A_32 : i32 to vector<16xi32>
      %add3A_336 = arith.addi %get3A_334, %add3A_335 : vector<16xi32>
      %mul3A_337 = arith.constant 512 : i32
      %mul3A_338 = arith.muli %scan3A_28, %mul3A_337 : i32
      %add3A_339 = arith.constant 368 : i32
      %add3A_340 = arith.addi %mul3A_338, %add3A_339 : i32
      %swap3A_341 = arith.index_cast %add3A_340 : i32 to index
      %swap3A_342 = tpu.vector_load %arg8[%swap3A_341] {strides = array<i32>} : memref<1536xi32, #tpu.memory_space<vmem>>, vector<16xi32>,
      tpu.vector_store %arg8[%swap3A_341], %add3A_336 {strides = array<i32>} : memref<1536xi32, #tpu.memory_space<vmem>>, vector<16xi32>,
      %add3A_343 = arith.constant 3 : i32
      %add3A_344 = arith.addi %add3A_343, %scan3A_28 : i32
      %get3A_345 = arith.index_cast %add3A_344 : i32 to index
      %get3A_346 = arith.constant 384 : index
      %get3A_347 = tpu.vector_load %arg6[%get3A_345, %get3A_346] {strides = array<i32>} : memref<6x512xi32, #tpu.memory_space<vmem>>, vector<16xi32>,
      %add3A_348 = vector.broadcast %mul3A_32 : i32 to vector<16xi32>
      %add3A_349 = arith.addi %get3A_347, %add3A_348 : vector<16xi32>
      %mul3A_350 = arith.constant 512 : i32
      %mul3A_351 = arith.muli %scan3A_28, %mul3A_350 : i32
      %add3A_352 = arith.constant 384 : i32
      %add3A_353 = arith.addi %mul3A_351, %add3A_352 : i32
      %swap3A_354 = arith.index_cast %add3A_353 : i32 to index
      %swap3A_355 = tpu.vector_load %arg8[%swap3A_354] {strides = array<i32>} : memref<1536xi32, #tpu.memory_space<vmem>>, vector<16xi32>,
      tpu.vector_store %arg8[%swap3A_354], %add3A_349 {strides = array<i32>} : memref<1536xi32, #tpu.memory_space<vmem>>, vector<16xi32>,
      %add3A_356 = arith.constant 3 : i32
      %add3A_357 = arith.addi %add3A_356, %scan3A_28 : i32
      %get3A_358 = arith.index_cast %add3A_357 : i32 to index
      %get3A_359 = arith.constant 400 : index
      %get3A_360 = tpu.vector_load %arg6[%get3A_358, %get3A_359] {strides = array<i32>} : memref<6x512xi32, #tpu.memory_space<vmem>>, vector<16xi32>,
      %add3A_361 = vector.broadcast %mul3A_32 : i32 to vector<16xi32>
      %add3A_362 = arith.addi %get3A_360, %add3A_361 : vector<16xi32>
      %mul3A_363 = arith.constant 512 : i32
      %mul3A_364 = arith.muli %scan3A_28, %mul3A_363 : i32
      %add3A_365 = arith.constant 400 : i32
      %add3A_366 = arith.addi %mul3A_364, %add3A_365 : i32
      %swap3A_367 = arith.index_cast %add3A_366 : i32 to index
      %swap3A_368 = tpu.vector_load %arg8[%swap3A_367] {strides = array<i32>} : memref<1536xi32, #tpu.memory_space<vmem>>, vector<16xi32>,
      tpu.vector_store %arg8[%swap3A_367], %add3A_362 {strides = array<i32>} : memref<1536xi32, #tpu.memory_space<vmem>>, vector<16xi32>,
      %add3A_369 = arith.constant 3 : i32
      %add3A_370 = arith.addi %add3A_369, %scan3A_28 : i32
      %get3A_371 = arith.index_cast %add3A_370 : i32 to index
      %get3A_372 = arith.constant 416 : index
      %get3A_373 = tpu.vector_load %arg6[%get3A_371, %get3A_372] {strides = array<i32>} : memref<6x512xi32, #tpu.memory_space<vmem>>, vector<16xi32>,
      %add3A_374 = vector.broadcast %mul3A_32 : i32 to vector<16xi32>
      %add3A_375 = arith.addi %get3A_373, %add3A_374 : vector<16xi32>
      %mul3A_376 = arith.constant 512 : i32
      %mul3A_377 = arith.muli %scan3A_28, %mul3A_376 : i32
      %add3A_378 = arith.constant 416 : i32
      %add3A_379 = arith.addi %mul3A_377, %add3A_378 : i32
      %swap3A_380 = arith.index_cast %add3A_379 : i32 to index
      %swap3A_381 = tpu.vector_load %arg8[%swap3A_380] {strides = array<i32>} : memref<1536xi32, #tpu.memory_space<vmem>>, vector<16xi32>,
      tpu.vector_store %arg8[%swap3A_380], %add3A_375 {strides = array<i32>} : memref<1536xi32, #tpu.memory_space<vmem>>, vector<16xi32>,
      %add3A_382 = arith.constant 3 : i32
      %add3A_383 = arith.addi %add3A_382, %scan3A_28 : i32
      %get3A_384 = arith.index_cast %add3A_383 : i32 to index
      %get3A_385 = arith.constant 432 : index
      %get3A_386 = tpu.vector_load %arg6[%get3A_384, %get3A_385] {strides = array<i32>} : memref<6x512xi32, #tpu.memory_space<vmem>>, vector<16xi32>,
      %add3A_387 = vector.broadcast %mul3A_32 : i32 to vector<16xi32>
      %add3A_388 = arith.addi %get3A_386, %add3A_387 : vector<16xi32>
      %mul3A_389 = arith.constant 512 : i32
      %mul3A_390 = arith.muli %scan3A_28, %mul3A_389 : i32
      %add3A_391 = arith.constant 432 : i32
      %add3A_392 = arith.addi %mul3A_390, %add3A_391 : i32
      %swap3A_393 = arith.index_cast %add3A_392 : i32 to index
      %swap3A_394 = tpu.vector_load %arg8[%swap3A_393] {strides = array<i32>} : memref<1536xi32, #tpu.memory_space<vmem>>, vector<16xi32>,
      tpu.vector_store %arg8[%swap3A_393], %add3A_388 {strides = array<i32>} : memref<1536xi32, #tpu.memory_space<vmem>>, vector<16xi32>,
      %add3A_395 = arith.constant 3 : i32
      %add3A_396 = arith.addi %add3A_395, %scan3A_28 : i32
      %get3A_397 = arith.index_cast %add3A_396 : i32 to index
      %get3A_398 = arith.constant 448 : index
      %get3A_399 = tpu.vector_load %arg6[%get3A_397, %get3A_398] {strides = array<i32>} : memref<6x512xi32, #tpu.memory_space<vmem>>, vector<16xi32>,
      %add3A_400 = vector.broadcast %mul3A_32 : i32 to vector<16xi32>
      %add3A_401 = arith.addi %get3A_399, %add3A_400 : vector<16xi32>
      %mul3A_402 = arith.constant 512 : i32
      %mul3A_403 = arith.muli %scan3A_28, %mul3A_402 : i32
      %add3A_404 = arith.constant 448 : i32
      %add3A_405 = arith.addi %mul3A_403, %add3A_404 : i32
      %swap3A_406 = arith.index_cast %add3A_405 : i32 to index
      %swap3A_407 = tpu.vector_load %arg8[%swap3A_406] {strides = array<i32>} : memref<1536xi32, #tpu.memory_space<vmem>>, vector<16xi32>,
      tpu.vector_store %arg8[%swap3A_406], %add3A_401 {strides = array<i32>} : memref<1536xi32, #tpu.memory_space<vmem>>, vector<16xi32>,
      %add3A_408 = arith.constant 3 : i32
      %add3A_409 = arith.addi %add3A_408, %scan3A_28 : i32
      %get3A_410 = arith.index_cast %add3A_409 : i32 to index
      %get3A_411 = arith.constant 464 : index
      %get3A_412 = tpu.vector_load %arg6[%get3A_410, %get3A_411] {strides = array<i32>} : memref<6x512xi32, #tpu.memory_space<vmem>>, vector<16xi32>,
      %add3A_413 = vector.broadcast %mul3A_32 : i32 to vector<16xi32>
      %add3A_414 = arith.addi %get3A_412, %add3A_413 : vector<16xi32>
      %mul3A_415 = arith.constant 512 : i32
      %mul3A_416 = arith.muli %scan3A_28, %mul3A_415 : i32
      %add3A_417 = arith.constant 464 : i32
      %add3A_418 = arith.addi %mul3A_416, %add3A_417 : i32
      %swap3A_419 = arith.index_cast %add3A_418 : i32 to index
      %swap3A_420 = tpu.vector_load %arg8[%swap3A_419] {strides = array<i32>} : memref<1536xi32, #tpu.memory_space<vmem>>, vector<16xi32>,
      tpu.vector_store %arg8[%swap3A_419], %add3A_414 {strides = array<i32>} : memref<1536xi32, #tpu.memory_space<vmem>>, vector<16xi32>,
      %add3A_421 = arith.constant 3 : i32
      %add3A_422 = arith.addi %add3A_421, %scan3A_28 : i32
      %get3A_423 = arith.index_cast %add3A_422 : i32 to index
      %get3A_424 = arith.constant 480 : index
      %get3A_425 = tpu.vector_load %arg6[%get3A_423, %get3A_424] {strides = array<i32>} : memref<6x512xi32, #tpu.memory_space<vmem>>, vector<16xi32>,
      %add3A_426 = vector.broadcast %mul3A_32 : i32 to vector<16xi32>
      %add3A_427 = arith.addi %get3A_425, %add3A_426 : vector<16xi32>
      %mul3A_428 = arith.constant 512 : i32
      %mul3A_429 = arith.muli %scan3A_28, %mul3A_428 : i32
      %add3A_430 = arith.constant 480 : i32
      %add3A_431 = arith.addi %mul3A_429, %add3A_430 : i32
      %swap3A_432 = arith.index_cast %add3A_431 : i32 to index
      %swap3A_433 = tpu.vector_load %arg8[%swap3A_432] {strides = array<i32>} : memref<1536xi32, #tpu.memory_space<vmem>>, vector<16xi32>,
      tpu.vector_store %arg8[%swap3A_432], %add3A_427 {strides = array<i32>} : memref<1536xi32, #tpu.memory_space<vmem>>, vector<16xi32>,
      %add3A_434 = arith.constant 3 : i32
      %add3A_435 = arith.addi %add3A_434, %scan3A_28 : i32
      %get3A_436 = arith.index_cast %add3A_435 : i32 to index
      %get3A_437 = arith.constant 496 : index
      %get3A_438 = tpu.vector_load %arg6[%get3A_436, %get3A_437] {strides = array<i32>} : memref<6x512xi32, #tpu.memory_space<vmem>>, vector<16xi32>,
      %add3A_439 = vector.broadcast %mul3A_32 : i32 to vector<16xi32>
      %add3A_440 = arith.addi %get3A_438, %add3A_439 : vector<16xi32>
      %mul3A_441 = arith.constant 512 : i32
      %mul3A_442 = arith.muli %scan3A_28, %mul3A_441 : i32
      %add3A_443 = arith.constant 496 : i32
      %add3A_444 = arith.addi %mul3A_442, %add3A_443 : i32
      %swap3A_445 = arith.index_cast %add3A_444 : i32 to index
      %swap3A_446 = tpu.vector_load %arg8[%swap3A_445] {strides = array<i32>} : memref<1536xi32, #tpu.memory_space<vmem>>, vector<16xi32>,
      tpu.vector_store %arg8[%swap3A_445], %add3A_440 {strides = array<i32>} : memref<1536xi32, #tpu.memory_space<vmem>>, vector<16xi32>,
    }
    %scan3A_12 = arith.constant 3 : i32
    %dma_start3A_13 = arith.constant 0 : i32
    %dma_start3A_14 = tpu.memref_slice %arg3[%dma_start3A_13] : memref<614400xf32, #tpu.memory_space<hbm>> -> memref<614400xf32, #tpu.memory_space<hbm>>
    tpu.enqueue_indirect_dma source(%dma_start3A_14 : memref<614400xf32, #tpu.memory_space<hbm>>) target(%arg10 : memref<1536xf32, #tpu.memory_space<vmem>>) offsets(%arg8 : memref<1536xi32, #tpu.memory_space<vmem>>) semaphore(%arg13 : memref<!tpu.dma_semaphore, #tpu.memory_space<semaphore_mem>>)
    "tpu.region"() ({
      %run_scoped3A = tpu.sem_alloc : memref<!tpu.dma_semaphore, #tpu.memory_space<semaphore_mem>>
      %dma_start3A_28 = tpu.memref_slice %arg4[%mul3A_2] : memref<16384xf32, #tpu.memory_space<hbm>> -> memref<512xf32, #tpu.memory_space<hbm>>
      %dma_start3A_29 = tpu.memref_slice %arg4[%mul3A_2] : memref<16384xf32, #tpu.memory_space<hbm>> -> memref<512xf32, #tpu.memory_space<hbm>>
      tpu.enqueue_dma source(%dma_start3A_29 : memref<512xf32, #tpu.memory_space<hbm>>) target(%arg11 : memref<512xf32, #tpu.memory_space<vmem>>) target_semaphore(%run_scoped3A : memref<!tpu.dma_semaphore, #tpu.memory_space<semaphore_mem>>)
      %dma_wait3A_30 = tpu.memref_slice %arg4[%mul3A_2] : memref<16384xf32, #tpu.memory_space<hbm>> -> memref<512xf32, #tpu.memory_space<hbm>>
      %dma_wait3A_31 = tpu.memref_slice %arg4[%mul3A_2] : memref<16384xf32, #tpu.memory_space<hbm>> -> memref<512xf32, #tpu.memory_space<hbm>>
      tpu.wait_dma2 semaphore(%run_scoped3A : memref<!tpu.dma_semaphore, #tpu.memory_space<semaphore_mem>>) src(%dma_wait3A_31 : memref<512xf32, #tpu.memory_space<hbm>>) dst(%arg11 : memref<512xf32, #tpu.memory_space<vmem>>)
      tpu.yield
    }) : () -> ()
    %dma_wait3A = arith.constant 0 : i32
    %dma_wait3A_15 = tpu.memref_slice %arg3[%dma_wait3A] : memref<614400xf32, #tpu.memory_space<hbm>> -> memref<614400xf32, #tpu.memory_space<hbm>>
    tpu.wait_indirect_dma semaphore(%arg12 : memref<!tpu.dma_semaphore, #tpu.memory_space<semaphore_mem>>) src(%dma_wait3A_15 : memref<614400xf32, #tpu.memory_space<hbm>>) dst(%arg9 : memref<1536xf32, #tpu.memory_space<vmem>>)
    %scan3A_16 = arith.constant 0 : i32
    %scan3A_17 = arith.constant 32 : i32
    %scan3A_18 = arith.addi %scan3A_16, %scan3A_17 : i32
    %scan3A_19 = arith.constant 1 : i32
    scf.for %scan3A_28 = %scan3A_16 to %scan3A_18 step %scan3A_19  : i32 {
      %mul3A_29 = arith.constant 16 : i32
      %mul3A_30 = arith.muli %scan3A_28, %mul3A_29 : i32
      %get3A = arith.index_cast %mul3A_30 : i32 to index
      %get3A_31 = tpu.vector_load %arg11[%get3A] {strides = array<i32>} : memref<512xf32, #tpu.memory_space<vmem>>, vector<16xf32>,
      %mul3A_32 = arith.constant 16 : i32
      %mul3A_33 = arith.muli %scan3A_28, %mul3A_32 : i32
      %add3A_34 = arith.constant 0 : i32
      %add3A_35 = arith.addi %add3A_34, %mul3A_33 : i32
      %get3A_36 = arith.index_cast %add3A_35 : i32 to index
      %get3A_37 = tpu.vector_load %arg9[%get3A_36] {strides = array<i32>} : memref<1536xf32, #tpu.memory_space<vmem>>, vector<16xf32>,
      %add3A_38 = arith.addf %get3A_31, %get3A_37 : vector<16xf32>
      %mul3A_39 = arith.constant 16 : i32
      %mul3A_40 = arith.muli %scan3A_28, %mul3A_39 : i32
      %add3A_41 = arith.constant 512 : i32
      %add3A_42 = arith.addi %add3A_41, %mul3A_40 : i32
      %get3A_43 = arith.index_cast %add3A_42 : i32 to index
      %get3A_44 = tpu.vector_load %arg9[%get3A_43] {strides = array<i32>} : memref<1536xf32, #tpu.memory_space<vmem>>, vector<16xf32>,
      %add3A_45 = arith.addf %add3A_38, %get3A_44 : vector<16xf32>
      %mul3A_46 = arith.constant 16 : i32
      %mul3A_47 = arith.muli %scan3A_28, %mul3A_46 : i32
      %add3A_48 = arith.constant 1024 : i32
      %add3A_49 = arith.addi %add3A_48, %mul3A_47 : i32
      %get3A_50 = arith.index_cast %add3A_49 : i32 to index
      %get3A_51 = tpu.vector_load %arg9[%get3A_50] {strides = array<i32>} : memref<1536xf32, #tpu.memory_space<vmem>>, vector<16xf32>,
      %add3A_52 = arith.addf %add3A_45, %get3A_51 : vector<16xf32>
      %mul3A_53 = arith.constant 16 : i32
      %mul3A_54 = arith.muli %scan3A_28, %mul3A_53 : i32
      %swap3A = arith.index_cast %mul3A_54 : i32 to index
      %swap3A_55 = tpu.vector_load %arg11[%swap3A] {strides = array<i32>} : memref<512xf32, #tpu.memory_space<vmem>>, vector<16xf32>,
      tpu.vector_store %arg11[%swap3A], %add3A_52 {strides = array<i32>} : memref<512xf32, #tpu.memory_space<vmem>>, vector<16xf32>,
    }
    %scan3A_20 = arith.constant 32 : i32
    %dma_wait3A_21 = arith.constant 0 : i32
    %dma_wait3A_22 = tpu.memref_slice %arg3[%dma_wait3A_21] : memref<614400xf32, #tpu.memory_space<hbm>> -> memref<614400xf32, #tpu.memory_space<hbm>>
    tpu.wait_indirect_dma semaphore(%arg13 : memref<!tpu.dma_semaphore, #tpu.memory_space<semaphore_mem>>) src(%dma_wait3A_22 : memref<614400xf32, #tpu.memory_space<hbm>>) dst(%arg10 : memref<1536xf32, #tpu.memory_space<vmem>>)
    %scan3A_23 = arith.constant 0 : i32
    %scan3A_24 = arith.constant 32 : i32
    %scan3A_25 = arith.addi %scan3A_23, %scan3A_24 : i32
    %scan3A_26 = arith.constant 1 : i32
    scf.for %scan3A_28 = %scan3A_23 to %scan3A_25 step %scan3A_26  : i32 {
      %mul3A_29 = arith.constant 16 : i32
      %mul3A_30 = arith.muli %scan3A_28, %mul3A_29 : i32
      %get3A = arith.index_cast %mul3A_30 : i32 to index
      %get3A_31 = tpu.vector_load %arg11[%get3A] {strides = array<i32>} : memref<512xf32, #tpu.memory_space<vmem>>, vector<16xf32>,
      %mul3A_32 = arith.constant 16 : i32
      %mul3A_33 = arith.muli %scan3A_28, %mul3A_32 : i32
      %add3A_34 = arith.constant 0 : i32
      %add3A_35 = arith.addi %add3A_34, %mul3A_33 : i32
      %get3A_36 = arith.index_cast %add3A_35 : i32 to index
      %get3A_37 = tpu.vector_load %arg10[%get3A_36] {strides = array<i32>} : memref<1536xf32, #tpu.memory_space<vmem>>, vector<16xf32>,
      %add3A_38 = arith.addf %get3A_31, %get3A_37 : vector<16xf32>
      %mul3A_39 = arith.constant 16 : i32
      %mul3A_40 = arith.muli %scan3A_28, %mul3A_39 : i32
      %add3A_41 = arith.constant 512 : i32
      %add3A_42 = arith.addi %add3A_41, %mul3A_40 : i32
      %get3A_43 = arith.index_cast %add3A_42 : i32 to index
      %get3A_44 = tpu.vector_load %arg10[%get3A_43] {strides = array<i32>} : memref<1536xf32, #tpu.memory_space<vmem>>, vector<16xf32>,
      %add3A_45 = arith.addf %add3A_38, %get3A_44 : vector<16xf32>
      %mul3A_46 = arith.constant 16 : i32
      %mul3A_47 = arith.muli %scan3A_28, %mul3A_46 : i32
      %add3A_48 = arith.constant 1024 : i32
      %add3A_49 = arith.addi %add3A_48, %mul3A_47 : i32
      %get3A_50 = arith.index_cast %add3A_49 : i32 to index
      %get3A_51 = tpu.vector_load %arg10[%get3A_50] {strides = array<i32>} : memref<1536xf32, #tpu.memory_space<vmem>>, vector<16xf32>,
      %add3A_52 = arith.addf %add3A_45, %get3A_51 : vector<16xf32>
      %neg3A = arith.constant 0.000000e+00 : f32
      %neg3A_53 = vector.broadcast %neg3A : f32 to vector<16xf32>
      %neg3A_54 = arith.subf %neg3A_53, %add3A_52 : vector<16xf32>
      %exp3A = math.exp %neg3A_54 : vector<16xf32>
      %add3A_55 = arith.constant 1.000000e+00 : f32
      %add3A_56 = vector.broadcast %add3A_55 : f32 to vector<16xf32>
      %add3A_57 = arith.addf %add3A_56, %exp3A : vector<16xf32>
      %div3A = arith.constant 1.000000e+00 : f32
      %div3A_58 = vector.broadcast %div3A : f32 to vector<16xf32>
      %div3A_59 = arith.divf %div3A_58, %add3A_57 : vector<16xf32>
      %mul3A_60 = arith.constant 16 : i32
      %mul3A_61 = arith.muli %scan3A_28, %mul3A_60 : i32
      %swap3A = arith.index_cast %mul3A_61 : i32 to index
      %swap3A_62 = tpu.vector_load %arg11[%swap3A] {strides = array<i32>} : memref<512xf32, #tpu.memory_space<vmem>>, vector<16xf32>,
      tpu.vector_store %arg11[%swap3A], %div3A_59 {strides = array<i32>} : memref<512xf32, #tpu.memory_space<vmem>>, vector<16xf32>,
    }
    %scan3A_27 = arith.constant 32 : i32
    "tpu.region"() ({
      %run_scoped3A = tpu.sem_alloc : memref<!tpu.dma_semaphore, #tpu.memory_space<semaphore_mem>>
      %dma_start3A_28 = tpu.memref_slice %arg5[%mul3A_2] : memref<16384xf32, #tpu.memory_space<hbm>> -> memref<512xf32, #tpu.memory_space<hbm>>
      %dma_start3A_29 = tpu.memref_slice %arg5[%mul3A_2] : memref<16384xf32, #tpu.memory_space<hbm>> -> memref<512xf32, #tpu.memory_space<hbm>>
      tpu.enqueue_dma source(%arg11 : memref<512xf32, #tpu.memory_space<vmem>>) target(%dma_start3A_29 : memref<512xf32, #tpu.memory_space<hbm>>) target_semaphore(%run_scoped3A : memref<!tpu.dma_semaphore, #tpu.memory_space<semaphore_mem>>)
      %dma_wait3A_30 = tpu.memref_slice %arg5[%mul3A_2] : memref<16384xf32, #tpu.memory_space<hbm>> -> memref<512xf32, #tpu.memory_space<hbm>>
      %dma_wait3A_31 = tpu.memref_slice %arg5[%mul3A_2] : memref<16384xf32, #tpu.memory_space<hbm>> -> memref<512xf32, #tpu.memory_space<hbm>>
      tpu.wait_dma2 semaphore(%run_scoped3A : memref<!tpu.dma_semaphore, #tpu.memory_space<semaphore_mem>>) src(%arg11 : memref<512xf32, #tpu.memory_space<vmem>>) dst(%dma_wait3A_31 : memref<512xf32, #tpu.memory_space<hbm>>)
      tpu.yield
    }) : () -> ()
    return
  }
}

module attributes {stable_mosaic.version = 14 : i64} {
  func.func @_fold_body(%arg0: i32, %arg1: i32, %arg2: memref<1x16x102400xf32, #tpu.memory_space<vmem>>, %arg3: memref<1x1x102400xf32, #tpu.memory_space<vmem>>, %arg4: memref<26x16xf32, #tpu.memory_space<vmem>>, %arg5: memref<102400xf32, #tpu.memory_space<vmem>>) attributes {dimension_semantics = [#tpu.dimension_semantics<arbitrary>, #tpu.dimension_semantics<arbitrary>], iteration_bounds = array<i64: 10, 1>, scalar_prefetch = 0 : i64, scratch_operands = 0 : i64, tpu.core_type = #tpu.core_type<tc>, window_params = [{transform_indices = @transform_0, window_bounds = array<i64: 1, 16, 102400>}, {transform_indices = @transform_1, window_bounds = array<i64: 1, 1, 102400>}, {pipeline_mode = #tpu.pipeline_mode<synchronous>, transform_indices = @transform_2, window_bounds = array<i64: 26, 16>}, {transform_indices = @transform_3, window_bounds = array<i64: 102400>}]} {
    %get3A = arith.constant 0 : index
    %get3A_0 = arith.constant 0 : index
    %get3A_1 = arith.constant 0 : index
    %get3A_2 = vector.load %arg2[%get3A, %get3A_0, %get3A_1] : memref<1x16x102400xf32, #tpu.memory_space<vmem>>, vector<1x16x102400xf32>
    %get3A_3 = vector.shape_cast %get3A_2 : vector<1x16x102400xf32> to vector<16x102400xf32>
    %add3A = arith.constant 0 : i32
    %add3A_4 = arith.addi %add3A, %arg0 : i32
    %get3A_5 = arith.index_cast %add3A_4 : i32 to index
    %get3A_6 = arith.constant 0 : index
    %get3A_7 = vector.load %arg4[%get3A_5, %get3A_6] : memref<26x16xf32, #tpu.memory_space<vmem>>, vector<1x16xf32>
    %get3A_8 = vector.shape_cast %get3A_7 : vector<1x16xf32> to vector<16xf32>
    %broadcast_in_dim3A = vector.shape_cast %get3A_8 : vector<16xf32> to vector<1x16xf32>
    %dot_general3A = arith.constant dense<0.000000e+00> : vector<1x102400xf32>
    %dot_general3A_9 = tpu.matmul %broadcast_in_dim3A, %get3A_3, %dot_general3A {dimension_numbers = #tpu.dot_dimension_numbers<[1], [0], [0], [1], [0, 0, 1, 1], [], []>, transpose_lhs_hint = false} : vector<1x16xf32>, vector<16x102400xf32>, vector<1x102400xf32> -> vector<1x102400xf32>
    %get3A_10 = arith.constant 0 : index
    %get3A_11 = arith.constant 0 : index
    %get3A_12 = arith.constant 0 : index
    %get3A_13 = vector.load %arg3[%get3A_10, %get3A_11, %get3A_12] : memref<1x1x102400xf32, #tpu.memory_space<vmem>>, vector<1x1x102400xf32>
    %get3A_14 = vector.shape_cast %get3A_13 : vector<1x1x102400xf32> to vector<102400xf32>
    %squeeze3A = vector.shape_cast %dot_general3A_9 : vector<1x102400xf32> to vector<102400xf32>
    %add3A_15 = arith.addf %get3A_14, %squeeze3A : vector<102400xf32>
    %swap3A = arith.constant 0 : index
    %swap3A_16 = vector.load %arg5[%swap3A] : memref<102400xf32, #tpu.memory_space<vmem>>, vector<102400xf32>
    tpu.vector_store %arg5[%swap3A], %add3A_15 {strides = array<i32>} : memref<102400xf32, #tpu.memory_space<vmem>>, vector<102400xf32>,
    return
  }
  func.func @transform_0(%arg0: i32, %arg1: i32) -> (i32, i32, i32) {
    %add3A = arith.constant 0 : i32
    %add3A_0 = arith.addi %add3A, %arg0 : i32
    %c0_i32 = arith.constant 0 : i32
    %c0_i32_1 = arith.constant 0 : i32
    return %add3A_0, %c0_i32, %arg1 : i32, i32, i32
  }
  func.func @transform_1(%arg0: i32, %arg1: i32) -> (i32, i32, i32) {
    %add3A = arith.constant 0 : i32
    %add3A_0 = arith.addi %add3A, %arg0 : i32
    %c0_i32 = arith.constant 0 : i32
    %c0_i32_1 = arith.constant 0 : i32
    return %add3A_0, %c0_i32, %arg1 : i32, i32, i32
  }
  func.func @transform_2(%arg0: i32, %arg1: i32) -> (i32, i32) {
    %c0_i32 = arith.constant 0 : i32
    %c0_i32_0 = arith.constant 0 : i32
    %c0_i32_1 = arith.constant 0 : i32
    return %c0_i32, %c0_i32_0 : i32, i32
  }
  func.func @transform_3(%arg0: i32, %arg1: i32) -> i32 {
    %c0_i32 = arith.constant 0 : i32
    return %arg0 : i32
  }
}

module attributes {stable_mosaic.version = 14 : i64} {
  func.func @_fold_body(%arg0: i32, %arg1: i32, %arg2: memref<1x16x102400xf32, #tpu.memory_space<vmem>>, %arg3: memref<1x1x102400xf32, #tpu.memory_space<vmem>>, %arg4: memref<26x16xf32, #tpu.memory_space<vmem>>, %arg5: memref<102400xf32, #tpu.memory_space<vmem>>) attributes {dimension_semantics = [#tpu.dimension_semantics<arbitrary>, #tpu.dimension_semantics<arbitrary>], iteration_bounds = array<i64: 10, 1>, scalar_prefetch = 0 : i64, scratch_operands = 0 : i64, tpu.core_type = #tpu.core_type<tc>, window_params = [{transform_indices = @transform_0, window_bounds = array<i64: 1, 16, 102400>}, {transform_indices = @transform_1, window_bounds = array<i64: 1, 1, 102400>}, {pipeline_mode = #tpu.pipeline_mode<synchronous>, transform_indices = @transform_2, window_bounds = array<i64: 26, 16>}, {transform_indices = @transform_3, window_bounds = array<i64: 102400>}]} {
    %get3A = arith.constant 0 : index
    %get3A_0 = arith.constant 0 : index
    %get3A_1 = arith.constant 0 : index
    %get3A_2 = vector.load %arg2[%get3A, %get3A_0, %get3A_1] : memref<1x16x102400xf32, #tpu.memory_space<vmem>>, vector<1x16x102400xf32>
    %get3A_3 = vector.shape_cast %get3A_2 : vector<1x16x102400xf32> to vector<16x102400xf32>
    %add3A = arith.constant 10 : i32
    %add3A_4 = arith.addi %add3A, %arg0 : i32
    %get3A_5 = arith.index_cast %add3A_4 : i32 to index
    %get3A_6 = arith.constant 0 : index
    %get3A_7 = vector.load %arg4[%get3A_5, %get3A_6] : memref<26x16xf32, #tpu.memory_space<vmem>>, vector<1x16xf32>
    %get3A_8 = vector.shape_cast %get3A_7 : vector<1x16xf32> to vector<16xf32>
    %broadcast_in_dim3A = vector.shape_cast %get3A_8 : vector<16xf32> to vector<1x16xf32>
    %dot_general3A = arith.constant dense<0.000000e+00> : vector<1x102400xf32>
    %dot_general3A_9 = tpu.matmul %broadcast_in_dim3A, %get3A_3, %dot_general3A {dimension_numbers = #tpu.dot_dimension_numbers<[1], [0], [0], [1], [0, 0, 1, 1], [], []>, transpose_lhs_hint = false} : vector<1x16xf32>, vector<16x102400xf32>, vector<1x102400xf32> -> vector<1x102400xf32>
    %get3A_10 = arith.constant 0 : index
    %get3A_11 = arith.constant 0 : index
    %get3A_12 = arith.constant 0 : index
    %get3A_13 = vector.load %arg3[%get3A_10, %get3A_11, %get3A_12] : memref<1x1x102400xf32, #tpu.memory_space<vmem>>, vector<1x1x102400xf32>
    %get3A_14 = vector.shape_cast %get3A_13 : vector<1x1x102400xf32> to vector<102400xf32>
    %squeeze3A = vector.shape_cast %dot_general3A_9 : vector<1x102400xf32> to vector<102400xf32>
    %add3A_15 = arith.addf %get3A_14, %squeeze3A : vector<102400xf32>
    %swap3A = arith.constant 0 : index
    %swap3A_16 = vector.load %arg5[%swap3A] : memref<102400xf32, #tpu.memory_space<vmem>>, vector<102400xf32>
    tpu.vector_store %arg5[%swap3A], %add3A_15 {strides = array<i32>} : memref<102400xf32, #tpu.memory_space<vmem>>, vector<102400xf32>,
    return
  }
  func.func @transform_0(%arg0: i32, %arg1: i32) -> (i32, i32, i32) {
    %add3A = arith.constant 10 : i32
    %add3A_0 = arith.addi %add3A, %arg0 : i32
    %c0_i32 = arith.constant 0 : i32
    %c0_i32_1 = arith.constant 0 : i32
    return %add3A_0, %c0_i32, %arg1 : i32, i32, i32
  }
  func.func @transform_1(%arg0: i32, %arg1: i32) -> (i32, i32, i32) {
    %add3A = arith.constant 10 : i32
    %add3A_0 = arith.addi %add3A, %arg0 : i32
    %c0_i32 = arith.constant 0 : i32
    %c0_i32_1 = arith.constant 0 : i32
    return %add3A_0, %c0_i32, %arg1 : i32, i32, i32
  }
  func.func @transform_2(%arg0: i32, %arg1: i32) -> (i32, i32) {
    %c0_i32 = arith.constant 0 : i32
    %c0_i32_0 = arith.constant 0 : i32
    %c0_i32_1 = arith.constant 0 : i32
    return %c0_i32, %c0_i32_0 : i32, i32
  }
  func.func @transform_3(%arg0: i32, %arg1: i32) -> i32 {
    %c0_i32 = arith.constant 0 : i32
    return %arg0 : i32
  }
}

module attributes {stable_mosaic.version = 14 : i64} {
  func.func @_fold_body(%arg0: i32, %arg1: i32, %arg2: memref<1x16x102400xf32, #tpu.memory_space<vmem>>, %arg3: memref<1x1x102400xf32, #tpu.memory_space<vmem>>, %arg4: memref<26x16xf32, #tpu.memory_space<vmem>>, %arg5: memref<102400xf32, #tpu.memory_space<vmem>>) attributes {dimension_semantics = [#tpu.dimension_semantics<arbitrary>, #tpu.dimension_semantics<arbitrary>], iteration_bounds = array<i64: 6, 1>, scalar_prefetch = 0 : i64, scratch_operands = 0 : i64, tpu.core_type = #tpu.core_type<tc>, window_params = [{transform_indices = @transform_0, window_bounds = array<i64: 1, 16, 102400>}, {transform_indices = @transform_1, window_bounds = array<i64: 1, 1, 102400>}, {pipeline_mode = #tpu.pipeline_mode<synchronous>, transform_indices = @transform_2, window_bounds = array<i64: 26, 16>}, {transform_indices = @transform_3, window_bounds = array<i64: 102400>}]} {
    %get3A = arith.constant 0 : index
    %get3A_0 = arith.constant 0 : index
    %get3A_1 = arith.constant 0 : index
    %get3A_2 = vector.load %arg2[%get3A, %get3A_0, %get3A_1] : memref<1x16x102400xf32, #tpu.memory_space<vmem>>, vector<1x16x102400xf32>
    %get3A_3 = vector.shape_cast %get3A_2 : vector<1x16x102400xf32> to vector<16x102400xf32>
    %add3A = arith.constant 20 : i32
    %add3A_4 = arith.addi %add3A, %arg0 : i32
    %get3A_5 = arith.index_cast %add3A_4 : i32 to index
    %get3A_6 = arith.constant 0 : index
    %get3A_7 = vector.load %arg4[%get3A_5, %get3A_6] : memref<26x16xf32, #tpu.memory_space<vmem>>, vector<1x16xf32>
    %get3A_8 = vector.shape_cast %get3A_7 : vector<1x16xf32> to vector<16xf32>
    %broadcast_in_dim3A = vector.shape_cast %get3A_8 : vector<16xf32> to vector<1x16xf32>
    %dot_general3A = arith.constant dense<0.000000e+00> : vector<1x102400xf32>
    %dot_general3A_9 = tpu.matmul %broadcast_in_dim3A, %get3A_3, %dot_general3A {dimension_numbers = #tpu.dot_dimension_numbers<[1], [0], [0], [1], [0, 0, 1, 1], [], []>, transpose_lhs_hint = false} : vector<1x16xf32>, vector<16x102400xf32>, vector<1x102400xf32> -> vector<1x102400xf32>
    %get3A_10 = arith.constant 0 : index
    %get3A_11 = arith.constant 0 : index
    %get3A_12 = arith.constant 0 : index
    %get3A_13 = vector.load %arg3[%get3A_10, %get3A_11, %get3A_12] : memref<1x1x102400xf32, #tpu.memory_space<vmem>>, vector<1x1x102400xf32>
    %get3A_14 = vector.shape_cast %get3A_13 : vector<1x1x102400xf32> to vector<102400xf32>
    %squeeze3A = vector.shape_cast %dot_general3A_9 : vector<1x102400xf32> to vector<102400xf32>
    %add3A_15 = arith.addf %get3A_14, %squeeze3A : vector<102400xf32>
    %swap3A = arith.constant 0 : index
    %swap3A_16 = vector.load %arg5[%swap3A] : memref<102400xf32, #tpu.memory_space<vmem>>, vector<102400xf32>
    tpu.vector_store %arg5[%swap3A], %add3A_15 {strides = array<i32>} : memref<102400xf32, #tpu.memory_space<vmem>>, vector<102400xf32>,
    return
  }
  func.func @transform_0(%arg0: i32, %arg1: i32) -> (i32, i32, i32) {
    %add3A = arith.constant 20 : i32
    %add3A_0 = arith.addi %add3A, %arg0 : i32
    %c0_i32 = arith.constant 0 : i32
    %c0_i32_1 = arith.constant 0 : i32
    return %add3A_0, %c0_i32, %arg1 : i32, i32, i32
  }
  func.func @transform_1(%arg0: i32, %arg1: i32) -> (i32, i32, i32) {
    %add3A = arith.constant 20 : i32
    %add3A_0 = arith.addi %add3A, %arg0 : i32
    %c0_i32 = arith.constant 0 : i32
    %c0_i32_1 = arith.constant 0 : i32
    return %add3A_0, %c0_i32, %arg1 : i32, i32, i32
  }
  func.func @transform_2(%arg0: i32, %arg1: i32) -> (i32, i32) {
    %c0_i32 = arith.constant 0 : i32
    %c0_i32_0 = arith.constant 0 : i32
    %c0_i32_1 = arith.constant 0 : i32
    return %c0_i32, %c0_i32_0 : i32, i32
  }
  func.func @transform_3(%arg0: i32, %arg1: i32) -> i32 {
    %c0_i32 = arith.constant 0 : i32
    return %arg0 : i32
  }
}

</mosaic_0001>

<sc_bundles>
// kernel: kernel.11.cloned.1.call-start
scs
__scs_entry_jumppad:
0x0: {  	(pc) =	sbr.rel $0x88, $3  }
0x1: {  	(tag) =	ssettag $0x0;
	lr =	simm.s32 $0x1  }
0x2: {  	[smem:$0x3F9D] =	sst lr;
	_ =	strace $0xD0000000  }
0x3: {  	_ = 	snop  }
0x4: {  	_ = 	snop  }
0x5: {  	_ = 	snop  }
0x6: {  	_ = 	snop  }
0x7: {  	_ = 	snop  }
__scs_overlays_trampoline_lowered:
0x8: {  	[smem:$0x3FAC] =	sst s0  }
0x9: {  	[smem:$0x3FAD] =	sst s1  }
0xa: {  	[smem:$0x3FAE] =	sst s2  }
0xb: {  	[smem:$0x3FAF] =	sst s3  }
0xc: {  	[smem:$0x3FB0] =	sst s4  }
0xd: {  	[smem:$0x3FB1] =	sst s5  }
0xe: {  	[smem:$0x3FB2] =	sst s6  }
0xf: {  	[smem:$0x3FB3] =	sst s7  }
0x10: {  	[smem:$0x3FB4] =	sst s8  }
0x11: {  	[smem:$0x3FB5] =	sst s9;
	s0 =	simm.s32 @!p0 $0x0  }
0x12: {  	s1 =	sld [smem:$0x3F9B];
	s0 =	simm.s32 @p0 $0x1  }
0x13: {  	[smem:$0x3FB6] =	sst s0;
	s0 =	simm.s32 @!p1 $0x0  }
0x14: {  	s2 =	sld [smem:$0x3F9A];
	s0 =	simm.s32 @p1 $0x1  }
0x15: {  	[smem:$0x3FB7] =	sst s0;
	s0 =	simm.s32 @!p2 $0x0  }
0x16: {  	s3 =	sld [smem:$0x3FDB];
	s0 =	simm.s32 @p2 $0x1  }
0x17: {  	s4 =	simm.s32 $0x1BF5;
	[smem:$0x3FB9] =	sst s0  }
0x18: {  	s0 =	sld [smem:$0x3F9C];
	_ =	swait.ge [sflag:s4], $0x0  }
0x19: {  	s7 =	sld [smem:$0x3F9D]  }
0x1a: {  	s8 =	sadd.s32 $0xFFFFE003, lr  }
0x1b: {  	s9 =	sadd.s32 $0xFFFFFEF7, lr;
	s5 =	simm.s32 $0xFFFFFFFF;
	p2 =	slt.u32 s8, $0xFFFFF086  }
0x1c: {  	p1 =	slt.u32 s9, $0xF7A;
	s5 =	simm.s32 @!p2 $0x0  }
0x1d: {  	s5 =	simm.s32 @p1 $0x1;
	p0 =	seq.s32 s7, s2  }
0x1e: {  	s7 =	smul.u32 @!p0 $0xF7A, s2;
	p2 =	seq.s32 @!p0 s5, $0x0  }
0x1f: {  	s9 =	smul.u32 $0xF7A, s1;
	s8 =	simm.s32 @!p0 $0x1BF5;
	p2 =	por !p2, p0  }
0x20: {  	[sflag:s8] =	ssyncset.s32 @!p0 $0xFFFFF086;
	s6 =	sadd.s32 @!p0 s3, s7;
	s7 =	simm.s32 @!p0 $0x108  }
0x21: {  	s3 =	sadd.s32 s3, s9;
	s6 =	sadd.s32 @!p0 $0x88, s6;
	s7 =	simm.s32 @p2 $0x1082  }
0x22: {  	[simem:s7], [sflag:s8] =	dma.local @!p0 [hbm:s6], $0xF7A  }
0x23: {  	s9 =	sor.u32 $0xD0000000, s2;
	s6 =	simm.s32 $0x108;
	_ =	swait.ge @!p0 [sflag:s8], $0x0  }
0x24: {  	s3 =	sadd.s32 $0x88, s3;
	s6 =	simm.s32 @!p1 $0x1082;
	[sflag:s4] =	ssyncset.s32 $0xFFFFF086  }
0x25: {  	[simem:s6], [sflag:s4] =	dma.local [hbm:s3], $0xF7A  }
0x26: {  	[smem:$0x3F9D] =	sst s1;
	(tag) =	ssettag s2;
	_ =	strace s9  }
0x27: {  	s1 =	sld [smem:$0x3FAD]  }
0x28: {  	s2 =	sld [smem:$0x3FAE]  }
0x29: {  	s4 =	sld [smem:$0x3FB0]  }
0x2a: {  	p0 =	seq.s32 s5, $0x0;
	s5 =	sld [smem:$0x3FB1]  }
0x2b: {  	s6 =	sld [smem:$0x3FB2]  }
0x2c: {  	s7 =	sld [smem:$0x3FB3]  }
0x2d: {  	s3 =	simm.s32 $0x108;
	s8 =	sld [smem:$0x3FB4]  }
0x2e: {  	s3 =	simm.s32 @!p0 $0x1082;
	s9 =	sld [smem:$0x3FB5]  }
0x2f: {  	lr =	sadd.s32 s0, s3;
	s0 =	sld [smem:$0x3FAC]  }
0x30: {  	s3 =	sld [smem:$0x3FAF]  }
0x31: {  	[smem:$0x3FB8] =	sst s10  }
0x32: {  	s10 =	sld [smem:$0x3FB6];
	_ =	sdelay $0x3  }
0x33: {  	p0 =	seq.s32 s10, $0x1;
	s10 =	sld [smem:$0x3FB8];
	_ =	sdelay $0x3  }
0x34: {  	[smem:$0x3FB8] =	sst s10  }
0x35: {  	s10 =	sld [smem:$0x3FB7];
	_ =	sdelay $0x3  }
0x36: {  	p1 =	seq.s32 s10, $0x1;
	s10 =	sld [smem:$0x3FB8];
	_ =	sdelay $0x3  }
0x37: {  	[smem:$0x3FB8] =	sst s10  }
0x38: {  	s10 =	sld [smem:$0x3FB9]  }
0x39: {  	_ = 	snop;
	(pc) =	sbr.ind lr, $3  }
0x3a: {  	_ = 	snop  }
0x3b: {  	_ = 	snop  }
0x3c: {  	p2 =	seq.s32 s10, $0x1;
	s10 =	sld [smem:$0x3FB8]  }
0x3d: {  	_ =	shalt  }
0x3e: {  	_ =	shalt  }
0x3f: {  	_ =	shalt  }
0x40: {  	_ =	shalt  }
0x41: {  	_ =	shalt  }
0x42: {  	_ =	shalt  }
0x43: {  	_ =	shalt  }
0x44: {  	_ =	shalt  }
0x45: {  	_ =	shalt  }
0x46: {  	_ =	shalt  }
0x47: {  	_ =	shalt  }
0x48: {  	_ =	shalt  }
0x49: {  	_ =	shalt  }
0x4a: {  	_ =	shalt  }
0x4b: {  	_ =	shalt  }
0x4c: {  	_ =	shalt  }
0x4d: {  	_ =	shalt  }
0x4e: {  	_ =	shalt  }
0x4f: {  	_ =	shalt  }
0x50: {  	_ =	shalt  }
0x51: {  	_ =	shalt  }
0x52: {  	_ =	shalt  }
0x53: {  	_ =	shalt  }
0x54: {  	_ =	shalt  }
0x55: {  	_ =	shalt  }
0x56: {  	_ =	shalt  }
0x57: {  	_ =	shalt  }
0x58: {  	_ =	shalt  }
0x59: {  	_ =	shalt  }
0x5a: {  	_ =	shalt  }
0x5b: {  	_ =	shalt  }
0x5c: {  	_ =	shalt  }
0x5d: {  	_ =	shalt  }
0x5e: {  	_ =	shalt  }
0x5f: {  	_ =	shalt  }
0x60: {  	_ =	shalt  }
0x61: {  	_ =	shalt  }
0x62: {  	_ =	shalt  }
0x63: {  	_ =	shalt  }
0x64: {  	_ =	shalt  }
0x65: {  	_ =	shalt  }
0x66: {  	_ =	shalt  }
0x67: {  	_ =	shalt  }
0x68: {  	_ =	shalt  }
0x69: {  	_ =	shalt  }
0x6a: {  	_ =	shalt  }
0x6b: {  	_ =	shalt  }
0x6c: {  	_ =	shalt  }
0x6d: {  	_ =	shalt  }
0x6e: {  	_ =	shalt  }
0x6f: {  	_ =	shalt  }
0x70: {  	_ =	shalt  }
0x71: {  	_ =	shalt  }
0x72: {  	_ =	shalt  }
0x73: {  	_ =	shalt  }
0x74: {  	_ =	shalt  }
0x75: {  	_ =	shalt  }
0x76: {  	_ =	shalt  }
0x77: {  	_ =	shalt  }
0x78: {  	_ =	shalt  }
0x79: {  	_ =	shalt  }
0x7a: {  	_ =	shalt  }
0x7b: {  	_ =	shalt  }
0x7c: {  	_ =	shalt  }
0x7d: {  	_ =	shalt  }
0x7e: {  	_ =	shalt  }
0x7f: {  	_ =	shalt  }
0x80: {  	_ =	shalt  }
0x81: {  	_ =	shalt  }
0x82: {  	_ =	shalt  }
0x83: {  	_ =	shalt  }
0x84: {  	_ =	shalt  }
0x85: {  	_ =	shalt  }
0x86: {  	_ =	shalt  }
0x87: {  	_ =	shalt  }
.Lfunc_end0:
.L_simem_size_0:
called_computation.1_lowered:
.L_overlay_start_0:
0x88: {  	s2 =	sld [smem:$0x3FD9]  }
0x89: {  	s3 =	sld [smem:$0x3FFE];
	_ =	sdelay $0x1  }
0x8a: {  	s1 =	srdreg.scid  }
0x8b: {  	s0 =	sand.u32 $0x1, s1  }
0x8c: {  	s17 =	sshll.u32 s0, $0xA;
	s2 =	sadd.s32 s3, s2  }
0x8d: {  	s2 =	sadd.s32 s2, s17  }
0x8e: {  	[smem:$0x3FC4] =	sst s2  }
0x8f: {  	_ = 	snop  }
0x90: {  	s2 =	sld [smem:$0x3FD0];
	(tm) =	ssettm $0x1  }
0x91: {  	s18 =	sld [smem:$0x3FFB];
	_ =	sdelay $0x3  }
0x92: {  	_ =	strace s18  }
0x93: {  	s3 =	sld [smem:$0x3FFC];
	_ =	sdelay $0x3  }
0x94: {  	_ =	strace s3  }
0x95: {  	s3 =	sld [smem:$0x3FFD];
	_ =	sdelay $0x3  }
0x96: {  	_ =	strace s3  }
0x97: {  	_ =	strace $0x8FFFFFFF  }
0x98: {  	s19 =	sld [smem:$0x3FDB];
	_ =	sdelay $0x1  }
0x99: {  	s4 =	simm.s32 $_scs_section_size  }
0x9a: {  	s5 =	simm.s32 $_size__tile_overlayer_lowered;
	s6 =	simm.s32 $_tile_overlayer_lowered  }
0x9b: {  	s22 =	simm.s32 $0x1BFF;
	s21 =	sshll.u32 s6, $0x1;
	s3 =	sadd.s32 s4, s19  }
0x9c: {  	s7 =	simm.s32 $0x0;
	s20 =	sshll.u32 s5, $0x1;
	s5 =	sadd.s32 s21, s3  }
0x9d: {  	[timem:s7], [sflag:s22] =	dma.local [hbm:s5], s20  }
0x9e: {  	_ =	swait.ge [sflag:s22], s20  }
0x9f: {  	s4 =	ssub.s32 $0x0, s20;
	[sflag:s22] =	ssyncset.done $0x0  }
0xa0: {  	[sflag:s22] =	ssyncadd.s32 s4;
	_ =	sdelay $0x1  }
0xa1: {  	s23 =	simm.s32 $0x1B8B  }
0xa2: {  	_ =	swait.ge [sflag:s23], $0x1  }
0xa3: {  	[sflag:s23] =	ssyncset.done $0x0  }
0xa4: {  	s25 =	simm.s32 $0x1B8E;
	s24 =	sld [smem:$0x3FFE];
	[sflag:s23] =	ssyncadd.s32 $0xFFFFFFFF  }
0xa5: {  	s26 =	simm.s32 $execute0_lowered;
	[smem:$0x3FD2] =	sst s25  }
0xa6: {  	s5 =	sshll.u32 s26, $0x1;
	_ =	strace $0x80000049;
	[dreg:$0x1] =	wrdreg $0xFFFFFFFF  }
0xa7: {  	s28 =	simm.s32 $_size_execute0_lowered;
	s3 =	sadd.s32 s3, s5;
	[dreg:$0x0] =	wrdreg $0x0  }
0xa8: {  	s5 =	sshll.u32 s28, $0x1;
	[dreg:$0x2] =	wrdreg s3  }
0xa9: {  	[dreg:$0x3] =	wrdreg s5  }
0xaa: {  	[dreg:$0x4] =	wrdreg $0xC0  }
0xab: {  	_ =	task [dreg:s7], $0x5FFFF  }
0xac: {  	[dreg:$0x1] =	wrdreg $0xFFFFFFFF  }
0xad: {  	[dreg:$0x0] =	wrdreg $0x60  }
0xae: {  	[dreg:$0x2] =	wrdreg s24  }
0xaf: {  	[dreg:$0x3] =	wrdreg s2  }
0xb0: {  	[dreg:$0x4] =	wrdreg $0x9  }
0xb1: {  	_ =	task.clear_ibuf [dreg:s7], $0x5FFFF;
	_ =	strace $0x90000049  }
0xb2: {  	s29 =	simm.s32 $0x9;
	_ =	strace $0x8000004B  }
0xb3: {  	_ =	swait.ge [sflag:s29], $0x1  }
0xb4: {  	[sflag:s29] =	ssyncadd.s32 $0xFFFFFFFF  }
0xb5: {  	_ =	strace $0x9000004B  }
0xb6: {  	_ =	sfence  }
0xb7: {  	s30 =	sld [smem:$0x0];
	_ =	sdelay $0x2  }
0xb8: {  	s31 =	sshll.u32 s1, $0xD;
	s1 =	sshrl.u32 s1, $0x2  }
0xb9: {  	s3 =	sand.u32 $0x4000, s31;
	s1 =	sadd.s32 s1, s30  }
0xba: {  	s0 =	sor.u32 s3, s0;
	s1 =	sshll.u32 s1, $0x11  }
0xbb: {  	s0 =	sor.u32 s1, s0  }
0xbc: {  	s0 =	sadd.s32 $0x8F2B, s0  }
0xbd: {  	[sflag:s0] =	ssyncadd.remote.s32 $0x1  }
0xbe: {  	_ =	sfence.sel $0xFFFF  }
0xbf: {  	[dreg:$0x0] =	wrdreg $0xFFFFFFFF;
	(pc) =	sbr.abs _section_cstart, $3  }
0xc0: {  	[dreg:$0x1] =	wrdreg $0xFFFFFFFF  }
0xc1: {  	_ =	task.clear_ibuf [dreg:s7], $0x2FFFF;
	_ =	strace $0x9FFFFFFF  }
0xc2: {  	(tm) =	ssettm $0x7FFFFFFF  }
0xc3: {  	_ =	shalt  }
tec
execute0_lowered:
.L_overlay_start_1:
0x0: {  	(tag) =	ssettag $0x1  }
0x1: {  	s3 =	rddreg [dreg:$0x0]  }
0x2: {  	s5 =	rddreg [dreg:$0x1];
	s2 =	srdreg.scid  }
0x3: {  	s0 =	rddreg [dreg:$0x2];
	s1 =	stileid.u32;
	s9 =	simm.s32 $0x4000  }
0x4: {  	s10 =	simm.s32 $0x3;
	s11 =	simm.s32 $0xA00;
	s12 =	simm.s32 $0x1400  }
0x5: {  	s13 =	simm.s32 $0x2800;
	s14 =	simm.s32 $0x1E00;
	s15 =	simm.s32 $0x3200  }
0x6: {  	s16 =	simm.s32 $0x3C00;
	s17 =	simm.s32 $0x1;
	s18 =	simm.s32 $0x2  }
0x7: {  	s19 =	simm.s32 $0x0;
	s4 =	sand.u32 $0x1, s2;
	s2 =	simm.s32 $0x0  }
0x8: {  	s6 =	sshll.u32 s1, $0x7;
	s7 =	sshll.u32 s4, $0x6;
	[smem:$0x7FF] =	sst s2  }
0x9: {  	s4 =	ssub.s32 $0x2, s4;
	s6 =	sor.u32 s7, s6;
	_ =	strace $0x8000004A  }
0xa: {  	s8 =	sshrl.u32 s4, $0x1;
	s7 =	sadd.s32 s6, s3;
	s3 =	sadd.s32 $0x2E000, s3  }
0xb: {  	s8 =	ssub.s32 s4, s8;
	s5 =	sadd.s32 s5, s6;
	s4 =	sadd.s32 $0x6C00, s7  }
0xc: {  	s6 =	sadd.s32 $0xEC00, s7;
	s7 =	smax.u32 s8, $0x1;
	s8 =	simm.s32 $0x200  }
.LBB2_1:
0xd: {  	[tilespmem:s2], [sflag:$0x3] =	stream.strided.gather [hbm4b:s4+s8], $0x1400, s9, s8, $0x38;
	[tilespmem:$0x3E00] =	vst v63  }
0xe: {  	_ =	swait.ge [sflag:s10], $0x1400  }
0xf: {  	[sflag:s10] =	ssyncset.done $0x0  }
0x10: {  	s21 =	simm.s32 $0x100;
	[sflag:s10] =	ssyncadd.s32 $0xFFFFEC00  }
0x11: {  	v0 =	vld [tilespmem:s21+$0xFFFFFF00];
	_ =	sdelay $0x4  }
0x12: {  	s20 =	simm.s32 $0x1500;
	v0 =	vadd.s32 s2, v0  }
0x13: {  	[tilespmem:s20+$0xFFFFFF00] =	vst v0  }
0x14: {  	v0 =	vld [tilespmem:s21+$0xFFFFFF10];
	_ =	sdelay $0x4  }
0x15: {  	v0 =	vadd.s32 s2, v0  }
0x16: {  	[tilespmem:s20+$0xFFFFFF10] =	vst v0  }
0x17: {  	v0 =	vld [tilespmem:s21+$0xFFFFFF20];
	_ =	sdelay $0x4  }
0x18: {  	v0 =	vadd.s32 s2, v0  }
0x19: {  	[tilespmem:s20+$0xFFFFFF20] =	vst v0  }
0x1a: {  	v0 =	vld [tilespmem:s21+$0xFFFFFF30];
	_ =	sdelay $0x4  }
0x1b: {  	v0 =	vadd.s32 s2, v0  }
0x1c: {  	[tilespmem:s20+$0xFFFFFF30] =	vst v0  }
0x1d: {  	v0 =	vld [tilespmem:s21+$0xFFFFFF40];
	_ =	sdelay $0x4  }
0x1e: {  	v0 =	vadd.s32 s2, v0  }
0x1f: {  	[tilespmem:s20+$0xFFFFFF40] =	vst v0  }
0x20: {  	v0 =	vld [tilespmem:s21+$0xFFFFFF50];
	_ =	sdelay $0x4  }
0x21: {  	v0 =	vadd.s32 s2, v0  }
0x22: {  	[tilespmem:s20+$0xFFFFFF50] =	vst v0  }
0x23: {  	v0 =	vld [tilespmem:s21+$0xFFFFFF60];
	_ =	sdelay $0x4  }
0x24: {  	v0 =	vadd.s32 s2, v0  }
0x25: {  	[tilespmem:s20+$0xFFFFFF60] =	vst v0  }
0x26: {  	v0 =	vld [tilespmem:s21+$0xFFFFFF70];
	_ =	sdelay $0x4  }
0x27: {  	v0 =	vadd.s32 s2, v0  }
0x28: {  	[tilespmem:s20+$0xFFFFFF70] =	vst v0  }
0x29: {  	v0 =	vld [tilespmem:s21+$0xFFFFFF80];
	_ =	sdelay $0x4  }
0x2a: {  	v0 =	vadd.s32 s2, v0  }
0x2b: {  	[tilespmem:s20+$0xFFFFFF80] =	vst v0  }
0x2c: {  	v0 =	vld [tilespmem:s21+$0xFFFFFF90];
	_ =	sdelay $0x4  }
0x2d: {  	v0 =	vadd.s32 s2, v0  }
0x2e: {  	[tilespmem:s20+$0xFFFFFF90] =	vst v0  }
0x2f: {  	v0 =	vld [tilespmem:s21+$0xFFFFFFA0];
	_ =	sdelay $0x4  }
0x30: {  	v0 =	vadd.s32 s2, v0  }
0x31: {  	[tilespmem:s20+$0xFFFFFFA0] =	vst v0  }
0x32: {  	v0 =	vld [tilespmem:s21+$0xFFFFFFB0];
	_ =	sdelay $0x4  }
0x33: {  	v0 =	vadd.s32 s2, v0  }
0x34: {  	[tilespmem:s20+$0xFFFFFFB0] =	vst v0  }
0x35: {  	v0 =	vld [tilespmem:s21+$0xFFFFFFC0];
	_ =	sdelay $0x4  }
0x36: {  	v0 =	vadd.s32 s2, v0  }
0x37: {  	[tilespmem:s20+$0xFFFFFFC0] =	vst v0  }
0x38: {  	v0 =	vld [tilespmem:s21+$0xFFFFFFD0];
	_ =	sdelay $0x4  }
0x39: {  	v0 =	vadd.s32 s2, v0  }
0x3a: {  	[tilespmem:s20+$0xFFFFFFD0] =	vst v0  }
0x3b: {  	v0 =	vld [tilespmem:s21+$0xFFFFFFE0];
	_ =	sdelay $0x4  }
0x3c: {  	v0 =	vadd.s32 s2, v0  }
0x3d: {  	[tilespmem:s20+$0xFFFFFFE0] =	vst v0  }
0x3e: {  	v0 =	vld [tilespmem:s21+$0xFFFFFFF0];
	_ =	sdelay $0x4  }
0x3f: {  	v0 =	vadd.s32 s2, v0  }
0x40: {  	[tilespmem:s20+$0xFFFFFFF0] =	vst v0  }
0x41: {  	v0 =	vld [tilespmem:s21+$0x0];
	_ =	sdelay $0x4  }
0x42: {  	v0 =	vadd.s32 s2, v0  }
0x43: {  	[tilespmem:s20+$0x0] =	vst v0  }
0x44: {  	v0 =	vld [tilespmem:s21+$0x10];
	_ =	sdelay $0x4  }
0x45: {  	v0 =	vadd.s32 s2, v0  }
0x46: {  	[tilespmem:s20+$0x10] =	vst v0  }
0x47: {  	v0 =	vld [tilespmem:s21+$0x20];
	_ =	sdelay $0x4  }
0x48: {  	v0 =	vadd.s32 s2, v0  }
0x49: {  	[tilespmem:s20+$0x20] =	vst v0  }
0x4a: {  	v0 =	vld [tilespmem:s21+$0x30];
	_ =	sdelay $0x4  }
0x4b: {  	v0 =	vadd.s32 s2, v0  }
0x4c: {  	[tilespmem:s20+$0x30] =	vst v0  }
0x4d: {  	v0 =	vld [tilespmem:s21+$0x40];
	_ =	sdelay $0x4  }
0x4e: {  	v0 =	vadd.s32 s2, v0  }
0x4f: {  	[tilespmem:s20+$0x40] =	vst v0  }
0x50: {  	v0 =	vld [tilespmem:s21+$0x50];
	_ =	sdelay $0x4  }
0x51: {  	v0 =	vadd.s32 s2, v0  }
0x52: {  	[tilespmem:s20+$0x50] =	vst v0  }
0x53: {  	v0 =	vld [tilespmem:s21+$0x60];
	_ =	sdelay $0x4  }
0x54: {  	v0 =	vadd.s32 s2, v0  }
0x55: {  	[tilespmem:s20+$0x60] =	vst v0  }
0x56: {  	v0 =	vld [tilespmem:s21+$0x70];
	_ =	sdelay $0x4  }
0x57: {  	v0 =	vadd.s32 s2, v0  }
0x58: {  	[tilespmem:s20+$0x70] =	vst v0  }
0x59: {  	v0 =	vld [tilespmem:s21+$0x80];
	_ =	sdelay $0x4  }
0x5a: {  	v0 =	vadd.s32 s2, v0  }
0x5b: {  	[tilespmem:s20+$0x80] =	vst v0  }
0x5c: {  	v0 =	vld [tilespmem:s21+$0x90];
	_ =	sdelay $0x4  }
0x5d: {  	v0 =	vadd.s32 s2, v0  }
0x5e: {  	[tilespmem:s20+$0x90] =	vst v0  }
0x5f: {  	v0 =	vld [tilespmem:s21+$0xA0];
	_ =	sdelay $0x4  }
0x60: {  	v0 =	vadd.s32 s2, v0  }
0x61: {  	[tilespmem:s20+$0xA0] =	vst v0  }
0x62: {  	v0 =	vld [tilespmem:s21+$0xB0];
	_ =	sdelay $0x4  }
0x63: {  	v0 =	vadd.s32 s2, v0  }
0x64: {  	[tilespmem:s20+$0xB0] =	vst v0  }
0x65: {  	v0 =	vld [tilespmem:s21+$0xC0];
	_ =	sdelay $0x4  }
0x66: {  	v0 =	vadd.s32 s2, v0  }
0x67: {  	[tilespmem:s20+$0xC0] =	vst v0  }
0x68: {  	v0 =	vld [tilespmem:s21+$0xD0];
	_ =	sdelay $0x4  }
0x69: {  	v0 =	vadd.s32 s2, v0  }
0x6a: {  	[tilespmem:s20+$0xD0] =	vst v0  }
0x6b: {  	v0 =	vld [tilespmem:s21+$0xE0];
	_ =	sdelay $0x4  }
0x6c: {  	v0 =	vadd.s32 s2, v0  }
0x6d: {  	[tilespmem:s20+$0xE0] =	vst v0  }
0x6e: {  	v0 =	vld [tilespmem:s21+$0xF0];
	_ =	sdelay $0x4  }
0x6f: {  	v0 =	vadd.s32 s2, v0  }
0x70: {  	s21 =	simm.s32 $0x300;
	[tilespmem:s20+$0xF0] =	vst v0  }
0x71: {  	s22 =	simm.s32 $0x19000;
	s23 =	simm.s32 $0x32000;
	v0 =	vld [tilespmem:s21+$0xFFFFFF00]  }
.LBB2_2:
0x72: {  	p0 =	sne.s32 s23, $0x64000;
	_ =	sdelay $0x3  }
0x73: {  	s20 =	sadd.s32 $0x200, s20;
	v0 =	vadd.s32 s22, v0  }
0x74: {  	[tilespmem:s20+$0xFFFFFF00] =	vst v0  }
0x75: {  	v0 =	vld [tilespmem:s21+$0xFFFFFF10];
	_ =	sdelay $0x4  }
0x76: {  	v0 =	vadd.s32 s22, v0  }
0x77: {  	[tilespmem:s20+$0xFFFFFF10] =	vst v0  }
0x78: {  	v0 =	vld [tilespmem:s21+$0xFFFFFF20];
	_ =	sdelay $0x4  }
0x79: {  	v0 =	vadd.s32 s22, v0  }
0x7a: {  	[tilespmem:s20+$0xFFFFFF20] =	vst v0  }
0x7b: {  	v0 =	vld [tilespmem:s21+$0xFFFFFF30];
	_ =	sdelay $0x4  }
0x7c: {  	v0 =	vadd.s32 s22, v0  }
0x7d: {  	[tilespmem:s20+$0xFFFFFF30] =	vst v0  }
0x7e: {  	v0 =	vld [tilespmem:s21+$0xFFFFFF40];
	_ =	sdelay $0x4  }
0x7f: {  	v0 =	vadd.s32 s22, v0  }
0x80: {  	[tilespmem:s20+$0xFFFFFF40] =	vst v0  }
0x81: {  	v0 =	vld [tilespmem:s21+$0xFFFFFF50];
	_ =	sdelay $0x4  }
0x82: {  	v0 =	vadd.s32 s22, v0  }
0x83: {  	[tilespmem:s20+$0xFFFFFF50] =	vst v0  }
0x84: {  	v0 =	vld [tilespmem:s21+$0xFFFFFF60];
	_ =	sdelay $0x4  }
0x85: {  	v0 =	vadd.s32 s22, v0  }
0x86: {  	[tilespmem:s20+$0xFFFFFF60] =	vst v0  }
0x87: {  	v0 =	vld [tilespmem:s21+$0xFFFFFF70];
	_ =	sdelay $0x4  }
0x88: {  	v0 =	vadd.s32 s22, v0  }
0x89: {  	[tilespmem:s20+$0xFFFFFF70] =	vst v0  }
0x8a: {  	v0 =	vld [tilespmem:s21+$0xFFFFFF80];
	_ =	sdelay $0x4  }
0x8b: {  	v0 =	vadd.s32 s22, v0  }
0x8c: {  	[tilespmem:s20+$0xFFFFFF80] =	vst v0  }
0x8d: {  	v0 =	vld [tilespmem:s21+$0xFFFFFF90];
	_ =	sdelay $0x4  }
0x8e: {  	v0 =	vadd.s32 s22, v0  }
0x8f: {  	[tilespmem:s20+$0xFFFFFF90] =	vst v0  }
0x90: {  	v0 =	vld [tilespmem:s21+$0xFFFFFFA0];
	_ =	sdelay $0x4  }
0x91: {  	v0 =	vadd.s32 s22, v0  }
0x92: {  	[tilespmem:s20+$0xFFFFFFA0] =	vst v0  }
0x93: {  	v0 =	vld [tilespmem:s21+$0xFFFFFFB0];
	_ =	sdelay $0x4  }
0x94: {  	v0 =	vadd.s32 s22, v0  }
0x95: {  	[tilespmem:s20+$0xFFFFFFB0] =	vst v0  }
0x96: {  	v0 =	vld [tilespmem:s21+$0xFFFFFFC0];
	_ =	sdelay $0x4  }
0x97: {  	v0 =	vadd.s32 s22, v0  }
0x98: {  	[tilespmem:s20+$0xFFFFFFC0] =	vst v0  }
0x99: {  	v0 =	vld [tilespmem:s21+$0xFFFFFFD0];
	_ =	sdelay $0x4  }
0x9a: {  	v0 =	vadd.s32 s22, v0  }
0x9b: {  	[tilespmem:s20+$0xFFFFFFD0] =	vst v0  }
0x9c: {  	v0 =	vld [tilespmem:s21+$0xFFFFFFE0];
	_ =	sdelay $0x4  }
0x9d: {  	v0 =	vadd.s32 s22, v0  }
0x9e: {  	[tilespmem:s20+$0xFFFFFFE0] =	vst v0  }
0x9f: {  	v0 =	vld [tilespmem:s21+$0xFFFFFFF0];
	_ =	sdelay $0x4  }
0xa0: {  	v0 =	vadd.s32 s22, v0  }
0xa1: {  	[tilespmem:s20+$0xFFFFFFF0] =	vst v0  }
0xa2: {  	v0 =	vld [tilespmem:s21+$0x0];
	_ =	sdelay $0x4  }
0xa3: {  	v0 =	vadd.s32 s22, v0  }
0xa4: {  	[tilespmem:s20+$0x0] =	vst v0  }
0xa5: {  	v0 =	vld [tilespmem:s21+$0x10];
	_ =	sdelay $0x4  }
0xa6: {  	v0 =	vadd.s32 s22, v0  }
0xa7: {  	[tilespmem:s20+$0x10] =	vst v0  }
0xa8: {  	v0 =	vld [tilespmem:s21+$0x20];
	_ =	sdelay $0x4  }
0xa9: {  	v0 =	vadd.s32 s22, v0  }
0xaa: {  	[tilespmem:s20+$0x20] =	vst v0  }
0xab: {  	v0 =	vld [tilespmem:s21+$0x30];
	_ =	sdelay $0x4  }
0xac: {  	v0 =	vadd.s32 s22, v0  }
0xad: {  	[tilespmem:s20+$0x30] =	vst v0  }
0xae: {  	v0 =	vld [tilespmem:s21+$0x40];
	_ =	sdelay $0x4  }
0xaf: {  	v0 =	vadd.s32 s22, v0  }
0xb0: {  	[tilespmem:s20+$0x40] =	vst v0  }
0xb1: {  	v0 =	vld [tilespmem:s21+$0x50];
	_ =	sdelay $0x4  }
0xb2: {  	v0 =	vadd.s32 s22, v0  }
0xb3: {  	[tilespmem:s20+$0x50] =	vst v0  }
0xb4: {  	v0 =	vld [tilespmem:s21+$0x60];
	_ =	sdelay $0x4  }
0xb5: {  	v0 =	vadd.s32 s22, v0  }
0xb6: {  	[tilespmem:s20+$0x60] =	vst v0  }
0xb7: {  	v0 =	vld [tilespmem:s21+$0x70];
	_ =	sdelay $0x4  }
0xb8: {  	v0 =	vadd.s32 s22, v0  }
0xb9: {  	[tilespmem:s20+$0x70] =	vst v0  }
0xba: {  	v0 =	vld [tilespmem:s21+$0x80];
	_ =	sdelay $0x4  }
0xbb: {  	v0 =	vadd.s32 s22, v0  }
0xbc: {  	[tilespmem:s20+$0x80] =	vst v0  }
0xbd: {  	v0 =	vld [tilespmem:s21+$0x90];
	_ =	sdelay $0x4  }
0xbe: {  	v0 =	vadd.s32 s22, v0  }
0xbf: {  	[tilespmem:s20+$0x90] =	vst v0  }
0xc0: {  	v0 =	vld [tilespmem:s21+$0xA0];
	_ =	sdelay $0x4  }
0xc1: {  	v0 =	vadd.s32 s22, v0  }
0xc2: {  	[tilespmem:s20+$0xA0] =	vst v0  }
0xc3: {  	v0 =	vld [tilespmem:s21+$0xB0];
	_ =	sdelay $0x4  }
0xc4: {  	v0 =	vadd.s32 s22, v0  }
0xc5: {  	[tilespmem:s20+$0xB0] =	vst v0  }
0xc6: {  	v0 =	vld [tilespmem:s21+$0xC0];
	_ =	sdelay $0x4  }
0xc7: {  	v0 =	vadd.s32 s22, v0  }
0xc8: {  	[tilespmem:s20+$0xC0] =	vst v0  }
0xc9: {  	v0 =	vld [tilespmem:s21+$0xD0];
	_ =	sdelay $0x4  }
0xca: {  	v0 =	vadd.s32 s22, v0  }
0xcb: {  	[tilespmem:s20+$0xD0] =	vst v0  }
0xcc: {  	v0 =	vld [tilespmem:s21+$0xE0];
	_ =	sdelay $0x4  }
0xcd: {  	v0 =	vadd.s32 s22, v0  }
0xce: {  	[tilespmem:s20+$0xE0] =	vst v0  }
0xcf: {  	v0 =	vld [tilespmem:s21+$0xF0];
	_ =	sdelay $0x2  }
.Ltmp0:
0xd0: {  	(pc) =	sbr.rel @p0 .LBB2_2-.Ltmp0, $4  }
0xd1: {  	_ = 	snop  }
0xd2: {  	v0 =	vadd.s32 s22, v0;
	s22 =	smov.u32 s23  }
0xd3: {  	s21 =	sadd.s32 $0x200, s21;
	[tilespmem:s20+$0xF0] =	vst v0  }
0xd4: {  	s23 =	sadd.s32 $0x19000, s23;
	v0 =	vld [tilespmem:s21+$0xFFFFFF00]  }
0xd5: {  	_ =	sdelay $0x3  }
0xd6: {  	s20 =	sadd.s32 $0x200, s20;
	v0 =	vadd.s32 s22, v0  }
0xd7: {  	[tilespmem:s20+$0xFFFFFF00] =	vst v0  }
0xd8: {  	v0 =	vld [tilespmem:s21+$0xFFFFFF10];
	_ =	sdelay $0x4  }
0xd9: {  	v0 =	vadd.s32 s22, v0  }
0xda: {  	[tilespmem:s20+$0xFFFFFF10] =	vst v0  }
0xdb: {  	v0 =	vld [tilespmem:s21+$0xFFFFFF20];
	_ =	sdelay $0x4  }
0xdc: {  	v0 =	vadd.s32 s22, v0  }
0xdd: {  	[tilespmem:s20+$0xFFFFFF20] =	vst v0  }
0xde: {  	v0 =	vld [tilespmem:s21+$0xFFFFFF30];
	_ =	sdelay $0x4  }
0xdf: {  	v0 =	vadd.s32 s22, v0  }
0xe0: {  	[tilespmem:s20+$0xFFFFFF30] =	vst v0  }
0xe1: {  	v0 =	vld [tilespmem:s21+$0xFFFFFF40];
	_ =	sdelay $0x4  }
0xe2: {  	v0 =	vadd.s32 s22, v0  }
0xe3: {  	[tilespmem:s20+$0xFFFFFF40] =	vst v0  }
0xe4: {  	v0 =	vld [tilespmem:s21+$0xFFFFFF50];
	_ =	sdelay $0x4  }
0xe5: {  	v0 =	vadd.s32 s22, v0  }
0xe6: {  	[tilespmem:s20+$0xFFFFFF50] =	vst v0  }
0xe7: {  	v0 =	vld [tilespmem:s21+$0xFFFFFF60];
	_ =	sdelay $0x4  }
0xe8: {  	v0 =	vadd.s32 s22, v0  }
0xe9: {  	[tilespmem:s20+$0xFFFFFF60] =	vst v0  }
0xea: {  	v0 =	vld [tilespmem:s21+$0xFFFFFF70];
	_ =	sdelay $0x4  }
0xeb: {  	v0 =	vadd.s32 s22, v0  }
0xec: {  	[tilespmem:s20+$0xFFFFFF70] =	vst v0  }
0xed: {  	v0 =	vld [tilespmem:s21+$0xFFFFFF80];
	_ =	sdelay $0x4  }
0xee: {  	v0 =	vadd.s32 s22, v0  }
0xef: {  	[tilespmem:s20+$0xFFFFFF80] =	vst v0  }
0xf0: {  	v0 =	vld [tilespmem:s21+$0xFFFFFF90];
	_ =	sdelay $0x4  }
0xf1: {  	v0 =	vadd.s32 s22, v0  }
0xf2: {  	[tilespmem:s20+$0xFFFFFF90] =	vst v0  }
0xf3: {  	v0 =	vld [tilespmem:s21+$0xFFFFFFA0];
	_ =	sdelay $0x4  }
0xf4: {  	v0 =	vadd.s32 s22, v0  }
0xf5: {  	[tilespmem:s20+$0xFFFFFFA0] =	vst v0  }
0xf6: {  	v0 =	vld [tilespmem:s21+$0xFFFFFFB0];
	_ =	sdelay $0x4  }
0xf7: {  	v0 =	vadd.s32 s22, v0  }
0xf8: {  	[tilespmem:s20+$0xFFFFFFB0] =	vst v0  }
0xf9: {  	v0 =	vld [tilespmem:s21+$0xFFFFFFC0];
	_ =	sdelay $0x4  }
0xfa: {  	v0 =	vadd.s32 s22, v0  }
0xfb: {  	[tilespmem:s20+$0xFFFFFFC0] =	vst v0  }
0xfc: {  	v0 =	vld [tilespmem:s21+$0xFFFFFFD0];
	_ =	sdelay $0x4  }
0xfd: {  	v0 =	vadd.s32 s22, v0  }
0xfe: {  	[tilespmem:s20+$0xFFFFFFD0] =	vst v0  }
0xff: {  	v0 =	vld [tilespmem:s21+$0xFFFFFFE0];
	_ =	sdelay $0x4  }
0x100: {  	v0 =	vadd.s32 s22, v0  }
0x101: {  	[tilespmem:s20+$0xFFFFFFE0] =	vst v0  }
0x102: {  	v0 =	vld [tilespmem:s21+$0xFFFFFFF0];
	_ =	sdelay $0x4  }
0x103: {  	v0 =	vadd.s32 s22, v0  }
0x104: {  	[tilespmem:s20+$0xFFFFFFF0] =	vst v0  }
0x105: {  	v0 =	vld [tilespmem:s21+$0x0];
	_ =	sdelay $0x4  }
0x106: {  	v0 =	vadd.s32 s22, v0  }
0x107: {  	[tilespmem:s20+$0x0] =	vst v0  }
0x108: {  	v0 =	vld [tilespmem:s21+$0x10];
	_ =	sdelay $0x4  }
0x109: {  	v0 =	vadd.s32 s22, v0  }
0x10a: {  	[tilespmem:s20+$0x10] =	vst v0  }
0x10b: {  	v0 =	vld [tilespmem:s21+$0x20];
	_ =	sdelay $0x4  }
0x10c: {  	v0 =	vadd.s32 s22, v0  }
0x10d: {  	[tilespmem:s20+$0x20] =	vst v0  }
0x10e: {  	v0 =	vld [tilespmem:s21+$0x30];
	_ =	sdelay $0x4  }
0x10f: {  	v0 =	vadd.s32 s22, v0  }
0x110: {  	[tilespmem:s20+$0x30] =	vst v0  }
0x111: {  	v0 =	vld [tilespmem:s21+$0x40];
	_ =	sdelay $0x4  }
0x112: {  	v0 =	vadd.s32 s22, v0  }
0x113: {  	[tilespmem:s20+$0x40] =	vst v0  }
0x114: {  	v0 =	vld [tilespmem:s21+$0x50];
	_ =	sdelay $0x4  }
0x115: {  	v0 =	vadd.s32 s22, v0  }
0x116: {  	[tilespmem:s20+$0x50] =	vst v0  }
0x117: {  	v0 =	vld [tilespmem:s21+$0x60];
	_ =	sdelay $0x4  }
0x118: {  	v0 =	vadd.s32 s22, v0  }
0x119: {  	[tilespmem:s20+$0x60] =	vst v0  }
0x11a: {  	v0 =	vld [tilespmem:s21+$0x70];
	_ =	sdelay $0x4  }
0x11b: {  	v0 =	vadd.s32 s22, v0  }
0x11c: {  	[tilespmem:s20+$0x70] =	vst v0  }
0x11d: {  	v0 =	vld [tilespmem:s21+$0x80];
	_ =	sdelay $0x4  }
0x11e: {  	v0 =	vadd.s32 s22, v0  }
0x11f: {  	[tilespmem:s20+$0x80] =	vst v0  }
0x120: {  	v0 =	vld [tilespmem:s21+$0x90];
	_ =	sdelay $0x4  }
0x121: {  	v0 =	vadd.s32 s22, v0  }
0x122: {  	[tilespmem:s20+$0x90] =	vst v0  }
0x123: {  	v0 =	vld [tilespmem:s21+$0xA0];
	_ =	sdelay $0x4  }
0x124: {  	v0 =	vadd.s32 s22, v0  }
0x125: {  	[tilespmem:s20+$0xA0] =	vst v0  }
0x126: {  	v0 =	vld [tilespmem:s21+$0xB0];
	_ =	sdelay $0x4  }
0x127: {  	v0 =	vadd.s32 s22, v0  }
0x128: {  	[tilespmem:s20+$0xB0] =	vst v0  }
0x129: {  	v0 =	vld [tilespmem:s21+$0xC0];
	_ =	sdelay $0x4  }
0x12a: {  	v0 =	vadd.s32 s22, v0  }
0x12b: {  	[tilespmem:s20+$0xC0] =	vst v0  }
0x12c: {  	v0 =	vld [tilespmem:s21+$0xD0];
	_ =	sdelay $0x4  }
0x12d: {  	v0 =	vadd.s32 s22, v0  }
0x12e: {  	[tilespmem:s20+$0xD0] =	vst v0  }
0x12f: {  	v0 =	vld [tilespmem:s21+$0xE0];
	_ =	sdelay $0x4  }
0x130: {  	v0 =	vadd.s32 s22, v0  }
0x131: {  	[tilespmem:s20+$0xE0] =	vst v0  }
0x132: {  	v0 =	vld [tilespmem:s21+$0xF0];
	_ =	sdelay $0x4  }
0x133: {  	v0 =	vadd.s32 s22, v0  }
0x134: {  	s30 =	simm.s32 $0xBF0;
	[tilespmem:s20+$0xF0] =	vst v0  }
0x135: {  	[tilespmem:s13], [sflag:$0x1] =	stream.indirect.gather [hbm4b:s3+s11], $0x1, s12, s11, $0xb8;
	[tilespmem:$0x3E00] =	vst v63  }
0x136: {  	v0 =	vld [tilespmem:s30+$0xFFFFFE10];
	_ =	sdelay $0x3  }
0x137: {  	s31 =	simm.s32 $0x7D000  }
0x138: {  	s20 =	simm.s32 $0x1F00;
	v0 =	vadd.s32 s31, v0  }
0x139: {  	[tilespmem:s20+$0xFFFFFF00] =	vst v0  }
0x13a: {  	v0 =	vld [tilespmem:s30+$0xFFFFFE20];
	_ =	sdelay $0x4  }
0x13b: {  	v0 =	vadd.s32 s31, v0  }
0x13c: {  	[tilespmem:s20+$0xFFFFFF10] =	vst v0  }
0x13d: {  	v0 =	vld [tilespmem:s30+$0xFFFFFE30];
	_ =	sdelay $0x4  }
0x13e: {  	v0 =	vadd.s32 s31, v0  }
0x13f: {  	[tilespmem:s20+$0xFFFFFF20] =	vst v0  }
0x140: {  	v0 =	vld [tilespmem:s30+$0xFFFFFE40];
	_ =	sdelay $0x4  }
0x141: {  	v0 =	vadd.s32 s31, v0  }
0x142: {  	[tilespmem:s20+$0xFFFFFF30] =	vst v0  }
0x143: {  	v0 =	vld [tilespmem:s30+$0xFFFFFE50];
	_ =	sdelay $0x4  }
0x144: {  	v0 =	vadd.s32 s31, v0  }
0x145: {  	[tilespmem:s20+$0xFFFFFF40] =	vst v0  }
0x146: {  	v0 =	vld [tilespmem:s30+$0xFFFFFE60];
	_ =	sdelay $0x4  }
0x147: {  	v0 =	vadd.s32 s31, v0  }
0x148: {  	[tilespmem:s20+$0xFFFFFF50] =	vst v0  }
0x149: {  	v0 =	vld [tilespmem:s30+$0xFFFFFE70];
	_ =	sdelay $0x4  }
0x14a: {  	v0 =	vadd.s32 s31, v0  }
0x14b: {  	[tilespmem:s20+$0xFFFFFF60] =	vst v0  }
0x14c: {  	v0 =	vld [tilespmem:s30+$0xFFFFFE80];
	_ =	sdelay $0x4  }
0x14d: {  	v0 =	vadd.s32 s31, v0  }
0x14e: {  	[tilespmem:s20+$0xFFFFFF70] =	vst v0  }
0x14f: {  	v0 =	vld [tilespmem:s30+$0xFFFFFE90];
	_ =	sdelay $0x4  }
0x150: {  	v0 =	vadd.s32 s31, v0  }
0x151: {  	[tilespmem:s20+$0xFFFFFF80] =	vst v0  }
0x152: {  	v0 =	vld [tilespmem:s30+$0xFFFFFEA0];
	_ =	sdelay $0x4  }
0x153: {  	v0 =	vadd.s32 s31, v0  }
0x154: {  	[tilespmem:s20+$0xFFFFFF90] =	vst v0  }
0x155: {  	v0 =	vld [tilespmem:s30+$0xFFFFFEB0];
	_ =	sdelay $0x4  }
0x156: {  	v0 =	vadd.s32 s31, v0  }
0x157: {  	[tilespmem:s20+$0xFFFFFFA0] =	vst v0  }
0x158: {  	v0 =	vld [tilespmem:s30+$0xFFFFFEC0];
	_ =	sdelay $0x4  }
0x159: {  	v0 =	vadd.s32 s31, v0  }
0x15a: {  	[tilespmem:s20+$0xFFFFFFB0] =	vst v0  }
0x15b: {  	v0 =	vld [tilespmem:s30+$0xFFFFFED0];
	_ =	sdelay $0x4  }
0x15c: {  	v0 =	vadd.s32 s31, v0  }
0x15d: {  	[tilespmem:s20+$0xFFFFFFC0] =	vst v0  }
0x15e: {  	v0 =	vld [tilespmem:s30+$0xFFFFFEE0];
	_ =	sdelay $0x4  }
0x15f: {  	v0 =	vadd.s32 s31, v0  }
0x160: {  	[tilespmem:s20+$0xFFFFFFD0] =	vst v0  }
0x161: {  	v0 =	vld [tilespmem:s30+$0xFFFFFEF0];
	_ =	sdelay $0x4  }
0x162: {  	v0 =	vadd.s32 s31, v0  }
0x163: {  	[tilespmem:s20+$0xFFFFFFE0] =	vst v0  }
0x164: {  	v0 =	vld [tilespmem:s30+$0xFFFFFF00];
	_ =	sdelay $0x4  }
0x165: {  	v0 =	vadd.s32 s31, v0  }
0x166: {  	[tilespmem:s20+$0xFFFFFFF0] =	vst v0  }
0x167: {  	v0 =	vld [tilespmem:s30+$0xFFFFFF10];
	_ =	sdelay $0x4  }
0x168: {  	v0 =	vadd.s32 s31, v0  }
0x169: {  	[tilespmem:s20+$0x0] =	vst v0  }
0x16a: {  	v0 =	vld [tilespmem:s30+$0xFFFFFF20];
	_ =	sdelay $0x4  }
0x16b: {  	v0 =	vadd.s32 s31, v0  }
0x16c: {  	[tilespmem:s20+$0x10] =	vst v0  }
0x16d: {  	v0 =	vld [tilespmem:s30+$0xFFFFFF30];
	_ =	sdelay $0x4  }
0x16e: {  	v0 =	vadd.s32 s31, v0  }
0x16f: {  	[tilespmem:s20+$0x20] =	vst v0  }
0x170: {  	v0 =	vld [tilespmem:s30+$0xFFFFFF40];
	_ =	sdelay $0x4  }
0x171: {  	v0 =	vadd.s32 s31, v0  }
0x172: {  	[tilespmem:s20+$0x30] =	vst v0  }
0x173: {  	v0 =	vld [tilespmem:s30+$0xFFFFFF50];
	_ =	sdelay $0x4  }
0x174: {  	v0 =	vadd.s32 s31, v0  }
0x175: {  	[tilespmem:s20+$0x40] =	vst v0  }
0x176: {  	v0 =	vld [tilespmem:s30+$0xFFFFFF60];
	_ =	sdelay $0x4  }
0x177: {  	v0 =	vadd.s32 s31, v0  }
0x178: {  	[tilespmem:s20+$0x50] =	vst v0  }
0x179: {  	v0 =	vld [tilespmem:s30+$0xFFFFFF70];
	_ =	sdelay $0x4  }
0x17a: {  	v0 =	vadd.s32 s31, v0  }
0x17b: {  	[tilespmem:s20+$0x60] =	vst v0  }
0x17c: {  	v0 =	vld [tilespmem:s30+$0xFFFFFF80];
	_ =	sdelay $0x4  }
0x17d: {  	v0 =	vadd.s32 s31, v0  }
0x17e: {  	[tilespmem:s20+$0x70] =	vst v0  }
0x17f: {  	v0 =	vld [tilespmem:s30+$0xFFFFFF90];
	_ =	sdelay $0x4  }
0x180: {  	v0 =	vadd.s32 s31, v0  }
0x181: {  	[tilespmem:s20+$0x80] =	vst v0  }
0x182: {  	v0 =	vld [tilespmem:s30+$0xFFFFFFA0];
	_ =	sdelay $0x4  }
0x183: {  	v0 =	vadd.s32 s31, v0  }
0x184: {  	[tilespmem:s20+$0x90] =	vst v0  }
0x185: {  	v0 =	vld [tilespmem:s30+$0xFFFFFFB0];
	_ =	sdelay $0x4  }
0x186: {  	v0 =	vadd.s32 s31, v0  }
0x187: {  	[tilespmem:s20+$0xA0] =	vst v0  }
0x188: {  	v0 =	vld [tilespmem:s30+$0xFFFFFFC0];
	_ =	sdelay $0x4  }
0x189: {  	v0 =	vadd.s32 s31, v0  }
0x18a: {  	[tilespmem:s20+$0xB0] =	vst v0  }
0x18b: {  	v0 =	vld [tilespmem:s30+$0xFFFFFFD0];
	_ =	sdelay $0x4  }
0x18c: {  	v0 =	vadd.s32 s31, v0  }
0x18d: {  	[tilespmem:s20+$0xC0] =	vst v0  }
0x18e: {  	v0 =	vld [tilespmem:s30+$0xFFFFFFE0];
	_ =	sdelay $0x4  }
0x18f: {  	v0 =	vadd.s32 s31, v0  }
0x190: {  	[tilespmem:s20+$0xD0] =	vst v0  }
0x191: {  	v0 =	vld [tilespmem:s30+$0xFFFFFFF0];
	_ =	sdelay $0x4  }
0x192: {  	v0 =	vadd.s32 s31, v0  }
0x193: {  	[tilespmem:s20+$0xE0] =	vst v0  }
0x194: {  	v0 =	vld [tilespmem:s30+$0x0];
	_ =	sdelay $0x4  }
0x195: {  	v0 =	vadd.s32 s31, v0  }
0x196: {  	s21 =	simm.s32 $0xDF0;
	[tilespmem:s20+$0xF0] =	vst v0  }
0x197: {  	s23 =	simm.s32 $0xAF000;
	s22 =	simm.s32 $0x96000;
	v0 =	vld [tilespmem:s21+$0xFFFFFE10]  }
.LBB2_4:
0x198: {  	p0 =	sne.s32 s23, $0xE1000;
	_ =	sdelay $0x3  }
0x199: {  	s20 =	sadd.s32 $0x200, s20;
	v0 =	vadd.s32 s22, v0  }
0x19a: {  	[tilespmem:s20+$0xFFFFFF00] =	vst v0  }
0x19b: {  	v0 =	vld [tilespmem:s21+$0xFFFFFE20];
	_ =	sdelay $0x4  }
0x19c: {  	v0 =	vadd.s32 s22, v0  }
0x19d: {  	[tilespmem:s20+$0xFFFFFF10] =	vst v0  }
0x19e: {  	v0 =	vld [tilespmem:s21+$0xFFFFFE30];
	_ =	sdelay $0x4  }
0x19f: {  	v0 =	vadd.s32 s22, v0  }
0x1a0: {  	[tilespmem:s20+$0xFFFFFF20] =	vst v0  }
0x1a1: {  	v0 =	vld [tilespmem:s21+$0xFFFFFE40];
	_ =	sdelay $0x4  }
0x1a2: {  	v0 =	vadd.s32 s22, v0  }
0x1a3: {  	[tilespmem:s20+$0xFFFFFF30] =	vst v0  }
0x1a4: {  	v0 =	vld [tilespmem:s21+$0xFFFFFE50];
	_ =	sdelay $0x4  }
0x1a5: {  	v0 =	vadd.s32 s22, v0  }
0x1a6: {  	[tilespmem:s20+$0xFFFFFF40] =	vst v0  }
0x1a7: {  	v0 =	vld [tilespmem:s21+$0xFFFFFE60];
	_ =	sdelay $0x4  }
0x1a8: {  	v0 =	vadd.s32 s22, v0  }
0x1a9: {  	[tilespmem:s20+$0xFFFFFF50] =	vst v0  }
0x1aa: {  	v0 =	vld [tilespmem:s21+$0xFFFFFE70];
	_ =	sdelay $0x4  }
0x1ab: {  	v0 =	vadd.s32 s22, v0  }
0x1ac: {  	[tilespmem:s20+$0xFFFFFF60] =	vst v0  }
0x1ad: {  	v0 =	vld [tilespmem:s21+$0xFFFFFE80];
	_ =	sdelay $0x4  }
0x1ae: {  	v0 =	vadd.s32 s22, v0  }
0x1af: {  	[tilespmem:s20+$0xFFFFFF70] =	vst v0  }
0x1b0: {  	v0 =	vld [tilespmem:s21+$0xFFFFFE90];
	_ =	sdelay $0x4  }
0x1b1: {  	v0 =	vadd.s32 s22, v0  }
0x1b2: {  	[tilespmem:s20+$0xFFFFFF80] =	vst v0  }
0x1b3: {  	v0 =	vld [tilespmem:s21+$0xFFFFFEA0];
	_ =	sdelay $0x4  }
0x1b4: {  	v0 =	vadd.s32 s22, v0  }
0x1b5: {  	[tilespmem:s20+$0xFFFFFF90] =	vst v0  }
0x1b6: {  	v0 =	vld [tilespmem:s21+$0xFFFFFEB0];
	_ =	sdelay $0x4  }
0x1b7: {  	v0 =	vadd.s32 s22, v0  }
0x1b8: {  	[tilespmem:s20+$0xFFFFFFA0] =	vst v0  }
0x1b9: {  	v0 =	vld [tilespmem:s21+$0xFFFFFEC0];
	_ =	sdelay $0x4  }
0x1ba: {  	v0 =	vadd.s32 s22, v0  }
0x1bb: {  	[tilespmem:s20+$0xFFFFFFB0] =	vst v0  }
0x1bc: {  	v0 =	vld [tilespmem:s21+$0xFFFFFED0];
	_ =	sdelay $0x4  }
0x1bd: {  	v0 =	vadd.s32 s22, v0  }
0x1be: {  	[tilespmem:s20+$0xFFFFFFC0] =	vst v0  }
0x1bf: {  	v0 =	vld [tilespmem:s21+$0xFFFFFEE0];
	_ =	sdelay $0x4  }
0x1c0: {  	v0 =	vadd.s32 s22, v0  }
0x1c1: {  	[tilespmem:s20+$0xFFFFFFD0] =	vst v0  }
0x1c2: {  	v0 =	vld [tilespmem:s21+$0xFFFFFEF0];
	_ =	sdelay $0x4  }
0x1c3: {  	v0 =	vadd.s32 s22, v0  }
0x1c4: {  	[tilespmem:s20+$0xFFFFFFE0] =	vst v0  }
0x1c5: {  	v0 =	vld [tilespmem:s21+$0xFFFFFF00];
	_ =	sdelay $0x4  }
0x1c6: {  	v0 =	vadd.s32 s22, v0  }
0x1c7: {  	[tilespmem:s20+$0xFFFFFFF0] =	vst v0  }
0x1c8: {  	v0 =	vld [tilespmem:s21+$0xFFFFFF10];
	_ =	sdelay $0x4  }
0x1c9: {  	v0 =	vadd.s32 s22, v0  }
0x1ca: {  	[tilespmem:s20+$0x0] =	vst v0  }
0x1cb: {  	v0 =	vld [tilespmem:s21+$0xFFFFFF20];
	_ =	sdelay $0x4  }
0x1cc: {  	v0 =	vadd.s32 s22, v0  }
0x1cd: {  	[tilespmem:s20+$0x10] =	vst v0  }
0x1ce: {  	v0 =	vld [tilespmem:s21+$0xFFFFFF30];
	_ =	sdelay $0x4  }
0x1cf: {  	v0 =	vadd.s32 s22, v0  }
0x1d0: {  	[tilespmem:s20+$0x20] =	vst v0  }
0x1d1: {  	v0 =	vld [tilespmem:s21+$0xFFFFFF40];
	_ =	sdelay $0x4  }
0x1d2: {  	v0 =	vadd.s32 s22, v0  }
0x1d3: {  	[tilespmem:s20+$0x30] =	vst v0  }
0x1d4: {  	v0 =	vld [tilespmem:s21+$0xFFFFFF50];
	_ =	sdelay $0x4  }
0x1d5: {  	v0 =	vadd.s32 s22, v0  }
0x1d6: {  	[tilespmem:s20+$0x40] =	vst v0  }
0x1d7: {  	v0 =	vld [tilespmem:s21+$0xFFFFFF60];
	_ =	sdelay $0x4  }
0x1d8: {  	v0 =	vadd.s32 s22, v0  }
0x1d9: {  	[tilespmem:s20+$0x50] =	vst v0  }
0x1da: {  	v0 =	vld [tilespmem:s21+$0xFFFFFF70];
	_ =	sdelay $0x4  }
0x1db: {  	v0 =	vadd.s32 s22, v0  }
0x1dc: {  	[tilespmem:s20+$0x60] =	vst v0  }
0x1dd: {  	v0 =	vld [tilespmem:s21+$0xFFFFFF80];
	_ =	sdelay $0x4  }
0x1de: {  	v0 =	vadd.s32 s22, v0  }
0x1df: {  	[tilespmem:s20+$0x70] =	vst v0  }
0x1e0: {  	v0 =	vld [tilespmem:s21+$0xFFFFFF90];
	_ =	sdelay $0x4  }
0x1e1: {  	v0 =	vadd.s32 s22, v0  }
0x1e2: {  	[tilespmem:s20+$0x80] =	vst v0  }
0x1e3: {  	v0 =	vld [tilespmem:s21+$0xFFFFFFA0];
	_ =	sdelay $0x4  }
0x1e4: {  	v0 =	vadd.s32 s22, v0  }
0x1e5: {  	[tilespmem:s20+$0x90] =	vst v0  }
0x1e6: {  	v0 =	vld [tilespmem:s21+$0xFFFFFFB0];
	_ =	sdelay $0x4  }
0x1e7: {  	v0 =	vadd.s32 s22, v0  }
0x1e8: {  	[tilespmem:s20+$0xA0] =	vst v0  }
0x1e9: {  	v0 =	vld [tilespmem:s21+$0xFFFFFFC0];
	_ =	sdelay $0x4  }
0x1ea: {  	v0 =	vadd.s32 s22, v0  }
0x1eb: {  	[tilespmem:s20+$0xB0] =	vst v0  }
0x1ec: {  	v0 =	vld [tilespmem:s21+$0xFFFFFFD0];
	_ =	sdelay $0x4  }
0x1ed: {  	v0 =	vadd.s32 s22, v0  }
0x1ee: {  	[tilespmem:s20+$0xC0] =	vst v0  }
0x1ef: {  	v0 =	vld [tilespmem:s21+$0xFFFFFFE0];
	_ =	sdelay $0x4  }
0x1f0: {  	v0 =	vadd.s32 s22, v0  }
0x1f1: {  	[tilespmem:s20+$0xD0] =	vst v0  }
0x1f2: {  	v0 =	vld [tilespmem:s21+$0xFFFFFFF0];
	_ =	sdelay $0x4  }
0x1f3: {  	v0 =	vadd.s32 s22, v0  }
0x1f4: {  	[tilespmem:s20+$0xE0] =	vst v0  }
0x1f5: {  	v0 =	vld [tilespmem:s21+$0x0];
	_ =	sdelay $0x2  }
.Ltmp1:
0x1f6: {  	(pc) =	sbr.rel @p0 .LBB2_4-.Ltmp1, $4  }
0x1f7: {  	_ = 	snop  }
0x1f8: {  	v0 =	vadd.s32 s22, v0;
	s22 =	smov.u32 s23  }
0x1f9: {  	s21 =	sadd.s32 $0x200, s21;
	[tilespmem:s20+$0xF0] =	vst v0  }
0x1fa: {  	s23 =	sadd.s32 $0x19000, s23;
	v0 =	vld [tilespmem:s21+$0xFFFFFE10]  }
0x1fb: {  	_ =	sdelay $0x3  }
0x1fc: {  	s20 =	sadd.s32 $0x200, s20;
	v0 =	vadd.s32 s22, v0  }
0x1fd: {  	[tilespmem:s20+$0xFFFFFF00] =	vst v0  }
0x1fe: {  	v0 =	vld [tilespmem:s21+$0xFFFFFE20];
	_ =	sdelay $0x4  }
0x1ff: {  	v0 =	vadd.s32 s22, v0  }
0x200: {  	[tilespmem:s20+$0xFFFFFF10] =	vst v0  }
0x201: {  	v0 =	vld [tilespmem:s21+$0xFFFFFE30];
	_ =	sdelay $0x4  }
0x202: {  	v0 =	vadd.s32 s22, v0  }
0x203: {  	[tilespmem:s20+$0xFFFFFF20] =	vst v0  }
0x204: {  	v0 =	vld [tilespmem:s21+$0xFFFFFE40];
	_ =	sdelay $0x4  }
0x205: {  	v0 =	vadd.s32 s22, v0  }
0x206: {  	[tilespmem:s20+$0xFFFFFF30] =	vst v0  }
0x207: {  	v0 =	vld [tilespmem:s21+$0xFFFFFE50];
	_ =	sdelay $0x4  }
0x208: {  	v0 =	vadd.s32 s22, v0  }
0x209: {  	[tilespmem:s20+$0xFFFFFF40] =	vst v0  }
0x20a: {  	v0 =	vld [tilespmem:s21+$0xFFFFFE60];
	_ =	sdelay $0x4  }
0x20b: {  	v0 =	vadd.s32 s22, v0  }
0x20c: {  	[tilespmem:s20+$0xFFFFFF50] =	vst v0  }
0x20d: {  	v0 =	vld [tilespmem:s21+$0xFFFFFE70];
	_ =	sdelay $0x4  }
0x20e: {  	v0 =	vadd.s32 s22, v0  }
0x20f: {  	[tilespmem:s20+$0xFFFFFF60] =	vst v0  }
0x210: {  	v0 =	vld [tilespmem:s21+$0xFFFFFE80];
	_ =	sdelay $0x4  }
0x211: {  	v0 =	vadd.s32 s22, v0  }
0x212: {  	[tilespmem:s20+$0xFFFFFF70] =	vst v0  }
0x213: {  	v0 =	vld [tilespmem:s21+$0xFFFFFE90];
	_ =	sdelay $0x4  }
0x214: {  	v0 =	vadd.s32 s22, v0  }
0x215: {  	[tilespmem:s20+$0xFFFFFF80] =	vst v0  }
0x216: {  	v0 =	vld [tilespmem:s21+$0xFFFFFEA0];
	_ =	sdelay $0x4  }
0x217: {  	v0 =	vadd.s32 s22, v0  }
0x218: {  	[tilespmem:s20+$0xFFFFFF90] =	vst v0  }
0x219: {  	v0 =	vld [tilespmem:s21+$0xFFFFFEB0];
	_ =	sdelay $0x4  }
0x21a: {  	v0 =	vadd.s32 s22, v0  }
0x21b: {  	[tilespmem:s20+$0xFFFFFFA0] =	vst v0  }
0x21c: {  	v0 =	vld [tilespmem:s21+$0xFFFFFEC0];
	_ =	sdelay $0x4  }
0x21d: {  	v0 =	vadd.s32 s22, v0  }
0x21e: {  	[tilespmem:s20+$0xFFFFFFB0] =	vst v0  }
0x21f: {  	v0 =	vld [tilespmem:s21+$0xFFFFFED0];
	_ =	sdelay $0x4  }
0x220: {  	v0 =	vadd.s32 s22, v0  }
0x221: {  	[tilespmem:s20+$0xFFFFFFC0] =	vst v0  }
0x222: {  	v0 =	vld [tilespmem:s21+$0xFFFFFEE0];
	_ =	sdelay $0x4  }
0x223: {  	v0 =	vadd.s32 s22, v0  }
0x224: {  	[tilespmem:s20+$0xFFFFFFD0] =	vst v0  }
0x225: {  	v0 =	vld [tilespmem:s21+$0xFFFFFEF0];
	_ =	sdelay $0x4  }
0x226: {  	v0 =	vadd.s32 s22, v0  }
0x227: {  	[tilespmem:s20+$0xFFFFFFE0] =	vst v0  }
0x228: {  	v0 =	vld [tilespmem:s21+$0xFFFFFF00];
	_ =	sdelay $0x4  }
0x229: {  	v0 =	vadd.s32 s22, v0  }
0x22a: {  	[tilespmem:s20+$0xFFFFFFF0] =	vst v0  }
0x22b: {  	v0 =	vld [tilespmem:s21+$0xFFFFFF10];
	_ =	sdelay $0x4  }
0x22c: {  	v0 =	vadd.s32 s22, v0  }
0x22d: {  	[tilespmem:s20+$0x0] =	vst v0  }
0x22e: {  	v0 =	vld [tilespmem:s21+$0xFFFFFF20];
	_ =	sdelay $0x4  }
0x22f: {  	v0 =	vadd.s32 s22, v0  }
0x230: {  	[tilespmem:s20+$0x10] =	vst v0  }
0x231: {  	v0 =	vld [tilespmem:s21+$0xFFFFFF30];
	_ =	sdelay $0x4  }
0x232: {  	v0 =	vadd.s32 s22, v0  }
0x233: {  	[tilespmem:s20+$0x20] =	vst v0  }
0x234: {  	v0 =	vld [tilespmem:s21+$0xFFFFFF40];
	_ =	sdelay $0x4  }
0x235: {  	v0 =	vadd.s32 s22, v0  }
0x236: {  	[tilespmem:s20+$0x30] =	vst v0  }
0x237: {  	v0 =	vld [tilespmem:s21+$0xFFFFFF50];
	_ =	sdelay $0x4  }
0x238: {  	v0 =	vadd.s32 s22, v0  }
0x239: {  	[tilespmem:s20+$0x40] =	vst v0  }
0x23a: {  	v0 =	vld [tilespmem:s21+$0xFFFFFF60];
	_ =	sdelay $0x4  }
0x23b: {  	v0 =	vadd.s32 s22, v0  }
0x23c: {  	[tilespmem:s20+$0x50] =	vst v0  }
0x23d: {  	v0 =	vld [tilespmem:s21+$0xFFFFFF70];
	_ =	sdelay $0x4  }
0x23e: {  	v0 =	vadd.s32 s22, v0  }
0x23f: {  	[tilespmem:s20+$0x60] =	vst v0  }
0x240: {  	v0 =	vld [tilespmem:s21+$0xFFFFFF80];
	_ =	sdelay $0x4  }
0x241: {  	v0 =	vadd.s32 s22, v0  }
0x242: {  	[tilespmem:s20+$0x70] =	vst v0  }
0x243: {  	v0 =	vld [tilespmem:s21+$0xFFFFFF90];
	_ =	sdelay $0x4  }
0x244: {  	v0 =	vadd.s32 s22, v0  }
0x245: {  	[tilespmem:s20+$0x80] =	vst v0  }
0x246: {  	v0 =	vld [tilespmem:s21+$0xFFFFFFA0];
	_ =	sdelay $0x4  }
0x247: {  	v0 =	vadd.s32 s22, v0  }
0x248: {  	[tilespmem:s20+$0x90] =	vst v0  }
0x249: {  	v0 =	vld [tilespmem:s21+$0xFFFFFFB0];
	_ =	sdelay $0x4  }
0x24a: {  	v0 =	vadd.s32 s22, v0  }
0x24b: {  	[tilespmem:s20+$0xA0] =	vst v0  }
0x24c: {  	v0 =	vld [tilespmem:s21+$0xFFFFFFC0];
	_ =	sdelay $0x4  }
0x24d: {  	v0 =	vadd.s32 s22, v0  }
0x24e: {  	[tilespmem:s20+$0xB0] =	vst v0  }
0x24f: {  	v0 =	vld [tilespmem:s21+$0xFFFFFFD0];
	_ =	sdelay $0x4  }
0x250: {  	v0 =	vadd.s32 s22, v0  }
0x251: {  	[tilespmem:s20+$0xC0] =	vst v0  }
0x252: {  	v0 =	vld [tilespmem:s21+$0xFFFFFFE0];
	_ =	sdelay $0x4  }
0x253: {  	v0 =	vadd.s32 s22, v0  }
0x254: {  	[tilespmem:s20+$0xD0] =	vst v0  }
0x255: {  	v0 =	vld [tilespmem:s21+$0xFFFFFFF0];
	_ =	sdelay $0x4  }
0x256: {  	v0 =	vadd.s32 s22, v0  }
0x257: {  	[tilespmem:s20+$0xE0] =	vst v0  }
0x258: {  	v0 =	vld [tilespmem:s21+$0x0];
	_ =	sdelay $0x4  }
0x259: {  	v0 =	vadd.s32 s22, v0  }
0x25a: {  	[tilespmem:s20+$0xF0] =	vst v0  }
0x25b: {  	[tilespmem:s15], [sflag:$0x2] =	stream.indirect.gather [hbm4b:s3+s11], $0x1, s14, s11, $0xb8;
	[tilespmem:$0x3E00] =	vst v63  }
0x25c: {  	s31 =	simm.s32 $0x0  }
0x25d: {  	[tilespmem:s16], [sflag:$0x3] =	stream.linear.gather [hbm4b:s5+s31], $0x200, $0x38;
	[tilespmem:$0x3E00] =	vst v63  }
0x25e: {  	_ =	swait.ge [sflag:s10], $0x200  }
0x25f: {  	[sflag:s10] =	ssyncset.done $0x0  }
0x260: {  	[sflag:s10] =	ssyncadd.s32 $0xFFFFFE00  }
0x261: {  	_ =	swait.ge [sflag:s17], $0xA00  }
0x262: {  	[sflag:s17] =	ssyncset.done $0x0  }
0x263: {  	s20 =	simm.s32 $0x0;
	[sflag:s17] =	ssyncadd.s32 $0xFFFFF600  }
0x264: {  	s21 =	simm.s32 $0x40;
	v0 =	vld [tilespmem:s20+$0x2800]  }
.LBB2_6:
0x265: {  	p0 =	sne.s32 s21, $0x7C0;
	v1 =	vld [tilespmem:s20+$0x3C00];
	_ =	sdelay $0x1  }
0x266: {  	v2 =	vld [tilespmem:s20+$0x2A00];
	_ =	sdelay $0x1  }
0x267: {  	v3 =	vld [tilespmem:s20+$0x2C00]  }
0x268: {  	v0 =	vadd.f32 v0, v1  }
0x269: {  	v1 =	vld [tilespmem:s20+$0x2E00]  }
0x26a: {  	v0 =	vadd.f32 v2, v0  }
0x26b: {  	v2 =	vld [tilespmem:s20+$0x3000]  }
0x26c: {  	v0 =	vadd.f32 v3, v0;
	_ =	sdelay $0x1  }
.Ltmp2:
0x26d: {  	v0 =	vadd.f32 v1, v0;
	(pc) =	sbr.rel @p0 .LBB2_6-.Ltmp2, $4  }
0x26e: {  	_ = 	snop  }
0x26f: {  	v1 =	vadd.f32 v2, v0  }
0x270: {  	s22 =	sshra.s32 s21, $0x2  }
0x271: {  	s21 =	sadd.s32 $0x40, s21;
	v0 =	vld [tilespmem:s22+$0x2800];
	[tilespmem:s20+$0x3C00] =	vst v1;
	s20 =	smov.u32 s22  }
0x272: {  	v1 =	vld [tilespmem:s20+$0x3C00];
	_ =	sdelay $0x1  }
0x273: {  	v2 =	vld [tilespmem:s20+$0x2A00];
	_ =	sdelay $0x1  }
0x274: {  	v3 =	vld [tilespmem:s20+$0x2C00]  }
0x275: {  	v0 =	vadd.f32 v0, v1  }
0x276: {  	v1 =	vld [tilespmem:s20+$0x2E00]  }
0x277: {  	v0 =	vadd.f32 v2, v0  }
0x278: {  	v2 =	vld [tilespmem:s20+$0x3000]  }
0x279: {  	v0 =	vadd.f32 v3, v0;
	_ =	sdelay $0x1  }
0x27a: {  	v0 =	vadd.f32 v1, v0;
	_ =	sdelay $0x1  }
0x27b: {  	v0 =	vadd.f32 v2, v0;
	_ =	sdelay $0x1  }
0x27c: {  	[tilespmem:s20+$0x3C00] =	vst v0  }
0x27d: {  	_ =	swait.ge [sflag:s18], $0xA00  }
0x27e: {  	[sflag:s18] =	ssyncset.done $0x0  }
0x27f: {  	s20 =	simm.s32 $0x0;
	[sflag:s18] =	ssyncadd.s32 $0xFFFFF600  }
0x280: {  	s21 =	simm.s32 $0x40;
	v0 =	vld [tilespmem:s20+$0x3200]  }
.LBB2_8:
0x281: {  	p0 =	sne.s32 s21, $0x7C0;
	v1 =	vld [tilespmem:s20+$0x3C00];
	_ =	sdelay $0x1  }
0x282: {  	v2 =	vld [tilespmem:s20+$0x3400];
	_ =	sdelay $0x1  }
0x283: {  	v3 =	vld [tilespmem:s20+$0x3600]  }
0x284: {  	v0 =	vadd.f32 v0, v1  }
0x285: {  	v1 =	vld [tilespmem:s20+$0x3800]  }
0x286: {  	v0 =	vadd.f32 v2, v0  }
0x287: {  	v2 =	vld [tilespmem:s20+$0x3A00]  }
0x288: {  	v0 =	vadd.f32 v3, v0;
	_ =	sdelay $0x1  }
.Ltmp3:
0x289: {  	v0 =	vadd.f32 v1, v0;
	(pc) =	sbr.rel @p0 .LBB2_8-.Ltmp3, $4  }
0x28a: {  	_ = 	snop  }
0x28b: {  	v1 =	vadd.f32 v2, v0  }
0x28c: {  	s22 =	sshra.s32 s21, $0x2  }
0x28d: {  	s21 =	sadd.s32 $0x40, s21;
	v0 =	vld [tilespmem:s22+$0x3200];
	[tilespmem:s20+$0x3C00] =	vst v1;
	s20 =	smov.u32 s22  }
0x28e: {  	v1 =	vld [tilespmem:s20+$0x3C00];
	_ =	sdelay $0x1  }
0x28f: {  	v2 =	vld [tilespmem:s20+$0x3400];
	_ =	sdelay $0x1  }
0x290: {  	v3 =	vld [tilespmem:s20+$0x3600]  }
0x291: {  	v0 =	vadd.f32 v0, v1  }
0x292: {  	v62 =	vld [tilespmem:s20+$0x3800]  }
0x293: {  	v0 =	vadd.f32 v2, v0  }
0x294: {  	v63 =	vld [tilespmem:s20+$0x3A00]  }
0x295: {  	v0 =	vadd.f32 v3, v0;
	_ =	sdelay $0x1  }
0x296: {  	v0 =	vadd.f32 v62, v0;
	_ =	sdelay $0x1  }
0x297: {  	s19 =	sadd.s32 $0x1, s19;
	v0 =	vadd.f32 v63, v0  }
0x298: {  	p0 =	sne.s32 s19, s7  }
.Ltmp4:
0x299: {  	[tilespmem:s20+$0x3C00] =	vst v0;
	(pc) =	sbr.rel @p0 .LBB2_1-.Ltmp4, $4  }
0x29a: {  	[hbm4b:s6+s2] =	stream.linear.scatter [tilespmem:s16], [sflag:$0x3], $0x200, $0x38;
	[tilespmem:$0x3E00] =	vst v63  }
0x29b: {  	_ =	swait.ge [sflag:s10], $0x200  }
0x29c: {  	[sflag:s10] =	ssyncset.done $0x0  }
0x29d: {  	[sflag:s10] =	ssyncadd.s32 $0xFFFFFE00  }
0x29e: {  	_ =	sfence.sel $0x180000  }
0x29f: {  	[bflag:$0x0] =	sbarrier.arrive $0xFFFF  }
0x2a0: {  	p0 =	sne.s32 s1, $0x0;
	_ =	strace $0x9000004A  }
0x2a1: {  	s0 =	sadd.s32 @!p0 $0x100000, s0;
	[bflag:$0x2] =	sbarrier.arrive $0xFFFF  }
0x2a2: {  	[sflag:s0] =	ssyncadd.tile.s32 @!p0 $0x1;
	_ =	shalt  }
.Lfunc_end2:
_tile_overlayer_lowered:
.L_overlay_start_2:
0x2a3: {  	(tag) =	ssettag $0x2  }
0x2a4: {  	s0 =	rddreg [dreg:$0x0];
	s2 =	stileid.u32  }
0x2a5: {  	s1 =	rddreg [dreg:$0x1];
	p0 =	sne.s32 s2, $0x0  }
0x2a6: {  	s3 =	rddreg [dreg:$0x2];
	[bflag:$0x3] =	sbarrier.arrive $0xFFFF;
	s2 =	simm.s32 @!p0 $0x1C03  }
0x2a7: {  	[timem:s3], [sflag:s2] =	dma.local @!p0 [hbm:s0], s1  }
0x2a8: {  	s0 =	simm.s32 @!p0 $0x3  }
0x2a9: {  	_ =	swait.ge @!p0 [sflag:s0], s1  }
0x2aa: {  	s1 =	ssub.s32 @!p0 $0x0, s1;
	[sflag:s0] =	ssyncset.done @!p0 $0x0  }
0x2ab: {  	[sflag:s0] =	ssyncadd.s32 @!p0 s1  }
0x2ac: {  	[bflag:$0x3] =	sbarrier.arrive $0xFFFF  }
0x2ad: {  	_ =	shalt  }

// kernel: kernel.14.cloned.1.call-start
scs
__scs_entry_jumppad:
0x0: {  	(pc) =	sbr.rel $0x88, $3  }
0x1: {  	(tag) =	ssettag $0x0;
	lr =	simm.s32 $0x1  }
0x2: {  	[smem:$0x3F9D] =	sst lr;
	_ =	strace $0xD0000000  }
0x3: {  	_ = 	snop  }
0x4: {  	_ = 	snop  }
0x5: {  	_ = 	snop  }
0x6: {  	_ = 	snop  }
0x7: {  	_ = 	snop  }
__scs_overlays_trampoline_lowered:
0x8: {  	[smem:$0x3FAC] =	sst s0  }
0x9: {  	[smem:$0x3FAD] =	sst s1  }
0xa: {  	[smem:$0x3FAE] =	sst s2  }
0xb: {  	[smem:$0x3FAF] =	sst s3  }
0xc: {  	[smem:$0x3FB0] =	sst s4  }
0xd: {  	[smem:$0x3FB1] =	sst s5  }
0xe: {  	[smem:$0x3FB2] =	sst s6  }
0xf: {  	[smem:$0x3FB3] =	sst s7  }
0x10: {  	[smem:$0x3FB4] =	sst s8  }
0x11: {  	[smem:$0x3FB5] =	sst s9;
	s0 =	simm.s32 @!p0 $0x0  }
0x12: {  	s1 =	sld [smem:$0x3F9B];
	s0 =	simm.s32 @p0 $0x1  }
0x13: {  	[smem:$0x3FB6] =	sst s0;
	s0 =	simm.s32 @!p1 $0x0  }
0x14: {  	s2 =	sld [smem:$0x3F9A];
	s0 =	simm.s32 @p1 $0x1  }
0x15: {  	[smem:$0x3FB7] =	sst s0;
	s0 =	simm.s32 @!p2 $0x0  }
0x16: {  	s3 =	sld [smem:$0x3FDB];
	s0 =	simm.s32 @p2 $0x1  }
0x17: {  	s4 =	simm.s32 $0x1BF5;
	[smem:$0x3FB9] =	sst s0  }
0x18: {  	s0 =	sld [smem:$0x3F9C];
	_ =	swait.ge [sflag:s4], $0x0  }
0x19: {  	s7 =	sld [smem:$0x3F9D]  }
0x1a: {  	s8 =	sadd.s32 $0xFFFFE003, lr  }
0x1b: {  	s9 =	sadd.s32 $0xFFFFFEF7, lr;
	s5 =	simm.s32 $0xFFFFFFFF;
	p2 =	slt.u32 s8, $0xFFFFF086  }
0x1c: {  	p1 =	slt.u32 s9, $0xF7A;
	s5 =	simm.s32 @!p2 $0x0  }
0x1d: {  	s5 =	simm.s32 @p1 $0x1;
	p0 =	seq.s32 s7, s2  }
0x1e: {  	s7 =	smul.u32 @!p0 $0xF7A, s2;
	p2 =	seq.s32 @!p0 s5, $0x0  }
0x1f: {  	s9 =	smul.u32 $0xF7A, s1;
	s8 =	simm.s32 @!p0 $0x1BF5;
	p2 =	por !p2, p0  }
0x20: {  	[sflag:s8] =	ssyncset.s32 @!p0 $0xFFFFF086;
	s6 =	sadd.s32 @!p0 s3, s7;
	s7 =	simm.s32 @!p0 $0x108  }
0x21: {  	s3 =	sadd.s32 s3, s9;
	s6 =	sadd.s32 @!p0 $0x88, s6;
	s7 =	simm.s32 @p2 $0x1082  }
0x22: {  	[simem:s7], [sflag:s8] =	dma.local @!p0 [hbm:s6], $0xF7A  }
0x23: {  	s9 =	sor.u32 $0xD0000000, s2;
	s6 =	simm.s32 $0x108;
	_ =	swait.ge @!p0 [sflag:s8], $0x0  }
0x24: {  	s3 =	sadd.s32 $0x88, s3;
	s6 =	simm.s32 @!p1 $0x1082;
	[sflag:s4] =	ssyncset.s32 $0xFFFFF086  }
0x25: {  	[simem:s6], [sflag:s4] =	dma.local [hbm:s3], $0xF7A  }
0x26: {  	[smem:$0x3F9D] =	sst s1;
	(tag) =	ssettag s2;
	_ =	strace s9  }
0x27: {  	s1 =	sld [smem:$0x3FAD]  }
0x28: {  	s2 =	sld [smem:$0x3FAE]  }
0x29: {  	s4 =	sld [smem:$0x3FB0]  }
0x2a: {  	p0 =	seq.s32 s5, $0x0;
	s5 =	sld [smem:$0x3FB1]  }
0x2b: {  	s6 =	sld [smem:$0x3FB2]  }
0x2c: {  	s7 =	sld [smem:$0x3FB3]  }
0x2d: {  	s3 =	simm.s32 $0x108;
	s8 =	sld [smem:$0x3FB4]  }
0x2e: {  	s3 =	simm.s32 @!p0 $0x1082;
	s9 =	sld [smem:$0x3FB5]  }
0x2f: {  	lr =	sadd.s32 s0, s3;
	s0 =	sld [smem:$0x3FAC]  }
0x30: {  	s3 =	sld [smem:$0x3FAF]  }
0x31: {  	[smem:$0x3FB8] =	sst s10  }
0x32: {  	s10 =	sld [smem:$0x3FB6];
	_ =	sdelay $0x3  }
0x33: {  	p0 =	seq.s32 s10, $0x1;
	s10 =	sld [smem:$0x3FB8];
	_ =	sdelay $0x3  }
0x34: {  	[smem:$0x3FB8] =	sst s10  }
0x35: {  	s10 =	sld [smem:$0x3FB7];
	_ =	sdelay $0x3  }
0x36: {  	p1 =	seq.s32 s10, $0x1;
	s10 =	sld [smem:$0x3FB8];
	_ =	sdelay $0x3  }
0x37: {  	[smem:$0x3FB8] =	sst s10  }
0x38: {  	s10 =	sld [smem:$0x3FB9]  }
0x39: {  	_ = 	snop;
	(pc) =	sbr.ind lr, $3  }
0x3a: {  	_ = 	snop  }
0x3b: {  	_ = 	snop  }
0x3c: {  	p2 =	seq.s32 s10, $0x1;
	s10 =	sld [smem:$0x3FB8]  }
0x3d: {  	_ =	shalt  }
0x3e: {  	_ =	shalt  }
0x3f: {  	_ =	shalt  }
0x40: {  	_ =	shalt  }
0x41: {  	_ =	shalt  }
0x42: {  	_ =	shalt  }
0x43: {  	_ =	shalt  }
0x44: {  	_ =	shalt  }
0x45: {  	_ =	shalt  }
0x46: {  	_ =	shalt  }
0x47: {  	_ =	shalt  }
0x48: {  	_ =	shalt  }
0x49: {  	_ =	shalt  }
0x4a: {  	_ =	shalt  }
0x4b: {  	_ =	shalt  }
0x4c: {  	_ =	shalt  }
0x4d: {  	_ =	shalt  }
0x4e: {  	_ =	shalt  }
0x4f: {  	_ =	shalt  }
0x50: {  	_ =	shalt  }
0x51: {  	_ =	shalt  }
0x52: {  	_ =	shalt  }
0x53: {  	_ =	shalt  }
0x54: {  	_ =	shalt  }
0x55: {  	_ =	shalt  }
0x56: {  	_ =	shalt  }
0x57: {  	_ =	shalt  }
0x58: {  	_ =	shalt  }
0x59: {  	_ =	shalt  }
0x5a: {  	_ =	shalt  }
0x5b: {  	_ =	shalt  }
0x5c: {  	_ =	shalt  }
0x5d: {  	_ =	shalt  }
0x5e: {  	_ =	shalt  }
0x5f: {  	_ =	shalt  }
0x60: {  	_ =	shalt  }
0x61: {  	_ =	shalt  }
0x62: {  	_ =	shalt  }
0x63: {  	_ =	shalt  }
0x64: {  	_ =	shalt  }
0x65: {  	_ =	shalt  }
0x66: {  	_ =	shalt  }
0x67: {  	_ =	shalt  }
0x68: {  	_ =	shalt  }
0x69: {  	_ =	shalt  }
0x6a: {  	_ =	shalt  }
0x6b: {  	_ =	shalt  }
0x6c: {  	_ =	shalt  }
0x6d: {  	_ =	shalt  }
0x6e: {  	_ =	shalt  }
0x6f: {  	_ =	shalt  }
0x70: {  	_ =	shalt  }
0x71: {  	_ =	shalt  }
0x72: {  	_ =	shalt  }
0x73: {  	_ =	shalt  }
0x74: {  	_ =	shalt  }
0x75: {  	_ =	shalt  }
0x76: {  	_ =	shalt  }
0x77: {  	_ =	shalt  }
0x78: {  	_ =	shalt  }
0x79: {  	_ =	shalt  }
0x7a: {  	_ =	shalt  }
0x7b: {  	_ =	shalt  }
0x7c: {  	_ =	shalt  }
0x7d: {  	_ =	shalt  }
0x7e: {  	_ =	shalt  }
0x7f: {  	_ =	shalt  }
0x80: {  	_ =	shalt  }
0x81: {  	_ =	shalt  }
0x82: {  	_ =	shalt  }
0x83: {  	_ =	shalt  }
0x84: {  	_ =	shalt  }
0x85: {  	_ =	shalt  }
0x86: {  	_ =	shalt  }
0x87: {  	_ =	shalt  }
.Lfunc_end0:
.L_simem_size_0:
called_computation.2_lowered:
.L_overlay_start_0:
0x88: {  	s2 =	sld [smem:$0x3FD9]  }
0x89: {  	s3 =	sld [smem:$0x3FFE];
	_ =	sdelay $0x1  }
0x8a: {  	s1 =	srdreg.scid  }
0x8b: {  	s0 =	sand.u32 $0x1, s1  }
0x8c: {  	s17 =	sshll.u32 s0, $0xA;
	s2 =	sadd.s32 s3, s2  }
0x8d: {  	s2 =	sadd.s32 s2, s17  }
0x8e: {  	[smem:$0x3FC4] =	sst s2  }
0x8f: {  	_ = 	snop  }
0x90: {  	s2 =	sld [smem:$0x3FD0];
	(tm) =	ssettm $0x1  }
0x91: {  	s18 =	sld [smem:$0x3FFB];
	_ =	sdelay $0x3  }
0x92: {  	_ =	strace s18  }
0x93: {  	s3 =	sld [smem:$0x3FFC];
	_ =	sdelay $0x3  }
0x94: {  	_ =	strace s3  }
0x95: {  	s3 =	sld [smem:$0x3FFD];
	_ =	sdelay $0x3  }
0x96: {  	_ =	strace s3  }
0x97: {  	_ =	strace $0x8FFFFFFF  }
0x98: {  	s19 =	sld [smem:$0x3FDB];
	_ =	sdelay $0x1  }
0x99: {  	s4 =	simm.s32 $_scs_section_size  }
0x9a: {  	s5 =	simm.s32 $_size__tile_overlayer_lowered;
	s6 =	simm.s32 $_tile_overlayer_lowered  }
0x9b: {  	s22 =	simm.s32 $0x1BFF;
	s21 =	sshll.u32 s6, $0x1;
	s3 =	sadd.s32 s4, s19  }
0x9c: {  	s7 =	simm.s32 $0x0;
	s20 =	sshll.u32 s5, $0x1;
	s5 =	sadd.s32 s21, s3  }
0x9d: {  	[timem:s7], [sflag:s22] =	dma.local [hbm:s5], s20  }
0x9e: {  	_ =	swait.ge [sflag:s22], s20  }
0x9f: {  	s4 =	ssub.s32 $0x0, s20;
	[sflag:s22] =	ssyncset.done $0x0  }
0xa0: {  	[sflag:s22] =	ssyncadd.s32 s4;
	_ =	sdelay $0x1  }
0xa1: {  	s23 =	simm.s32 $0x1B8B  }
0xa2: {  	_ =	swait.ge [sflag:s23], $0x1  }
0xa3: {  	[sflag:s23] =	ssyncset.done $0x0  }
0xa4: {  	s25 =	simm.s32 $0x1B8E;
	s24 =	sld [smem:$0x3FFE];
	[sflag:s23] =	ssyncadd.s32 $0xFFFFFFFF  }
0xa5: {  	s26 =	simm.s32 $execute0_lowered;
	[smem:$0x3FD2] =	sst s25  }
0xa6: {  	s5 =	sshll.u32 s26, $0x1;
	_ =	strace $0x8000004C;
	[dreg:$0x1] =	wrdreg $0xFFFFFFFF  }
0xa7: {  	s28 =	simm.s32 $_size_execute0_lowered;
	s3 =	sadd.s32 s3, s5;
	[dreg:$0x0] =	wrdreg $0x0  }
0xa8: {  	s5 =	sshll.u32 s28, $0x1;
	[dreg:$0x2] =	wrdreg s3  }
0xa9: {  	[dreg:$0x3] =	wrdreg s5  }
0xaa: {  	[dreg:$0x4] =	wrdreg $0xC0  }
0xab: {  	_ =	task [dreg:s7], $0x5FFFF  }
0xac: {  	[dreg:$0x1] =	wrdreg $0xFFFFFFFF  }
0xad: {  	[dreg:$0x0] =	wrdreg $0x60  }
0xae: {  	[dreg:$0x2] =	wrdreg s24  }
0xaf: {  	[dreg:$0x3] =	wrdreg s2  }
0xb0: {  	[dreg:$0x4] =	wrdreg $0x9  }
0xb1: {  	_ =	task.clear_ibuf [dreg:s7], $0x5FFFF;
	_ =	strace $0x9000004C  }
0xb2: {  	s29 =	simm.s32 $0x9;
	_ =	strace $0x8000004E  }
0xb3: {  	_ =	swait.ge [sflag:s29], $0x1  }
0xb4: {  	[sflag:s29] =	ssyncadd.s32 $0xFFFFFFFF  }
0xb5: {  	_ =	strace $0x9000004E  }
0xb6: {  	_ =	sfence  }
0xb7: {  	s30 =	sld [smem:$0x0];
	_ =	sdelay $0x2  }
0xb8: {  	s31 =	sshll.u32 s1, $0xD;
	s1 =	sshrl.u32 s1, $0x2  }
0xb9: {  	s3 =	sand.u32 $0x4000, s31;
	s1 =	sadd.s32 s1, s30  }
0xba: {  	s0 =	sor.u32 s3, s0;
	s1 =	sshll.u32 s1, $0x11  }
0xbb: {  	s0 =	sor.u32 s1, s0  }
0xbc: {  	s0 =	sadd.s32 $0x8F2B, s0  }
0xbd: {  	[sflag:s0] =	ssyncadd.remote.s32 $0x1  }
0xbe: {  	_ =	sfence.sel $0xFFFF  }
0xbf: {  	[dreg:$0x0] =	wrdreg $0xFFFFFFFF;
	(pc) =	sbr.abs _section_cstart, $3  }
0xc0: {  	[dreg:$0x1] =	wrdreg $0xFFFFFFFF  }
0xc1: {  	_ =	task.clear_ibuf [dreg:s7], $0x2FFFF;
	_ =	strace $0x9FFFFFFF  }
0xc2: {  	(tm) =	ssettm $0x7FFFFFFF  }
0xc3: {  	_ =	shalt  }
tec
execute0_lowered:
.L_overlay_start_1:
0x0: {  	(tag) =	ssettag $0x1  }
0x1: {  	s3 =	rddreg [dreg:$0x0]  }
0x2: {  	s6 =	rddreg [dreg:$0x1];
	s2 =	srdreg.scid  }
0x3: {  	s0 =	rddreg [dreg:$0x2];
	s1 =	stileid.u32;
	s9 =	simm.s32 $0x4000  }
0x4: {  	s10 =	simm.s32 $0x3;
	s11 =	simm.s32 $0x600;
	s12 =	simm.s32 $0xC00  }
0x5: {  	s13 =	simm.s32 $0x1800;
	s14 =	simm.s32 $0x1200;
	s15 =	simm.s32 $0x1E00  }
0x6: {  	s16 =	simm.s32 $0x2400;
	s17 =	simm.s32 $0x1;
	s18 =	simm.s32 $0x2  }
0x7: {  	s19 =	simm.s32 $0x0;
	s4 =	sand.u32 $0x1, s2;
	s2 =	simm.s32 $0x0  }
0x8: {  	s5 =	sshll.u32 s1, $0x7;
	s7 =	sshll.u32 s4, $0x6;
	[smem:$0x7FF] =	sst s2  }
0x9: {  	s4 =	ssub.s32 $0x2, s4;
	s7 =	sor.u32 s7, s5;
	_ =	strace $0x8000004D  }
0xa: {  	s8 =	sshrl.u32 s4, $0x1;
	s5 =	sadd.s32 s7, s3;
	s3 =	sadd.s32 $0xF400, s3  }
0xb: {  	s8 =	ssub.s32 s4, s8;
	s6 =	sadd.s32 s6, s7;
	s4 =	sadd.s32 $0xBC00, s5  }
0xc: {  	s5 =	sadd.s32 $0xEC00, s5;
	s7 =	smax.u32 s8, $0x1;
	s8 =	simm.s32 $0x200  }
.LBB2_1:
0xd: {  	[tilespmem:s2], [sflag:$0x3] =	stream.strided.gather [hbm4b:s4+s8], $0xC00, s9, s8, $0x38;
	[tilespmem:$0x2600] =	vst v63  }
0xe: {  	_ =	swait.ge [sflag:s10], $0xC00  }
0xf: {  	[sflag:s10] =	ssyncset.done $0x0  }
0x10: {  	s20 =	simm.s32 $0x100;
	[sflag:s10] =	ssyncadd.s32 $0xFFFFF400  }
0x11: {  	v0 =	vld [tilespmem:s20+$0xFFFFFF00];
	_ =	sdelay $0x4  }
0x12: {  	s21 =	simm.s32 $0xD00;
	v0 =	vadd.s32 s2, v0  }
0x13: {  	[tilespmem:s21+$0xFFFFFF00] =	vst v0  }
0x14: {  	v0 =	vld [tilespmem:s20+$0xFFFFFF10];
	_ =	sdelay $0x4  }
0x15: {  	v0 =	vadd.s32 s2, v0  }
0x16: {  	[tilespmem:s21+$0xFFFFFF10] =	vst v0  }
0x17: {  	v0 =	vld [tilespmem:s20+$0xFFFFFF20];
	_ =	sdelay $0x4  }
0x18: {  	v0 =	vadd.s32 s2, v0  }
0x19: {  	[tilespmem:s21+$0xFFFFFF20] =	vst v0  }
0x1a: {  	v0 =	vld [tilespmem:s20+$0xFFFFFF30];
	_ =	sdelay $0x4  }
0x1b: {  	v0 =	vadd.s32 s2, v0  }
0x1c: {  	[tilespmem:s21+$0xFFFFFF30] =	vst v0  }
0x1d: {  	v0 =	vld [tilespmem:s20+$0xFFFFFF40];
	_ =	sdelay $0x4  }
0x1e: {  	v0 =	vadd.s32 s2, v0  }
0x1f: {  	[tilespmem:s21+$0xFFFFFF40] =	vst v0  }
0x20: {  	v0 =	vld [tilespmem:s20+$0xFFFFFF50];
	_ =	sdelay $0x4  }
0x21: {  	v0 =	vadd.s32 s2, v0  }
0x22: {  	[tilespmem:s21+$0xFFFFFF50] =	vst v0  }
0x23: {  	v0 =	vld [tilespmem:s20+$0xFFFFFF60];
	_ =	sdelay $0x4  }
0x24: {  	v0 =	vadd.s32 s2, v0  }
0x25: {  	[tilespmem:s21+$0xFFFFFF60] =	vst v0  }
0x26: {  	v0 =	vld [tilespmem:s20+$0xFFFFFF70];
	_ =	sdelay $0x4  }
0x27: {  	v0 =	vadd.s32 s2, v0  }
0x28: {  	[tilespmem:s21+$0xFFFFFF70] =	vst v0  }
0x29: {  	v0 =	vld [tilespmem:s20+$0xFFFFFF80];
	_ =	sdelay $0x4  }
0x2a: {  	v0 =	vadd.s32 s2, v0  }
0x2b: {  	[tilespmem:s21+$0xFFFFFF80] =	vst v0  }
0x2c: {  	v0 =	vld [tilespmem:s20+$0xFFFFFF90];
	_ =	sdelay $0x4  }
0x2d: {  	v0 =	vadd.s32 s2, v0  }
0x2e: {  	[tilespmem:s21+$0xFFFFFF90] =	vst v0  }
0x2f: {  	v0 =	vld [tilespmem:s20+$0xFFFFFFA0];
	_ =	sdelay $0x4  }
0x30: {  	v0 =	vadd.s32 s2, v0  }
0x31: {  	[tilespmem:s21+$0xFFFFFFA0] =	vst v0  }
0x32: {  	v0 =	vld [tilespmem:s20+$0xFFFFFFB0];
	_ =	sdelay $0x4  }
0x33: {  	v0 =	vadd.s32 s2, v0  }
0x34: {  	[tilespmem:s21+$0xFFFFFFB0] =	vst v0  }
0x35: {  	v0 =	vld [tilespmem:s20+$0xFFFFFFC0];
	_ =	sdelay $0x4  }
0x36: {  	v0 =	vadd.s32 s2, v0  }
0x37: {  	[tilespmem:s21+$0xFFFFFFC0] =	vst v0  }
0x38: {  	v0 =	vld [tilespmem:s20+$0xFFFFFFD0];
	_ =	sdelay $0x4  }
0x39: {  	v0 =	vadd.s32 s2, v0  }
0x3a: {  	[tilespmem:s21+$0xFFFFFFD0] =	vst v0  }
0x3b: {  	v0 =	vld [tilespmem:s20+$0xFFFFFFE0];
	_ =	sdelay $0x4  }
0x3c: {  	v0 =	vadd.s32 s2, v0  }
0x3d: {  	[tilespmem:s21+$0xFFFFFFE0] =	vst v0  }
0x3e: {  	v0 =	vld [tilespmem:s20+$0xFFFFFFF0];
	_ =	sdelay $0x4  }
0x3f: {  	v0 =	vadd.s32 s2, v0  }
0x40: {  	[tilespmem:s21+$0xFFFFFFF0] =	vst v0  }
0x41: {  	v0 =	vld [tilespmem:s20+$0x0];
	_ =	sdelay $0x4  }
0x42: {  	v0 =	vadd.s32 s2, v0  }
0x43: {  	[tilespmem:s21+$0x0] =	vst v0  }
0x44: {  	v0 =	vld [tilespmem:s20+$0x10];
	_ =	sdelay $0x4  }
0x45: {  	v0 =	vadd.s32 s2, v0  }
0x46: {  	[tilespmem:s21+$0x10] =	vst v0  }
0x47: {  	v0 =	vld [tilespmem:s20+$0x20];
	_ =	sdelay $0x4  }
0x48: {  	v0 =	vadd.s32 s2, v0  }
0x49: {  	[tilespmem:s21+$0x20] =	vst v0  }
0x4a: {  	v0 =	vld [tilespmem:s20+$0x30];
	_ =	sdelay $0x4  }
0x4b: {  	v0 =	vadd.s32 s2, v0  }
0x4c: {  	[tilespmem:s21+$0x30] =	vst v0  }
0x4d: {  	v0 =	vld [tilespmem:s20+$0x40];
	_ =	sdelay $0x4  }
0x4e: {  	v0 =	vadd.s32 s2, v0  }
0x4f: {  	[tilespmem:s21+$0x40] =	vst v0  }
0x50: {  	v0 =	vld [tilespmem:s20+$0x50];
	_ =	sdelay $0x4  }
0x51: {  	v0 =	vadd.s32 s2, v0  }
0x52: {  	[tilespmem:s21+$0x50] =	vst v0  }
0x53: {  	v0 =	vld [tilespmem:s20+$0x60];
	_ =	sdelay $0x4  }
0x54: {  	v0 =	vadd.s32 s2, v0  }
0x55: {  	[tilespmem:s21+$0x60] =	vst v0  }
0x56: {  	v0 =	vld [tilespmem:s20+$0x70];
	_ =	sdelay $0x4  }
0x57: {  	v0 =	vadd.s32 s2, v0  }
0x58: {  	[tilespmem:s21+$0x70] =	vst v0  }
0x59: {  	v0 =	vld [tilespmem:s20+$0x80];
	_ =	sdelay $0x4  }
0x5a: {  	v0 =	vadd.s32 s2, v0  }
0x5b: {  	[tilespmem:s21+$0x80] =	vst v0  }
0x5c: {  	v0 =	vld [tilespmem:s20+$0x90];
	_ =	sdelay $0x4  }
0x5d: {  	v0 =	vadd.s32 s2, v0  }
0x5e: {  	[tilespmem:s21+$0x90] =	vst v0  }
0x5f: {  	v0 =	vld [tilespmem:s20+$0xA0];
	_ =	sdelay $0x4  }
0x60: {  	v0 =	vadd.s32 s2, v0  }
0x61: {  	[tilespmem:s21+$0xA0] =	vst v0  }
0x62: {  	v0 =	vld [tilespmem:s20+$0xB0];
	_ =	sdelay $0x4  }
0x63: {  	v0 =	vadd.s32 s2, v0  }
0x64: {  	[tilespmem:s21+$0xB0] =	vst v0  }
0x65: {  	v0 =	vld [tilespmem:s20+$0xC0];
	_ =	sdelay $0x4  }
0x66: {  	v0 =	vadd.s32 s2, v0  }
0x67: {  	[tilespmem:s21+$0xC0] =	vst v0  }
0x68: {  	v0 =	vld [tilespmem:s20+$0xD0];
	_ =	sdelay $0x4  }
0x69: {  	v0 =	vadd.s32 s2, v0  }
0x6a: {  	[tilespmem:s21+$0xD0] =	vst v0  }
0x6b: {  	v0 =	vld [tilespmem:s20+$0xE0];
	_ =	sdelay $0x4  }
0x6c: {  	v0 =	vadd.s32 s2, v0  }
0x6d: {  	[tilespmem:s21+$0xE0] =	vst v0  }
0x6e: {  	v0 =	vld [tilespmem:s20+$0xF0];
	_ =	sdelay $0x4  }
0x6f: {  	s22 =	simm.s32 $0x19000;
	v0 =	vadd.s32 s2, v0  }
.LBB2_2:
0x70: {  	p0 =	sne.s32 s22, $0x32000;
	[tilespmem:s21+$0xF0] =	vst v0;
	s20 =	sadd.s32 $0x200, s20;
	s21 =	sadd.s32 $0x200, s21  }
0x71: {  	s23 =	smov.u32 s22;
	s22 =	sadd.s32 $0x19000, s22;
	v0 =	vld [tilespmem:s20+$0xFFFFFF00];
	_ =	sdelay $0x4  }
0x72: {  	v0 =	vadd.s32 s23, v0  }
0x73: {  	[tilespmem:s21+$0xFFFFFF00] =	vst v0  }
0x74: {  	v0 =	vld [tilespmem:s20+$0xFFFFFF10];
	_ =	sdelay $0x4  }
0x75: {  	v0 =	vadd.s32 s23, v0  }
0x76: {  	[tilespmem:s21+$0xFFFFFF10] =	vst v0  }
0x77: {  	v0 =	vld [tilespmem:s20+$0xFFFFFF20];
	_ =	sdelay $0x4  }
0x78: {  	v0 =	vadd.s32 s23, v0  }
0x79: {  	[tilespmem:s21+$0xFFFFFF20] =	vst v0  }
0x7a: {  	v0 =	vld [tilespmem:s20+$0xFFFFFF30];
	_ =	sdelay $0x4  }
0x7b: {  	v0 =	vadd.s32 s23, v0  }
0x7c: {  	[tilespmem:s21+$0xFFFFFF30] =	vst v0  }
0x7d: {  	v0 =	vld [tilespmem:s20+$0xFFFFFF40];
	_ =	sdelay $0x4  }
0x7e: {  	v0 =	vadd.s32 s23, v0  }
0x7f: {  	[tilespmem:s21+$0xFFFFFF40] =	vst v0  }
0x80: {  	v0 =	vld [tilespmem:s20+$0xFFFFFF50];
	_ =	sdelay $0x4  }
0x81: {  	v0 =	vadd.s32 s23, v0  }
0x82: {  	[tilespmem:s21+$0xFFFFFF50] =	vst v0  }
0x83: {  	v0 =	vld [tilespmem:s20+$0xFFFFFF60];
	_ =	sdelay $0x4  }
0x84: {  	v0 =	vadd.s32 s23, v0  }
0x85: {  	[tilespmem:s21+$0xFFFFFF60] =	vst v0  }
0x86: {  	v0 =	vld [tilespmem:s20+$0xFFFFFF70];
	_ =	sdelay $0x4  }
0x87: {  	v0 =	vadd.s32 s23, v0  }
0x88: {  	[tilespmem:s21+$0xFFFFFF70] =	vst v0  }
0x89: {  	v0 =	vld [tilespmem:s20+$0xFFFFFF80];
	_ =	sdelay $0x4  }
0x8a: {  	v0 =	vadd.s32 s23, v0  }
0x8b: {  	[tilespmem:s21+$0xFFFFFF80] =	vst v0  }
0x8c: {  	v0 =	vld [tilespmem:s20+$0xFFFFFF90];
	_ =	sdelay $0x4  }
0x8d: {  	v0 =	vadd.s32 s23, v0  }
0x8e: {  	[tilespmem:s21+$0xFFFFFF90] =	vst v0  }
0x8f: {  	v0 =	vld [tilespmem:s20+$0xFFFFFFA0];
	_ =	sdelay $0x4  }
0x90: {  	v0 =	vadd.s32 s23, v0  }
0x91: {  	[tilespmem:s21+$0xFFFFFFA0] =	vst v0  }
0x92: {  	v0 =	vld [tilespmem:s20+$0xFFFFFFB0];
	_ =	sdelay $0x4  }
0x93: {  	v0 =	vadd.s32 s23, v0  }
0x94: {  	[tilespmem:s21+$0xFFFFFFB0] =	vst v0  }
0x95: {  	v0 =	vld [tilespmem:s20+$0xFFFFFFC0];
	_ =	sdelay $0x4  }
0x96: {  	v0 =	vadd.s32 s23, v0  }
0x97: {  	[tilespmem:s21+$0xFFFFFFC0] =	vst v0  }
0x98: {  	v0 =	vld [tilespmem:s20+$0xFFFFFFD0];
	_ =	sdelay $0x4  }
0x99: {  	v0 =	vadd.s32 s23, v0  }
0x9a: {  	[tilespmem:s21+$0xFFFFFFD0] =	vst v0  }
0x9b: {  	v0 =	vld [tilespmem:s20+$0xFFFFFFE0];
	_ =	sdelay $0x4  }
0x9c: {  	v0 =	vadd.s32 s23, v0  }
0x9d: {  	[tilespmem:s21+$0xFFFFFFE0] =	vst v0  }
0x9e: {  	v0 =	vld [tilespmem:s20+$0xFFFFFFF0];
	_ =	sdelay $0x4  }
0x9f: {  	v0 =	vadd.s32 s23, v0  }
0xa0: {  	[tilespmem:s21+$0xFFFFFFF0] =	vst v0  }
0xa1: {  	v0 =	vld [tilespmem:s20+$0x0];
	_ =	sdelay $0x4  }
0xa2: {  	v0 =	vadd.s32 s23, v0  }
0xa3: {  	[tilespmem:s21+$0x0] =	vst v0  }
0xa4: {  	v0 =	vld [tilespmem:s20+$0x10];
	_ =	sdelay $0x4  }
0xa5: {  	v0 =	vadd.s32 s23, v0  }
0xa6: {  	[tilespmem:s21+$0x10] =	vst v0  }
0xa7: {  	v0 =	vld [tilespmem:s20+$0x20];
	_ =	sdelay $0x4  }
0xa8: {  	v0 =	vadd.s32 s23, v0  }
0xa9: {  	[tilespmem:s21+$0x20] =	vst v0  }
0xaa: {  	v0 =	vld [tilespmem:s20+$0x30];
	_ =	sdelay $0x4  }
0xab: {  	v0 =	vadd.s32 s23, v0  }
0xac: {  	[tilespmem:s21+$0x30] =	vst v0  }
0xad: {  	v0 =	vld [tilespmem:s20+$0x40];
	_ =	sdelay $0x4  }
0xae: {  	v0 =	vadd.s32 s23, v0  }
0xaf: {  	[tilespmem:s21+$0x40] =	vst v0  }
0xb0: {  	v0 =	vld [tilespmem:s20+$0x50];
	_ =	sdelay $0x4  }
0xb1: {  	v0 =	vadd.s32 s23, v0  }
0xb2: {  	[tilespmem:s21+$0x50] =	vst v0  }
0xb3: {  	v0 =	vld [tilespmem:s20+$0x60];
	_ =	sdelay $0x4  }
0xb4: {  	v0 =	vadd.s32 s23, v0  }
0xb5: {  	[tilespmem:s21+$0x60] =	vst v0  }
0xb6: {  	v0 =	vld [tilespmem:s20+$0x70];
	_ =	sdelay $0x4  }
0xb7: {  	v0 =	vadd.s32 s23, v0  }
0xb8: {  	[tilespmem:s21+$0x70] =	vst v0  }
0xb9: {  	v0 =	vld [tilespmem:s20+$0x80];
	_ =	sdelay $0x4  }
0xba: {  	v0 =	vadd.s32 s23, v0  }
0xbb: {  	[tilespmem:s21+$0x80] =	vst v0  }
0xbc: {  	v0 =	vld [tilespmem:s20+$0x90];
	_ =	sdelay $0x4  }
0xbd: {  	v0 =	vadd.s32 s23, v0  }
0xbe: {  	[tilespmem:s21+$0x90] =	vst v0  }
0xbf: {  	v0 =	vld [tilespmem:s20+$0xA0];
	_ =	sdelay $0x4  }
0xc0: {  	v0 =	vadd.s32 s23, v0  }
0xc1: {  	[tilespmem:s21+$0xA0] =	vst v0  }
0xc2: {  	v0 =	vld [tilespmem:s20+$0xB0];
	_ =	sdelay $0x4  }
0xc3: {  	v0 =	vadd.s32 s23, v0  }
0xc4: {  	[tilespmem:s21+$0xB0] =	vst v0  }
0xc5: {  	v0 =	vld [tilespmem:s20+$0xC0];
	_ =	sdelay $0x4  }
0xc6: {  	v0 =	vadd.s32 s23, v0  }
0xc7: {  	[tilespmem:s21+$0xC0] =	vst v0  }
0xc8: {  	v0 =	vld [tilespmem:s20+$0xD0];
	_ =	sdelay $0x4  }
0xc9: {  	v0 =	vadd.s32 s23, v0  }
0xca: {  	[tilespmem:s21+$0xD0] =	vst v0  }
0xcb: {  	v0 =	vld [tilespmem:s20+$0xE0];
	_ =	sdelay $0x4  }
0xcc: {  	v0 =	vadd.s32 s23, v0  }
0xcd: {  	[tilespmem:s21+$0xE0] =	vst v0  }
0xce: {  	v0 =	vld [tilespmem:s20+$0xF0]  }
.Ltmp0:
0xcf: {  	(pc) =	sbr.rel @p0 .LBB2_2-.Ltmp0, $2  }
0xd0: {  	_ =	sdelay $0x2  }
0xd1: {  	v0 =	vadd.s32 s23, v0  }
0xd2: {  	[tilespmem:s21+$0xF0] =	vst v0;
	s20 =	simm.s32 $0x7F0  }
0xd3: {  	[tilespmem:s13], [sflag:$0x1] =	stream.indirect.gather [hbm4b:s3+s11], $0x1, s12, s11, $0xb8;
	[tilespmem:$0x2600] =	vst v63  }
0xd4: {  	v0 =	vld [tilespmem:s20+$0xFFFFFE10];
	_ =	sdelay $0x3  }
0xd5: {  	s23 =	simm.s32 $0x4B000  }
0xd6: {  	s21 =	simm.s32 $0x1300;
	v0 =	vadd.s32 s23, v0  }
0xd7: {  	[tilespmem:s21+$0xFFFFFF00] =	vst v0  }
0xd8: {  	v0 =	vld [tilespmem:s20+$0xFFFFFE20];
	_ =	sdelay $0x4  }
0xd9: {  	v0 =	vadd.s32 s23, v0  }
0xda: {  	[tilespmem:s21+$0xFFFFFF10] =	vst v0  }
0xdb: {  	v0 =	vld [tilespmem:s20+$0xFFFFFE30];
	_ =	sdelay $0x4  }
0xdc: {  	v0 =	vadd.s32 s23, v0  }
0xdd: {  	[tilespmem:s21+$0xFFFFFF20] =	vst v0  }
0xde: {  	v0 =	vld [tilespmem:s20+$0xFFFFFE40];
	_ =	sdelay $0x4  }
0xdf: {  	v0 =	vadd.s32 s23, v0  }
0xe0: {  	[tilespmem:s21+$0xFFFFFF30] =	vst v0  }
0xe1: {  	v0 =	vld [tilespmem:s20+$0xFFFFFE50];
	_ =	sdelay $0x4  }
0xe2: {  	v0 =	vadd.s32 s23, v0  }
0xe3: {  	[tilespmem:s21+$0xFFFFFF40] =	vst v0  }
0xe4: {  	v0 =	vld [tilespmem:s20+$0xFFFFFE60];
	_ =	sdelay $0x4  }
0xe5: {  	v0 =	vadd.s32 s23, v0  }
0xe6: {  	[tilespmem:s21+$0xFFFFFF50] =	vst v0  }
0xe7: {  	v0 =	vld [tilespmem:s20+$0xFFFFFE70];
	_ =	sdelay $0x4  }
0xe8: {  	v0 =	vadd.s32 s23, v0  }
0xe9: {  	[tilespmem:s21+$0xFFFFFF60] =	vst v0  }
0xea: {  	v0 =	vld [tilespmem:s20+$0xFFFFFE80];
	_ =	sdelay $0x4  }
0xeb: {  	v0 =	vadd.s32 s23, v0  }
0xec: {  	[tilespmem:s21+$0xFFFFFF70] =	vst v0  }
0xed: {  	v0 =	vld [tilespmem:s20+$0xFFFFFE90];
	_ =	sdelay $0x4  }
0xee: {  	v0 =	vadd.s32 s23, v0  }
0xef: {  	[tilespmem:s21+$0xFFFFFF80] =	vst v0  }
0xf0: {  	v0 =	vld [tilespmem:s20+$0xFFFFFEA0];
	_ =	sdelay $0x4  }
0xf1: {  	v0 =	vadd.s32 s23, v0  }
0xf2: {  	[tilespmem:s21+$0xFFFFFF90] =	vst v0  }
0xf3: {  	v0 =	vld [tilespmem:s20+$0xFFFFFEB0];
	_ =	sdelay $0x4  }
0xf4: {  	v0 =	vadd.s32 s23, v0  }
0xf5: {  	[tilespmem:s21+$0xFFFFFFA0] =	vst v0  }
0xf6: {  	v0 =	vld [tilespmem:s20+$0xFFFFFEC0];
	_ =	sdelay $0x4  }
0xf7: {  	v0 =	vadd.s32 s23, v0  }
0xf8: {  	[tilespmem:s21+$0xFFFFFFB0] =	vst v0  }
0xf9: {  	v0 =	vld [tilespmem:s20+$0xFFFFFED0];
	_ =	sdelay $0x4  }
0xfa: {  	v0 =	vadd.s32 s23, v0  }
0xfb: {  	[tilespmem:s21+$0xFFFFFFC0] =	vst v0  }
0xfc: {  	v0 =	vld [tilespmem:s20+$0xFFFFFEE0];
	_ =	sdelay $0x4  }
0xfd: {  	v0 =	vadd.s32 s23, v0  }
0xfe: {  	[tilespmem:s21+$0xFFFFFFD0] =	vst v0  }
0xff: {  	v0 =	vld [tilespmem:s20+$0xFFFFFEF0];
	_ =	sdelay $0x4  }
0x100: {  	v0 =	vadd.s32 s23, v0  }
0x101: {  	[tilespmem:s21+$0xFFFFFFE0] =	vst v0  }
0x102: {  	v0 =	vld [tilespmem:s20+$0xFFFFFF00];
	_ =	sdelay $0x4  }
0x103: {  	v0 =	vadd.s32 s23, v0  }
0x104: {  	[tilespmem:s21+$0xFFFFFFF0] =	vst v0  }
0x105: {  	v0 =	vld [tilespmem:s20+$0xFFFFFF10];
	_ =	sdelay $0x4  }
0x106: {  	v0 =	vadd.s32 s23, v0  }
0x107: {  	[tilespmem:s21+$0x0] =	vst v0  }
0x108: {  	v0 =	vld [tilespmem:s20+$0xFFFFFF20];
	_ =	sdelay $0x4  }
0x109: {  	v0 =	vadd.s32 s23, v0  }
0x10a: {  	[tilespmem:s21+$0x10] =	vst v0  }
0x10b: {  	v0 =	vld [tilespmem:s20+$0xFFFFFF30];
	_ =	sdelay $0x4  }
0x10c: {  	v0 =	vadd.s32 s23, v0  }
0x10d: {  	[tilespmem:s21+$0x20] =	vst v0  }
0x10e: {  	v0 =	vld [tilespmem:s20+$0xFFFFFF40];
	_ =	sdelay $0x4  }
0x10f: {  	v0 =	vadd.s32 s23, v0  }
0x110: {  	[tilespmem:s21+$0x30] =	vst v0  }
0x111: {  	v0 =	vld [tilespmem:s20+$0xFFFFFF50];
	_ =	sdelay $0x4  }
0x112: {  	v0 =	vadd.s32 s23, v0  }
0x113: {  	[tilespmem:s21+$0x40] =	vst v0  }
0x114: {  	v0 =	vld [tilespmem:s20+$0xFFFFFF60];
	_ =	sdelay $0x4  }
0x115: {  	v0 =	vadd.s32 s23, v0  }
0x116: {  	[tilespmem:s21+$0x50] =	vst v0  }
0x117: {  	v0 =	vld [tilespmem:s20+$0xFFFFFF70];
	_ =	sdelay $0x4  }
0x118: {  	v0 =	vadd.s32 s23, v0  }
0x119: {  	[tilespmem:s21+$0x60] =	vst v0  }
0x11a: {  	v0 =	vld [tilespmem:s20+$0xFFFFFF80];
	_ =	sdelay $0x4  }
0x11b: {  	v0 =	vadd.s32 s23, v0  }
0x11c: {  	[tilespmem:s21+$0x70] =	vst v0  }
0x11d: {  	v0 =	vld [tilespmem:s20+$0xFFFFFF90];
	_ =	sdelay $0x4  }
0x11e: {  	v0 =	vadd.s32 s23, v0  }
0x11f: {  	[tilespmem:s21+$0x80] =	vst v0  }
0x120: {  	v0 =	vld [tilespmem:s20+$0xFFFFFFA0];
	_ =	sdelay $0x4  }
0x121: {  	v0 =	vadd.s32 s23, v0  }
0x122: {  	[tilespmem:s21+$0x90] =	vst v0  }
0x123: {  	v0 =	vld [tilespmem:s20+$0xFFFFFFB0];
	_ =	sdelay $0x4  }
0x124: {  	v0 =	vadd.s32 s23, v0  }
0x125: {  	[tilespmem:s21+$0xA0] =	vst v0  }
0x126: {  	v0 =	vld [tilespmem:s20+$0xFFFFFFC0];
	_ =	sdelay $0x4  }
0x127: {  	v0 =	vadd.s32 s23, v0  }
0x128: {  	[tilespmem:s21+$0xB0] =	vst v0  }
0x129: {  	v0 =	vld [tilespmem:s20+$0xFFFFFFD0];
	_ =	sdelay $0x4  }
0x12a: {  	v0 =	vadd.s32 s23, v0  }
0x12b: {  	[tilespmem:s21+$0xC0] =	vst v0  }
0x12c: {  	v0 =	vld [tilespmem:s20+$0xFFFFFFE0];
	_ =	sdelay $0x4  }
0x12d: {  	v0 =	vadd.s32 s23, v0  }
0x12e: {  	[tilespmem:s21+$0xD0] =	vst v0  }
0x12f: {  	v0 =	vld [tilespmem:s20+$0xFFFFFFF0];
	_ =	sdelay $0x4  }
0x130: {  	v0 =	vadd.s32 s23, v0  }
0x131: {  	[tilespmem:s21+$0xE0] =	vst v0  }
0x132: {  	v0 =	vld [tilespmem:s20+$0x0];
	_ =	sdelay $0x4  }
0x133: {  	s22 =	simm.s32 $0x64000;
	v0 =	vadd.s32 s23, v0  }
.LBB2_4:
0x134: {  	p0 =	sne.s32 s22, $0x7D000;
	[tilespmem:s21+$0xF0] =	vst v0;
	s21 =	sadd.s32 $0x200, s21;
	s20 =	sadd.s32 $0x200, s20  }
0x135: {  	s23 =	smov.u32 s22;
	s22 =	sadd.s32 $0x19000, s22;
	v0 =	vld [tilespmem:s20+$0xFFFFFE10];
	_ =	sdelay $0x4  }
0x136: {  	v0 =	vadd.s32 s23, v0  }
0x137: {  	[tilespmem:s21+$0xFFFFFF00] =	vst v0  }
0x138: {  	v0 =	vld [tilespmem:s20+$0xFFFFFE20];
	_ =	sdelay $0x4  }
0x139: {  	v0 =	vadd.s32 s23, v0  }
0x13a: {  	[tilespmem:s21+$0xFFFFFF10] =	vst v0  }
0x13b: {  	v0 =	vld [tilespmem:s20+$0xFFFFFE30];
	_ =	sdelay $0x4  }
0x13c: {  	v0 =	vadd.s32 s23, v0  }
0x13d: {  	[tilespmem:s21+$0xFFFFFF20] =	vst v0  }
0x13e: {  	v0 =	vld [tilespmem:s20+$0xFFFFFE40];
	_ =	sdelay $0x4  }
0x13f: {  	v0 =	vadd.s32 s23, v0  }
0x140: {  	[tilespmem:s21+$0xFFFFFF30] =	vst v0  }
0x141: {  	v0 =	vld [tilespmem:s20+$0xFFFFFE50];
	_ =	sdelay $0x4  }
0x142: {  	v0 =	vadd.s32 s23, v0  }
0x143: {  	[tilespmem:s21+$0xFFFFFF40] =	vst v0  }
0x144: {  	v0 =	vld [tilespmem:s20+$0xFFFFFE60];
	_ =	sdelay $0x4  }
0x145: {  	v0 =	vadd.s32 s23, v0  }
0x146: {  	[tilespmem:s21+$0xFFFFFF50] =	vst v0  }
0x147: {  	v0 =	vld [tilespmem:s20+$0xFFFFFE70];
	_ =	sdelay $0x4  }
0x148: {  	v0 =	vadd.s32 s23, v0  }
0x149: {  	[tilespmem:s21+$0xFFFFFF60] =	vst v0  }
0x14a: {  	v0 =	vld [tilespmem:s20+$0xFFFFFE80];
	_ =	sdelay $0x4  }
0x14b: {  	v0 =	vadd.s32 s23, v0  }
0x14c: {  	[tilespmem:s21+$0xFFFFFF70] =	vst v0  }
0x14d: {  	v0 =	vld [tilespmem:s20+$0xFFFFFE90];
	_ =	sdelay $0x4  }
0x14e: {  	v0 =	vadd.s32 s23, v0  }
0x14f: {  	[tilespmem:s21+$0xFFFFFF80] =	vst v0  }
0x150: {  	v0 =	vld [tilespmem:s20+$0xFFFFFEA0];
	_ =	sdelay $0x4  }
0x151: {  	v0 =	vadd.s32 s23, v0  }
0x152: {  	[tilespmem:s21+$0xFFFFFF90] =	vst v0  }
0x153: {  	v0 =	vld [tilespmem:s20+$0xFFFFFEB0];
	_ =	sdelay $0x4  }
0x154: {  	v0 =	vadd.s32 s23, v0  }
0x155: {  	[tilespmem:s21+$0xFFFFFFA0] =	vst v0  }
0x156: {  	v0 =	vld [tilespmem:s20+$0xFFFFFEC0];
	_ =	sdelay $0x4  }
0x157: {  	v0 =	vadd.s32 s23, v0  }
0x158: {  	[tilespmem:s21+$0xFFFFFFB0] =	vst v0  }
0x159: {  	v0 =	vld [tilespmem:s20+$0xFFFFFED0];
	_ =	sdelay $0x4  }
0x15a: {  	v0 =	vadd.s32 s23, v0  }
0x15b: {  	[tilespmem:s21+$0xFFFFFFC0] =	vst v0  }
0x15c: {  	v0 =	vld [tilespmem:s20+$0xFFFFFEE0];
	_ =	sdelay $0x4  }
0x15d: {  	v0 =	vadd.s32 s23, v0  }
0x15e: {  	[tilespmem:s21+$0xFFFFFFD0] =	vst v0  }
0x15f: {  	v0 =	vld [tilespmem:s20+$0xFFFFFEF0];
	_ =	sdelay $0x4  }
0x160: {  	v0 =	vadd.s32 s23, v0  }
0x161: {  	[tilespmem:s21+$0xFFFFFFE0] =	vst v0  }
0x162: {  	v0 =	vld [tilespmem:s20+$0xFFFFFF00];
	_ =	sdelay $0x4  }
0x163: {  	v0 =	vadd.s32 s23, v0  }
0x164: {  	[tilespmem:s21+$0xFFFFFFF0] =	vst v0  }
0x165: {  	v0 =	vld [tilespmem:s20+$0xFFFFFF10];
	_ =	sdelay $0x4  }
0x166: {  	v0 =	vadd.s32 s23, v0  }
0x167: {  	[tilespmem:s21+$0x0] =	vst v0  }
0x168: {  	v0 =	vld [tilespmem:s20+$0xFFFFFF20];
	_ =	sdelay $0x4  }
0x169: {  	v0 =	vadd.s32 s23, v0  }
0x16a: {  	[tilespmem:s21+$0x10] =	vst v0  }
0x16b: {  	v0 =	vld [tilespmem:s20+$0xFFFFFF30];
	_ =	sdelay $0x4  }
0x16c: {  	v0 =	vadd.s32 s23, v0  }
0x16d: {  	[tilespmem:s21+$0x20] =	vst v0  }
0x16e: {  	v0 =	vld [tilespmem:s20+$0xFFFFFF40];
	_ =	sdelay $0x4  }
0x16f: {  	v0 =	vadd.s32 s23, v0  }
0x170: {  	[tilespmem:s21+$0x30] =	vst v0  }
0x171: {  	v0 =	vld [tilespmem:s20+$0xFFFFFF50];
	_ =	sdelay $0x4  }
0x172: {  	v0 =	vadd.s32 s23, v0  }
0x173: {  	[tilespmem:s21+$0x40] =	vst v0  }
0x174: {  	v0 =	vld [tilespmem:s20+$0xFFFFFF60];
	_ =	sdelay $0x4  }
0x175: {  	v0 =	vadd.s32 s23, v0  }
0x176: {  	[tilespmem:s21+$0x50] =	vst v0  }
0x177: {  	v0 =	vld [tilespmem:s20+$0xFFFFFF70];
	_ =	sdelay $0x4  }
0x178: {  	v0 =	vadd.s32 s23, v0  }
0x179: {  	[tilespmem:s21+$0x60] =	vst v0  }
0x17a: {  	v0 =	vld [tilespmem:s20+$0xFFFFFF80];
	_ =	sdelay $0x4  }
0x17b: {  	v0 =	vadd.s32 s23, v0  }
0x17c: {  	[tilespmem:s21+$0x70] =	vst v0  }
0x17d: {  	v0 =	vld [tilespmem:s20+$0xFFFFFF90];
	_ =	sdelay $0x4  }
0x17e: {  	v0 =	vadd.s32 s23, v0  }
0x17f: {  	[tilespmem:s21+$0x80] =	vst v0  }
0x180: {  	v0 =	vld [tilespmem:s20+$0xFFFFFFA0];
	_ =	sdelay $0x4  }
0x181: {  	v0 =	vadd.s32 s23, v0  }
0x182: {  	[tilespmem:s21+$0x90] =	vst v0  }
0x183: {  	v0 =	vld [tilespmem:s20+$0xFFFFFFB0];
	_ =	sdelay $0x4  }
0x184: {  	v0 =	vadd.s32 s23, v0  }
0x185: {  	[tilespmem:s21+$0xA0] =	vst v0  }
0x186: {  	v0 =	vld [tilespmem:s20+$0xFFFFFFC0];
	_ =	sdelay $0x4  }
0x187: {  	v0 =	vadd.s32 s23, v0  }
0x188: {  	[tilespmem:s21+$0xB0] =	vst v0  }
0x189: {  	v0 =	vld [tilespmem:s20+$0xFFFFFFD0];
	_ =	sdelay $0x4  }
0x18a: {  	v0 =	vadd.s32 s23, v0  }
0x18b: {  	[tilespmem:s21+$0xC0] =	vst v0  }
0x18c: {  	v0 =	vld [tilespmem:s20+$0xFFFFFFE0];
	_ =	sdelay $0x4  }
0x18d: {  	v0 =	vadd.s32 s23, v0  }
0x18e: {  	[tilespmem:s21+$0xD0] =	vst v0  }
0x18f: {  	v0 =	vld [tilespmem:s20+$0xFFFFFFF0];
	_ =	sdelay $0x4  }
0x190: {  	v0 =	vadd.s32 s23, v0  }
0x191: {  	[tilespmem:s21+$0xE0] =	vst v0  }
0x192: {  	v0 =	vld [tilespmem:s20+$0x0]  }
.Ltmp1:
0x193: {  	(pc) =	sbr.rel @p0 .LBB2_4-.Ltmp1, $2  }
0x194: {  	_ =	sdelay $0x2  }
0x195: {  	v0 =	vadd.s32 s23, v0  }
0x196: {  	[tilespmem:s21+$0xF0] =	vst v0  }
0x197: {  	[tilespmem:s15], [sflag:$0x2] =	stream.indirect.gather [hbm4b:s3+s11], $0x1, s14, s11, $0xb8;
	[tilespmem:$0x2600] =	vst v63  }
0x198: {  	s20 =	simm.s32 $0x0  }
0x199: {  	[tilespmem:s16], [sflag:$0x3] =	stream.linear.gather [hbm4b:s5+s20], $0x200, $0x38;
	[tilespmem:$0x2600] =	vst v63  }
0x19a: {  	_ =	swait.ge [sflag:s10], $0x200  }
0x19b: {  	[sflag:s10] =	ssyncset.done $0x0  }
0x19c: {  	[sflag:s10] =	ssyncadd.s32 $0xFFFFFE00  }
0x19d: {  	_ =	swait.ge [sflag:s17], $0x600  }
0x19e: {  	[sflag:s17] =	ssyncset.done $0x0  }
0x19f: {  	s20 =	simm.s32 $0x0;
	[sflag:s17] =	ssyncadd.s32 $0xFFFFFA00  }
0x1a0: {  	s21 =	simm.s32 $0x40;
	v0 =	vld [tilespmem:s20+$0x1800]  }
.LBB2_6:
0x1a1: {  	p0 =	sne.s32 s21, $0x7C0;
	v1 =	vld [tilespmem:s20+$0x2400];
	_ =	sdelay $0x1  }
0x1a2: {  	v2 =	vld [tilespmem:s20+$0x1A00];
	_ =	sdelay $0x1  }
0x1a3: {  	v3 =	vld [tilespmem:s20+$0x1C00]  }
0x1a4: {  	v0 =	vadd.f32 v0, v1;
	_ =	sdelay $0x1  }
.Ltmp2:
0x1a5: {  	v0 =	vadd.f32 v2, v0;
	(pc) =	sbr.rel @p0 .LBB2_6-.Ltmp2, $4  }
0x1a6: {  	_ = 	snop  }
0x1a7: {  	v1 =	vadd.f32 v3, v0  }
0x1a8: {  	s22 =	sshra.s32 s21, $0x2  }
0x1a9: {  	s21 =	sadd.s32 $0x40, s21;
	v0 =	vld [tilespmem:s22+$0x1800];
	[tilespmem:s20+$0x2400] =	vst v1;
	s20 =	smov.u32 s22  }
0x1aa: {  	v1 =	vld [tilespmem:s20+$0x2400];
	_ =	sdelay $0x1  }
0x1ab: {  	v2 =	vld [tilespmem:s20+$0x1A00];
	_ =	sdelay $0x1  }
0x1ac: {  	v3 =	vld [tilespmem:s20+$0x1C00]  }
0x1ad: {  	v0 =	vadd.f32 v0, v1;
	_ =	sdelay $0x1  }
0x1ae: {  	v0 =	vadd.f32 v2, v0;
	_ =	sdelay $0x1  }
0x1af: {  	v0 =	vadd.f32 v3, v0;
	_ =	sdelay $0x1  }
0x1b0: {  	[tilespmem:s20+$0x2400] =	vst v0  }
0x1b1: {  	_ =	swait.ge [sflag:s18], $0x600  }
0x1b2: {  	[sflag:s18] =	ssyncset.done $0x0  }
0x1b3: {  	s20 =	simm.s32 $0x0;
	[sflag:s18] =	ssyncadd.s32 $0xFFFFFA00  }
0x1b4: {  	s21 =	simm.s32 $0x40;
	v0 =	vld [tilespmem:s20+$0x1E00]  }
.LBB2_8:
0x1b5: {  	p0 =	sne.s32 s21, $0x7C0;
	v1 =	vld [tilespmem:s20+$0x2400];
	_ =	sdelay $0x1  }
0x1b6: {  	v2 =	vld [tilespmem:s20+$0x2000];
	_ =	sdelay $0x1  }
0x1b7: {  	v3 =	vld [tilespmem:s20+$0x2200]  }
0x1b8: {  	v0 =	vadd.f32 v0, v1;
	_ =	sdelay $0x1  }
0x1b9: {  	v0 =	vadd.f32 v2, v0;
	_ =	sdelay $0x1  }
0x1ba: {  	v0 =	vadd.f32 v3, v0;
	_ =	sdelay $0x1  }
0x1bb: {  	v0 =	vsub.f32 $0.0e+00, v0;
	_ =	sdelay $0x1  }
0x1bc: {  	v0 =	vmul.f32 $1.442695020e+00, v0;
	_ =	sdelay $0x1  }
0x1bd: {  	(erf) = vpow2.f32 v0;
	_ =	sdelay $0x8  }
0x1be: {  	v0 =	vpop (erf)  }
0x1bf: {  	v0 =	vadd.f32 $1.000000000e+00, v0;
	_ =	sdelay $0x1  }
0x1c0: {  	(erf) = vrcp.f32 v0;
	_ =	sdelay $0x5  }
.Ltmp3:
0x1c1: {  	(pc) =	sbr.rel @p0 .LBB2_8-.Ltmp3, $3  }
0x1c2: {  	_ =	sdelay $0x1  }
0x1c3: {  	s22 =	sshra.s32 s21, $0x2;
	v1 =	vpop (erf)  }
0x1c4: {  	s21 =	sadd.s32 $0x40, s21;
	v0 =	vld [tilespmem:s22+$0x1E00];
	[tilespmem:s20+$0x2400] =	vst v1;
	s20 =	smov.u32 s22  }
0x1c5: {  	v1 =	vld [tilespmem:s20+$0x2400];
	_ =	sdelay $0x1  }
0x1c6: {  	v2 =	vld [tilespmem:s20+$0x2000];
	_ =	sdelay $0x1  }
0x1c7: {  	v3 =	vld [tilespmem:s20+$0x2200]  }
0x1c8: {  	v0 =	vadd.f32 v0, v1;
	_ =	sdelay $0x1  }
0x1c9: {  	v0 =	vadd.f32 v2, v0;
	_ =	sdelay $0x1  }
0x1ca: {  	v0 =	vadd.f32 v3, v0;
	_ =	sdelay $0x1  }
0x1cb: {  	v0 =	vsub.f32 $0.0e+00, v0;
	_ =	sdelay $0x1  }
0x1cc: {  	v0 =	vmul.f32 $1.442695020e+00, v0;
	_ =	sdelay $0x1  }
0x1cd: {  	(erf) = vpow2.f32 v0;
	_ =	sdelay $0x8  }
0x1ce: {  	v0 =	vpop (erf)  }
0x1cf: {  	v0 =	vadd.f32 $1.000000000e+00, v0;
	_ =	sdelay $0x1  }
0x1d0: {  	(erf) = vrcp.f32 v0;
	_ =	sdelay $0x7  }
0x1d1: {  	s19 =	sadd.s32 $0x1, s19  }
0x1d2: {  	p0 =	sne.s32 s19, s7;
	v0 =	vpop (erf)  }
.Ltmp4:
0x1d3: {  	[tilespmem:s20+$0x2400] =	vst v0;
	(pc) =	sbr.rel @p0 .LBB2_1-.Ltmp4, $4  }
0x1d4: {  	[hbm4b:s6+s2] =	stream.linear.scatter [tilespmem:s16], [sflag:$0x3], $0x200, $0x38;
	[tilespmem:$0x2600] =	vst v63  }
0x1d5: {  	_ =	swait.ge [sflag:s10], $0x200  }
0x1d6: {  	[sflag:s10] =	ssyncset.done $0x0  }
0x1d7: {  	[sflag:s10] =	ssyncadd.s32 $0xFFFFFE00  }
0x1d8: {  	_ =	sfence.sel $0x180000  }
0x1d9: {  	[bflag:$0x0] =	sbarrier.arrive $0xFFFF  }
0x1da: {  	p0 =	sne.s32 s1, $0x0;
	_ =	strace $0x9000004D  }
0x1db: {  	s0 =	sadd.s32 @!p0 $0x100000, s0;
	[bflag:$0x2] =	sbarrier.arrive $0xFFFF  }
0x1dc: {  	[sflag:s0] =	ssyncadd.tile.s32 @!p0 $0x1;
	_ =	shalt  }
.Lfunc_end2:
_tile_overlayer_lowered:
.L_overlay_start_2:
0x1dd: {  	(tag) =	ssettag $0x2  }
0x1de: {  	s0 =	rddreg [dreg:$0x0];
	s2 =	stileid.u32  }
0x1df: {  	s1 =	rddreg [dreg:$0x1];
	p0 =	sne.s32 s2, $0x0  }
0x1e0: {  	s3 =	rddreg [dreg:$0x2];
	[bflag:$0x3] =	sbarrier.arrive $0xFFFF;
	s2 =	simm.s32 @!p0 $0x1C03  }
0x1e1: {  	[timem:s3], [sflag:s2] =	dma.local @!p0 [hbm:s0], s1  }
0x1e2: {  	s0 =	simm.s32 @!p0 $0x3  }
0x1e3: {  	_ =	swait.ge @!p0 [sflag:s0], s1  }
0x1e4: {  	s1 =	ssub.s32 @!p0 $0x0, s1;
	[sflag:s0] =	ssyncset.done @!p0 $0x0  }
0x1e5: {  	[sflag:s0] =	ssyncadd.s32 @!p0 s1  }
0x1e6: {  	[bflag:$0x3] =	sbarrier.arrive $0xFFFF  }
0x1e7: {  	_ =	shalt  }

// kernel: kernel.8.cloned.1.call-start
scs
__scs_entry_jumppad:
0x0: {  	(pc) =	sbr.rel $0x88, $3  }
0x1: {  	(tag) =	ssettag $0x0;
	lr =	simm.s32 $0x1  }
0x2: {  	[smem:$0x3F9D] =	sst lr;
	_ =	strace $0xD0000000  }
0x3: {  	_ = 	snop  }
0x4: {  	_ = 	snop  }
0x5: {  	_ = 	snop  }
0x6: {  	_ = 	snop  }
0x7: {  	_ = 	snop  }
__scs_overlays_trampoline_lowered:
0x8: {  	[smem:$0x3FAC] =	sst s0  }
0x9: {  	[smem:$0x3FAD] =	sst s1  }
0xa: {  	[smem:$0x3FAE] =	sst s2  }
0xb: {  	[smem:$0x3FAF] =	sst s3  }
0xc: {  	[smem:$0x3FB0] =	sst s4  }
0xd: {  	[smem:$0x3FB1] =	sst s5  }
0xe: {  	[smem:$0x3FB2] =	sst s6  }
0xf: {  	[smem:$0x3FB3] =	sst s7  }
0x10: {  	[smem:$0x3FB4] =	sst s8  }
0x11: {  	[smem:$0x3FB5] =	sst s9;
	s0 =	simm.s32 @!p0 $0x0  }
0x12: {  	s1 =	sld [smem:$0x3F9B];
	s0 =	simm.s32 @p0 $0x1  }
0x13: {  	[smem:$0x3FB6] =	sst s0;
	s0 =	simm.s32 @!p1 $0x0  }
0x14: {  	s2 =	sld [smem:$0x3F9A];
	s0 =	simm.s32 @p1 $0x1  }
0x15: {  	[smem:$0x3FB7] =	sst s0;
	s0 =	simm.s32 @!p2 $0x0  }
0x16: {  	s3 =	sld [smem:$0x3FDB];
	s0 =	simm.s32 @p2 $0x1  }
0x17: {  	s4 =	simm.s32 $0x1BF5;
	[smem:$0x3FB9] =	sst s0  }
0x18: {  	s0 =	sld [smem:$0x3F9C];
	_ =	swait.ge [sflag:s4], $0x0  }
0x19: {  	s7 =	sld [smem:$0x3F9D]  }
0x1a: {  	s8 =	sadd.s32 $0xFFFFE003, lr  }
0x1b: {  	s9 =	sadd.s32 $0xFFFFFEF7, lr;
	s5 =	simm.s32 $0xFFFFFFFF;
	p2 =	slt.u32 s8, $0xFFFFF086  }
0x1c: {  	p1 =	slt.u32 s9, $0xF7A;
	s5 =	simm.s32 @!p2 $0x0  }
0x1d: {  	s5 =	simm.s32 @p1 $0x1;
	p0 =	seq.s32 s7, s2  }
0x1e: {  	s7 =	smul.u32 @!p0 $0xF7A, s2;
	p2 =	seq.s32 @!p0 s5, $0x0  }
0x1f: {  	s9 =	smul.u32 $0xF7A, s1;
	s8 =	simm.s32 @!p0 $0x1BF5;
	p2 =	por !p2, p0  }
0x20: {  	[sflag:s8] =	ssyncset.s32 @!p0 $0xFFFFF086;
	s6 =	sadd.s32 @!p0 s3, s7;
	s7 =	simm.s32 @!p0 $0x108  }
0x21: {  	s3 =	sadd.s32 s3, s9;
	s6 =	sadd.s32 @!p0 $0x88, s6;
	s7 =	simm.s32 @p2 $0x1082  }
0x22: {  	[simem:s7], [sflag:s8] =	dma.local @!p0 [hbm:s6], $0xF7A  }
0x23: {  	s9 =	sor.u32 $0xD0000000, s2;
	s6 =	simm.s32 $0x108;
	_ =	swait.ge @!p0 [sflag:s8], $0x0  }
0x24: {  	s3 =	sadd.s32 $0x88, s3;
	s6 =	simm.s32 @!p1 $0x1082;
	[sflag:s4] =	ssyncset.s32 $0xFFFFF086  }
0x25: {  	[simem:s6], [sflag:s4] =	dma.local [hbm:s3], $0xF7A  }
0x26: {  	[smem:$0x3F9D] =	sst s1;
	(tag) =	ssettag s2;
	_ =	strace s9  }
0x27: {  	s1 =	sld [smem:$0x3FAD]  }
0x28: {  	s2 =	sld [smem:$0x3FAE]  }
0x29: {  	s4 =	sld [smem:$0x3FB0]  }
0x2a: {  	p0 =	seq.s32 s5, $0x0;
	s5 =	sld [smem:$0x3FB1]  }
0x2b: {  	s6 =	sld [smem:$0x3FB2]  }
0x2c: {  	s7 =	sld [smem:$0x3FB3]  }
0x2d: {  	s3 =	simm.s32 $0x108;
	s8 =	sld [smem:$0x3FB4]  }
0x2e: {  	s3 =	simm.s32 @!p0 $0x1082;
	s9 =	sld [smem:$0x3FB5]  }
0x2f: {  	lr =	sadd.s32 s0, s3;
	s0 =	sld [smem:$0x3FAC]  }
0x30: {  	s3 =	sld [smem:$0x3FAF]  }
0x31: {  	[smem:$0x3FB8] =	sst s10  }
0x32: {  	s10 =	sld [smem:$0x3FB6];
	_ =	sdelay $0x3  }
0x33: {  	p0 =	seq.s32 s10, $0x1;
	s10 =	sld [smem:$0x3FB8];
	_ =	sdelay $0x3  }
0x34: {  	[smem:$0x3FB8] =	sst s10  }
0x35: {  	s10 =	sld [smem:$0x3FB7];
	_ =	sdelay $0x3  }
0x36: {  	p1 =	seq.s32 s10, $0x1;
	s10 =	sld [smem:$0x3FB8];
	_ =	sdelay $0x3  }
0x37: {  	[smem:$0x3FB8] =	sst s10  }
0x38: {  	s10 =	sld [smem:$0x3FB9]  }
0x39: {  	_ = 	snop;
	(pc) =	sbr.ind lr, $3  }
0x3a: {  	_ = 	snop  }
0x3b: {  	_ = 	snop  }
0x3c: {  	p2 =	seq.s32 s10, $0x1;
	s10 =	sld [smem:$0x3FB8]  }
0x3d: {  	_ =	shalt  }
0x3e: {  	_ =	shalt  }
0x3f: {  	_ =	shalt  }
0x40: {  	_ =	shalt  }
0x41: {  	_ =	shalt  }
0x42: {  	_ =	shalt  }
0x43: {  	_ =	shalt  }
0x44: {  	_ =	shalt  }
0x45: {  	_ =	shalt  }
0x46: {  	_ =	shalt  }
0x47: {  	_ =	shalt  }
0x48: {  	_ =	shalt  }
0x49: {  	_ =	shalt  }
0x4a: {  	_ =	shalt  }
0x4b: {  	_ =	shalt  }
0x4c: {  	_ =	shalt  }
0x4d: {  	_ =	shalt  }
0x4e: {  	_ =	shalt  }
0x4f: {  	_ =	shalt  }
0x50: {  	_ =	shalt  }
0x51: {  	_ =	shalt  }
0x52: {  	_ =	shalt  }
0x53: {  	_ =	shalt  }
0x54: {  	_ =	shalt  }
0x55: {  	_ =	shalt  }
0x56: {  	_ =	shalt  }
0x57: {  	_ =	shalt  }
0x58: {  	_ =	shalt  }
0x59: {  	_ =	shalt  }
0x5a: {  	_ =	shalt  }
0x5b: {  	_ =	shalt  }
0x5c: {  	_ =	shalt  }
0x5d: {  	_ =	shalt  }
0x5e: {  	_ =	shalt  }
0x5f: {  	_ =	shalt  }
0x60: {  	_ =	shalt  }
0x61: {  	_ =	shalt  }
0x62: {  	_ =	shalt  }
0x63: {  	_ =	shalt  }
0x64: {  	_ =	shalt  }
0x65: {  	_ =	shalt  }
0x66: {  	_ =	shalt  }
0x67: {  	_ =	shalt  }
0x68: {  	_ =	shalt  }
0x69: {  	_ =	shalt  }
0x6a: {  	_ =	shalt  }
0x6b: {  	_ =	shalt  }
0x6c: {  	_ =	shalt  }
0x6d: {  	_ =	shalt  }
0x6e: {  	_ =	shalt  }
0x6f: {  	_ =	shalt  }
0x70: {  	_ =	shalt  }
0x71: {  	_ =	shalt  }
0x72: {  	_ =	shalt  }
0x73: {  	_ =	shalt  }
0x74: {  	_ =	shalt  }
0x75: {  	_ =	shalt  }
0x76: {  	_ =	shalt  }
0x77: {  	_ =	shalt  }
0x78: {  	_ =	shalt  }
0x79: {  	_ =	shalt  }
0x7a: {  	_ =	shalt  }
0x7b: {  	_ =	shalt  }
0x7c: {  	_ =	shalt  }
0x7d: {  	_ =	shalt  }
0x7e: {  	_ =	shalt  }
0x7f: {  	_ =	shalt  }
0x80: {  	_ =	shalt  }
0x81: {  	_ =	shalt  }
0x82: {  	_ =	shalt  }
0x83: {  	_ =	shalt  }
0x84: {  	_ =	shalt  }
0x85: {  	_ =	shalt  }
0x86: {  	_ =	shalt  }
0x87: {  	_ =	shalt  }
.Lfunc_end0:
.L_simem_size_0:
called_computation_lowered:
.L_overlay_start_0:
0x88: {  	s2 =	sld [smem:$0x3FD9]  }
0x89: {  	s3 =	sld [smem:$0x3FFE];
	_ =	sdelay $0x1  }
0x8a: {  	s1 =	srdreg.scid  }
0x8b: {  	s0 =	sand.u32 $0x1, s1  }
0x8c: {  	s17 =	sshll.u32 s0, $0xA;
	s2 =	sadd.s32 s3, s2  }
0x8d: {  	s2 =	sadd.s32 s2, s17  }
0x8e: {  	[smem:$0x3FC4] =	sst s2  }
0x8f: {  	_ = 	snop  }
0x90: {  	s2 =	sld [smem:$0x3FD0];
	(tm) =	ssettm $0x1  }
0x91: {  	s18 =	sld [smem:$0x3FFB];
	_ =	sdelay $0x3  }
0x92: {  	_ =	strace s18  }
0x93: {  	s3 =	sld [smem:$0x3FFC];
	_ =	sdelay $0x3  }
0x94: {  	_ =	strace s3  }
0x95: {  	s3 =	sld [smem:$0x3FFD];
	_ =	sdelay $0x3  }
0x96: {  	_ =	strace s3  }
0x97: {  	_ =	strace $0x8FFFFFFF  }
0x98: {  	s19 =	sld [smem:$0x3FDB];
	_ =	sdelay $0x1  }
0x99: {  	s4 =	simm.s32 $_scs_section_size  }
0x9a: {  	s5 =	simm.s32 $_size__tile_overlayer_lowered;
	s6 =	simm.s32 $_tile_overlayer_lowered  }
0x9b: {  	s22 =	simm.s32 $0x1BFF;
	s21 =	sshll.u32 s6, $0x1;
	s3 =	sadd.s32 s4, s19  }
0x9c: {  	s7 =	simm.s32 $0x0;
	s20 =	sshll.u32 s5, $0x1;
	s5 =	sadd.s32 s21, s3  }
0x9d: {  	[timem:s7], [sflag:s22] =	dma.local [hbm:s5], s20  }
0x9e: {  	_ =	swait.ge [sflag:s22], s20  }
0x9f: {  	s4 =	ssub.s32 $0x0, s20;
	[sflag:s22] =	ssyncset.done $0x0  }
0xa0: {  	[sflag:s22] =	ssyncadd.s32 s4;
	_ =	sdelay $0x1  }
0xa1: {  	s23 =	simm.s32 $0x1B8B  }
0xa2: {  	_ =	swait.ge [sflag:s23], $0x1  }
0xa3: {  	[sflag:s23] =	ssyncset.done $0x0  }
0xa4: {  	s25 =	simm.s32 $0x1B8E;
	s24 =	sld [smem:$0x3FFE];
	[sflag:s23] =	ssyncadd.s32 $0xFFFFFFFF  }
0xa5: {  	s26 =	simm.s32 $execute0_lowered;
	[smem:$0x3FD2] =	sst s25  }
0xa6: {  	s5 =	sshll.u32 s26, $0x1;
	_ =	strace $0x80000046;
	[dreg:$0x1] =	wrdreg $0xFFFFFFFF  }
0xa7: {  	s28 =	simm.s32 $_size_execute0_lowered;
	s3 =	sadd.s32 s3, s5;
	[dreg:$0x0] =	wrdreg $0x0  }
0xa8: {  	s5 =	sshll.u32 s28, $0x1;
	[dreg:$0x2] =	wrdreg s3  }
0xa9: {  	[dreg:$0x3] =	wrdreg s5  }
0xaa: {  	[dreg:$0x4] =	wrdreg $0xC0  }
0xab: {  	_ =	task [dreg:s7], $0x5FFFF  }
0xac: {  	[dreg:$0x1] =	wrdreg $0xFFFFFFFF  }
0xad: {  	[dreg:$0x0] =	wrdreg $0x60  }
0xae: {  	[dreg:$0x2] =	wrdreg s24  }
0xaf: {  	[dreg:$0x3] =	wrdreg s2  }
0xb0: {  	[dreg:$0x4] =	wrdreg $0x9  }
0xb1: {  	_ =	task.clear_ibuf [dreg:s7], $0x5FFFF;
	_ =	strace $0x90000046  }
0xb2: {  	s29 =	simm.s32 $0x9;
	_ =	strace $0x80000048  }
0xb3: {  	_ =	swait.ge [sflag:s29], $0x1  }
0xb4: {  	[sflag:s29] =	ssyncadd.s32 $0xFFFFFFFF  }
0xb5: {  	_ =	strace $0x90000048  }
0xb6: {  	_ =	sfence  }
0xb7: {  	s30 =	sld [smem:$0x0];
	_ =	sdelay $0x2  }
0xb8: {  	s31 =	sshll.u32 s1, $0xD;
	s1 =	sshrl.u32 s1, $0x2  }
0xb9: {  	s3 =	sand.u32 $0x4000, s31;
	s1 =	sadd.s32 s1, s30  }
0xba: {  	s0 =	sor.u32 s3, s0;
	s1 =	sshll.u32 s1, $0x11  }
0xbb: {  	s0 =	sor.u32 s1, s0  }
0xbc: {  	s0 =	sadd.s32 $0x8F2B, s0  }
0xbd: {  	[sflag:s0] =	ssyncadd.remote.s32 $0x1  }
0xbe: {  	_ =	sfence.sel $0xFFFF  }
0xbf: {  	[dreg:$0x0] =	wrdreg $0xFFFFFFFF;
	(pc) =	sbr.abs _section_cstart, $3  }
0xc0: {  	[dreg:$0x1] =	wrdreg $0xFFFFFFFF  }
0xc1: {  	_ =	task.clear_ibuf [dreg:s7], $0x2FFFF;
	_ =	strace $0x9FFFFFFF  }
0xc2: {  	(tm) =	ssettm $0x7FFFFFFF  }
0xc3: {  	_ =	shalt  }
tec
execute0_lowered:
.L_overlay_start_1:
0x0: {  	(tag) =	ssettag $0x1  }
0x1: {  	s3 =	rddreg [dreg:$0x0]  }
0x2: {  	s5 =	rddreg [dreg:$0x1]  }
0x3: {  	s0 =	rddreg [dreg:$0x2];
	s2 =	simm.s32 $0x0;
	s4 =	srdreg.scid  }
0x4: {  	s1 =	stileid.u32;
	s9 =	simm.s32 $0x3;
	s10 =	simm.s32 $0xA00  }
0x5: {  	s11 =	simm.s32 $0x1400;
	s12 =	simm.s32 $0x2800;
	s13 =	simm.s32 $0x1E00  }
0x6: {  	s14 =	simm.s32 $0x3200;
	s15 =	simm.s32 $0x1;
	s16 =	simm.s32 $0x2  }
0x7: {  	s17 =	simm.s32 $0x3C00;
	s18 =	simm.s32 $0x0;
	s4 =	sand.u32 $0x1, s4  }
0x8: {  	[smem:$0x7FF] =	sst s2;
	s6 =	sshll.u32 s1, $0x7;
	s7 =	sshll.u32 s4, $0x6  }
0x9: {  	s4 =	ssub.s32 $0x2, s4;
	_ =	strace $0x80000047;
	s6 =	sor.u32 s7, s6  }
0xa: {  	s31 =	sshrl.u32 s4, $0x1;
	s8 =	sadd.s32 s6, s3;
	s3 =	sadd.s32 $0xEC00, s3  }
0xb: {  	s7 =	ssub.s32 s4, s31;
	s5 =	sadd.s32 s5, s6;
	s4 =	sadd.s32 $0x1C00, s8  }
0xc: {  	s6 =	smax.u32 s7, $0x1;
	s7 =	simm.s32 $0x200;
	s8 =	simm.s32 $0x4000  }
.LBB2_1:
0xd: {  	[tilespmem:s2], [sflag:$0x3] =	stream.strided.gather [hbm4b:s4+s7], $0x1400, s8, s7, $0x38;
	[tilespmem:$0x3E00] =	vst v63  }
0xe: {  	_ =	swait.ge [sflag:s9], $0x1400  }
0xf: {  	[sflag:s9] =	ssyncset.done $0x0  }
0x10: {  	s20 =	simm.s32 $0x100;
	[sflag:s9] =	ssyncadd.s32 $0xFFFFEC00  }
0x11: {  	v0 =	vld [tilespmem:s20+$0xFFFFFF00];
	_ =	sdelay $0x4  }
0x12: {  	s19 =	simm.s32 $0x1500;
	v0 =	vadd.s32 s2, v0  }
0x13: {  	[tilespmem:s19+$0xFFFFFF00] =	vst v0  }
0x14: {  	v0 =	vld [tilespmem:s20+$0xFFFFFF10];
	_ =	sdelay $0x4  }
0x15: {  	v0 =	vadd.s32 s2, v0  }
0x16: {  	[tilespmem:s19+$0xFFFFFF10] =	vst v0  }
0x17: {  	v0 =	vld [tilespmem:s20+$0xFFFFFF20];
	_ =	sdelay $0x4  }
0x18: {  	v0 =	vadd.s32 s2, v0  }
0x19: {  	[tilespmem:s19+$0xFFFFFF20] =	vst v0  }
0x1a: {  	v0 =	vld [tilespmem:s20+$0xFFFFFF30];
	_ =	sdelay $0x4  }
0x1b: {  	v0 =	vadd.s32 s2, v0  }
0x1c: {  	[tilespmem:s19+$0xFFFFFF30] =	vst v0  }
0x1d: {  	v0 =	vld [tilespmem:s20+$0xFFFFFF40];
	_ =	sdelay $0x4  }
0x1e: {  	v0 =	vadd.s32 s2, v0  }
0x1f: {  	[tilespmem:s19+$0xFFFFFF40] =	vst v0  }
0x20: {  	v0 =	vld [tilespmem:s20+$0xFFFFFF50];
	_ =	sdelay $0x4  }
0x21: {  	v0 =	vadd.s32 s2, v0  }
0x22: {  	[tilespmem:s19+$0xFFFFFF50] =	vst v0  }
0x23: {  	v0 =	vld [tilespmem:s20+$0xFFFFFF60];
	_ =	sdelay $0x4  }
0x24: {  	v0 =	vadd.s32 s2, v0  }
0x25: {  	[tilespmem:s19+$0xFFFFFF60] =	vst v0  }
0x26: {  	v0 =	vld [tilespmem:s20+$0xFFFFFF70];
	_ =	sdelay $0x4  }
0x27: {  	v0 =	vadd.s32 s2, v0  }
0x28: {  	[tilespmem:s19+$0xFFFFFF70] =	vst v0  }
0x29: {  	v0 =	vld [tilespmem:s20+$0xFFFFFF80];
	_ =	sdelay $0x4  }
0x2a: {  	v0 =	vadd.s32 s2, v0  }
0x2b: {  	[tilespmem:s19+$0xFFFFFF80] =	vst v0  }
0x2c: {  	v0 =	vld [tilespmem:s20+$0xFFFFFF90];
	_ =	sdelay $0x4  }
0x2d: {  	v0 =	vadd.s32 s2, v0  }
0x2e: {  	[tilespmem:s19+$0xFFFFFF90] =	vst v0  }
0x2f: {  	v0 =	vld [tilespmem:s20+$0xFFFFFFA0];
	_ =	sdelay $0x4  }
0x30: {  	v0 =	vadd.s32 s2, v0  }
0x31: {  	[tilespmem:s19+$0xFFFFFFA0] =	vst v0  }
0x32: {  	v0 =	vld [tilespmem:s20+$0xFFFFFFB0];
	_ =	sdelay $0x4  }
0x33: {  	v0 =	vadd.s32 s2, v0  }
0x34: {  	[tilespmem:s19+$0xFFFFFFB0] =	vst v0  }
0x35: {  	v0 =	vld [tilespmem:s20+$0xFFFFFFC0];
	_ =	sdelay $0x4  }
0x36: {  	v0 =	vadd.s32 s2, v0  }
0x37: {  	[tilespmem:s19+$0xFFFFFFC0] =	vst v0  }
0x38: {  	v0 =	vld [tilespmem:s20+$0xFFFFFFD0];
	_ =	sdelay $0x4  }
0x39: {  	v0 =	vadd.s32 s2, v0  }
0x3a: {  	[tilespmem:s19+$0xFFFFFFD0] =	vst v0  }
0x3b: {  	v0 =	vld [tilespmem:s20+$0xFFFFFFE0];
	_ =	sdelay $0x4  }
0x3c: {  	v0 =	vadd.s32 s2, v0  }
0x3d: {  	[tilespmem:s19+$0xFFFFFFE0] =	vst v0  }
0x3e: {  	v0 =	vld [tilespmem:s20+$0xFFFFFFF0];
	_ =	sdelay $0x4  }
0x3f: {  	v0 =	vadd.s32 s2, v0  }
0x40: {  	[tilespmem:s19+$0xFFFFFFF0] =	vst v0  }
0x41: {  	v0 =	vld [tilespmem:s20+$0x0];
	_ =	sdelay $0x4  }
0x42: {  	v0 =	vadd.s32 s2, v0  }
0x43: {  	[tilespmem:s19+$0x0] =	vst v0  }
0x44: {  	v0 =	vld [tilespmem:s20+$0x10];
	_ =	sdelay $0x4  }
0x45: {  	v0 =	vadd.s32 s2, v0  }
0x46: {  	[tilespmem:s19+$0x10] =	vst v0  }
0x47: {  	v0 =	vld [tilespmem:s20+$0x20];
	_ =	sdelay $0x4  }
0x48: {  	v0 =	vadd.s32 s2, v0  }
0x49: {  	[tilespmem:s19+$0x20] =	vst v0  }
0x4a: {  	v0 =	vld [tilespmem:s20+$0x30];
	_ =	sdelay $0x4  }
0x4b: {  	v0 =	vadd.s32 s2, v0  }
0x4c: {  	[tilespmem:s19+$0x30] =	vst v0  }
0x4d: {  	v0 =	vld [tilespmem:s20+$0x40];
	_ =	sdelay $0x4  }
0x4e: {  	v0 =	vadd.s32 s2, v0  }
0x4f: {  	[tilespmem:s19+$0x40] =	vst v0  }
0x50: {  	v0 =	vld [tilespmem:s20+$0x50];
	_ =	sdelay $0x4  }
0x51: {  	v0 =	vadd.s32 s2, v0  }
0x52: {  	[tilespmem:s19+$0x50] =	vst v0  }
0x53: {  	v0 =	vld [tilespmem:s20+$0x60];
	_ =	sdelay $0x4  }
0x54: {  	v0 =	vadd.s32 s2, v0  }
0x55: {  	[tilespmem:s19+$0x60] =	vst v0  }
0x56: {  	v0 =	vld [tilespmem:s20+$0x70];
	_ =	sdelay $0x4  }
0x57: {  	v0 =	vadd.s32 s2, v0  }
0x58: {  	[tilespmem:s19+$0x70] =	vst v0  }
0x59: {  	v0 =	vld [tilespmem:s20+$0x80];
	_ =	sdelay $0x4  }
0x5a: {  	v0 =	vadd.s32 s2, v0  }
0x5b: {  	[tilespmem:s19+$0x80] =	vst v0  }
0x5c: {  	v0 =	vld [tilespmem:s20+$0x90];
	_ =	sdelay $0x4  }
0x5d: {  	v0 =	vadd.s32 s2, v0  }
0x5e: {  	[tilespmem:s19+$0x90] =	vst v0  }
0x5f: {  	v0 =	vld [tilespmem:s20+$0xA0];
	_ =	sdelay $0x4  }
0x60: {  	v0 =	vadd.s32 s2, v0  }
0x61: {  	[tilespmem:s19+$0xA0] =	vst v0  }
0x62: {  	v0 =	vld [tilespmem:s20+$0xB0];
	_ =	sdelay $0x4  }
0x63: {  	v0 =	vadd.s32 s2, v0  }
0x64: {  	[tilespmem:s19+$0xB0] =	vst v0  }
0x65: {  	v0 =	vld [tilespmem:s20+$0xC0];
	_ =	sdelay $0x4  }
0x66: {  	v0 =	vadd.s32 s2, v0  }
0x67: {  	[tilespmem:s19+$0xC0] =	vst v0  }
0x68: {  	v0 =	vld [tilespmem:s20+$0xD0];
	_ =	sdelay $0x4  }
0x69: {  	v0 =	vadd.s32 s2, v0  }
0x6a: {  	[tilespmem:s19+$0xD0] =	vst v0  }
0x6b: {  	v0 =	vld [tilespmem:s20+$0xE0];
	_ =	sdelay $0x4  }
0x6c: {  	v0 =	vadd.s32 s2, v0  }
0x6d: {  	[tilespmem:s19+$0xE0] =	vst v0  }
0x6e: {  	v0 =	vld [tilespmem:s20+$0xF0];
	_ =	sdelay $0x4  }
0x6f: {  	v0 =	vadd.s32 s2, v0  }
0x70: {  	s20 =	simm.s32 $0x300;
	[tilespmem:s19+$0xF0] =	vst v0  }
0x71: {  	s21 =	simm.s32 $0x19000;
	s22 =	simm.s32 $0x32000;
	v0 =	vld [tilespmem:s20+$0xFFFFFF00]  }
.LBB2_2:
0x72: {  	p0 =	sne.s32 s22, $0x64000;
	_ =	sdelay $0x3  }
0x73: {  	s19 =	sadd.s32 $0x200, s19;
	v0 =	vadd.s32 s21, v0  }
0x74: {  	[tilespmem:s19+$0xFFFFFF00] =	vst v0  }
0x75: {  	v0 =	vld [tilespmem:s20+$0xFFFFFF10];
	_ =	sdelay $0x4  }
0x76: {  	v0 =	vadd.s32 s21, v0  }
0x77: {  	[tilespmem:s19+$0xFFFFFF10] =	vst v0  }
0x78: {  	v0 =	vld [tilespmem:s20+$0xFFFFFF20];
	_ =	sdelay $0x4  }
0x79: {  	v0 =	vadd.s32 s21, v0  }
0x7a: {  	[tilespmem:s19+$0xFFFFFF20] =	vst v0  }
0x7b: {  	v0 =	vld [tilespmem:s20+$0xFFFFFF30];
	_ =	sdelay $0x4  }
0x7c: {  	v0 =	vadd.s32 s21, v0  }
0x7d: {  	[tilespmem:s19+$0xFFFFFF30] =	vst v0  }
0x7e: {  	v0 =	vld [tilespmem:s20+$0xFFFFFF40];
	_ =	sdelay $0x4  }
0x7f: {  	v0 =	vadd.s32 s21, v0  }
0x80: {  	[tilespmem:s19+$0xFFFFFF40] =	vst v0  }
0x81: {  	v0 =	vld [tilespmem:s20+$0xFFFFFF50];
	_ =	sdelay $0x4  }
0x82: {  	v0 =	vadd.s32 s21, v0  }
0x83: {  	[tilespmem:s19+$0xFFFFFF50] =	vst v0  }
0x84: {  	v0 =	vld [tilespmem:s20+$0xFFFFFF60];
	_ =	sdelay $0x4  }
0x85: {  	v0 =	vadd.s32 s21, v0  }
0x86: {  	[tilespmem:s19+$0xFFFFFF60] =	vst v0  }
0x87: {  	v0 =	vld [tilespmem:s20+$0xFFFFFF70];
	_ =	sdelay $0x4  }
0x88: {  	v0 =	vadd.s32 s21, v0  }
0x89: {  	[tilespmem:s19+$0xFFFFFF70] =	vst v0  }
0x8a: {  	v0 =	vld [tilespmem:s20+$0xFFFFFF80];
	_ =	sdelay $0x4  }
0x8b: {  	v0 =	vadd.s32 s21, v0  }
0x8c: {  	[tilespmem:s19+$0xFFFFFF80] =	vst v0  }
0x8d: {  	v0 =	vld [tilespmem:s20+$0xFFFFFF90];
	_ =	sdelay $0x4  }
0x8e: {  	v0 =	vadd.s32 s21, v0  }
0x8f: {  	[tilespmem:s19+$0xFFFFFF90] =	vst v0  }
0x90: {  	v0 =	vld [tilespmem:s20+$0xFFFFFFA0];
	_ =	sdelay $0x4  }
0x91: {  	v0 =	vadd.s32 s21, v0  }
0x92: {  	[tilespmem:s19+$0xFFFFFFA0] =	vst v0  }
0x93: {  	v0 =	vld [tilespmem:s20+$0xFFFFFFB0];
	_ =	sdelay $0x4  }
0x94: {  	v0 =	vadd.s32 s21, v0  }
0x95: {  	[tilespmem:s19+$0xFFFFFFB0] =	vst v0  }
0x96: {  	v0 =	vld [tilespmem:s20+$0xFFFFFFC0];
	_ =	sdelay $0x4  }
0x97: {  	v0 =	vadd.s32 s21, v0  }
0x98: {  	[tilespmem:s19+$0xFFFFFFC0] =	vst v0  }
0x99: {  	v0 =	vld [tilespmem:s20+$0xFFFFFFD0];
	_ =	sdelay $0x4  }
0x9a: {  	v0 =	vadd.s32 s21, v0  }
0x9b: {  	[tilespmem:s19+$0xFFFFFFD0] =	vst v0  }
0x9c: {  	v0 =	vld [tilespmem:s20+$0xFFFFFFE0];
	_ =	sdelay $0x4  }
0x9d: {  	v0 =	vadd.s32 s21, v0  }
0x9e: {  	[tilespmem:s19+$0xFFFFFFE0] =	vst v0  }
0x9f: {  	v0 =	vld [tilespmem:s20+$0xFFFFFFF0];
	_ =	sdelay $0x4  }
0xa0: {  	v0 =	vadd.s32 s21, v0  }
0xa1: {  	[tilespmem:s19+$0xFFFFFFF0] =	vst v0  }
0xa2: {  	v0 =	vld [tilespmem:s20+$0x0];
	_ =	sdelay $0x4  }
0xa3: {  	v0 =	vadd.s32 s21, v0  }
0xa4: {  	[tilespmem:s19+$0x0] =	vst v0  }
0xa5: {  	v0 =	vld [tilespmem:s20+$0x10];
	_ =	sdelay $0x4  }
0xa6: {  	v0 =	vadd.s32 s21, v0  }
0xa7: {  	[tilespmem:s19+$0x10] =	vst v0  }
0xa8: {  	v0 =	vld [tilespmem:s20+$0x20];
	_ =	sdelay $0x4  }
0xa9: {  	v0 =	vadd.s32 s21, v0  }
0xaa: {  	[tilespmem:s19+$0x20] =	vst v0  }
0xab: {  	v0 =	vld [tilespmem:s20+$0x30];
	_ =	sdelay $0x4  }
0xac: {  	v0 =	vadd.s32 s21, v0  }
0xad: {  	[tilespmem:s19+$0x30] =	vst v0  }
0xae: {  	v0 =	vld [tilespmem:s20+$0x40];
	_ =	sdelay $0x4  }
0xaf: {  	v0 =	vadd.s32 s21, v0  }
0xb0: {  	[tilespmem:s19+$0x40] =	vst v0  }
0xb1: {  	v0 =	vld [tilespmem:s20+$0x50];
	_ =	sdelay $0x4  }
0xb2: {  	v0 =	vadd.s32 s21, v0  }
0xb3: {  	[tilespmem:s19+$0x50] =	vst v0  }
0xb4: {  	v0 =	vld [tilespmem:s20+$0x60];
	_ =	sdelay $0x4  }
0xb5: {  	v0 =	vadd.s32 s21, v0  }
0xb6: {  	[tilespmem:s19+$0x60] =	vst v0  }
0xb7: {  	v0 =	vld [tilespmem:s20+$0x70];
	_ =	sdelay $0x4  }
0xb8: {  	v0 =	vadd.s32 s21, v0  }
0xb9: {  	[tilespmem:s19+$0x70] =	vst v0  }
0xba: {  	v0 =	vld [tilespmem:s20+$0x80];
	_ =	sdelay $0x4  }
0xbb: {  	v0 =	vadd.s32 s21, v0  }
0xbc: {  	[tilespmem:s19+$0x80] =	vst v0  }
0xbd: {  	v0 =	vld [tilespmem:s20+$0x90];
	_ =	sdelay $0x4  }
0xbe: {  	v0 =	vadd.s32 s21, v0  }
0xbf: {  	[tilespmem:s19+$0x90] =	vst v0  }
0xc0: {  	v0 =	vld [tilespmem:s20+$0xA0];
	_ =	sdelay $0x4  }
0xc1: {  	v0 =	vadd.s32 s21, v0  }
0xc2: {  	[tilespmem:s19+$0xA0] =	vst v0  }
0xc3: {  	v0 =	vld [tilespmem:s20+$0xB0];
	_ =	sdelay $0x4  }
0xc4: {  	v0 =	vadd.s32 s21, v0  }
0xc5: {  	[tilespmem:s19+$0xB0] =	vst v0  }
0xc6: {  	v0 =	vld [tilespmem:s20+$0xC0];
	_ =	sdelay $0x4  }
0xc7: {  	v0 =	vadd.s32 s21, v0  }
0xc8: {  	[tilespmem:s19+$0xC0] =	vst v0  }
0xc9: {  	v0 =	vld [tilespmem:s20+$0xD0];
	_ =	sdelay $0x4  }
0xca: {  	v0 =	vadd.s32 s21, v0  }
0xcb: {  	[tilespmem:s19+$0xD0] =	vst v0  }
0xcc: {  	v0 =	vld [tilespmem:s20+$0xE0];
	_ =	sdelay $0x4  }
0xcd: {  	v0 =	vadd.s32 s21, v0  }
0xce: {  	[tilespmem:s19+$0xE0] =	vst v0  }
0xcf: {  	v0 =	vld [tilespmem:s20+$0xF0];
	_ =	sdelay $0x2  }
.Ltmp0:
0xd0: {  	(pc) =	sbr.rel @p0 .LBB2_2-.Ltmp0, $4  }
0xd1: {  	_ = 	snop  }
0xd2: {  	v0 =	vadd.s32 s21, v0;
	s21 =	smov.u32 s22  }
0xd3: {  	s20 =	sadd.s32 $0x200, s20;
	[tilespmem:s19+$0xF0] =	vst v0  }
0xd4: {  	s22 =	sadd.s32 $0x19000, s22;
	v0 =	vld [tilespmem:s20+$0xFFFFFF00]  }
0xd5: {  	_ =	sdelay $0x3  }
0xd6: {  	s19 =	sadd.s32 $0x200, s19;
	v0 =	vadd.s32 s21, v0  }
0xd7: {  	[tilespmem:s19+$0xFFFFFF00] =	vst v0  }
0xd8: {  	v0 =	vld [tilespmem:s20+$0xFFFFFF10];
	_ =	sdelay $0x4  }
0xd9: {  	v0 =	vadd.s32 s21, v0  }
0xda: {  	[tilespmem:s19+$0xFFFFFF10] =	vst v0  }
0xdb: {  	v0 =	vld [tilespmem:s20+$0xFFFFFF20];
	_ =	sdelay $0x4  }
0xdc: {  	v0 =	vadd.s32 s21, v0  }
0xdd: {  	[tilespmem:s19+$0xFFFFFF20] =	vst v0  }
0xde: {  	v0 =	vld [tilespmem:s20+$0xFFFFFF30];
	_ =	sdelay $0x4  }
0xdf: {  	v0 =	vadd.s32 s21, v0  }
0xe0: {  	[tilespmem:s19+$0xFFFFFF30] =	vst v0  }
0xe1: {  	v0 =	vld [tilespmem:s20+$0xFFFFFF40];
	_ =	sdelay $0x4  }
0xe2: {  	v0 =	vadd.s32 s21, v0  }
0xe3: {  	[tilespmem:s19+$0xFFFFFF40] =	vst v0  }
0xe4: {  	v0 =	vld [tilespmem:s20+$0xFFFFFF50];
	_ =	sdelay $0x4  }
0xe5: {  	v0 =	vadd.s32 s21, v0  }
0xe6: {  	[tilespmem:s19+$0xFFFFFF50] =	vst v0  }
0xe7: {  	v0 =	vld [tilespmem:s20+$0xFFFFFF60];
	_ =	sdelay $0x4  }
0xe8: {  	v0 =	vadd.s32 s21, v0  }
0xe9: {  	[tilespmem:s19+$0xFFFFFF60] =	vst v0  }
0xea: {  	v0 =	vld [tilespmem:s20+$0xFFFFFF70];
	_ =	sdelay $0x4  }
0xeb: {  	v0 =	vadd.s32 s21, v0  }
0xec: {  	[tilespmem:s19+$0xFFFFFF70] =	vst v0  }
0xed: {  	v0 =	vld [tilespmem:s20+$0xFFFFFF80];
	_ =	sdelay $0x4  }
0xee: {  	v0 =	vadd.s32 s21, v0  }
0xef: {  	[tilespmem:s19+$0xFFFFFF80] =	vst v0  }
0xf0: {  	v0 =	vld [tilespmem:s20+$0xFFFFFF90];
	_ =	sdelay $0x4  }
0xf1: {  	v0 =	vadd.s32 s21, v0  }
0xf2: {  	[tilespmem:s19+$0xFFFFFF90] =	vst v0  }
0xf3: {  	v0 =	vld [tilespmem:s20+$0xFFFFFFA0];
	_ =	sdelay $0x4  }
0xf4: {  	v0 =	vadd.s32 s21, v0  }
0xf5: {  	[tilespmem:s19+$0xFFFFFFA0] =	vst v0  }
0xf6: {  	v0 =	vld [tilespmem:s20+$0xFFFFFFB0];
	_ =	sdelay $0x4  }
0xf7: {  	v0 =	vadd.s32 s21, v0  }
0xf8: {  	[tilespmem:s19+$0xFFFFFFB0] =	vst v0  }
0xf9: {  	v0 =	vld [tilespmem:s20+$0xFFFFFFC0];
	_ =	sdelay $0x4  }
0xfa: {  	v0 =	vadd.s32 s21, v0  }
0xfb: {  	[tilespmem:s19+$0xFFFFFFC0] =	vst v0  }
0xfc: {  	v0 =	vld [tilespmem:s20+$0xFFFFFFD0];
	_ =	sdelay $0x4  }
0xfd: {  	v0 =	vadd.s32 s21, v0  }
0xfe: {  	[tilespmem:s19+$0xFFFFFFD0] =	vst v0  }
0xff: {  	v0 =	vld [tilespmem:s20+$0xFFFFFFE0];
	_ =	sdelay $0x4  }
0x100: {  	v0 =	vadd.s32 s21, v0  }
0x101: {  	[tilespmem:s19+$0xFFFFFFE0] =	vst v0  }
0x102: {  	v0 =	vld [tilespmem:s20+$0xFFFFFFF0];
	_ =	sdelay $0x4  }
0x103: {  	v0 =	vadd.s32 s21, v0  }
0x104: {  	[tilespmem:s19+$0xFFFFFFF0] =	vst v0  }
0x105: {  	v0 =	vld [tilespmem:s20+$0x0];
	_ =	sdelay $0x4  }
0x106: {  	v0 =	vadd.s32 s21, v0  }
0x107: {  	[tilespmem:s19+$0x0] =	vst v0  }
0x108: {  	v0 =	vld [tilespmem:s20+$0x10];
	_ =	sdelay $0x4  }
0x109: {  	v0 =	vadd.s32 s21, v0  }
0x10a: {  	[tilespmem:s19+$0x10] =	vst v0  }
0x10b: {  	v0 =	vld [tilespmem:s20+$0x20];
	_ =	sdelay $0x4  }
0x10c: {  	v0 =	vadd.s32 s21, v0  }
0x10d: {  	[tilespmem:s19+$0x20] =	vst v0  }
0x10e: {  	v0 =	vld [tilespmem:s20+$0x30];
	_ =	sdelay $0x4  }
0x10f: {  	v0 =	vadd.s32 s21, v0  }
0x110: {  	[tilespmem:s19+$0x30] =	vst v0  }
0x111: {  	v0 =	vld [tilespmem:s20+$0x40];
	_ =	sdelay $0x4  }
0x112: {  	v0 =	vadd.s32 s21, v0  }
0x113: {  	[tilespmem:s19+$0x40] =	vst v0  }
0x114: {  	v0 =	vld [tilespmem:s20+$0x50];
	_ =	sdelay $0x4  }
0x115: {  	v0 =	vadd.s32 s21, v0  }
0x116: {  	[tilespmem:s19+$0x50] =	vst v0  }
0x117: {  	v0 =	vld [tilespmem:s20+$0x60];
	_ =	sdelay $0x4  }
0x118: {  	v0 =	vadd.s32 s21, v0  }
0x119: {  	[tilespmem:s19+$0x60] =	vst v0  }
0x11a: {  	v0 =	vld [tilespmem:s20+$0x70];
	_ =	sdelay $0x4  }
0x11b: {  	v0 =	vadd.s32 s21, v0  }
0x11c: {  	[tilespmem:s19+$0x70] =	vst v0  }
0x11d: {  	v0 =	vld [tilespmem:s20+$0x80];
	_ =	sdelay $0x4  }
0x11e: {  	v0 =	vadd.s32 s21, v0  }
0x11f: {  	[tilespmem:s19+$0x80] =	vst v0  }
0x120: {  	v0 =	vld [tilespmem:s20+$0x90];
	_ =	sdelay $0x4  }
0x121: {  	v0 =	vadd.s32 s21, v0  }
0x122: {  	[tilespmem:s19+$0x90] =	vst v0  }
0x123: {  	v0 =	vld [tilespmem:s20+$0xA0];
	_ =	sdelay $0x4  }
0x124: {  	v0 =	vadd.s32 s21, v0  }
0x125: {  	[tilespmem:s19+$0xA0] =	vst v0  }
0x126: {  	v0 =	vld [tilespmem:s20+$0xB0];
	_ =	sdelay $0x4  }
0x127: {  	v0 =	vadd.s32 s21, v0  }
0x128: {  	[tilespmem:s19+$0xB0] =	vst v0  }
0x129: {  	v0 =	vld [tilespmem:s20+$0xC0];
	_ =	sdelay $0x4  }
0x12a: {  	v0 =	vadd.s32 s21, v0  }
0x12b: {  	[tilespmem:s19+$0xC0] =	vst v0  }
0x12c: {  	v0 =	vld [tilespmem:s20+$0xD0];
	_ =	sdelay $0x4  }
0x12d: {  	v0 =	vadd.s32 s21, v0  }
0x12e: {  	[tilespmem:s19+$0xD0] =	vst v0  }
0x12f: {  	v0 =	vld [tilespmem:s20+$0xE0];
	_ =	sdelay $0x4  }
0x130: {  	v0 =	vadd.s32 s21, v0  }
0x131: {  	[tilespmem:s19+$0xE0] =	vst v0  }
0x132: {  	v0 =	vld [tilespmem:s20+$0xF0];
	_ =	sdelay $0x4  }
0x133: {  	v0 =	vadd.s32 s21, v0  }
0x134: {  	s30 =	simm.s32 $0xBF0;
	[tilespmem:s19+$0xF0] =	vst v0  }
0x135: {  	[tilespmem:s12], [sflag:$0x1] =	stream.indirect.gather [hbm4b:s3+s10], $0x1, s11, s10, $0xb8;
	[tilespmem:$0x3E00] =	vst v63  }
0x136: {  	v0 =	vld [tilespmem:s30+$0xFFFFFE10];
	_ =	sdelay $0x3  }
0x137: {  	s31 =	simm.s32 $0x7D000  }
0x138: {  	s19 =	simm.s32 $0x1F00;
	v0 =	vadd.s32 s31, v0  }
0x139: {  	[tilespmem:s19+$0xFFFFFF00] =	vst v0  }
0x13a: {  	v0 =	vld [tilespmem:s30+$0xFFFFFE20];
	_ =	sdelay $0x4  }
0x13b: {  	v0 =	vadd.s32 s31, v0  }
0x13c: {  	[tilespmem:s19+$0xFFFFFF10] =	vst v0  }
0x13d: {  	v0 =	vld [tilespmem:s30+$0xFFFFFE30];
	_ =	sdelay $0x4  }
0x13e: {  	v0 =	vadd.s32 s31, v0  }
0x13f: {  	[tilespmem:s19+$0xFFFFFF20] =	vst v0  }
0x140: {  	v0 =	vld [tilespmem:s30+$0xFFFFFE40];
	_ =	sdelay $0x4  }
0x141: {  	v0 =	vadd.s32 s31, v0  }
0x142: {  	[tilespmem:s19+$0xFFFFFF30] =	vst v0  }
0x143: {  	v0 =	vld [tilespmem:s30+$0xFFFFFE50];
	_ =	sdelay $0x4  }
0x144: {  	v0 =	vadd.s32 s31, v0  }
0x145: {  	[tilespmem:s19+$0xFFFFFF40] =	vst v0  }
0x146: {  	v0 =	vld [tilespmem:s30+$0xFFFFFE60];
	_ =	sdelay $0x4  }
0x147: {  	v0 =	vadd.s32 s31, v0  }
0x148: {  	[tilespmem:s19+$0xFFFFFF50] =	vst v0  }
0x149: {  	v0 =	vld [tilespmem:s30+$0xFFFFFE70];
	_ =	sdelay $0x4  }
0x14a: {  	v0 =	vadd.s32 s31, v0  }
0x14b: {  	[tilespmem:s19+$0xFFFFFF60] =	vst v0  }
0x14c: {  	v0 =	vld [tilespmem:s30+$0xFFFFFE80];
	_ =	sdelay $0x4  }
0x14d: {  	v0 =	vadd.s32 s31, v0  }
0x14e: {  	[tilespmem:s19+$0xFFFFFF70] =	vst v0  }
0x14f: {  	v0 =	vld [tilespmem:s30+$0xFFFFFE90];
	_ =	sdelay $0x4  }
0x150: {  	v0 =	vadd.s32 s31, v0  }
0x151: {  	[tilespmem:s19+$0xFFFFFF80] =	vst v0  }
0x152: {  	v0 =	vld [tilespmem:s30+$0xFFFFFEA0];
	_ =	sdelay $0x4  }
0x153: {  	v0 =	vadd.s32 s31, v0  }
0x154: {  	[tilespmem:s19+$0xFFFFFF90] =	vst v0  }
0x155: {  	v0 =	vld [tilespmem:s30+$0xFFFFFEB0];
	_ =	sdelay $0x4  }
0x156: {  	v0 =	vadd.s32 s31, v0  }
0x157: {  	[tilespmem:s19+$0xFFFFFFA0] =	vst v0  }
0x158: {  	v0 =	vld [tilespmem:s30+$0xFFFFFEC0];
	_ =	sdelay $0x4  }
0x159: {  	v0 =	vadd.s32 s31, v0  }
0x15a: {  	[tilespmem:s19+$0xFFFFFFB0] =	vst v0  }
0x15b: {  	v0 =	vld [tilespmem:s30+$0xFFFFFED0];
	_ =	sdelay $0x4  }
0x15c: {  	v0 =	vadd.s32 s31, v0  }
0x15d: {  	[tilespmem:s19+$0xFFFFFFC0] =	vst v0  }
0x15e: {  	v0 =	vld [tilespmem:s30+$0xFFFFFEE0];
	_ =	sdelay $0x4  }
0x15f: {  	v0 =	vadd.s32 s31, v0  }
0x160: {  	[tilespmem:s19+$0xFFFFFFD0] =	vst v0  }
0x161: {  	v0 =	vld [tilespmem:s30+$0xFFFFFEF0];
	_ =	sdelay $0x4  }
0x162: {  	v0 =	vadd.s32 s31, v0  }
0x163: {  	[tilespmem:s19+$0xFFFFFFE0] =	vst v0  }
0x164: {  	v0 =	vld [tilespmem:s30+$0xFFFFFF00];
	_ =	sdelay $0x4  }
0x165: {  	v0 =	vadd.s32 s31, v0  }
0x166: {  	[tilespmem:s19+$0xFFFFFFF0] =	vst v0  }
0x167: {  	v0 =	vld [tilespmem:s30+$0xFFFFFF10];
	_ =	sdelay $0x4  }
0x168: {  	v0 =	vadd.s32 s31, v0  }
0x169: {  	[tilespmem:s19+$0x0] =	vst v0  }
0x16a: {  	v0 =	vld [tilespmem:s30+$0xFFFFFF20];
	_ =	sdelay $0x4  }
0x16b: {  	v0 =	vadd.s32 s31, v0  }
0x16c: {  	[tilespmem:s19+$0x10] =	vst v0  }
0x16d: {  	v0 =	vld [tilespmem:s30+$0xFFFFFF30];
	_ =	sdelay $0x4  }
0x16e: {  	v0 =	vadd.s32 s31, v0  }
0x16f: {  	[tilespmem:s19+$0x20] =	vst v0  }
0x170: {  	v0 =	vld [tilespmem:s30+$0xFFFFFF40];
	_ =	sdelay $0x4  }
0x171: {  	v0 =	vadd.s32 s31, v0  }
0x172: {  	[tilespmem:s19+$0x30] =	vst v0  }
0x173: {  	v0 =	vld [tilespmem:s30+$0xFFFFFF50];
	_ =	sdelay $0x4  }
0x174: {  	v0 =	vadd.s32 s31, v0  }
0x175: {  	[tilespmem:s19+$0x40] =	vst v0  }
0x176: {  	v0 =	vld [tilespmem:s30+$0xFFFFFF60];
	_ =	sdelay $0x4  }
0x177: {  	v0 =	vadd.s32 s31, v0  }
0x178: {  	[tilespmem:s19+$0x50] =	vst v0  }
0x179: {  	v0 =	vld [tilespmem:s30+$0xFFFFFF70];
	_ =	sdelay $0x4  }
0x17a: {  	v0 =	vadd.s32 s31, v0  }
0x17b: {  	[tilespmem:s19+$0x60] =	vst v0  }
0x17c: {  	v0 =	vld [tilespmem:s30+$0xFFFFFF80];
	_ =	sdelay $0x4  }
0x17d: {  	v0 =	vadd.s32 s31, v0  }
0x17e: {  	[tilespmem:s19+$0x70] =	vst v0  }
0x17f: {  	v0 =	vld [tilespmem:s30+$0xFFFFFF90];
	_ =	sdelay $0x4  }
0x180: {  	v0 =	vadd.s32 s31, v0  }
0x181: {  	[tilespmem:s19+$0x80] =	vst v0  }
0x182: {  	v0 =	vld [tilespmem:s30+$0xFFFFFFA0];
	_ =	sdelay $0x4  }
0x183: {  	v0 =	vadd.s32 s31, v0  }
0x184: {  	[tilespmem:s19+$0x90] =	vst v0  }
0x185: {  	v0 =	vld [tilespmem:s30+$0xFFFFFFB0];
	_ =	sdelay $0x4  }
0x186: {  	v0 =	vadd.s32 s31, v0  }
0x187: {  	[tilespmem:s19+$0xA0] =	vst v0  }
0x188: {  	v0 =	vld [tilespmem:s30+$0xFFFFFFC0];
	_ =	sdelay $0x4  }
0x189: {  	v0 =	vadd.s32 s31, v0  }
0x18a: {  	[tilespmem:s19+$0xB0] =	vst v0  }
0x18b: {  	v0 =	vld [tilespmem:s30+$0xFFFFFFD0];
	_ =	sdelay $0x4  }
0x18c: {  	v0 =	vadd.s32 s31, v0  }
0x18d: {  	[tilespmem:s19+$0xC0] =	vst v0  }
0x18e: {  	v0 =	vld [tilespmem:s30+$0xFFFFFFE0];
	_ =	sdelay $0x4  }
0x18f: {  	v0 =	vadd.s32 s31, v0  }
0x190: {  	[tilespmem:s19+$0xD0] =	vst v0  }
0x191: {  	v0 =	vld [tilespmem:s30+$0xFFFFFFF0];
	_ =	sdelay $0x4  }
0x192: {  	v0 =	vadd.s32 s31, v0  }
0x193: {  	[tilespmem:s19+$0xE0] =	vst v0  }
0x194: {  	v0 =	vld [tilespmem:s30+$0x0];
	_ =	sdelay $0x4  }
0x195: {  	v0 =	vadd.s32 s31, v0  }
0x196: {  	s20 =	simm.s32 $0xDF0;
	[tilespmem:s19+$0xF0] =	vst v0  }
0x197: {  	s22 =	simm.s32 $0xAF000;
	s21 =	simm.s32 $0x96000;
	v0 =	vld [tilespmem:s20+$0xFFFFFE10]  }
.LBB2_4:
0x198: {  	p0 =	sne.s32 s22, $0xE1000;
	_ =	sdelay $0x3  }
0x199: {  	s19 =	sadd.s32 $0x200, s19;
	v0 =	vadd.s32 s21, v0  }
0x19a: {  	[tilespmem:s19+$0xFFFFFF00] =	vst v0  }
0x19b: {  	v0 =	vld [tilespmem:s20+$0xFFFFFE20];
	_ =	sdelay $0x4  }
0x19c: {  	v0 =	vadd.s32 s21, v0  }
0x19d: {  	[tilespmem:s19+$0xFFFFFF10] =	vst v0  }
0x19e: {  	v0 =	vld [tilespmem:s20+$0xFFFFFE30];
	_ =	sdelay $0x4  }
0x19f: {  	v0 =	vadd.s32 s21, v0  }
0x1a0: {  	[tilespmem:s19+$0xFFFFFF20] =	vst v0  }
0x1a1: {  	v0 =	vld [tilespmem:s20+$0xFFFFFE40];
	_ =	sdelay $0x4  }
0x1a2: {  	v0 =	vadd.s32 s21, v0  }
0x1a3: {  	[tilespmem:s19+$0xFFFFFF30] =	vst v0  }
0x1a4: {  	v0 =	vld [tilespmem:s20+$0xFFFFFE50];
	_ =	sdelay $0x4  }
0x1a5: {  	v0 =	vadd.s32 s21, v0  }
0x1a6: {  	[tilespmem:s19+$0xFFFFFF40] =	vst v0  }
0x1a7: {  	v0 =	vld [tilespmem:s20+$0xFFFFFE60];
	_ =	sdelay $0x4  }
0x1a8: {  	v0 =	vadd.s32 s21, v0  }
0x1a9: {  	[tilespmem:s19+$0xFFFFFF50] =	vst v0  }
0x1aa: {  	v0 =	vld [tilespmem:s20+$0xFFFFFE70];
	_ =	sdelay $0x4  }
0x1ab: {  	v0 =	vadd.s32 s21, v0  }
0x1ac: {  	[tilespmem:s19+$0xFFFFFF60] =	vst v0  }
0x1ad: {  	v0 =	vld [tilespmem:s20+$0xFFFFFE80];
	_ =	sdelay $0x4  }
0x1ae: {  	v0 =	vadd.s32 s21, v0  }
0x1af: {  	[tilespmem:s19+$0xFFFFFF70] =	vst v0  }
0x1b0: {  	v0 =	vld [tilespmem:s20+$0xFFFFFE90];
	_ =	sdelay $0x4  }
0x1b1: {  	v0 =	vadd.s32 s21, v0  }
0x1b2: {  	[tilespmem:s19+$0xFFFFFF80] =	vst v0  }
0x1b3: {  	v0 =	vld [tilespmem:s20+$0xFFFFFEA0];
	_ =	sdelay $0x4  }
0x1b4: {  	v0 =	vadd.s32 s21, v0  }
0x1b5: {  	[tilespmem:s19+$0xFFFFFF90] =	vst v0  }
0x1b6: {  	v0 =	vld [tilespmem:s20+$0xFFFFFEB0];
	_ =	sdelay $0x4  }
0x1b7: {  	v0 =	vadd.s32 s21, v0  }
0x1b8: {  	[tilespmem:s19+$0xFFFFFFA0] =	vst v0  }
0x1b9: {  	v0 =	vld [tilespmem:s20+$0xFFFFFEC0];
	_ =	sdelay $0x4  }
0x1ba: {  	v0 =	vadd.s32 s21, v0  }
0x1bb: {  	[tilespmem:s19+$0xFFFFFFB0] =	vst v0  }
0x1bc: {  	v0 =	vld [tilespmem:s20+$0xFFFFFED0];
	_ =	sdelay $0x4  }
0x1bd: {  	v0 =	vadd.s32 s21, v0  }
0x1be: {  	[tilespmem:s19+$0xFFFFFFC0] =	vst v0  }
0x1bf: {  	v0 =	vld [tilespmem:s20+$0xFFFFFEE0];
	_ =	sdelay $0x4  }
0x1c0: {  	v0 =	vadd.s32 s21, v0  }
0x1c1: {  	[tilespmem:s19+$0xFFFFFFD0] =	vst v0  }
0x1c2: {  	v0 =	vld [tilespmem:s20+$0xFFFFFEF0];
	_ =	sdelay $0x4  }
0x1c3: {  	v0 =	vadd.s32 s21, v0  }
0x1c4: {  	[tilespmem:s19+$0xFFFFFFE0] =	vst v0  }
0x1c5: {  	v0 =	vld [tilespmem:s20+$0xFFFFFF00];
	_ =	sdelay $0x4  }
0x1c6: {  	v0 =	vadd.s32 s21, v0  }
0x1c7: {  	[tilespmem:s19+$0xFFFFFFF0] =	vst v0  }
0x1c8: {  	v0 =	vld [tilespmem:s20+$0xFFFFFF10];
	_ =	sdelay $0x4  }
0x1c9: {  	v0 =	vadd.s32 s21, v0  }
0x1ca: {  	[tilespmem:s19+$0x0] =	vst v0  }
0x1cb: {  	v0 =	vld [tilespmem:s20+$0xFFFFFF20];
	_ =	sdelay $0x4  }
0x1cc: {  	v0 =	vadd.s32 s21, v0  }
0x1cd: {  	[tilespmem:s19+$0x10] =	vst v0  }
0x1ce: {  	v0 =	vld [tilespmem:s20+$0xFFFFFF30];
	_ =	sdelay $0x4  }
0x1cf: {  	v0 =	vadd.s32 s21, v0  }
0x1d0: {  	[tilespmem:s19+$0x20] =	vst v0  }
0x1d1: {  	v0 =	vld [tilespmem:s20+$0xFFFFFF40];
	_ =	sdelay $0x4  }
0x1d2: {  	v0 =	vadd.s32 s21, v0  }
0x1d3: {  	[tilespmem:s19+$0x30] =	vst v0  }
0x1d4: {  	v0 =	vld [tilespmem:s20+$0xFFFFFF50];
	_ =	sdelay $0x4  }
0x1d5: {  	v0 =	vadd.s32 s21, v0  }
0x1d6: {  	[tilespmem:s19+$0x40] =	vst v0  }
0x1d7: {  	v0 =	vld [tilespmem:s20+$0xFFFFFF60];
	_ =	sdelay $0x4  }
0x1d8: {  	v0 =	vadd.s32 s21, v0  }
0x1d9: {  	[tilespmem:s19+$0x50] =	vst v0  }
0x1da: {  	v0 =	vld [tilespmem:s20+$0xFFFFFF70];
	_ =	sdelay $0x4  }
0x1db: {  	v0 =	vadd.s32 s21, v0  }
0x1dc: {  	[tilespmem:s19+$0x60] =	vst v0  }
0x1dd: {  	v0 =	vld [tilespmem:s20+$0xFFFFFF80];
	_ =	sdelay $0x4  }
0x1de: {  	v0 =	vadd.s32 s21, v0  }
0x1df: {  	[tilespmem:s19+$0x70] =	vst v0  }
0x1e0: {  	v0 =	vld [tilespmem:s20+$0xFFFFFF90];
	_ =	sdelay $0x4  }
0x1e1: {  	v0 =	vadd.s32 s21, v0  }
0x1e2: {  	[tilespmem:s19+$0x80] =	vst v0  }
0x1e3: {  	v0 =	vld [tilespmem:s20+$0xFFFFFFA0];
	_ =	sdelay $0x4  }
0x1e4: {  	v0 =	vadd.s32 s21, v0  }
0x1e5: {  	[tilespmem:s19+$0x90] =	vst v0  }
0x1e6: {  	v0 =	vld [tilespmem:s20+$0xFFFFFFB0];
	_ =	sdelay $0x4  }
0x1e7: {  	v0 =	vadd.s32 s21, v0  }
0x1e8: {  	[tilespmem:s19+$0xA0] =	vst v0  }
0x1e9: {  	v0 =	vld [tilespmem:s20+$0xFFFFFFC0];
	_ =	sdelay $0x4  }
0x1ea: {  	v0 =	vadd.s32 s21, v0  }
0x1eb: {  	[tilespmem:s19+$0xB0] =	vst v0  }
0x1ec: {  	v0 =	vld [tilespmem:s20+$0xFFFFFFD0];
	_ =	sdelay $0x4  }
0x1ed: {  	v0 =	vadd.s32 s21, v0  }
0x1ee: {  	[tilespmem:s19+$0xC0] =	vst v0  }
0x1ef: {  	v0 =	vld [tilespmem:s20+$0xFFFFFFE0];
	_ =	sdelay $0x4  }
0x1f0: {  	v0 =	vadd.s32 s21, v0  }
0x1f1: {  	[tilespmem:s19+$0xD0] =	vst v0  }
0x1f2: {  	v0 =	vld [tilespmem:s20+$0xFFFFFFF0];
	_ =	sdelay $0x4  }
0x1f3: {  	v0 =	vadd.s32 s21, v0  }
0x1f4: {  	[tilespmem:s19+$0xE0] =	vst v0  }
0x1f5: {  	v0 =	vld [tilespmem:s20+$0x0];
	_ =	sdelay $0x2  }
.Ltmp1:
0x1f6: {  	(pc) =	sbr.rel @p0 .LBB2_4-.Ltmp1, $4  }
0x1f7: {  	_ = 	snop  }
0x1f8: {  	v0 =	vadd.s32 s21, v0;
	s21 =	smov.u32 s22  }
0x1f9: {  	s20 =	sadd.s32 $0x200, s20;
	[tilespmem:s19+$0xF0] =	vst v0  }
0x1fa: {  	s22 =	sadd.s32 $0x19000, s22;
	v0 =	vld [tilespmem:s20+$0xFFFFFE10]  }
0x1fb: {  	_ =	sdelay $0x3  }
0x1fc: {  	s19 =	sadd.s32 $0x200, s19;
	v0 =	vadd.s32 s21, v0  }
0x1fd: {  	[tilespmem:s19+$0xFFFFFF00] =	vst v0  }
0x1fe: {  	v0 =	vld [tilespmem:s20+$0xFFFFFE20];
	_ =	sdelay $0x4  }
0x1ff: {  	v0 =	vadd.s32 s21, v0  }
0x200: {  	[tilespmem:s19+$0xFFFFFF10] =	vst v0  }
0x201: {  	v0 =	vld [tilespmem:s20+$0xFFFFFE30];
	_ =	sdelay $0x4  }
0x202: {  	v0 =	vadd.s32 s21, v0  }
0x203: {  	[tilespmem:s19+$0xFFFFFF20] =	vst v0  }
0x204: {  	v0 =	vld [tilespmem:s20+$0xFFFFFE40];
	_ =	sdelay $0x4  }
0x205: {  	v0 =	vadd.s32 s21, v0  }
0x206: {  	[tilespmem:s19+$0xFFFFFF30] =	vst v0  }
0x207: {  	v0 =	vld [tilespmem:s20+$0xFFFFFE50];
	_ =	sdelay $0x4  }
0x208: {  	v0 =	vadd.s32 s21, v0  }
0x209: {  	[tilespmem:s19+$0xFFFFFF40] =	vst v0  }
0x20a: {  	v0 =	vld [tilespmem:s20+$0xFFFFFE60];
	_ =	sdelay $0x4  }
0x20b: {  	v0 =	vadd.s32 s21, v0  }
0x20c: {  	[tilespmem:s19+$0xFFFFFF50] =	vst v0  }
0x20d: {  	v0 =	vld [tilespmem:s20+$0xFFFFFE70];
	_ =	sdelay $0x4  }
0x20e: {  	v0 =	vadd.s32 s21, v0  }
0x20f: {  	[tilespmem:s19+$0xFFFFFF60] =	vst v0  }
0x210: {  	v0 =	vld [tilespmem:s20+$0xFFFFFE80];
	_ =	sdelay $0x4  }
0x211: {  	v0 =	vadd.s32 s21, v0  }
0x212: {  	[tilespmem:s19+$0xFFFFFF70] =	vst v0  }
0x213: {  	v0 =	vld [tilespmem:s20+$0xFFFFFE90];
	_ =	sdelay $0x4  }
0x214: {  	v0 =	vadd.s32 s21, v0  }
0x215: {  	[tilespmem:s19+$0xFFFFFF80] =	vst v0  }
0x216: {  	v0 =	vld [tilespmem:s20+$0xFFFFFEA0];
	_ =	sdelay $0x4  }
0x217: {  	v0 =	vadd.s32 s21, v0  }
0x218: {  	[tilespmem:s19+$0xFFFFFF90] =	vst v0  }
0x219: {  	v0 =	vld [tilespmem:s20+$0xFFFFFEB0];
	_ =	sdelay $0x4  }
0x21a: {  	v0 =	vadd.s32 s21, v0  }
0x21b: {  	[tilespmem:s19+$0xFFFFFFA0] =	vst v0  }
0x21c: {  	v0 =	vld [tilespmem:s20+$0xFFFFFEC0];
	_ =	sdelay $0x4  }
0x21d: {  	v0 =	vadd.s32 s21, v0  }
0x21e: {  	[tilespmem:s19+$0xFFFFFFB0] =	vst v0  }
0x21f: {  	v0 =	vld [tilespmem:s20+$0xFFFFFED0];
	_ =	sdelay $0x4  }
0x220: {  	v0 =	vadd.s32 s21, v0  }
0x221: {  	[tilespmem:s19+$0xFFFFFFC0] =	vst v0  }
0x222: {  	v0 =	vld [tilespmem:s20+$0xFFFFFEE0];
	_ =	sdelay $0x4  }
0x223: {  	v0 =	vadd.s32 s21, v0  }
0x224: {  	[tilespmem:s19+$0xFFFFFFD0] =	vst v0  }
0x225: {  	v0 =	vld [tilespmem:s20+$0xFFFFFEF0];
	_ =	sdelay $0x4  }
0x226: {  	v0 =	vadd.s32 s21, v0  }
0x227: {  	[tilespmem:s19+$0xFFFFFFE0] =	vst v0  }
0x228: {  	v0 =	vld [tilespmem:s20+$0xFFFFFF00];
	_ =	sdelay $0x4  }
0x229: {  	v0 =	vadd.s32 s21, v0  }
0x22a: {  	[tilespmem:s19+$0xFFFFFFF0] =	vst v0  }
0x22b: {  	v0 =	vld [tilespmem:s20+$0xFFFFFF10];
	_ =	sdelay $0x4  }
0x22c: {  	v0 =	vadd.s32 s21, v0  }
0x22d: {  	[tilespmem:s19+$0x0] =	vst v0  }
0x22e: {  	v0 =	vld [tilespmem:s20+$0xFFFFFF20];
	_ =	sdelay $0x4  }
0x22f: {  	v0 =	vadd.s32 s21, v0  }
0x230: {  	[tilespmem:s19+$0x10] =	vst v0  }
0x231: {  	v0 =	vld [tilespmem:s20+$0xFFFFFF30];
	_ =	sdelay $0x4  }
0x232: {  	v0 =	vadd.s32 s21, v0  }
0x233: {  	[tilespmem:s19+$0x20] =	vst v0  }
0x234: {  	v0 =	vld [tilespmem:s20+$0xFFFFFF40];
	_ =	sdelay $0x4  }
0x235: {  	v0 =	vadd.s32 s21, v0  }
0x236: {  	[tilespmem:s19+$0x30] =	vst v0  }
0x237: {  	v0 =	vld [tilespmem:s20+$0xFFFFFF50];
	_ =	sdelay $0x4  }
0x238: {  	v0 =	vadd.s32 s21, v0  }
0x239: {  	[tilespmem:s19+$0x40] =	vst v0  }
0x23a: {  	v0 =	vld [tilespmem:s20+$0xFFFFFF60];
	_ =	sdelay $0x4  }
0x23b: {  	v0 =	vadd.s32 s21, v0  }
0x23c: {  	[tilespmem:s19+$0x50] =	vst v0  }
0x23d: {  	v0 =	vld [tilespmem:s20+$0xFFFFFF70];
	_ =	sdelay $0x4  }
0x23e: {  	v0 =	vadd.s32 s21, v0  }
0x23f: {  	[tilespmem:s19+$0x60] =	vst v0  }
0x240: {  	v0 =	vld [tilespmem:s20+$0xFFFFFF80];
	_ =	sdelay $0x4  }
0x241: {  	v0 =	vadd.s32 s21, v0  }
0x242: {  	[tilespmem:s19+$0x70] =	vst v0  }
0x243: {  	v0 =	vld [tilespmem:s20+$0xFFFFFF90];
	_ =	sdelay $0x4  }
0x244: {  	v0 =	vadd.s32 s21, v0  }
0x245: {  	[tilespmem:s19+$0x80] =	vst v0  }
0x246: {  	v0 =	vld [tilespmem:s20+$0xFFFFFFA0];
	_ =	sdelay $0x4  }
0x247: {  	v0 =	vadd.s32 s21, v0  }
0x248: {  	[tilespmem:s19+$0x90] =	vst v0  }
0x249: {  	v0 =	vld [tilespmem:s20+$0xFFFFFFB0];
	_ =	sdelay $0x4  }
0x24a: {  	v0 =	vadd.s32 s21, v0  }
0x24b: {  	[tilespmem:s19+$0xA0] =	vst v0  }
0x24c: {  	v0 =	vld [tilespmem:s20+$0xFFFFFFC0];
	_ =	sdelay $0x4  }
0x24d: {  	v0 =	vadd.s32 s21, v0  }
0x24e: {  	[tilespmem:s19+$0xB0] =	vst v0  }
0x24f: {  	v0 =	vld [tilespmem:s20+$0xFFFFFFD0];
	_ =	sdelay $0x4  }
0x250: {  	v0 =	vadd.s32 s21, v0  }
0x251: {  	[tilespmem:s19+$0xC0] =	vst v0  }
0x252: {  	v0 =	vld [tilespmem:s20+$0xFFFFFFE0];
	_ =	sdelay $0x4  }
0x253: {  	v0 =	vadd.s32 s21, v0  }
0x254: {  	[tilespmem:s19+$0xD0] =	vst v0  }
0x255: {  	v0 =	vld [tilespmem:s20+$0xFFFFFFF0];
	_ =	sdelay $0x4  }
0x256: {  	v0 =	vadd.s32 s21, v0  }
0x257: {  	[tilespmem:s19+$0xE0] =	vst v0  }
0x258: {  	v0 =	vld [tilespmem:s20+$0x0];
	_ =	sdelay $0x4  }
0x259: {  	v0 =	vadd.s32 s21, v0  }
0x25a: {  	[tilespmem:s19+$0xF0] =	vst v0  }
0x25b: {  	[tilespmem:s14], [sflag:$0x2] =	stream.indirect.gather [hbm4b:s3+s10], $0x1, s13, s10, $0xb8;
	[tilespmem:$0x3E00] =	vst v63  }
0x25c: {  	_ =	swait.ge [sflag:s15], $0xA00  }
0x25d: {  	[sflag:s15] =	ssyncset.done $0x0  }
0x25e: {  	s19 =	simm.s32 $0x0;
	[sflag:s15] =	ssyncadd.s32 $0xFFFFF600  }
0x25f: {  	v0 =	vld [tilespmem:s19+$0x2800];
	_ =	sdelay $0x1  }
0x260: {  	v1 =	vld [tilespmem:s19+$0x2A00];
	_ =	sdelay $0x1  }
0x261: {  	s20 =	simm.s32 $0x10;
	v4 =	vld [tilespmem:s19+$0x2C00]  }
0x262: {  	v2 =	vld [tilespmem:s20+$0x2800];
	v3 =	vadd.f32 $0.0e+00, v0  }
0x263: {  	v0 =	vld [tilespmem:s19+$0x2E00]  }
0x264: {  	v5 =	vadd.f32 v1, v3;
	v1 =	vld [tilespmem:s19+$0x3000]  }
0x265: {  	v3 =	vld [tilespmem:s20+$0x2A00]  }
0x266: {  	v5 =	vadd.f32 v4, v5  }
0x267: {  	s21 =	simm.s32 $0x80;
	v4 =	vld [tilespmem:s20+$0x2C00]  }
.LBB2_6:
0x268: {  	s22 =	sshra.s32 s21, $0x2;
	p0 =	sne.s32 s21, $0x7C0;
	s21 =	sadd.s32 $0x40, s21;
	v6 =	vadd.f32 $0.0e+00, v2;
	v5 =	vadd.f32 v0, v5;
	v0 =	vld [tilespmem:s20+$0x2E00]  }
.Ltmp2:
0x269: {  	v2 =	vld [tilespmem:s22+$0x2800];
	(pc) =	sbr.rel @p0 .LBB2_6-.Ltmp2, $4  }
0x26a: {  	v6 =	vadd.f32 v3, v6;
	v7 =	vadd.f32 v1, v5;
	v1 =	vld [tilespmem:s20+$0x3000]  }
0x26b: {  	v3 =	vld [tilespmem:s22+$0x2A00]  }
0x26c: {  	v5 =	vadd.f32 v4, v6;
	[tilespmem:s19+$0x3C00] =	vst v7;
	s19 =	smov.u32 s20;
	s20 =	smov.u32 s22  }
0x26d: {  	v4 =	vld [tilespmem:s20+$0x2C00]  }
0x26e: {  	v2 =	vadd.f32 $0.0e+00, v2  }
0x26f: {  	v6 =	vld [tilespmem:s20+$0x2E00]  }
0x270: {  	v2 =	vadd.f32 v3, v2  }
0x271: {  	v3 =	vld [tilespmem:s20+$0x3000]  }
0x272: {  	v2 =	vadd.f32 v4, v2  }
0x273: {  	v0 =	vadd.f32 v0, v5  }
0x274: {  	v2 =	vadd.f32 v6, v2  }
0x275: {  	v0 =	vadd.f32 v1, v0  }
0x276: {  	v1 =	vadd.f32 v3, v2  }
0x277: {  	[tilespmem:s19+$0x3C00] =	vst v0  }
0x278: {  	[tilespmem:s20+$0x3C00] =	vst v1  }
0x279: {  	_ =	swait.ge [sflag:s16], $0xA00  }
0x27a: {  	[sflag:s16] =	ssyncset.done $0x0  }
0x27b: {  	s19 =	simm.s32 $0x0;
	[sflag:s16] =	ssyncadd.s32 $0xFFFFF600  }
0x27c: {  	s20 =	simm.s32 $0x40;
	v0 =	vld [tilespmem:s19+$0x3200]  }
.LBB2_8:
0x27d: {  	p0 =	sne.s32 s20, $0x7C0;
	v1 =	vld [tilespmem:s19+$0x3C00];
	_ =	sdelay $0x1  }
0x27e: {  	v2 =	vld [tilespmem:s19+$0x3400];
	_ =	sdelay $0x1  }
0x27f: {  	v3 =	vld [tilespmem:s19+$0x3600]  }
0x280: {  	v0 =	vadd.f32 v0, v1  }
0x281: {  	v1 =	vld [tilespmem:s19+$0x3800]  }
0x282: {  	v0 =	vadd.f32 v2, v0  }
0x283: {  	v2 =	vld [tilespmem:s19+$0x3A00]  }
0x284: {  	v0 =	vadd.f32 v3, v0;
	_ =	sdelay $0x1  }
.Ltmp3:
0x285: {  	v0 =	vadd.f32 v1, v0;
	(pc) =	sbr.rel @p0 .LBB2_8-.Ltmp3, $4  }
0x286: {  	_ = 	snop  }
0x287: {  	v1 =	vadd.f32 v2, v0  }
0x288: {  	s21 =	sshra.s32 s20, $0x2  }
0x289: {  	s20 =	sadd.s32 $0x40, s20;
	v0 =	vld [tilespmem:s21+$0x3200];
	[tilespmem:s19+$0x3C00] =	vst v1;
	s19 =	smov.u32 s21  }
0x28a: {  	v1 =	vld [tilespmem:s19+$0x3C00];
	_ =	sdelay $0x1  }
0x28b: {  	v2 =	vld [tilespmem:s19+$0x3400];
	_ =	sdelay $0x1  }
0x28c: {  	v3 =	vld [tilespmem:s19+$0x3600]  }
0x28d: {  	v0 =	vadd.f32 v0, v1  }
0x28e: {  	v62 =	vld [tilespmem:s19+$0x3800]  }
0x28f: {  	v0 =	vadd.f32 v2, v0  }
0x290: {  	v63 =	vld [tilespmem:s19+$0x3A00]  }
0x291: {  	v0 =	vadd.f32 v3, v0;
	_ =	sdelay $0x1  }
0x292: {  	v0 =	vadd.f32 v62, v0;
	_ =	sdelay $0x1  }
0x293: {  	s18 =	sadd.s32 $0x1, s18;
	v0 =	vadd.f32 v63, v0  }
0x294: {  	p0 =	sne.s32 s18, s6  }
.Ltmp4:
0x295: {  	[tilespmem:s19+$0x3C00] =	vst v0;
	(pc) =	sbr.rel @p0 .LBB2_1-.Ltmp4, $4  }
0x296: {  	[hbm4b:s5+s2] =	stream.linear.scatter [tilespmem:s17], [sflag:$0x3], $0x200, $0x38;
	[tilespmem:$0x3E00] =	vst v63  }
0x297: {  	_ =	swait.ge [sflag:s9], $0x200  }
0x298: {  	[sflag:s9] =	ssyncset.done $0x0  }
0x299: {  	[sflag:s9] =	ssyncadd.s32 $0xFFFFFE00  }
0x29a: {  	_ =	sfence.sel $0x180000  }
0x29b: {  	[bflag:$0x0] =	sbarrier.arrive $0xFFFF  }
0x29c: {  	p0 =	sne.s32 s1, $0x0;
	_ =	strace $0x90000047  }
0x29d: {  	s0 =	sadd.s32 @!p0 $0x100000, s0;
	[bflag:$0x2] =	sbarrier.arrive $0xFFFF  }
0x29e: {  	[sflag:s0] =	ssyncadd.tile.s32 @!p0 $0x1;
	_ =	shalt  }
.Lfunc_end2:
_tile_overlayer_lowered:
.L_overlay_start_2:
0x29f: {  	(tag) =	ssettag $0x2  }
0x2a0: {  	s0 =	rddreg [dreg:$0x0];
	s2 =	stileid.u32  }
0x2a1: {  	s1 =	rddreg [dreg:$0x1];
	p0 =	sne.s32 s2, $0x0  }
0x2a2: {  	s3 =	rddreg [dreg:$0x2];
	[bflag:$0x3] =	sbarrier.arrive $0xFFFF;
	s2 =	simm.s32 @!p0 $0x1C03  }
0x2a3: {  	[timem:s3], [sflag:s2] =	dma.local @!p0 [hbm:s0], s1  }
0x2a4: {  	s0 =	simm.s32 @!p0 $0x3  }
0x2a5: {  	_ =	swait.ge @!p0 [sflag:s0], s1  }
0x2a6: {  	s1 =	ssub.s32 @!p0 $0x0, s1;
	[sflag:s0] =	ssyncset.done @!p0 $0x0  }
0x2a7: {  	[sflag:s0] =	ssyncadd.s32 @!p0 s1  }
0x2a8: {  	[bflag:$0x3] =	sbarrier.arrive $0xFFFF  }
0x2a9: {  	_ =	shalt  }

</sc_bundles>
